<compile_context>
chip_gen: v7x
topology: tpu7x:2x2x1
jax: 0.10.2.dev20260603
libtpu: 0.0.44.dev20260713+nightly
codegen_flags: <defaults>
</compile_context>

<pallas_src>
import functools

import jax
import jax.numpy as jnp
from jax import lax
from jax.experimental import pallas as pl
from jax.experimental.pallas import tpu as pltpu
from jax.experimental.pallas import tpu_sc as plsc

_N = 32768
_K = 64
_ROWS = 128
_NW = 32
_RPW = _ROWS // _NW
_CAP = _N + 256

_i32 = jnp.int32
_f32 = jnp.float32


def _vsd(x):
    return lax.rev(lax.sort(x), (0,))


def _rev(x):
    return lax.rev(x, (0,))


def _clean32(x0, x1):
    hi = jnp.maximum(x0, x1)
    lo = jnp.minimum(x0, x1)
    return _vsd(hi), _vsd(lo)


def _merge2(a, b):
    rb = _rev(b)
    return _vsd(jnp.maximum(a, rb)), _vsd(jnp.minimum(a, rb))


def _merge4(a0, a1, b0, b1):
    r0, r1 = _rev(b1), _rev(b0)
    h0, h1 = jnp.maximum(a0, r0), jnp.maximum(a1, r1)
    l0, l1 = jnp.minimum(a0, r0), jnp.minimum(a1, r1)
    ch = _clean32(h0, h1)
    cl = _clean32(l0, l1)
    return ch[0], ch[1], cl[0], cl[1]


def _sort64(v0, v1, v2, v3):
    a = _merge2(_vsd(v0), _vsd(v1))
    b = _merge2(_vsd(v2), _vsd(v3))
    return _merge4(a[0], a[1], b[0], b[1])


def _mtop64(r, c):
    rc = (_rev(c[3]), _rev(c[2]), _rev(c[1]), _rev(c[0]))
    t0 = jnp.maximum(r[0], rc[0])
    t1 = jnp.maximum(r[1], rc[1])
    t2 = jnp.maximum(r[2], rc[2])
    t3 = jnp.maximum(r[3], rc[3])
    p0, p1 = jnp.maximum(t0, t2), jnp.maximum(t1, t3)
    q0, q1 = jnp.minimum(t0, t2), jnp.minimum(t1, t3)
    ch = _clean32(p0, p1)
    cl = _clean32(q0, q1)
    return ch[0], ch[1], cl[0], cl[1]


def _take16(v, idx):
    dnums = lax.GatherDimensionNumbers(
        offset_dims=(), collapsed_slice_dims=(0,), start_index_map=(0,))
    return lax.gather(v, idx[:, None], dnums, (1,),
                      mode=lax.GatherScatterMode.PROMISE_IN_BOUNDS)


def _splat_i32(s):
    return jnp.full((16,), s, _i32)


def _splat_f32(s):
    return jnp.full((16,), s, _f32)


def _prefix_total(m):
    p = plsc.cumsum(jnp.where(m, 1, 0).astype(_i32))
    total = plsc.all_reduce_population_count(m)
    return p, total


def _any_splat(m):
    return plsc.all_reduce_population_count(m) > 0


def _sc_body(acc_hbm, bmax_hbm, bmax16_hbm, outv_hbm, outi_hbm,
             row_v, candv, candi, hitids, selv, seli, outv, outi, bm_v,
             bm16_v):
    wid = lax.axis_index("c") * 16 + lax.axis_index("s")
    iota = lax.iota(_i32, 16)
    lane0 = iota == 0
    neginf = _splat_f32(-jnp.inf)
    zeros32 = _splat_i32(0)
    one = _splat_i32(1)

    def do_row(rr, _):
        row_id = wid * _RPW + rr
        pltpu.sync_copy(acc_hbm.at[row_id], row_v)
        pltpu.sync_copy(bmax_hbm.at[row_id], bm_v)
        pltpu.sync_copy(bmax16_hbm.at[row_id], bm16_v)

        def bmv(i):
            return bm_v[pl.ds(i * 16, 16)]

        t = _sort64(bmv(0), bmv(1), bmv(2), bmv(3))
        for g in range(1, 8):
            cs = _sort64(bmv(4 * g), bmv(4 * g + 1),
                         bmv(4 * g + 2), bmv(4 * g + 3))
            t = _mtop64(t, cs)
        tau = _splat_f32(t[3][15])

        def p2a_body(i, hc):
            msk = bm16_v[pl.ds(i * 16, 16)] >= tau
            pre, tot = _prefix_total(msk)
            plsc.store_scatter(hitids, [hc + pre - 1],
                               _splat_i32(i * 16) + iota, mask=msk)
            return hc + tot

        hc = lax.fori_loop(0, _N // 16 // 16, p2a_body, zeros32)
        nhit = hc[0]

        def p2b_body(h, cc):
            hv = hitids[pl.ds((h // 16) * 16, 16)]
            vid = _take16(hv, jnp.full((16,), h % 16, _i32))[0]
            base = vid * 16
            v = row_v[pl.ds(base, 16)]
            msk = v >= tau
            pre, tot = _prefix_total(msk)
            pos = cc + pre - 1
            plsc.store_scatter(candv, [pos], v, mask=msk)
            plsc.store_scatter(candi, [pos], _splat_i32(base) + iota,
                               mask=msk)
            return cc + tot

        cc = lax.fori_loop(0, nhit, p2b_body, zeros32)
        nc = cc[0]

        for k in range(4):
            pidx = cc + (iota + 16 * k)
            plsc.store_scatter(candv, [pidx], neginf)
            plsc.store_scatter(candi, [pidx], _splat_i32(2 ** 30))

        r0 = _sort64(candv[pl.ds(0, 16)], candv[pl.ds(16, 16)],
                     candv[pl.ds(32, 16)], candv[pl.ds(48, 16)])
        nchunks = (nc + 63) // 64

        def p3_body(c5, r):
            bb = c5 * 64
            cs = _sort64(candv[pl.ds(bb, 16)], candv[pl.ds(bb + 16, 16)],
                         candv[pl.ds(bb + 32, 16)], candv[pl.ds(bb + 48, 16)])
            return _mtop64(r, cs)

        r = lax.fori_loop(1, nchunks, p3_body, r0)
        v64 = _splat_f32(r[3][15])

        nv = (nc + 15) // 16

        def p4gt_body(i, sc):
            v = candv[pl.ds(i * 16, 16)]
            ii = candi[pl.ds(i * 16, 16)]
            msk = v > v64
            pre, tot = _prefix_total(msk)
            pos = sc + pre - 1
            plsc.store_scatter(selv, [pos], v, mask=msk)
            plsc.store_scatter(seli, [pos], ii, mask=msk)
            return sc + tot

        sc = lax.fori_loop(0, nv, p4gt_body, zeros32)

        def p4eq_body(i, sc):
            v = candv[pl.ds(i * 16, 16)]
            ii = candi[pl.ds(i * 16, 16)]
            msk0 = v == v64
            pre, _ = _prefix_total(msk0)
            pos = sc + pre - 1
            msk = msk0 & (pos < _K)
            _, tot = _prefix_total(msk)
            plsc.store_scatter(selv, [pos], v, mask=msk)
            plsc.store_scatter(seli, [pos], ii, mask=msk)
            return sc + tot

        lax.fori_loop(0, nv, p4eq_body, sc)

        sv = tuple(selv[pl.ds(k * 16, 16)] for k in range(4))
        si = tuple(seli[pl.ds(k * 16, 16)] for k in range(4))

        def p5_body(j, ranks):
            jb = (j // 16) * 16
            jl = jnp.full((16,), j % 16, _i32)
            bv = _take16(selv[pl.ds(jb, 16)], jl)
            bi = _take16(seli[pl.ds(jb, 16)], jl)
            out = []
            for k in range(4):
                beats = (bv > sv[k]) | ((bv == sv[k]) & (bi < si[k]))
                out.append(ranks[k] + jnp.where(beats, one, zeros32))
            return tuple(out)

        ranks = lax.fori_loop(0, _K, p5_body, (zeros32,) * 4)
        rsp = _splat_i32(rr)
        for k in range(4):
            plsc.store_scatter(outv, [rsp, ranks[k]], sv[k])
            plsc.store_scatter(outi, [rsp, ranks[k]], si[k])
        return 0

    lax.fori_loop(0, _RPW, do_row, 0)
    pltpu.sync_copy(outv, outv_hbm.at[pl.ds(wid * _RPW, _RPW)])
    pltpu.sync_copy(outi, outi_hbm.at[pl.ds(wid * _RPW, _RPW)])


_sc_topk = pl.kernel(
    _sc_body,
    out_type=[
        jax.ShapeDtypeStruct((_ROWS, _K), _f32),
        jax.ShapeDtypeStruct((_ROWS, _K), _i32),
    ],
    mesh=plsc.VectorSubcoreMesh(core_axis_name="c", subcore_axis_name="s",
                                num_cores=2),
    compiler_params=pltpu.CompilerParams(needs_layout_passes=False),
    scratch_types=[
        pltpu.VMEM((_N,), _f32),
        pltpu.VMEM((_CAP,), _f32),
        pltpu.VMEM((_CAP,), _i32),
        pltpu.VMEM((_N // 16,), _i32),
        pltpu.VMEM((80,), _f32),
        pltpu.VMEM((80,), _i32),
        pltpu.VMEM((_RPW, _K), _f32),
        pltpu.VMEM((_RPW, _K), _i32),
        pltpu.VMEM((_N // 64,), _f32),
        pltpu.VMEM((_N // 16,), _f32),
    ],
)


def _tc_body(x_ref, o_ref, o16_ref, p_ref):
    x = x_ref[...]
    m16 = jnp.max(x.reshape(x.shape[0], _N // 16, 16), axis=-1)
    o16_ref[...] = m16
    o_ref[...] = jnp.max(m16.reshape(x.shape[0], _N // 64, 4), axis=-1)
    p_ref[...] = x


_tc_blockmax = pl.pallas_call(
    _tc_body,
    grid=(8,),
    in_specs=[pl.BlockSpec((_ROWS // 8, _N), lambda i: (i, 0))],
    out_specs=[
        pl.BlockSpec((_ROWS // 8, _N // 64), lambda i: (i, 0)),
        pl.BlockSpec((_ROWS // 8, _N // 16), lambda i: (i, 0)),
        pl.BlockSpec((_ROWS // 8, _N), lambda i: (i, 0)),
    ],
    out_shape=[
        jax.ShapeDtypeStruct((_ROWS, _N // 64), _f32),
        jax.ShapeDtypeStruct((_ROWS, _N // 16), _f32),
        jax.ShapeDtypeStruct((_ROWS, _N), _f32),
    ],
)


def kernel(accumulated):
    bmax, bmax16, passthrough = _tc_blockmax(accumulated)
    vals, idx = _sc_topk(accumulated, bmax, bmax16)
    return vals, idx.astype(jnp.int64), passthrough

# --- scband reference (transcript-rebuilt; emitter-appended) ---
"""Pipeline reference for scband-co-activation-computer-86732569575517 (READ-ONLY COPY).

The authoritative reference and input builder live on the scoring server;
editing this copy changes nothing except your own understanding.
"""

import jax, jax.numpy as jnp
import numpy as np


def setup_inputs(seed: int = 0) -> dict:
    key = jax.random.key(seed)
    accumulated = jax.random.normal(key, (128, 32768), dtype=jnp.float32)
    return {"accumulated": accumulated}


def reference(accumulated):
    # CoActivationComputer.forward with 2D input -> _compute(A)
    # K = min(topk_atoms, N) = min(64, 32768) = 64
    K = 64
    topk_vals, topk_idx = jax.lax.top_k(accumulated, K)
    # CoActState fields: topk_vals, topk_idx, full_A (B, N, K are shape metadata)
    return topk_vals, topk_idx.astype(jnp.int64), accumulated

if __name__ == "__main__":
    import jax
    _d = setup_inputs()
    print(jax.jit(kernel)(*tuple(_d.values())))

</pallas_src>

<mosaic_0001>
#map = affine_map<(d0, d1) -> (0, 0)>
module attributes {stable_mosaic.version = 14 : i64} {
  func.func @_sc_body(%arg0: i32, %arg1: i32, %arg2: memref<128x32768xf32, #tpu.memory_space<hbm>>, %arg3: memref<128x512xf32, #tpu.memory_space<hbm>>, %arg4: memref<128x2048xf32, #tpu.memory_space<hbm>>, %arg5: memref<128x64xf32, #tpu.memory_space<hbm>>, %arg6: memref<128x64xi32, #tpu.memory_space<hbm>>, %arg7: memref<32768xf32, #tpu.memory_space<vmem>>, %arg8: memref<33024xf32, #tpu.memory_space<vmem>>, %arg9: memref<33024xi32, #tpu.memory_space<vmem>>, %arg10: memref<2048xi32, #tpu.memory_space<vmem>>, %arg11: memref<80xf32, #tpu.memory_space<vmem>>, %arg12: memref<80xi32, #tpu.memory_space<vmem>>, %arg13: memref<4x64xf32, #tpu.memory_space<vmem>>, %arg14: memref<4x64xi32, #tpu.memory_space<vmem>>, %arg15: memref<512xf32, #tpu.memory_space<vmem>>, %arg16: memref<2048xf32, #tpu.memory_space<vmem>>) attributes {dimension_semantics = [#tpu.dimension_semantics<core_parallel>, #tpu.dimension_semantics<subcore_parallel>], iteration_bounds = array<i64: 2, 16>, scalar_prefetch = 0 : i64, scratch_operands = 10 : i64, tpu.core_type = #tpu.core_type<sc_vector_subcore>, window_params = [{transform_indices = #map}, {transform_indices = #map}, {transform_indices = #map}, {transform_indices = #map}, {transform_indices = #map}]} {
    %mul3A = arith.constant 16 : i32
    %mul3A_0 = arith.muli %arg0, %mul3A : i32
    %add3A = arith.addi %mul3A_0, %arg1 : i32
    %iota3A = tpu.iota {dimensions = array<i32: 0>} : vector<16xi32>
    %eq3A = arith.constant 0 : i32
    %eq3A_1 = vector.broadcast %eq3A : i32 to vector<16xi32>
    %eq3A_2 = arith.cmpi eq, %iota3A, %eq3A_1 : vector<16xi32>
    %broadcast_in_dim3A = arith.constant 0xFF800000 : f32
    %broadcast_in_dim3A_3 = vector.broadcast %broadcast_in_dim3A : f32 to vector<16xf32>
    %broadcast_in_dim3A_4 = arith.constant 0 : i32
    %broadcast_in_dim3A_5 = vector.broadcast %broadcast_in_dim3A_4 : i32 to vector<16xi32>
    %broadcast_in_dim3A_6 = arith.constant 1 : i32
    %broadcast_in_dim3A_7 = vector.broadcast %broadcast_in_dim3A_6 : i32 to vector<16xi32>
    %scan3A = arith.constant 0 : i32
    %scan3A_8 = arith.constant 0 : i32
    %scan3A_9 = arith.constant 4 : i32
    %scan3A_10 = arith.addi %scan3A_8, %scan3A_9 : i32
    %scan3A_11 = arith.constant 1 : i32
    %scan3A_12 = scf.for %scan3A_18 = %scan3A_8 to %scan3A_10 step %scan3A_11 iter_args(%scan3A_19 = %scan3A) -> (i32)  : i32 {
      %mul3A_20 = arith.constant 4 : i32
      %mul3A_21 = arith.muli %add3A, %mul3A_20 : i32
      %add3A_22 = arith.addi %mul3A_21, %scan3A_18 : i32
      "tpu.region"() ({
        %run_scoped3A = tpu.sem_alloc : memref<!tpu.dma_semaphore, #tpu.memory_space<semaphore_mem>>
        %dma_start3A = arith.constant 0 : i32
        %dma_start3A_1975 = tpu.memref_slice %arg2[%add3A_22, %dma_start3A] : memref<128x32768xf32, #tpu.memory_space<hbm>> -> memref<1x32768xf32, #tpu.memory_space<hbm>>
        %dma_start3A_1976 = tpu.memref_squeeze %dma_start3A_1975 : memref<1x32768xf32, #tpu.memory_space<hbm>> -> memref<32768xf32, #tpu.memory_space<hbm>>
        %dma_start3A_1977 = arith.constant 0 : i32
        %dma_start3A_1978 = tpu.memref_slice %arg2[%add3A_22, %dma_start3A_1977] : memref<128x32768xf32, #tpu.memory_space<hbm>> -> memref<1x32768xf32, #tpu.memory_space<hbm>>
        %dma_start3A_1979 = tpu.memref_squeeze %dma_start3A_1978 : memref<1x32768xf32, #tpu.memory_space<hbm>> -> memref<32768xf32, #tpu.memory_space<hbm>>
        tpu.enqueue_dma source(%dma_start3A_1979 : memref<32768xf32, #tpu.memory_space<hbm>>) target(%arg7 : memref<32768xf32, #tpu.memory_space<vmem>>) target_semaphore(%run_scoped3A : memref<!tpu.dma_semaphore, #tpu.memory_space<semaphore_mem>>)
        %dma_wait3A = arith.constant 0 : i32
        %dma_wait3A_1980 = tpu.memref_slice %arg2[%add3A_22, %dma_wait3A] : memref<128x32768xf32, #tpu.memory_space<hbm>> -> memref<1x32768xf32, #tpu.memory_space<hbm>>
        %dma_wait3A_1981 = tpu.memref_squeeze %dma_wait3A_1980 : memref<1x32768xf32, #tpu.memory_space<hbm>> -> memref<32768xf32, #tpu.memory_space<hbm>>
        %dma_wait3A_1982 = arith.constant 0 : i32
        %dma_wait3A_1983 = tpu.memref_slice %arg2[%add3A_22, %dma_wait3A_1982] : memref<128x32768xf32, #tpu.memory_space<hbm>> -> memref<1x32768xf32, #tpu.memory_space<hbm>>
        %dma_wait3A_1984 = tpu.memref_squeeze %dma_wait3A_1983 : memref<1x32768xf32, #tpu.memory_space<hbm>> -> memref<32768xf32, #tpu.memory_space<hbm>>
        tpu.wait_dma2 semaphore(%run_scoped3A : memref<!tpu.dma_semaphore, #tpu.memory_space<semaphore_mem>>) src(%dma_wait3A_1984 : memref<32768xf32, #tpu.memory_space<hbm>>) dst(%arg7 : memref<32768xf32, #tpu.memory_space<vmem>>)
        tpu.yield
      }) : () -> ()
      "tpu.region"() ({
        %run_scoped3A = tpu.sem_alloc : memref<!tpu.dma_semaphore, #tpu.memory_space<semaphore_mem>>
        %dma_start3A = arith.constant 0 : i32
        %dma_start3A_1975 = tpu.memref_slice %arg3[%add3A_22, %dma_start3A] : memref<128x512xf32, #tpu.memory_space<hbm>> -> memref<1x512xf32, #tpu.memory_space<hbm>>
        %dma_start3A_1976 = tpu.memref_squeeze %dma_start3A_1975 : memref<1x512xf32, #tpu.memory_space<hbm>> -> memref<512xf32, #tpu.memory_space<hbm>>
        %dma_start3A_1977 = arith.constant 0 : i32
        %dma_start3A_1978 = tpu.memref_slice %arg3[%add3A_22, %dma_start3A_1977] : memref<128x512xf32, #tpu.memory_space<hbm>> -> memref<1x512xf32, #tpu.memory_space<hbm>>
        %dma_start3A_1979 = tpu.memref_squeeze %dma_start3A_1978 : memref<1x512xf32, #tpu.memory_space<hbm>> -> memref<512xf32, #tpu.memory_space<hbm>>
        tpu.enqueue_dma source(%dma_start3A_1979 : memref<512xf32, #tpu.memory_space<hbm>>) target(%arg15 : memref<512xf32, #tpu.memory_space<vmem>>) target_semaphore(%run_scoped3A : memref<!tpu.dma_semaphore, #tpu.memory_space<semaphore_mem>>)
        %dma_wait3A = arith.constant 0 : i32
        %dma_wait3A_1980 = tpu.memref_slice %arg3[%add3A_22, %dma_wait3A] : memref<128x512xf32, #tpu.memory_space<hbm>> -> memref<1x512xf32, #tpu.memory_space<hbm>>
        %dma_wait3A_1981 = tpu.memref_squeeze %dma_wait3A_1980 : memref<1x512xf32, #tpu.memory_space<hbm>> -> memref<512xf32, #tpu.memory_space<hbm>>
        %dma_wait3A_1982 = arith.constant 0 : i32
        %dma_wait3A_1983 = tpu.memref_slice %arg3[%add3A_22, %dma_wait3A_1982] : memref<128x512xf32, #tpu.memory_space<hbm>> -> memref<1x512xf32, #tpu.memory_space<hbm>>
        %dma_wait3A_1984 = tpu.memref_squeeze %dma_wait3A_1983 : memref<1x512xf32, #tpu.memory_space<hbm>> -> memref<512xf32, #tpu.memory_space<hbm>>
        tpu.wait_dma2 semaphore(%run_scoped3A : memref<!tpu.dma_semaphore, #tpu.memory_space<semaphore_mem>>) src(%dma_wait3A_1984 : memref<512xf32, #tpu.memory_space<hbm>>) dst(%arg15 : memref<512xf32, #tpu.memory_space<vmem>>)
        tpu.yield
      }) : () -> ()
      "tpu.region"() ({
        %run_scoped3A = tpu.sem_alloc : memref<!tpu.dma_semaphore, #tpu.memory_space<semaphore_mem>>
        %dma_start3A = arith.constant 0 : i32
        %dma_start3A_1975 = tpu.memref_slice %arg4[%add3A_22, %dma_start3A] : memref<128x2048xf32, #tpu.memory_space<hbm>> -> memref<1x2048xf32, #tpu.memory_space<hbm>>
        %dma_start3A_1976 = tpu.memref_squeeze %dma_start3A_1975 : memref<1x2048xf32, #tpu.memory_space<hbm>> -> memref<2048xf32, #tpu.memory_space<hbm>>
        %dma_start3A_1977 = arith.constant 0 : i32
        %dma_start3A_1978 = tpu.memref_slice %arg4[%add3A_22, %dma_start3A_1977] : memref<128x2048xf32, #tpu.memory_space<hbm>> -> memref<1x2048xf32, #tpu.memory_space<hbm>>
        %dma_start3A_1979 = tpu.memref_squeeze %dma_start3A_1978 : memref<1x2048xf32, #tpu.memory_space<hbm>> -> memref<2048xf32, #tpu.memory_space<hbm>>
        tpu.enqueue_dma source(%dma_start3A_1979 : memref<2048xf32, #tpu.memory_space<hbm>>) target(%arg16 : memref<2048xf32, #tpu.memory_space<vmem>>) target_semaphore(%run_scoped3A : memref<!tpu.dma_semaphore, #tpu.memory_space<semaphore_mem>>)
        %dma_wait3A = arith.constant 0 : i32
        %dma_wait3A_1980 = tpu.memref_slice %arg4[%add3A_22, %dma_wait3A] : memref<128x2048xf32, #tpu.memory_space<hbm>> -> memref<1x2048xf32, #tpu.memory_space<hbm>>
        %dma_wait3A_1981 = tpu.memref_squeeze %dma_wait3A_1980 : memref<1x2048xf32, #tpu.memory_space<hbm>> -> memref<2048xf32, #tpu.memory_space<hbm>>
        %dma_wait3A_1982 = arith.constant 0 : i32
        %dma_wait3A_1983 = tpu.memref_slice %arg4[%add3A_22, %dma_wait3A_1982] : memref<128x2048xf32, #tpu.memory_space<hbm>> -> memref<1x2048xf32, #tpu.memory_space<hbm>>
        %dma_wait3A_1984 = tpu.memref_squeeze %dma_wait3A_1983 : memref<1x2048xf32, #tpu.memory_space<hbm>> -> memref<2048xf32, #tpu.memory_space<hbm>>
        tpu.wait_dma2 semaphore(%run_scoped3A : memref<!tpu.dma_semaphore, #tpu.memory_space<semaphore_mem>>) src(%dma_wait3A_1984 : memref<2048xf32, #tpu.memory_space<hbm>>) dst(%arg16 : memref<2048xf32, #tpu.memory_space<vmem>>)
        tpu.yield
      }) : () -> ()
      %get3A = arith.constant 0 : index
      %get3A_23 = tpu.vector_load %arg15[%get3A] {strides = array<i32>} : memref<512xf32, #tpu.memory_space<vmem>>, vector<16xf32>,
      %get3A_24 = arith.constant 16 : index
      %get3A_25 = tpu.vector_load %arg15[%get3A_24] {strides = array<i32>} : memref<512xf32, #tpu.memory_space<vmem>>, vector<16xf32>,
      %get3A_26 = arith.constant 32 : index
      %get3A_27 = tpu.vector_load %arg15[%get3A_26] {strides = array<i32>} : memref<512xf32, #tpu.memory_space<vmem>>, vector<16xf32>,
      %get3A_28 = arith.constant 48 : index
      %get3A_29 = tpu.vector_load %arg15[%get3A_28] {strides = array<i32>} : memref<512xf32, #tpu.memory_space<vmem>>, vector<16xf32>,
      %sort3A = arith.constant dense<true> : vector<16xi1>
      %sort3A_30, %sort3A_31, %sort3A_32 = tpu.sort %get3A_23, %get3A_23 masked %sort3A : (vector<16xf32>, vector<16xf32>, vector<16xi1>) -> (vector<16xi1>, vector<16xf32>, vector<16xf32>)
      %rev3A = arith.constant 15 : i32
      %rev3A_33 = vector.broadcast %rev3A : i32 to vector<16xi32>
      %rev3A_34 = tpu.iota {dimensions = array<i32: 0>} : vector<16xi32>
      %rev3A_35 = arith.subi %rev3A_33, %rev3A_34 : vector<16xi32>
      %rev3A_36 = tpu.dynamic_gather %sort3A_31[%rev3A_35] in [0] : vector<16xf32>, vector<16xi32> -> vector<16xf32>
      %sort3A_37 = arith.constant dense<true> : vector<16xi1>
      %sort3A_38, %sort3A_39, %sort3A_40 = tpu.sort %get3A_25, %get3A_25 masked %sort3A_37 : (vector<16xf32>, vector<16xf32>, vector<16xi1>) -> (vector<16xi1>, vector<16xf32>, vector<16xf32>)
      %rev3A_41 = arith.constant 15 : i32
      %rev3A_42 = vector.broadcast %rev3A_41 : i32 to vector<16xi32>
      %rev3A_43 = tpu.iota {dimensions = array<i32: 0>} : vector<16xi32>
      %rev3A_44 = arith.subi %rev3A_42, %rev3A_43 : vector<16xi32>
      %rev3A_45 = tpu.dynamic_gather %sort3A_39[%rev3A_44] in [0] : vector<16xf32>, vector<16xi32> -> vector<16xf32>
      %rev3A_46 = arith.constant 15 : i32
      %rev3A_47 = vector.broadcast %rev3A_46 : i32 to vector<16xi32>
      %rev3A_48 = tpu.iota {dimensions = array<i32: 0>} : vector<16xi32>
      %rev3A_49 = arith.subi %rev3A_47, %rev3A_48 : vector<16xi32>
      %rev3A_50 = tpu.dynamic_gather %rev3A_45[%rev3A_49] in [0] : vector<16xf32>, vector<16xi32> -> vector<16xf32>
      %max3A = arith.maximumf %rev3A_36, %rev3A_50 : vector<16xf32>
      %sort3A_51 = arith.constant dense<true> : vector<16xi1>
      %sort3A_52, %sort3A_53, %sort3A_54 = tpu.sort %max3A, %max3A masked %sort3A_51 : (vector<16xf32>, vector<16xf32>, vector<16xi1>) -> (vector<16xi1>, vector<16xf32>, vector<16xf32>)
      %rev3A_55 = arith.constant 15 : i32
      %rev3A_56 = vector.broadcast %rev3A_55 : i32 to vector<16xi32>
      %rev3A_57 = tpu.iota {dimensions = array<i32: 0>} : vector<16xi32>
      %rev3A_58 = arith.subi %rev3A_56, %rev3A_57 : vector<16xi32>
      %rev3A_59 = tpu.dynamic_gather %sort3A_53[%rev3A_58] in [0] : vector<16xf32>, vector<16xi32> -> vector<16xf32>
      %min3A = arith.minimumf %rev3A_36, %rev3A_50 : vector<16xf32>
      %sort3A_60 = arith.constant dense<true> : vector<16xi1>
      %sort3A_61, %sort3A_62, %sort3A_63 = tpu.sort %min3A, %min3A masked %sort3A_60 : (vector<16xf32>, vector<16xf32>, vector<16xi1>) -> (vector<16xi1>, vector<16xf32>, vector<16xf32>)
      %rev3A_64 = arith.constant 15 : i32
      %rev3A_65 = vector.broadcast %rev3A_64 : i32 to vector<16xi32>
      %rev3A_66 = tpu.iota {dimensions = array<i32: 0>} : vector<16xi32>
      %rev3A_67 = arith.subi %rev3A_65, %rev3A_66 : vector<16xi32>
      %rev3A_68 = tpu.dynamic_gather %sort3A_62[%rev3A_67] in [0] : vector<16xf32>, vector<16xi32> -> vector<16xf32>
      %sort3A_69 = arith.constant dense<true> : vector<16xi1>
      %sort3A_70, %sort3A_71, %sort3A_72 = tpu.sort %get3A_27, %get3A_27 masked %sort3A_69 : (vector<16xf32>, vector<16xf32>, vector<16xi1>) -> (vector<16xi1>, vector<16xf32>, vector<16xf32>)
      %rev3A_73 = arith.constant 15 : i32
      %rev3A_74 = vector.broadcast %rev3A_73 : i32 to vector<16xi32>
      %rev3A_75 = tpu.iota {dimensions = array<i32: 0>} : vector<16xi32>
      %rev3A_76 = arith.subi %rev3A_74, %rev3A_75 : vector<16xi32>
      %rev3A_77 = tpu.dynamic_gather %sort3A_71[%rev3A_76] in [0] : vector<16xf32>, vector<16xi32> -> vector<16xf32>
      %sort3A_78 = arith.constant dense<true> : vector<16xi1>
      %sort3A_79, %sort3A_80, %sort3A_81 = tpu.sort %get3A_29, %get3A_29 masked %sort3A_78 : (vector<16xf32>, vector<16xf32>, vector<16xi1>) -> (vector<16xi1>, vector<16xf32>, vector<16xf32>)
      %rev3A_82 = arith.constant 15 : i32
      %rev3A_83 = vector.broadcast %rev3A_82 : i32 to vector<16xi32>
      %rev3A_84 = tpu.iota {dimensions = array<i32: 0>} : vector<16xi32>
      %rev3A_85 = arith.subi %rev3A_83, %rev3A_84 : vector<16xi32>
      %rev3A_86 = tpu.dynamic_gather %sort3A_80[%rev3A_85] in [0] : vector<16xf32>, vector<16xi32> -> vector<16xf32>
      %rev3A_87 = arith.constant 15 : i32
      %rev3A_88 = vector.broadcast %rev3A_87 : i32 to vector<16xi32>
      %rev3A_89 = tpu.iota {dimensions = array<i32: 0>} : vector<16xi32>
      %rev3A_90 = arith.subi %rev3A_88, %rev3A_89 : vector<16xi32>
      %rev3A_91 = tpu.dynamic_gather %rev3A_86[%rev3A_90] in [0] : vector<16xf32>, vector<16xi32> -> vector<16xf32>
      %max3A_92 = arith.maximumf %rev3A_77, %rev3A_91 : vector<16xf32>
      %sort3A_93 = arith.constant dense<true> : vector<16xi1>
      %sort3A_94, %sort3A_95, %sort3A_96 = tpu.sort %max3A_92, %max3A_92 masked %sort3A_93 : (vector<16xf32>, vector<16xf32>, vector<16xi1>) -> (vector<16xi1>, vector<16xf32>, vector<16xf32>)
      %rev3A_97 = arith.constant 15 : i32
      %rev3A_98 = vector.broadcast %rev3A_97 : i32 to vector<16xi32>
      %rev3A_99 = tpu.iota {dimensions = array<i32: 0>} : vector<16xi32>
      %rev3A_100 = arith.subi %rev3A_98, %rev3A_99 : vector<16xi32>
      %rev3A_101 = tpu.dynamic_gather %sort3A_95[%rev3A_100] in [0] : vector<16xf32>, vector<16xi32> -> vector<16xf32>
      %min3A_102 = arith.minimumf %rev3A_77, %rev3A_91 : vector<16xf32>
      %sort3A_103 = arith.constant dense<true> : vector<16xi1>
      %sort3A_104, %sort3A_105, %sort3A_106 = tpu.sort %min3A_102, %min3A_102 masked %sort3A_103 : (vector<16xf32>, vector<16xf32>, vector<16xi1>) -> (vector<16xi1>, vector<16xf32>, vector<16xf32>)
      %rev3A_107 = arith.constant 15 : i32
      %rev3A_108 = vector.broadcast %rev3A_107 : i32 to vector<16xi32>
      %rev3A_109 = tpu.iota {dimensions = array<i32: 0>} : vector<16xi32>
      %rev3A_110 = arith.subi %rev3A_108, %rev3A_109 : vector<16xi32>
      %rev3A_111 = tpu.dynamic_gather %sort3A_105[%rev3A_110] in [0] : vector<16xf32>, vector<16xi32> -> vector<16xf32>
      %rev3A_112 = arith.constant 15 : i32
      %rev3A_113 = vector.broadcast %rev3A_112 : i32 to vector<16xi32>
      %rev3A_114 = tpu.iota {dimensions = array<i32: 0>} : vector<16xi32>
      %rev3A_115 = arith.subi %rev3A_113, %rev3A_114 : vector<16xi32>
      %rev3A_116 = tpu.dynamic_gather %rev3A_111[%rev3A_115] in [0] : vector<16xf32>, vector<16xi32> -> vector<16xf32>
      %rev3A_117 = arith.constant 15 : i32
      %rev3A_118 = vector.broadcast %rev3A_117 : i32 to vector<16xi32>
      %rev3A_119 = tpu.iota {dimensions = array<i32: 0>} : vector<16xi32>
      %rev3A_120 = arith.subi %rev3A_118, %rev3A_119 : vector<16xi32>
      %rev3A_121 = tpu.dynamic_gather %rev3A_101[%rev3A_120] in [0] : vector<16xf32>, vector<16xi32> -> vector<16xf32>
      %max3A_122 = arith.maximumf %rev3A_59, %rev3A_116 : vector<16xf32>
      %max3A_123 = arith.maximumf %rev3A_68, %rev3A_121 : vector<16xf32>
      %min3A_124 = arith.minimumf %rev3A_59, %rev3A_116 : vector<16xf32>
      %min3A_125 = arith.minimumf %rev3A_68, %rev3A_121 : vector<16xf32>
      %max3A_126 = arith.maximumf %max3A_122, %max3A_123 : vector<16xf32>
      %min3A_127 = arith.minimumf %max3A_122, %max3A_123 : vector<16xf32>
      %sort3A_128 = arith.constant dense<true> : vector<16xi1>
      %sort3A_129, %sort3A_130, %sort3A_131 = tpu.sort %max3A_126, %max3A_126 masked %sort3A_128 : (vector<16xf32>, vector<16xf32>, vector<16xi1>) -> (vector<16xi1>, vector<16xf32>, vector<16xf32>)
      %rev3A_132 = arith.constant 15 : i32
      %rev3A_133 = vector.broadcast %rev3A_132 : i32 to vector<16xi32>
      %rev3A_134 = tpu.iota {dimensions = array<i32: 0>} : vector<16xi32>
      %rev3A_135 = arith.subi %rev3A_133, %rev3A_134 : vector<16xi32>
      %rev3A_136 = tpu.dynamic_gather %sort3A_130[%rev3A_135] in [0] : vector<16xf32>, vector<16xi32> -> vector<16xf32>
      %sort3A_137 = arith.constant dense<true> : vector<16xi1>
      %sort3A_138, %sort3A_139, %sort3A_140 = tpu.sort %min3A_127, %min3A_127 masked %sort3A_137 : (vector<16xf32>, vector<16xf32>, vector<16xi1>) -> (vector<16xi1>, vector<16xf32>, vector<16xf32>)
      %rev3A_141 = arith.constant 15 : i32
      %rev3A_142 = vector.broadcast %rev3A_141 : i32 to vector<16xi32>
      %rev3A_143 = tpu.iota {dimensions = array<i32: 0>} : vector<16xi32>
      %rev3A_144 = arith.subi %rev3A_142, %rev3A_143 : vector<16xi32>
      %rev3A_145 = tpu.dynamic_gather %sort3A_139[%rev3A_144] in [0] : vector<16xf32>, vector<16xi32> -> vector<16xf32>
      %max3A_146 = arith.maximumf %min3A_124, %min3A_125 : vector<16xf32>
      %min3A_147 = arith.minimumf %min3A_124, %min3A_125 : vector<16xf32>
      %sort3A_148 = arith.constant dense<true> : vector<16xi1>
      %sort3A_149, %sort3A_150, %sort3A_151 = tpu.sort %max3A_146, %max3A_146 masked %sort3A_148 : (vector<16xf32>, vector<16xf32>, vector<16xi1>) -> (vector<16xi1>, vector<16xf32>, vector<16xf32>)
      %rev3A_152 = arith.constant 15 : i32
      %rev3A_153 = vector.broadcast %rev3A_152 : i32 to vector<16xi32>
      %rev3A_154 = tpu.iota {dimensions = array<i32: 0>} : vector<16xi32>
      %rev3A_155 = arith.subi %rev3A_153, %rev3A_154 : vector<16xi32>
      %rev3A_156 = tpu.dynamic_gather %sort3A_150[%rev3A_155] in [0] : vector<16xf32>, vector<16xi32> -> vector<16xf32>
      %sort3A_157 = arith.constant dense<true> : vector<16xi1>
      %sort3A_158, %sort3A_159, %sort3A_160 = tpu.sort %min3A_147, %min3A_147 masked %sort3A_157 : (vector<16xf32>, vector<16xf32>, vector<16xi1>) -> (vector<16xi1>, vector<16xf32>, vector<16xf32>)
      %rev3A_161 = arith.constant 15 : i32
      %rev3A_162 = vector.broadcast %rev3A_161 : i32 to vector<16xi32>
      %rev3A_163 = tpu.iota {dimensions = array<i32: 0>} : vector<16xi32>
      %rev3A_164 = arith.subi %rev3A_162, %rev3A_163 : vector<16xi32>
      %rev3A_165 = tpu.dynamic_gather %sort3A_159[%rev3A_164] in [0] : vector<16xf32>, vector<16xi32> -> vector<16xf32>
      %get3A_166 = arith.constant 64 : index
      %get3A_167 = tpu.vector_load %arg15[%get3A_166] {strides = array<i32>} : memref<512xf32, #tpu.memory_space<vmem>>, vector<16xf32>,
      %get3A_168 = arith.constant 80 : index
      %get3A_169 = tpu.vector_load %arg15[%get3A_168] {strides = array<i32>} : memref<512xf32, #tpu.memory_space<vmem>>, vector<16xf32>,
      %get3A_170 = arith.constant 96 : index
      %get3A_171 = tpu.vector_load %arg15[%get3A_170] {strides = array<i32>} : memref<512xf32, #tpu.memory_space<vmem>>, vector<16xf32>,
      %get3A_172 = arith.constant 112 : index
      %get3A_173 = tpu.vector_load %arg15[%get3A_172] {strides = array<i32>} : memref<512xf32, #tpu.memory_space<vmem>>, vector<16xf32>,
      %sort3A_174 = arith.constant dense<true> : vector<16xi1>
      %sort3A_175, %sort3A_176, %sort3A_177 = tpu.sort %get3A_167, %get3A_167 masked %sort3A_174 : (vector<16xf32>, vector<16xf32>, vector<16xi1>) -> (vector<16xi1>, vector<16xf32>, vector<16xf32>)
      %rev3A_178 = arith.constant 15 : i32
      %rev3A_179 = vector.broadcast %rev3A_178 : i32 to vector<16xi32>
      %rev3A_180 = tpu.iota {dimensions = array<i32: 0>} : vector<16xi32>
      %rev3A_181 = arith.subi %rev3A_179, %rev3A_180 : vector<16xi32>
      %rev3A_182 = tpu.dynamic_gather %sort3A_176[%rev3A_181] in [0] : vector<16xf32>, vector<16xi32> -> vector<16xf32>
      %sort3A_183 = arith.constant dense<true> : vector<16xi1>
      %sort3A_184, %sort3A_185, %sort3A_186 = tpu.sort %get3A_169, %get3A_169 masked %sort3A_183 : (vector<16xf32>, vector<16xf32>, vector<16xi1>) -> (vector<16xi1>, vector<16xf32>, vector<16xf32>)
      %rev3A_187 = arith.constant 15 : i32
      %rev3A_188 = vector.broadcast %rev3A_187 : i32 to vector<16xi32>
      %rev3A_189 = tpu.iota {dimensions = array<i32: 0>} : vector<16xi32>
      %rev3A_190 = arith.subi %rev3A_188, %rev3A_189 : vector<16xi32>
      %rev3A_191 = tpu.dynamic_gather %sort3A_185[%rev3A_190] in [0] : vector<16xf32>, vector<16xi32> -> vector<16xf32>
      %rev3A_192 = arith.constant 15 : i32
      %rev3A_193 = vector.broadcast %rev3A_192 : i32 to vector<16xi32>
      %rev3A_194 = tpu.iota {dimensions = array<i32: 0>} : vector<16xi32>
      %rev3A_195 = arith.subi %rev3A_193, %rev3A_194 : vector<16xi32>
      %rev3A_196 = tpu.dynamic_gather %rev3A_191[%rev3A_195] in [0] : vector<16xf32>, vector<16xi32> -> vector<16xf32>
      %max3A_197 = arith.maximumf %rev3A_182, %rev3A_196 : vector<16xf32>
      %sort3A_198 = arith.constant dense<true> : vector<16xi1>
      %sort3A_199, %sort3A_200, %sort3A_201 = tpu.sort %max3A_197, %max3A_197 masked %sort3A_198 : (vector<16xf32>, vector<16xf32>, vector<16xi1>) -> (vector<16xi1>, vector<16xf32>, vector<16xf32>)
      %rev3A_202 = arith.constant 15 : i32
      %rev3A_203 = vector.broadcast %rev3A_202 : i32 to vector<16xi32>
      %rev3A_204 = tpu.iota {dimensions = array<i32: 0>} : vector<16xi32>
      %rev3A_205 = arith.subi %rev3A_203, %rev3A_204 : vector<16xi32>
      %rev3A_206 = tpu.dynamic_gather %sort3A_200[%rev3A_205] in [0] : vector<16xf32>, vector<16xi32> -> vector<16xf32>
      %min3A_207 = arith.minimumf %rev3A_182, %rev3A_196 : vector<16xf32>
      %sort3A_208 = arith.constant dense<true> : vector<16xi1>
      %sort3A_209, %sort3A_210, %sort3A_211 = tpu.sort %min3A_207, %min3A_207 masked %sort3A_208 : (vector<16xf32>, vector<16xf32>, vector<16xi1>) -> (vector<16xi1>, vector<16xf32>, vector<16xf32>)
      %rev3A_212 = arith.constant 15 : i32
      %rev3A_213 = vector.broadcast %rev3A_212 : i32 to vector<16xi32>
      %rev3A_214 = tpu.iota {dimensions = array<i32: 0>} : vector<16xi32>
      %rev3A_215 = arith.subi %rev3A_213, %rev3A_214 : vector<16xi32>
      %rev3A_216 = tpu.dynamic_gather %sort3A_210[%rev3A_215] in [0] : vector<16xf32>, vector<16xi32> -> vector<16xf32>
      %sort3A_217 = arith.constant dense<true> : vector<16xi1>
      %sort3A_218, %sort3A_219, %sort3A_220 = tpu.sort %get3A_171, %get3A_171 masked %sort3A_217 : (vector<16xf32>, vector<16xf32>, vector<16xi1>) -> (vector<16xi1>, vector<16xf32>, vector<16xf32>)
      %rev3A_221 = arith.constant 15 : i32
      %rev3A_222 = vector.broadcast %rev3A_221 : i32 to vector<16xi32>
      %rev3A_223 = tpu.iota {dimensions = array<i32: 0>} : vector<16xi32>
      %rev3A_224 = arith.subi %rev3A_222, %rev3A_223 : vector<16xi32>
      %rev3A_225 = tpu.dynamic_gather %sort3A_219[%rev3A_224] in [0] : vector<16xf32>, vector<16xi32> -> vector<16xf32>
      %sort3A_226 = arith.constant dense<true> : vector<16xi1>
      %sort3A_227, %sort3A_228, %sort3A_229 = tpu.sort %get3A_173, %get3A_173 masked %sort3A_226 : (vector<16xf32>, vector<16xf32>, vector<16xi1>) -> (vector<16xi1>, vector<16xf32>, vector<16xf32>)
      %rev3A_230 = arith.constant 15 : i32
      %rev3A_231 = vector.broadcast %rev3A_230 : i32 to vector<16xi32>
      %rev3A_232 = tpu.iota {dimensions = array<i32: 0>} : vector<16xi32>
      %rev3A_233 = arith.subi %rev3A_231, %rev3A_232 : vector<16xi32>
      %rev3A_234 = tpu.dynamic_gather %sort3A_228[%rev3A_233] in [0] : vector<16xf32>, vector<16xi32> -> vector<16xf32>
      %rev3A_235 = arith.constant 15 : i32
      %rev3A_236 = vector.broadcast %rev3A_235 : i32 to vector<16xi32>
      %rev3A_237 = tpu.iota {dimensions = array<i32: 0>} : vector<16xi32>
      %rev3A_238 = arith.subi %rev3A_236, %rev3A_237 : vector<16xi32>
      %rev3A_239 = tpu.dynamic_gather %rev3A_234[%rev3A_238] in [0] : vector<16xf32>, vector<16xi32> -> vector<16xf32>
      %max3A_240 = arith.maximumf %rev3A_225, %rev3A_239 : vector<16xf32>
      %sort3A_241 = arith.constant dense<true> : vector<16xi1>
      %sort3A_242, %sort3A_243, %sort3A_244 = tpu.sort %max3A_240, %max3A_240 masked %sort3A_241 : (vector<16xf32>, vector<16xf32>, vector<16xi1>) -> (vector<16xi1>, vector<16xf32>, vector<16xf32>)
      %rev3A_245 = arith.constant 15 : i32
      %rev3A_246 = vector.broadcast %rev3A_245 : i32 to vector<16xi32>
      %rev3A_247 = tpu.iota {dimensions = array<i32: 0>} : vector<16xi32>
      %rev3A_248 = arith.subi %rev3A_246, %rev3A_247 : vector<16xi32>
      %rev3A_249 = tpu.dynamic_gather %sort3A_243[%rev3A_248] in [0] : vector<16xf32>, vector<16xi32> -> vector<16xf32>
      %min3A_250 = arith.minimumf %rev3A_225, %rev3A_239 : vector<16xf32>
      %sort3A_251 = arith.constant dense<true> : vector<16xi1>
      %sort3A_252, %sort3A_253, %sort3A_254 = tpu.sort %min3A_250, %min3A_250 masked %sort3A_251 : (vector<16xf32>, vector<16xf32>, vector<16xi1>) -> (vector<16xi1>, vector<16xf32>, vector<16xf32>)
      %rev3A_255 = arith.constant 15 : i32
      %rev3A_256 = vector.broadcast %rev3A_255 : i32 to vector<16xi32>
      %rev3A_257 = tpu.iota {dimensions = array<i32: 0>} : vector<16xi32>
      %rev3A_258 = arith.subi %rev3A_256, %rev3A_257 : vector<16xi32>
      %rev3A_259 = tpu.dynamic_gather %sort3A_253[%rev3A_258] in [0] : vector<16xf32>, vector<16xi32> -> vector<16xf32>
      %rev3A_260 = arith.constant 15 : i32
      %rev3A_261 = vector.broadcast %rev3A_260 : i32 to vector<16xi32>
      %rev3A_262 = tpu.iota {dimensions = array<i32: 0>} : vector<16xi32>
      %rev3A_263 = arith.subi %rev3A_261, %rev3A_262 : vector<16xi32>
      %rev3A_264 = tpu.dynamic_gather %rev3A_259[%rev3A_263] in [0] : vector<16xf32>, vector<16xi32> -> vector<16xf32>
      %rev3A_265 = arith.constant 15 : i32
      %rev3A_266 = vector.broadcast %rev3A_265 : i32 to vector<16xi32>
      %rev3A_267 = tpu.iota {dimensions = array<i32: 0>} : vector<16xi32>
      %rev3A_268 = arith.subi %rev3A_266, %rev3A_267 : vector<16xi32>
      %rev3A_269 = tpu.dynamic_gather %rev3A_249[%rev3A_268] in [0] : vector<16xf32>, vector<16xi32> -> vector<16xf32>
      %max3A_270 = arith.maximumf %rev3A_206, %rev3A_264 : vector<16xf32>
      %max3A_271 = arith.maximumf %rev3A_216, %rev3A_269 : vector<16xf32>
      %min3A_272 = arith.minimumf %rev3A_206, %rev3A_264 : vector<16xf32>
      %min3A_273 = arith.minimumf %rev3A_216, %rev3A_269 : vector<16xf32>
      %max3A_274 = arith.maximumf %max3A_270, %max3A_271 : vector<16xf32>
      %min3A_275 = arith.minimumf %max3A_270, %max3A_271 : vector<16xf32>
      %sort3A_276 = arith.constant dense<true> : vector<16xi1>
      %sort3A_277, %sort3A_278, %sort3A_279 = tpu.sort %max3A_274, %max3A_274 masked %sort3A_276 : (vector<16xf32>, vector<16xf32>, vector<16xi1>) -> (vector<16xi1>, vector<16xf32>, vector<16xf32>)
      %rev3A_280 = arith.constant 15 : i32
      %rev3A_281 = vector.broadcast %rev3A_280 : i32 to vector<16xi32>
      %rev3A_282 = tpu.iota {dimensions = array<i32: 0>} : vector<16xi32>
      %rev3A_283 = arith.subi %rev3A_281, %rev3A_282 : vector<16xi32>
      %rev3A_284 = tpu.dynamic_gather %sort3A_278[%rev3A_283] in [0] : vector<16xf32>, vector<16xi32> -> vector<16xf32>
      %sort3A_285 = arith.constant dense<true> : vector<16xi1>
      %sort3A_286, %sort3A_287, %sort3A_288 = tpu.sort %min3A_275, %min3A_275 masked %sort3A_285 : (vector<16xf32>, vector<16xf32>, vector<16xi1>) -> (vector<16xi1>, vector<16xf32>, vector<16xf32>)
      %rev3A_289 = arith.constant 15 : i32
      %rev3A_290 = vector.broadcast %rev3A_289 : i32 to vector<16xi32>
      %rev3A_291 = tpu.iota {dimensions = array<i32: 0>} : vector<16xi32>
      %rev3A_292 = arith.subi %rev3A_290, %rev3A_291 : vector<16xi32>
      %rev3A_293 = tpu.dynamic_gather %sort3A_287[%rev3A_292] in [0] : vector<16xf32>, vector<16xi32> -> vector<16xf32>
      %max3A_294 = arith.maximumf %min3A_272, %min3A_273 : vector<16xf32>
      %min3A_295 = arith.minimumf %min3A_272, %min3A_273 : vector<16xf32>
      %sort3A_296 = arith.constant dense<true> : vector<16xi1>
      %sort3A_297, %sort3A_298, %sort3A_299 = tpu.sort %max3A_294, %max3A_294 masked %sort3A_296 : (vector<16xf32>, vector<16xf32>, vector<16xi1>) -> (vector<16xi1>, vector<16xf32>, vector<16xf32>)
      %rev3A_300 = arith.constant 15 : i32
      %rev3A_301 = vector.broadcast %rev3A_300 : i32 to vector<16xi32>
      %rev3A_302 = tpu.iota {dimensions = array<i32: 0>} : vector<16xi32>
      %rev3A_303 = arith.subi %rev3A_301, %rev3A_302 : vector<16xi32>
      %rev3A_304 = tpu.dynamic_gather %sort3A_298[%rev3A_303] in [0] : vector<16xf32>, vector<16xi32> -> vector<16xf32>
      %sort3A_305 = arith.constant dense<true> : vector<16xi1>
      %sort3A_306, %sort3A_307, %sort3A_308 = tpu.sort %min3A_295, %min3A_295 masked %sort3A_305 : (vector<16xf32>, vector<16xf32>, vector<16xi1>) -> (vector<16xi1>, vector<16xf32>, vector<16xf32>)
      %rev3A_309 = arith.constant 15 : i32
      %rev3A_310 = vector.broadcast %rev3A_309 : i32 to vector<16xi32>
      %rev3A_311 = tpu.iota {dimensions = array<i32: 0>} : vector<16xi32>
      %rev3A_312 = arith.subi %rev3A_310, %rev3A_311 : vector<16xi32>
      %rev3A_313 = tpu.dynamic_gather %sort3A_307[%rev3A_312] in [0] : vector<16xf32>, vector<16xi32> -> vector<16xf32>
      %rev3A_314 = arith.constant 15 : i32
      %rev3A_315 = vector.broadcast %rev3A_314 : i32 to vector<16xi32>
      %rev3A_316 = tpu.iota {dimensions = array<i32: 0>} : vector<16xi32>
      %rev3A_317 = arith.subi %rev3A_315, %rev3A_316 : vector<16xi32>
      %rev3A_318 = tpu.dynamic_gather %rev3A_313[%rev3A_317] in [0] : vector<16xf32>, vector<16xi32> -> vector<16xf32>
      %rev3A_319 = arith.constant 15 : i32
      %rev3A_320 = vector.broadcast %rev3A_319 : i32 to vector<16xi32>
      %rev3A_321 = tpu.iota {dimensions = array<i32: 0>} : vector<16xi32>
      %rev3A_322 = arith.subi %rev3A_320, %rev3A_321 : vector<16xi32>
      %rev3A_323 = tpu.dynamic_gather %rev3A_304[%rev3A_322] in [0] : vector<16xf32>, vector<16xi32> -> vector<16xf32>
      %rev3A_324 = arith.constant 15 : i32
      %rev3A_325 = vector.broadcast %rev3A_324 : i32 to vector<16xi32>
      %rev3A_326 = tpu.iota {dimensions = array<i32: 0>} : vector<16xi32>
      %rev3A_327 = arith.subi %rev3A_325, %rev3A_326 : vector<16xi32>
      %rev3A_328 = tpu.dynamic_gather %rev3A_293[%rev3A_327] in [0] : vector<16xf32>, vector<16xi32> -> vector<16xf32>
      %rev3A_329 = arith.constant 15 : i32
      %rev3A_330 = vector.broadcast %rev3A_329 : i32 to vector<16xi32>
      %rev3A_331 = tpu.iota {dimensions = array<i32: 0>} : vector<16xi32>
      %rev3A_332 = arith.subi %rev3A_330, %rev3A_331 : vector<16xi32>
      %rev3A_333 = tpu.dynamic_gather %rev3A_284[%rev3A_332] in [0] : vector<16xf32>, vector<16xi32> -> vector<16xf32>
      %max3A_334 = arith.maximumf %rev3A_136, %rev3A_318 : vector<16xf32>
      %max3A_335 = arith.maximumf %rev3A_145, %rev3A_323 : vector<16xf32>
      %max3A_336 = arith.maximumf %rev3A_156, %rev3A_328 : vector<16xf32>
      %max3A_337 = arith.maximumf %rev3A_165, %rev3A_333 : vector<16xf32>
      %max3A_338 = arith.maximumf %max3A_334, %max3A_336 : vector<16xf32>
      %max3A_339 = arith.maximumf %max3A_335, %max3A_337 : vector<16xf32>
      %min3A_340 = arith.minimumf %max3A_334, %max3A_336 : vector<16xf32>
      %min3A_341 = arith.minimumf %max3A_335, %max3A_337 : vector<16xf32>
      %max3A_342 = arith.maximumf %max3A_338, %max3A_339 : vector<16xf32>
      %min3A_343 = arith.minimumf %max3A_338, %max3A_339 : vector<16xf32>
      %sort3A_344 = arith.constant dense<true> : vector<16xi1>
      %sort3A_345, %sort3A_346, %sort3A_347 = tpu.sort %max3A_342, %max3A_342 masked %sort3A_344 : (vector<16xf32>, vector<16xf32>, vector<16xi1>) -> (vector<16xi1>, vector<16xf32>, vector<16xf32>)
      %rev3A_348 = arith.constant 15 : i32
      %rev3A_349 = vector.broadcast %rev3A_348 : i32 to vector<16xi32>
      %rev3A_350 = tpu.iota {dimensions = array<i32: 0>} : vector<16xi32>
      %rev3A_351 = arith.subi %rev3A_349, %rev3A_350 : vector<16xi32>
      %rev3A_352 = tpu.dynamic_gather %sort3A_346[%rev3A_351] in [0] : vector<16xf32>, vector<16xi32> -> vector<16xf32>
      %sort3A_353 = arith.constant dense<true> : vector<16xi1>
      %sort3A_354, %sort3A_355, %sort3A_356 = tpu.sort %min3A_343, %min3A_343 masked %sort3A_353 : (vector<16xf32>, vector<16xf32>, vector<16xi1>) -> (vector<16xi1>, vector<16xf32>, vector<16xf32>)
      %rev3A_357 = arith.constant 15 : i32
      %rev3A_358 = vector.broadcast %rev3A_357 : i32 to vector<16xi32>
      %rev3A_359 = tpu.iota {dimensions = array<i32: 0>} : vector<16xi32>
      %rev3A_360 = arith.subi %rev3A_358, %rev3A_359 : vector<16xi32>
      %rev3A_361 = tpu.dynamic_gather %sort3A_355[%rev3A_360] in [0] : vector<16xf32>, vector<16xi32> -> vector<16xf32>
      %max3A_362 = arith.maximumf %min3A_340, %min3A_341 : vector<16xf32>
      %min3A_363 = arith.minimumf %min3A_340, %min3A_341 : vector<16xf32>
      %sort3A_364 = arith.constant dense<true> : vector<16xi1>
      %sort3A_365, %sort3A_366, %sort3A_367 = tpu.sort %max3A_362, %max3A_362 masked %sort3A_364 : (vector<16xf32>, vector<16xf32>, vector<16xi1>) -> (vector<16xi1>, vector<16xf32>, vector<16xf32>)
      %rev3A_368 = arith.constant 15 : i32
      %rev3A_369 = vector.broadcast %rev3A_368 : i32 to vector<16xi32>
      %rev3A_370 = tpu.iota {dimensions = array<i32: 0>} : vector<16xi32>
      %rev3A_371 = arith.subi %rev3A_369, %rev3A_370 : vector<16xi32>
      %rev3A_372 = tpu.dynamic_gather %sort3A_366[%rev3A_371] in [0] : vector<16xf32>, vector<16xi32> -> vector<16xf32>
      %sort3A_373 = arith.constant dense<true> : vector<16xi1>
      %sort3A_374, %sort3A_375, %sort3A_376 = tpu.sort %min3A_363, %min3A_363 masked %sort3A_373 : (vector<16xf32>, vector<16xf32>, vector<16xi1>) -> (vector<16xi1>, vector<16xf32>, vector<16xf32>)
      %rev3A_377 = arith.constant 15 : i32
      %rev3A_378 = vector.broadcast %rev3A_377 : i32 to vector<16xi32>
      %rev3A_379 = tpu.iota {dimensions = array<i32: 0>} : vector<16xi32>
      %rev3A_380 = arith.subi %rev3A_378, %rev3A_379 : vector<16xi32>
      %rev3A_381 = tpu.dynamic_gather %sort3A_375[%rev3A_380] in [0] : vector<16xf32>, vector<16xi32> -> vector<16xf32>
      %get3A_382 = arith.constant 128 : index
      %get3A_383 = tpu.vector_load %arg15[%get3A_382] {strides = array<i32>} : memref<512xf32, #tpu.memory_space<vmem>>, vector<16xf32>,
      %get3A_384 = arith.constant 144 : index
      %get3A_385 = tpu.vector_load %arg15[%get3A_384] {strides = array<i32>} : memref<512xf32, #tpu.memory_space<vmem>>, vector<16xf32>,
      %get3A_386 = arith.constant 160 : index
      %get3A_387 = tpu.vector_load %arg15[%get3A_386] {strides = array<i32>} : memref<512xf32, #tpu.memory_space<vmem>>, vector<16xf32>,
      %get3A_388 = arith.constant 176 : index
      %get3A_389 = tpu.vector_load %arg15[%get3A_388] {strides = array<i32>} : memref<512xf32, #tpu.memory_space<vmem>>, vector<16xf32>,
      %sort3A_390 = arith.constant dense<true> : vector<16xi1>
      %sort3A_391, %sort3A_392, %sort3A_393 = tpu.sort %get3A_383, %get3A_383 masked %sort3A_390 : (vector<16xf32>, vector<16xf32>, vector<16xi1>) -> (vector<16xi1>, vector<16xf32>, vector<16xf32>)
      %rev3A_394 = arith.constant 15 : i32
      %rev3A_395 = vector.broadcast %rev3A_394 : i32 to vector<16xi32>
      %rev3A_396 = tpu.iota {dimensions = array<i32: 0>} : vector<16xi32>
      %rev3A_397 = arith.subi %rev3A_395, %rev3A_396 : vector<16xi32>
      %rev3A_398 = tpu.dynamic_gather %sort3A_392[%rev3A_397] in [0] : vector<16xf32>, vector<16xi32> -> vector<16xf32>
      %sort3A_399 = arith.constant dense<true> : vector<16xi1>
      %sort3A_400, %sort3A_401, %sort3A_402 = tpu.sort %get3A_385, %get3A_385 masked %sort3A_399 : (vector<16xf32>, vector<16xf32>, vector<16xi1>) -> (vector<16xi1>, vector<16xf32>, vector<16xf32>)
      %rev3A_403 = arith.constant 15 : i32
      %rev3A_404 = vector.broadcast %rev3A_403 : i32 to vector<16xi32>
      %rev3A_405 = tpu.iota {dimensions = array<i32: 0>} : vector<16xi32>
      %rev3A_406 = arith.subi %rev3A_404, %rev3A_405 : vector<16xi32>
      %rev3A_407 = tpu.dynamic_gather %sort3A_401[%rev3A_406] in [0] : vector<16xf32>, vector<16xi32> -> vector<16xf32>
      %rev3A_408 = arith.constant 15 : i32
      %rev3A_409 = vector.broadcast %rev3A_408 : i32 to vector<16xi32>
      %rev3A_410 = tpu.iota {dimensions = array<i32: 0>} : vector<16xi32>
      %rev3A_411 = arith.subi %rev3A_409, %rev3A_410 : vector<16xi32>
      %rev3A_412 = tpu.dynamic_gather %rev3A_407[%rev3A_411] in [0] : vector<16xf32>, vector<16xi32> -> vector<16xf32>
      %max3A_413 = arith.maximumf %rev3A_398, %rev3A_412 : vector<16xf32>
      %sort3A_414 = arith.constant dense<true> : vector<16xi1>
      %sort3A_415, %sort3A_416, %sort3A_417 = tpu.sort %max3A_413, %max3A_413 masked %sort3A_414 : (vector<16xf32>, vector<16xf32>, vector<16xi1>) -> (vector<16xi1>, vector<16xf32>, vector<16xf32>)
      %rev3A_418 = arith.constant 15 : i32
      %rev3A_419 = vector.broadcast %rev3A_418 : i32 to vector<16xi32>
      %rev3A_420 = tpu.iota {dimensions = array<i32: 0>} : vector<16xi32>
      %rev3A_421 = arith.subi %rev3A_419, %rev3A_420 : vector<16xi32>
      %rev3A_422 = tpu.dynamic_gather %sort3A_416[%rev3A_421] in [0] : vector<16xf32>, vector<16xi32> -> vector<16xf32>
      %min3A_423 = arith.minimumf %rev3A_398, %rev3A_412 : vector<16xf32>
      %sort3A_424 = arith.constant dense<true> : vector<16xi1>
      %sort3A_425, %sort3A_426, %sort3A_427 = tpu.sort %min3A_423, %min3A_423 masked %sort3A_424 : (vector<16xf32>, vector<16xf32>, vector<16xi1>) -> (vector<16xi1>, vector<16xf32>, vector<16xf32>)
      %rev3A_428 = arith.constant 15 : i32
      %rev3A_429 = vector.broadcast %rev3A_428 : i32 to vector<16xi32>
      %rev3A_430 = tpu.iota {dimensions = array<i32: 0>} : vector<16xi32>
      %rev3A_431 = arith.subi %rev3A_429, %rev3A_430 : vector<16xi32>
      %rev3A_432 = tpu.dynamic_gather %sort3A_426[%rev3A_431] in [0] : vector<16xf32>, vector<16xi32> -> vector<16xf32>
      %sort3A_433 = arith.constant dense<true> : vector<16xi1>
      %sort3A_434, %sort3A_435, %sort3A_436 = tpu.sort %get3A_387, %get3A_387 masked %sort3A_433 : (vector<16xf32>, vector<16xf32>, vector<16xi1>) -> (vector<16xi1>, vector<16xf32>, vector<16xf32>)
      %rev3A_437 = arith.constant 15 : i32
      %rev3A_438 = vector.broadcast %rev3A_437 : i32 to vector<16xi32>
      %rev3A_439 = tpu.iota {dimensions = array<i32: 0>} : vector<16xi32>
      %rev3A_440 = arith.subi %rev3A_438, %rev3A_439 : vector<16xi32>
      %rev3A_441 = tpu.dynamic_gather %sort3A_435[%rev3A_440] in [0] : vector<16xf32>, vector<16xi32> -> vector<16xf32>
      %sort3A_442 = arith.constant dense<true> : vector<16xi1>
      %sort3A_443, %sort3A_444, %sort3A_445 = tpu.sort %get3A_389, %get3A_389 masked %sort3A_442 : (vector<16xf32>, vector<16xf32>, vector<16xi1>) -> (vector<16xi1>, vector<16xf32>, vector<16xf32>)
      %rev3A_446 = arith.constant 15 : i32
      %rev3A_447 = vector.broadcast %rev3A_446 : i32 to vector<16xi32>
      %rev3A_448 = tpu.iota {dimensions = array<i32: 0>} : vector<16xi32>
      %rev3A_449 = arith.subi %rev3A_447, %rev3A_448 : vector<16xi32>
      %rev3A_450 = tpu.dynamic_gather %sort3A_444[%rev3A_449] in [0] : vector<16xf32>, vector<16xi32> -> vector<16xf32>
      %rev3A_451 = arith.constant 15 : i32
      %rev3A_452 = vector.broadcast %rev3A_451 : i32 to vector<16xi32>
      %rev3A_453 = tpu.iota {dimensions = array<i32: 0>} : vector<16xi32>
      %rev3A_454 = arith.subi %rev3A_452, %rev3A_453 : vector<16xi32>
      %rev3A_455 = tpu.dynamic_gather %rev3A_450[%rev3A_454] in [0] : vector<16xf32>, vector<16xi32> -> vector<16xf32>
      %max3A_456 = arith.maximumf %rev3A_441, %rev3A_455 : vector<16xf32>
      %sort3A_457 = arith.constant dense<true> : vector<16xi1>
      %sort3A_458, %sort3A_459, %sort3A_460 = tpu.sort %max3A_456, %max3A_456 masked %sort3A_457 : (vector<16xf32>, vector<16xf32>, vector<16xi1>) -> (vector<16xi1>, vector<16xf32>, vector<16xf32>)
      %rev3A_461 = arith.constant 15 : i32
      %rev3A_462 = vector.broadcast %rev3A_461 : i32 to vector<16xi32>
      %rev3A_463 = tpu.iota {dimensions = array<i32: 0>} : vector<16xi32>
      %rev3A_464 = arith.subi %rev3A_462, %rev3A_463 : vector<16xi32>
      %rev3A_465 = tpu.dynamic_gather %sort3A_459[%rev3A_464] in [0] : vector<16xf32>, vector<16xi32> -> vector<16xf32>
      %min3A_466 = arith.minimumf %rev3A_441, %rev3A_455 : vector<16xf32>
      %sort3A_467 = arith.constant dense<true> : vector<16xi1>
      %sort3A_468, %sort3A_469, %sort3A_470 = tpu.sort %min3A_466, %min3A_466 masked %sort3A_467 : (vector<16xf32>, vector<16xf32>, vector<16xi1>) -> (vector<16xi1>, vector<16xf32>, vector<16xf32>)
      %rev3A_471 = arith.constant 15 : i32
      %rev3A_472 = vector.broadcast %rev3A_471 : i32 to vector<16xi32>
      %rev3A_473 = tpu.iota {dimensions = array<i32: 0>} : vector<16xi32>
      %rev3A_474 = arith.subi %rev3A_472, %rev3A_473 : vector<16xi32>
      %rev3A_475 = tpu.dynamic_gather %sort3A_469[%rev3A_474] in [0] : vector<16xf32>, vector<16xi32> -> vector<16xf32>
      %rev3A_476 = arith.constant 15 : i32
      %rev3A_477 = vector.broadcast %rev3A_476 : i32 to vector<16xi32>
      %rev3A_478 = tpu.iota {dimensions = array<i32: 0>} : vector<16xi32>
      %rev3A_479 = arith.subi %rev3A_477, %rev3A_478 : vector<16xi32>
      %rev3A_480 = tpu.dynamic_gather %rev3A_475[%rev3A_479] in [0] : vector<16xf32>, vector<16xi32> -> vector<16xf32>
      %rev3A_481 = arith.constant 15 : i32
      %rev3A_482 = vector.broadcast %rev3A_481 : i32 to vector<16xi32>
      %rev3A_483 = tpu.iota {dimensions = array<i32: 0>} : vector<16xi32>
      %rev3A_484 = arith.subi %rev3A_482, %rev3A_483 : vector<16xi32>
      %rev3A_485 = tpu.dynamic_gather %rev3A_465[%rev3A_484] in [0] : vector<16xf32>, vector<16xi32> -> vector<16xf32>
      %max3A_486 = arith.maximumf %rev3A_422, %rev3A_480 : vector<16xf32>
      %max3A_487 = arith.maximumf %rev3A_432, %rev3A_485 : vector<16xf32>
      %min3A_488 = arith.minimumf %rev3A_422, %rev3A_480 : vector<16xf32>
      %min3A_489 = arith.minimumf %rev3A_432, %rev3A_485 : vector<16xf32>
      %max3A_490 = arith.maximumf %max3A_486, %max3A_487 : vector<16xf32>
      %min3A_491 = arith.minimumf %max3A_486, %max3A_487 : vector<16xf32>
      %sort3A_492 = arith.constant dense<true> : vector<16xi1>
      %sort3A_493, %sort3A_494, %sort3A_495 = tpu.sort %max3A_490, %max3A_490 masked %sort3A_492 : (vector<16xf32>, vector<16xf32>, vector<16xi1>) -> (vector<16xi1>, vector<16xf32>, vector<16xf32>)
      %rev3A_496 = arith.constant 15 : i32
      %rev3A_497 = vector.broadcast %rev3A_496 : i32 to vector<16xi32>
      %rev3A_498 = tpu.iota {dimensions = array<i32: 0>} : vector<16xi32>
      %rev3A_499 = arith.subi %rev3A_497, %rev3A_498 : vector<16xi32>
      %rev3A_500 = tpu.dynamic_gather %sort3A_494[%rev3A_499] in [0] : vector<16xf32>, vector<16xi32> -> vector<16xf32>
      %sort3A_501 = arith.constant dense<true> : vector<16xi1>
      %sort3A_502, %sort3A_503, %sort3A_504 = tpu.sort %min3A_491, %min3A_491 masked %sort3A_501 : (vector<16xf32>, vector<16xf32>, vector<16xi1>) -> (vector<16xi1>, vector<16xf32>, vector<16xf32>)
      %rev3A_505 = arith.constant 15 : i32
      %rev3A_506 = vector.broadcast %rev3A_505 : i32 to vector<16xi32>
      %rev3A_507 = tpu.iota {dimensions = array<i32: 0>} : vector<16xi32>
      %rev3A_508 = arith.subi %rev3A_506, %rev3A_507 : vector<16xi32>
      %rev3A_509 = tpu.dynamic_gather %sort3A_503[%rev3A_508] in [0] : vector<16xf32>, vector<16xi32> -> vector<16xf32>
      %max3A_510 = arith.maximumf %min3A_488, %min3A_489 : vector<16xf32>
      %min3A_511 = arith.minimumf %min3A_488, %min3A_489 : vector<16xf32>
      %sort3A_512 = arith.constant dense<true> : vector<16xi1>
      %sort3A_513, %sort3A_514, %sort3A_515 = tpu.sort %max3A_510, %max3A_510 masked %sort3A_512 : (vector<16xf32>, vector<16xf32>, vector<16xi1>) -> (vector<16xi1>, vector<16xf32>, vector<16xf32>)
      %rev3A_516 = arith.constant 15 : i32
      %rev3A_517 = vector.broadcast %rev3A_516 : i32 to vector<16xi32>
      %rev3A_518 = tpu.iota {dimensions = array<i32: 0>} : vector<16xi32>
      %rev3A_519 = arith.subi %rev3A_517, %rev3A_518 : vector<16xi32>
      %rev3A_520 = tpu.dynamic_gather %sort3A_514[%rev3A_519] in [0] : vector<16xf32>, vector<16xi32> -> vector<16xf32>
      %sort3A_521 = arith.constant dense<true> : vector<16xi1>
      %sort3A_522, %sort3A_523, %sort3A_524 = tpu.sort %min3A_511, %min3A_511 masked %sort3A_521 : (vector<16xf32>, vector<16xf32>, vector<16xi1>) -> (vector<16xi1>, vector<16xf32>, vector<16xf32>)
      %rev3A_525 = arith.constant 15 : i32
      %rev3A_526 = vector.broadcast %rev3A_525 : i32 to vector<16xi32>
      %rev3A_527 = tpu.iota {dimensions = array<i32: 0>} : vector<16xi32>
      %rev3A_528 = arith.subi %rev3A_526, %rev3A_527 : vector<16xi32>
      %rev3A_529 = tpu.dynamic_gather %sort3A_523[%rev3A_528] in [0] : vector<16xf32>, vector<16xi32> -> vector<16xf32>
      %rev3A_530 = arith.constant 15 : i32
      %rev3A_531 = vector.broadcast %rev3A_530 : i32 to vector<16xi32>
      %rev3A_532 = tpu.iota {dimensions = array<i32: 0>} : vector<16xi32>
      %rev3A_533 = arith.subi %rev3A_531, %rev3A_532 : vector<16xi32>
      %rev3A_534 = tpu.dynamic_gather %rev3A_529[%rev3A_533] in [0] : vector<16xf32>, vector<16xi32> -> vector<16xf32>
      %rev3A_535 = arith.constant 15 : i32
      %rev3A_536 = vector.broadcast %rev3A_535 : i32 to vector<16xi32>
      %rev3A_537 = tpu.iota {dimensions = array<i32: 0>} : vector<16xi32>
      %rev3A_538 = arith.subi %rev3A_536, %rev3A_537 : vector<16xi32>
      %rev3A_539 = tpu.dynamic_gather %rev3A_520[%rev3A_538] in [0] : vector<16xf32>, vector<16xi32> -> vector<16xf32>
      %rev3A_540 = arith.constant 15 : i32
      %rev3A_541 = vector.broadcast %rev3A_540 : i32 to vector<16xi32>
      %rev3A_542 = tpu.iota {dimensions = array<i32: 0>} : vector<16xi32>
      %rev3A_543 = arith.subi %rev3A_541, %rev3A_542 : vector<16xi32>
      %rev3A_544 = tpu.dynamic_gather %rev3A_509[%rev3A_543] in [0] : vector<16xf32>, vector<16xi32> -> vector<16xf32>
      %rev3A_545 = arith.constant 15 : i32
      %rev3A_546 = vector.broadcast %rev3A_545 : i32 to vector<16xi32>
      %rev3A_547 = tpu.iota {dimensions = array<i32: 0>} : vector<16xi32>
      %rev3A_548 = arith.subi %rev3A_546, %rev3A_547 : vector<16xi32>
      %rev3A_549 = tpu.dynamic_gather %rev3A_500[%rev3A_548] in [0] : vector<16xf32>, vector<16xi32> -> vector<16xf32>
      %max3A_550 = arith.maximumf %rev3A_352, %rev3A_534 : vector<16xf32>
      %max3A_551 = arith.maximumf %rev3A_361, %rev3A_539 : vector<16xf32>
      %max3A_552 = arith.maximumf %rev3A_372, %rev3A_544 : vector<16xf32>
      %max3A_553 = arith.maximumf %rev3A_381, %rev3A_549 : vector<16xf32>
      %max3A_554 = arith.maximumf %max3A_550, %max3A_552 : vector<16xf32>
      %max3A_555 = arith.maximumf %max3A_551, %max3A_553 : vector<16xf32>
      %min3A_556 = arith.minimumf %max3A_550, %max3A_552 : vector<16xf32>
      %min3A_557 = arith.minimumf %max3A_551, %max3A_553 : vector<16xf32>
      %max3A_558 = arith.maximumf %max3A_554, %max3A_555 : vector<16xf32>
      %min3A_559 = arith.minimumf %max3A_554, %max3A_555 : vector<16xf32>
      %sort3A_560 = arith.constant dense<true> : vector<16xi1>
      %sort3A_561, %sort3A_562, %sort3A_563 = tpu.sort %max3A_558, %max3A_558 masked %sort3A_560 : (vector<16xf32>, vector<16xf32>, vector<16xi1>) -> (vector<16xi1>, vector<16xf32>, vector<16xf32>)
      %rev3A_564 = arith.constant 15 : i32
      %rev3A_565 = vector.broadcast %rev3A_564 : i32 to vector<16xi32>
      %rev3A_566 = tpu.iota {dimensions = array<i32: 0>} : vector<16xi32>
      %rev3A_567 = arith.subi %rev3A_565, %rev3A_566 : vector<16xi32>
      %rev3A_568 = tpu.dynamic_gather %sort3A_562[%rev3A_567] in [0] : vector<16xf32>, vector<16xi32> -> vector<16xf32>
      %sort3A_569 = arith.constant dense<true> : vector<16xi1>
      %sort3A_570, %sort3A_571, %sort3A_572 = tpu.sort %min3A_559, %min3A_559 masked %sort3A_569 : (vector<16xf32>, vector<16xf32>, vector<16xi1>) -> (vector<16xi1>, vector<16xf32>, vector<16xf32>)
      %rev3A_573 = arith.constant 15 : i32
      %rev3A_574 = vector.broadcast %rev3A_573 : i32 to vector<16xi32>
      %rev3A_575 = tpu.iota {dimensions = array<i32: 0>} : vector<16xi32>
      %rev3A_576 = arith.subi %rev3A_574, %rev3A_575 : vector<16xi32>
      %rev3A_577 = tpu.dynamic_gather %sort3A_571[%rev3A_576] in [0] : vector<16xf32>, vector<16xi32> -> vector<16xf32>
      %max3A_578 = arith.maximumf %min3A_556, %min3A_557 : vector<16xf32>
      %min3A_579 = arith.minimumf %min3A_556, %min3A_557 : vector<16xf32>
      %sort3A_580 = arith.constant dense<true> : vector<16xi1>
      %sort3A_581, %sort3A_582, %sort3A_583 = tpu.sort %max3A_578, %max3A_578 masked %sort3A_580 : (vector<16xf32>, vector<16xf32>, vector<16xi1>) -> (vector<16xi1>, vector<16xf32>, vector<16xf32>)
      %rev3A_584 = arith.constant 15 : i32
      %rev3A_585 = vector.broadcast %rev3A_584 : i32 to vector<16xi32>
      %rev3A_586 = tpu.iota {dimensions = array<i32: 0>} : vector<16xi32>
      %rev3A_587 = arith.subi %rev3A_585, %rev3A_586 : vector<16xi32>
      %rev3A_588 = tpu.dynamic_gather %sort3A_582[%rev3A_587] in [0] : vector<16xf32>, vector<16xi32> -> vector<16xf32>
      %sort3A_589 = arith.constant dense<true> : vector<16xi1>
      %sort3A_590, %sort3A_591, %sort3A_592 = tpu.sort %min3A_579, %min3A_579 masked %sort3A_589 : (vector<16xf32>, vector<16xf32>, vector<16xi1>) -> (vector<16xi1>, vector<16xf32>, vector<16xf32>)
      %rev3A_593 = arith.constant 15 : i32
      %rev3A_594 = vector.broadcast %rev3A_593 : i32 to vector<16xi32>
      %rev3A_595 = tpu.iota {dimensions = array<i32: 0>} : vector<16xi32>
      %rev3A_596 = arith.subi %rev3A_594, %rev3A_595 : vector<16xi32>
      %rev3A_597 = tpu.dynamic_gather %sort3A_591[%rev3A_596] in [0] : vector<16xf32>, vector<16xi32> -> vector<16xf32>
      %get3A_598 = arith.constant 192 : index
      %get3A_599 = tpu.vector_load %arg15[%get3A_598] {strides = array<i32>} : memref<512xf32, #tpu.memory_space<vmem>>, vector<16xf32>,
      %get3A_600 = arith.constant 208 : index
      %get3A_601 = tpu.vector_load %arg15[%get3A_600] {strides = array<i32>} : memref<512xf32, #tpu.memory_space<vmem>>, vector<16xf32>,
      %get3A_602 = arith.constant 224 : index
      %get3A_603 = tpu.vector_load %arg15[%get3A_602] {strides = array<i32>} : memref<512xf32, #tpu.memory_space<vmem>>, vector<16xf32>,
      %get3A_604 = arith.constant 240 : index
      %get3A_605 = tpu.vector_load %arg15[%get3A_604] {strides = array<i32>} : memref<512xf32, #tpu.memory_space<vmem>>, vector<16xf32>,
      %sort3A_606 = arith.constant dense<true> : vector<16xi1>
      %sort3A_607, %sort3A_608, %sort3A_609 = tpu.sort %get3A_599, %get3A_599 masked %sort3A_606 : (vector<16xf32>, vector<16xf32>, vector<16xi1>) -> (vector<16xi1>, vector<16xf32>, vector<16xf32>)
      %rev3A_610 = arith.constant 15 : i32
      %rev3A_611 = vector.broadcast %rev3A_610 : i32 to vector<16xi32>
      %rev3A_612 = tpu.iota {dimensions = array<i32: 0>} : vector<16xi32>
      %rev3A_613 = arith.subi %rev3A_611, %rev3A_612 : vector<16xi32>
      %rev3A_614 = tpu.dynamic_gather %sort3A_608[%rev3A_613] in [0] : vector<16xf32>, vector<16xi32> -> vector<16xf32>
      %sort3A_615 = arith.constant dense<true> : vector<16xi1>
      %sort3A_616, %sort3A_617, %sort3A_618 = tpu.sort %get3A_601, %get3A_601 masked %sort3A_615 : (vector<16xf32>, vector<16xf32>, vector<16xi1>) -> (vector<16xi1>, vector<16xf32>, vector<16xf32>)
      %rev3A_619 = arith.constant 15 : i32
      %rev3A_620 = vector.broadcast %rev3A_619 : i32 to vector<16xi32>
      %rev3A_621 = tpu.iota {dimensions = array<i32: 0>} : vector<16xi32>
      %rev3A_622 = arith.subi %rev3A_620, %rev3A_621 : vector<16xi32>
      %rev3A_623 = tpu.dynamic_gather %sort3A_617[%rev3A_622] in [0] : vector<16xf32>, vector<16xi32> -> vector<16xf32>
      %rev3A_624 = arith.constant 15 : i32
      %rev3A_625 = vector.broadcast %rev3A_624 : i32 to vector<16xi32>
      %rev3A_626 = tpu.iota {dimensions = array<i32: 0>} : vector<16xi32>
      %rev3A_627 = arith.subi %rev3A_625, %rev3A_626 : vector<16xi32>
      %rev3A_628 = tpu.dynamic_gather %rev3A_623[%rev3A_627] in [0] : vector<16xf32>, vector<16xi32> -> vector<16xf32>
      %max3A_629 = arith.maximumf %rev3A_614, %rev3A_628 : vector<16xf32>
      %sort3A_630 = arith.constant dense<true> : vector<16xi1>
      %sort3A_631, %sort3A_632, %sort3A_633 = tpu.sort %max3A_629, %max3A_629 masked %sort3A_630 : (vector<16xf32>, vector<16xf32>, vector<16xi1>) -> (vector<16xi1>, vector<16xf32>, vector<16xf32>)
      %rev3A_634 = arith.constant 15 : i32
      %rev3A_635 = vector.broadcast %rev3A_634 : i32 to vector<16xi32>
      %rev3A_636 = tpu.iota {dimensions = array<i32: 0>} : vector<16xi32>
      %rev3A_637 = arith.subi %rev3A_635, %rev3A_636 : vector<16xi32>
      %rev3A_638 = tpu.dynamic_gather %sort3A_632[%rev3A_637] in [0] : vector<16xf32>, vector<16xi32> -> vector<16xf32>
      %min3A_639 = arith.minimumf %rev3A_614, %rev3A_628 : vector<16xf32>
      %sort3A_640 = arith.constant dense<true> : vector<16xi1>
      %sort3A_641, %sort3A_642, %sort3A_643 = tpu.sort %min3A_639, %min3A_639 masked %sort3A_640 : (vector<16xf32>, vector<16xf32>, vector<16xi1>) -> (vector<16xi1>, vector<16xf32>, vector<16xf32>)
      %rev3A_644 = arith.constant 15 : i32
      %rev3A_645 = vector.broadcast %rev3A_644 : i32 to vector<16xi32>
      %rev3A_646 = tpu.iota {dimensions = array<i32: 0>} : vector<16xi32>
      %rev3A_647 = arith.subi %rev3A_645, %rev3A_646 : vector<16xi32>
      %rev3A_648 = tpu.dynamic_gather %sort3A_642[%rev3A_647] in [0] : vector<16xf32>, vector<16xi32> -> vector<16xf32>
      %sort3A_649 = arith.constant dense<true> : vector<16xi1>
      %sort3A_650, %sort3A_651, %sort3A_652 = tpu.sort %get3A_603, %get3A_603 masked %sort3A_649 : (vector<16xf32>, vector<16xf32>, vector<16xi1>) -> (vector<16xi1>, vector<16xf32>, vector<16xf32>)
      %rev3A_653 = arith.constant 15 : i32
      %rev3A_654 = vector.broadcast %rev3A_653 : i32 to vector<16xi32>
      %rev3A_655 = tpu.iota {dimensions = array<i32: 0>} : vector<16xi32>
      %rev3A_656 = arith.subi %rev3A_654, %rev3A_655 : vector<16xi32>
      %rev3A_657 = tpu.dynamic_gather %sort3A_651[%rev3A_656] in [0] : vector<16xf32>, vector<16xi32> -> vector<16xf32>
      %sort3A_658 = arith.constant dense<true> : vector<16xi1>
      %sort3A_659, %sort3A_660, %sort3A_661 = tpu.sort %get3A_605, %get3A_605 masked %sort3A_658 : (vector<16xf32>, vector<16xf32>, vector<16xi1>) -> (vector<16xi1>, vector<16xf32>, vector<16xf32>)
      %rev3A_662 = arith.constant 15 : i32
      %rev3A_663 = vector.broadcast %rev3A_662 : i32 to vector<16xi32>
      %rev3A_664 = tpu.iota {dimensions = array<i32: 0>} : vector<16xi32>
      %rev3A_665 = arith.subi %rev3A_663, %rev3A_664 : vector<16xi32>
      %rev3A_666 = tpu.dynamic_gather %sort3A_660[%rev3A_665] in [0] : vector<16xf32>, vector<16xi32> -> vector<16xf32>
      %rev3A_667 = arith.constant 15 : i32
      %rev3A_668 = vector.broadcast %rev3A_667 : i32 to vector<16xi32>
      %rev3A_669 = tpu.iota {dimensions = array<i32: 0>} : vector<16xi32>
      %rev3A_670 = arith.subi %rev3A_668, %rev3A_669 : vector<16xi32>
      %rev3A_671 = tpu.dynamic_gather %rev3A_666[%rev3A_670] in [0] : vector<16xf32>, vector<16xi32> -> vector<16xf32>
      %max3A_672 = arith.maximumf %rev3A_657, %rev3A_671 : vector<16xf32>
      %sort3A_673 = arith.constant dense<true> : vector<16xi1>
      %sort3A_674, %sort3A_675, %sort3A_676 = tpu.sort %max3A_672, %max3A_672 masked %sort3A_673 : (vector<16xf32>, vector<16xf32>, vector<16xi1>) -> (vector<16xi1>, vector<16xf32>, vector<16xf32>)
      %rev3A_677 = arith.constant 15 : i32
      %rev3A_678 = vector.broadcast %rev3A_677 : i32 to vector<16xi32>
      %rev3A_679 = tpu.iota {dimensions = array<i32: 0>} : vector<16xi32>
      %rev3A_680 = arith.subi %rev3A_678, %rev3A_679 : vector<16xi32>
      %rev3A_681 = tpu.dynamic_gather %sort3A_675[%rev3A_680] in [0] : vector<16xf32>, vector<16xi32> -> vector<16xf32>
      %min3A_682 = arith.minimumf %rev3A_657, %rev3A_671 : vector<16xf32>
      %sort3A_683 = arith.constant dense<true> : vector<16xi1>
      %sort3A_684, %sort3A_685, %sort3A_686 = tpu.sort %min3A_682, %min3A_682 masked %sort3A_683 : (vector<16xf32>, vector<16xf32>, vector<16xi1>) -> (vector<16xi1>, vector<16xf32>, vector<16xf32>)
      %rev3A_687 = arith.constant 15 : i32
      %rev3A_688 = vector.broadcast %rev3A_687 : i32 to vector<16xi32>
      %rev3A_689 = tpu.iota {dimensions = array<i32: 0>} : vector<16xi32>
      %rev3A_690 = arith.subi %rev3A_688, %rev3A_689 : vector<16xi32>
      %rev3A_691 = tpu.dynamic_gather %sort3A_685[%rev3A_690] in [0] : vector<16xf32>, vector<16xi32> -> vector<16xf32>
      %rev3A_692 = arith.constant 15 : i32
      %rev3A_693 = vector.broadcast %rev3A_692 : i32 to vector<16xi32>
      %rev3A_694 = tpu.iota {dimensions = array<i32: 0>} : vector<16xi32>
      %rev3A_695 = arith.subi %rev3A_693, %rev3A_694 : vector<16xi32>
      %rev3A_696 = tpu.dynamic_gather %rev3A_691[%rev3A_695] in [0] : vector<16xf32>, vector<16xi32> -> vector<16xf32>
      %rev3A_697 = arith.constant 15 : i32
      %rev3A_698 = vector.broadcast %rev3A_697 : i32 to vector<16xi32>
      %rev3A_699 = tpu.iota {dimensions = array<i32: 0>} : vector<16xi32>
      %rev3A_700 = arith.subi %rev3A_698, %rev3A_699 : vector<16xi32>
      %rev3A_701 = tpu.dynamic_gather %rev3A_681[%rev3A_700] in [0] : vector<16xf32>, vector<16xi32> -> vector<16xf32>
      %max3A_702 = arith.maximumf %rev3A_638, %rev3A_696 : vector<16xf32>
      %max3A_703 = arith.maximumf %rev3A_648, %rev3A_701 : vector<16xf32>
      %min3A_704 = arith.minimumf %rev3A_638, %rev3A_696 : vector<16xf32>
      %min3A_705 = arith.minimumf %rev3A_648, %rev3A_701 : vector<16xf32>
      %max3A_706 = arith.maximumf %max3A_702, %max3A_703 : vector<16xf32>
      %min3A_707 = arith.minimumf %max3A_702, %max3A_703 : vector<16xf32>
      %sort3A_708 = arith.constant dense<true> : vector<16xi1>
      %sort3A_709, %sort3A_710, %sort3A_711 = tpu.sort %max3A_706, %max3A_706 masked %sort3A_708 : (vector<16xf32>, vector<16xf32>, vector<16xi1>) -> (vector<16xi1>, vector<16xf32>, vector<16xf32>)
      %rev3A_712 = arith.constant 15 : i32
      %rev3A_713 = vector.broadcast %rev3A_712 : i32 to vector<16xi32>
      %rev3A_714 = tpu.iota {dimensions = array<i32: 0>} : vector<16xi32>
      %rev3A_715 = arith.subi %rev3A_713, %rev3A_714 : vector<16xi32>
      %rev3A_716 = tpu.dynamic_gather %sort3A_710[%rev3A_715] in [0] : vector<16xf32>, vector<16xi32> -> vector<16xf32>
      %sort3A_717 = arith.constant dense<true> : vector<16xi1>
      %sort3A_718, %sort3A_719, %sort3A_720 = tpu.sort %min3A_707, %min3A_707 masked %sort3A_717 : (vector<16xf32>, vector<16xf32>, vector<16xi1>) -> (vector<16xi1>, vector<16xf32>, vector<16xf32>)
      %rev3A_721 = arith.constant 15 : i32
      %rev3A_722 = vector.broadcast %rev3A_721 : i32 to vector<16xi32>
      %rev3A_723 = tpu.iota {dimensions = array<i32: 0>} : vector<16xi32>
      %rev3A_724 = arith.subi %rev3A_722, %rev3A_723 : vector<16xi32>
      %rev3A_725 = tpu.dynamic_gather %sort3A_719[%rev3A_724] in [0] : vector<16xf32>, vector<16xi32> -> vector<16xf32>
      %max3A_726 = arith.maximumf %min3A_704, %min3A_705 : vector<16xf32>
      %min3A_727 = arith.minimumf %min3A_704, %min3A_705 : vector<16xf32>
      %sort3A_728 = arith.constant dense<true> : vector<16xi1>
      %sort3A_729, %sort3A_730, %sort3A_731 = tpu.sort %max3A_726, %max3A_726 masked %sort3A_728 : (vector<16xf32>, vector<16xf32>, vector<16xi1>) -> (vector<16xi1>, vector<16xf32>, vector<16xf32>)
      %rev3A_732 = arith.constant 15 : i32
      %rev3A_733 = vector.broadcast %rev3A_732 : i32 to vector<16xi32>
      %rev3A_734 = tpu.iota {dimensions = array<i32: 0>} : vector<16xi32>
      %rev3A_735 = arith.subi %rev3A_733, %rev3A_734 : vector<16xi32>
      %rev3A_736 = tpu.dynamic_gather %sort3A_730[%rev3A_735] in [0] : vector<16xf32>, vector<16xi32> -> vector<16xf32>
      %sort3A_737 = arith.constant dense<true> : vector<16xi1>
      %sort3A_738, %sort3A_739, %sort3A_740 = tpu.sort %min3A_727, %min3A_727 masked %sort3A_737 : (vector<16xf32>, vector<16xf32>, vector<16xi1>) -> (vector<16xi1>, vector<16xf32>, vector<16xf32>)
      %rev3A_741 = arith.constant 15 : i32
      %rev3A_742 = vector.broadcast %rev3A_741 : i32 to vector<16xi32>
      %rev3A_743 = tpu.iota {dimensions = array<i32: 0>} : vector<16xi32>
      %rev3A_744 = arith.subi %rev3A_742, %rev3A_743 : vector<16xi32>
      %rev3A_745 = tpu.dynamic_gather %sort3A_739[%rev3A_744] in [0] : vector<16xf32>, vector<16xi32> -> vector<16xf32>
      %rev3A_746 = arith.constant 15 : i32
      %rev3A_747 = vector.broadcast %rev3A_746 : i32 to vector<16xi32>
      %rev3A_748 = tpu.iota {dimensions = array<i32: 0>} : vector<16xi32>
      %rev3A_749 = arith.subi %rev3A_747, %rev3A_748 : vector<16xi32>
      %rev3A_750 = tpu.dynamic_gather %rev3A_745[%rev3A_749] in [0] : vector<16xf32>, vector<16xi32> -> vector<16xf32>
      %rev3A_751 = arith.constant 15 : i32
      %rev3A_752 = vector.broadcast %rev3A_751 : i32 to vector<16xi32>
      %rev3A_753 = tpu.iota {dimensions = array<i32: 0>} : vector<16xi32>
      %rev3A_754 = arith.subi %rev3A_752, %rev3A_753 : vector<16xi32>
      %rev3A_755 = tpu.dynamic_gather %rev3A_736[%rev3A_754] in [0] : vector<16xf32>, vector<16xi32> -> vector<16xf32>
      %rev3A_756 = arith.constant 15 : i32
      %rev3A_757 = vector.broadcast %rev3A_756 : i32 to vector<16xi32>
      %rev3A_758 = tpu.iota {dimensions = array<i32: 0>} : vector<16xi32>
      %rev3A_759 = arith.subi %rev3A_757, %rev3A_758 : vector<16xi32>
      %rev3A_760 = tpu.dynamic_gather %rev3A_725[%rev3A_759] in [0] : vector<16xf32>, vector<16xi32> -> vector<16xf32>
      %rev3A_761 = arith.constant 15 : i32
      %rev3A_762 = vector.broadcast %rev3A_761 : i32 to vector<16xi32>
      %rev3A_763 = tpu.iota {dimensions = array<i32: 0>} : vector<16xi32>
      %rev3A_764 = arith.subi %rev3A_762, %rev3A_763 : vector<16xi32>
      %rev3A_765 = tpu.dynamic_gather %rev3A_716[%rev3A_764] in [0] : vector<16xf32>, vector<16xi32> -> vector<16xf32>
      %max3A_766 = arith.maximumf %rev3A_568, %rev3A_750 : vector<16xf32>
      %max3A_767 = arith.maximumf %rev3A_577, %rev3A_755 : vector<16xf32>
      %max3A_768 = arith.maximumf %rev3A_588, %rev3A_760 : vector<16xf32>
      %max3A_769 = arith.maximumf %rev3A_597, %rev3A_765 : vector<16xf32>
      %max3A_770 = arith.maximumf %max3A_766, %max3A_768 : vector<16xf32>
      %max3A_771 = arith.maximumf %max3A_767, %max3A_769 : vector<16xf32>
      %min3A_772 = arith.minimumf %max3A_766, %max3A_768 : vector<16xf32>
      %min3A_773 = arith.minimumf %max3A_767, %max3A_769 : vector<16xf32>
      %max3A_774 = arith.maximumf %max3A_770, %max3A_771 : vector<16xf32>
      %min3A_775 = arith.minimumf %max3A_770, %max3A_771 : vector<16xf32>
      %sort3A_776 = arith.constant dense<true> : vector<16xi1>
      %sort3A_777, %sort3A_778, %sort3A_779 = tpu.sort %max3A_774, %max3A_774 masked %sort3A_776 : (vector<16xf32>, vector<16xf32>, vector<16xi1>) -> (vector<16xi1>, vector<16xf32>, vector<16xf32>)
      %rev3A_780 = arith.constant 15 : i32
      %rev3A_781 = vector.broadcast %rev3A_780 : i32 to vector<16xi32>
      %rev3A_782 = tpu.iota {dimensions = array<i32: 0>} : vector<16xi32>
      %rev3A_783 = arith.subi %rev3A_781, %rev3A_782 : vector<16xi32>
      %rev3A_784 = tpu.dynamic_gather %sort3A_778[%rev3A_783] in [0] : vector<16xf32>, vector<16xi32> -> vector<16xf32>
      %sort3A_785 = arith.constant dense<true> : vector<16xi1>
      %sort3A_786, %sort3A_787, %sort3A_788 = tpu.sort %min3A_775, %min3A_775 masked %sort3A_785 : (vector<16xf32>, vector<16xf32>, vector<16xi1>) -> (vector<16xi1>, vector<16xf32>, vector<16xf32>)
      %rev3A_789 = arith.constant 15 : i32
      %rev3A_790 = vector.broadcast %rev3A_789 : i32 to vector<16xi32>
      %rev3A_791 = tpu.iota {dimensions = array<i32: 0>} : vector<16xi32>
      %rev3A_792 = arith.subi %rev3A_790, %rev3A_791 : vector<16xi32>
      %rev3A_793 = tpu.dynamic_gather %sort3A_787[%rev3A_792] in [0] : vector<16xf32>, vector<16xi32> -> vector<16xf32>
      %max3A_794 = arith.maximumf %min3A_772, %min3A_773 : vector<16xf32>
      %min3A_795 = arith.minimumf %min3A_772, %min3A_773 : vector<16xf32>
      %sort3A_796 = arith.constant dense<true> : vector<16xi1>
      %sort3A_797, %sort3A_798, %sort3A_799 = tpu.sort %max3A_794, %max3A_794 masked %sort3A_796 : (vector<16xf32>, vector<16xf32>, vector<16xi1>) -> (vector<16xi1>, vector<16xf32>, vector<16xf32>)
      %rev3A_800 = arith.constant 15 : i32
      %rev3A_801 = vector.broadcast %rev3A_800 : i32 to vector<16xi32>
      %rev3A_802 = tpu.iota {dimensions = array<i32: 0>} : vector<16xi32>
      %rev3A_803 = arith.subi %rev3A_801, %rev3A_802 : vector<16xi32>
      %rev3A_804 = tpu.dynamic_gather %sort3A_798[%rev3A_803] in [0] : vector<16xf32>, vector<16xi32> -> vector<16xf32>
      %sort3A_805 = arith.constant dense<true> : vector<16xi1>
      %sort3A_806, %sort3A_807, %sort3A_808 = tpu.sort %min3A_795, %min3A_795 masked %sort3A_805 : (vector<16xf32>, vector<16xf32>, vector<16xi1>) -> (vector<16xi1>, vector<16xf32>, vector<16xf32>)
      %rev3A_809 = arith.constant 15 : i32
      %rev3A_810 = vector.broadcast %rev3A_809 : i32 to vector<16xi32>
      %rev3A_811 = tpu.iota {dimensions = array<i32: 0>} : vector<16xi32>
      %rev3A_812 = arith.subi %rev3A_810, %rev3A_811 : vector<16xi32>
      %rev3A_813 = tpu.dynamic_gather %sort3A_807[%rev3A_812] in [0] : vector<16xf32>, vector<16xi32> -> vector<16xf32>
      %get3A_814 = arith.constant 256 : index
      %get3A_815 = tpu.vector_load %arg15[%get3A_814] {strides = array<i32>} : memref<512xf32, #tpu.memory_space<vmem>>, vector<16xf32>,
      %get3A_816 = arith.constant 272 : index
      %get3A_817 = tpu.vector_load %arg15[%get3A_816] {strides = array<i32>} : memref<512xf32, #tpu.memory_space<vmem>>, vector<16xf32>,
      %get3A_818 = arith.constant 288 : index
      %get3A_819 = tpu.vector_load %arg15[%get3A_818] {strides = array<i32>} : memref<512xf32, #tpu.memory_space<vmem>>, vector<16xf32>,
      %get3A_820 = arith.constant 304 : index
      %get3A_821 = tpu.vector_load %arg15[%get3A_820] {strides = array<i32>} : memref<512xf32, #tpu.memory_space<vmem>>, vector<16xf32>,
      %sort3A_822 = arith.constant dense<true> : vector<16xi1>
      %sort3A_823, %sort3A_824, %sort3A_825 = tpu.sort %get3A_815, %get3A_815 masked %sort3A_822 : (vector<16xf32>, vector<16xf32>, vector<16xi1>) -> (vector<16xi1>, vector<16xf32>, vector<16xf32>)
      %rev3A_826 = arith.constant 15 : i32
      %rev3A_827 = vector.broadcast %rev3A_826 : i32 to vector<16xi32>
      %rev3A_828 = tpu.iota {dimensions = array<i32: 0>} : vector<16xi32>
      %rev3A_829 = arith.subi %rev3A_827, %rev3A_828 : vector<16xi32>
      %rev3A_830 = tpu.dynamic_gather %sort3A_824[%rev3A_829] in [0] : vector<16xf32>, vector<16xi32> -> vector<16xf32>
      %sort3A_831 = arith.constant dense<true> : vector<16xi1>
      %sort3A_832, %sort3A_833, %sort3A_834 = tpu.sort %get3A_817, %get3A_817 masked %sort3A_831 : (vector<16xf32>, vector<16xf32>, vector<16xi1>) -> (vector<16xi1>, vector<16xf32>, vector<16xf32>)
      %rev3A_835 = arith.constant 15 : i32
      %rev3A_836 = vector.broadcast %rev3A_835 : i32 to vector<16xi32>
      %rev3A_837 = tpu.iota {dimensions = array<i32: 0>} : vector<16xi32>
      %rev3A_838 = arith.subi %rev3A_836, %rev3A_837 : vector<16xi32>
      %rev3A_839 = tpu.dynamic_gather %sort3A_833[%rev3A_838] in [0] : vector<16xf32>, vector<16xi32> -> vector<16xf32>
      %rev3A_840 = arith.constant 15 : i32
      %rev3A_841 = vector.broadcast %rev3A_840 : i32 to vector<16xi32>
      %rev3A_842 = tpu.iota {dimensions = array<i32: 0>} : vector<16xi32>
      %rev3A_843 = arith.subi %rev3A_841, %rev3A_842 : vector<16xi32>
      %rev3A_844 = tpu.dynamic_gather %rev3A_839[%rev3A_843] in [0] : vector<16xf32>, vector<16xi32> -> vector<16xf32>
      %max3A_845 = arith.maximumf %rev3A_830, %rev3A_844 : vector<16xf32>
      %sort3A_846 = arith.constant dense<true> : vector<16xi1>
      %sort3A_847, %sort3A_848, %sort3A_849 = tpu.sort %max3A_845, %max3A_845 masked %sort3A_846 : (vector<16xf32>, vector<16xf32>, vector<16xi1>) -> (vector<16xi1>, vector<16xf32>, vector<16xf32>)
      %rev3A_850 = arith.constant 15 : i32
      %rev3A_851 = vector.broadcast %rev3A_850 : i32 to vector<16xi32>
      %rev3A_852 = tpu.iota {dimensions = array<i32: 0>} : vector<16xi32>
      %rev3A_853 = arith.subi %rev3A_851, %rev3A_852 : vector<16xi32>
      %rev3A_854 = tpu.dynamic_gather %sort3A_848[%rev3A_853] in [0] : vector<16xf32>, vector<16xi32> -> vector<16xf32>
      %min3A_855 = arith.minimumf %rev3A_830, %rev3A_844 : vector<16xf32>
      %sort3A_856 = arith.constant dense<true> : vector<16xi1>
      %sort3A_857, %sort3A_858, %sort3A_859 = tpu.sort %min3A_855, %min3A_855 masked %sort3A_856 : (vector<16xf32>, vector<16xf32>, vector<16xi1>) -> (vector<16xi1>, vector<16xf32>, vector<16xf32>)
      %rev3A_860 = arith.constant 15 : i32
      %rev3A_861 = vector.broadcast %rev3A_860 : i32 to vector<16xi32>
      %rev3A_862 = tpu.iota {dimensions = array<i32: 0>} : vector<16xi32>
      %rev3A_863 = arith.subi %rev3A_861, %rev3A_862 : vector<16xi32>
      %rev3A_864 = tpu.dynamic_gather %sort3A_858[%rev3A_863] in [0] : vector<16xf32>, vector<16xi32> -> vector<16xf32>
      %sort3A_865 = arith.constant dense<true> : vector<16xi1>
      %sort3A_866, %sort3A_867, %sort3A_868 = tpu.sort %get3A_819, %get3A_819 masked %sort3A_865 : (vector<16xf32>, vector<16xf32>, vector<16xi1>) -> (vector<16xi1>, vector<16xf32>, vector<16xf32>)
      %rev3A_869 = arith.constant 15 : i32
      %rev3A_870 = vector.broadcast %rev3A_869 : i32 to vector<16xi32>
      %rev3A_871 = tpu.iota {dimensions = array<i32: 0>} : vector<16xi32>
      %rev3A_872 = arith.subi %rev3A_870, %rev3A_871 : vector<16xi32>
      %rev3A_873 = tpu.dynamic_gather %sort3A_867[%rev3A_872] in [0] : vector<16xf32>, vector<16xi32> -> vector<16xf32>
      %sort3A_874 = arith.constant dense<true> : vector<16xi1>
      %sort3A_875, %sort3A_876, %sort3A_877 = tpu.sort %get3A_821, %get3A_821 masked %sort3A_874 : (vector<16xf32>, vector<16xf32>, vector<16xi1>) -> (vector<16xi1>, vector<16xf32>, vector<16xf32>)
      %rev3A_878 = arith.constant 15 : i32
      %rev3A_879 = vector.broadcast %rev3A_878 : i32 to vector<16xi32>
      %rev3A_880 = tpu.iota {dimensions = array<i32: 0>} : vector<16xi32>
      %rev3A_881 = arith.subi %rev3A_879, %rev3A_880 : vector<16xi32>
      %rev3A_882 = tpu.dynamic_gather %sort3A_876[%rev3A_881] in [0] : vector<16xf32>, vector<16xi32> -> vector<16xf32>
      %rev3A_883 = arith.constant 15 : i32
      %rev3A_884 = vector.broadcast %rev3A_883 : i32 to vector<16xi32>
      %rev3A_885 = tpu.iota {dimensions = array<i32: 0>} : vector<16xi32>
      %rev3A_886 = arith.subi %rev3A_884, %rev3A_885 : vector<16xi32>
      %rev3A_887 = tpu.dynamic_gather %rev3A_882[%rev3A_886] in [0] : vector<16xf32>, vector<16xi32> -> vector<16xf32>
      %max3A_888 = arith.maximumf %rev3A_873, %rev3A_887 : vector<16xf32>
      %sort3A_889 = arith.constant dense<true> : vector<16xi1>
      %sort3A_890, %sort3A_891, %sort3A_892 = tpu.sort %max3A_888, %max3A_888 masked %sort3A_889 : (vector<16xf32>, vector<16xf32>, vector<16xi1>) -> (vector<16xi1>, vector<16xf32>, vector<16xf32>)
      %rev3A_893 = arith.constant 15 : i32
      %rev3A_894 = vector.broadcast %rev3A_893 : i32 to vector<16xi32>
      %rev3A_895 = tpu.iota {dimensions = array<i32: 0>} : vector<16xi32>
      %rev3A_896 = arith.subi %rev3A_894, %rev3A_895 : vector<16xi32>
      %rev3A_897 = tpu.dynamic_gather %sort3A_891[%rev3A_896] in [0] : vector<16xf32>, vector<16xi32> -> vector<16xf32>
      %min3A_898 = arith.minimumf %rev3A_873, %rev3A_887 : vector<16xf32>
      %sort3A_899 = arith.constant dense<true> : vector<16xi1>
      %sort3A_900, %sort3A_901, %sort3A_902 = tpu.sort %min3A_898, %min3A_898 masked %sort3A_899 : (vector<16xf32>, vector<16xf32>, vector<16xi1>) -> (vector<16xi1>, vector<16xf32>, vector<16xf32>)
      %rev3A_903 = arith.constant 15 : i32
      %rev3A_904 = vector.broadcast %rev3A_903 : i32 to vector<16xi32>
      %rev3A_905 = tpu.iota {dimensions = array<i32: 0>} : vector<16xi32>
      %rev3A_906 = arith.subi %rev3A_904, %rev3A_905 : vector<16xi32>
      %rev3A_907 = tpu.dynamic_gather %sort3A_901[%rev3A_906] in [0] : vector<16xf32>, vector<16xi32> -> vector<16xf32>
      %rev3A_908 = arith.constant 15 : i32
      %rev3A_909 = vector.broadcast %rev3A_908 : i32 to vector<16xi32>
      %rev3A_910 = tpu.iota {dimensions = array<i32: 0>} : vector<16xi32>
      %rev3A_911 = arith.subi %rev3A_909, %rev3A_910 : vector<16xi32>
      %rev3A_912 = tpu.dynamic_gather %rev3A_907[%rev3A_911] in [0] : vector<16xf32>, vector<16xi32> -> vector<16xf32>
      %rev3A_913 = arith.constant 15 : i32
      %rev3A_914 = vector.broadcast %rev3A_913 : i32 to vector<16xi32>
      %rev3A_915 = tpu.iota {dimensions = array<i32: 0>} : vector<16xi32>
      %rev3A_916 = arith.subi %rev3A_914, %rev3A_915 : vector<16xi32>
      %rev3A_917 = tpu.dynamic_gather %rev3A_897[%rev3A_916] in [0] : vector<16xf32>, vector<16xi32> -> vector<16xf32>
      %max3A_918 = arith.maximumf %rev3A_854, %rev3A_912 : vector<16xf32>
      %max3A_919 = arith.maximumf %rev3A_864, %rev3A_917 : vector<16xf32>
      %min3A_920 = arith.minimumf %rev3A_854, %rev3A_912 : vector<16xf32>
      %min3A_921 = arith.minimumf %rev3A_864, %rev3A_917 : vector<16xf32>
      %max3A_922 = arith.maximumf %max3A_918, %max3A_919 : vector<16xf32>
      %min3A_923 = arith.minimumf %max3A_918, %max3A_919 : vector<16xf32>
      %sort3A_924 = arith.constant dense<true> : vector<16xi1>
      %sort3A_925, %sort3A_926, %sort3A_927 = tpu.sort %max3A_922, %max3A_922 masked %sort3A_924 : (vector<16xf32>, vector<16xf32>, vector<16xi1>) -> (vector<16xi1>, vector<16xf32>, vector<16xf32>)
      %rev3A_928 = arith.constant 15 : i32
      %rev3A_929 = vector.broadcast %rev3A_928 : i32 to vector<16xi32>
      %rev3A_930 = tpu.iota {dimensions = array<i32: 0>} : vector<16xi32>
      %rev3A_931 = arith.subi %rev3A_929, %rev3A_930 : vector<16xi32>
      %rev3A_932 = tpu.dynamic_gather %sort3A_926[%rev3A_931] in [0] : vector<16xf32>, vector<16xi32> -> vector<16xf32>
      %sort3A_933 = arith.constant dense<true> : vector<16xi1>
      %sort3A_934, %sort3A_935, %sort3A_936 = tpu.sort %min3A_923, %min3A_923 masked %sort3A_933 : (vector<16xf32>, vector<16xf32>, vector<16xi1>) -> (vector<16xi1>, vector<16xf32>, vector<16xf32>)
      %rev3A_937 = arith.constant 15 : i32
      %rev3A_938 = vector.broadcast %rev3A_937 : i32 to vector<16xi32>
      %rev3A_939 = tpu.iota {dimensions = array<i32: 0>} : vector<16xi32>
      %rev3A_940 = arith.subi %rev3A_938, %rev3A_939 : vector<16xi32>
      %rev3A_941 = tpu.dynamic_gather %sort3A_935[%rev3A_940] in [0] : vector<16xf32>, vector<16xi32> -> vector<16xf32>
      %max3A_942 = arith.maximumf %min3A_920, %min3A_921 : vector<16xf32>
      %min3A_943 = arith.minimumf %min3A_920, %min3A_921 : vector<16xf32>
      %sort3A_944 = arith.constant dense<true> : vector<16xi1>
      %sort3A_945, %sort3A_946, %sort3A_947 = tpu.sort %max3A_942, %max3A_942 masked %sort3A_944 : (vector<16xf32>, vector<16xf32>, vector<16xi1>) -> (vector<16xi1>, vector<16xf32>, vector<16xf32>)
      %rev3A_948 = arith.constant 15 : i32
      %rev3A_949 = vector.broadcast %rev3A_948 : i32 to vector<16xi32>
      %rev3A_950 = tpu.iota {dimensions = array<i32: 0>} : vector<16xi32>
      %rev3A_951 = arith.subi %rev3A_949, %rev3A_950 : vector<16xi32>
      %rev3A_952 = tpu.dynamic_gather %sort3A_946[%rev3A_951] in [0] : vector<16xf32>, vector<16xi32> -> vector<16xf32>
      %sort3A_953 = arith.constant dense<true> : vector<16xi1>
      %sort3A_954, %sort3A_955, %sort3A_956 = tpu.sort %min3A_943, %min3A_943 masked %sort3A_953 : (vector<16xf32>, vector<16xf32>, vector<16xi1>) -> (vector<16xi1>, vector<16xf32>, vector<16xf32>)
      %rev3A_957 = arith.constant 15 : i32
      %rev3A_958 = vector.broadcast %rev3A_957 : i32 to vector<16xi32>
      %rev3A_959 = tpu.iota {dimensions = array<i32: 0>} : vector<16xi32>
      %rev3A_960 = arith.subi %rev3A_958, %rev3A_959 : vector<16xi32>
      %rev3A_961 = tpu.dynamic_gather %sort3A_955[%rev3A_960] in [0] : vector<16xf32>, vector<16xi32> -> vector<16xf32>
      %rev3A_962 = arith.constant 15 : i32
      %rev3A_963 = vector.broadcast %rev3A_962 : i32 to vector<16xi32>
      %rev3A_964 = tpu.iota {dimensions = array<i32: 0>} : vector<16xi32>
      %rev3A_965 = arith.subi %rev3A_963, %rev3A_964 : vector<16xi32>
      %rev3A_966 = tpu.dynamic_gather %rev3A_961[%rev3A_965] in [0] : vector<16xf32>, vector<16xi32> -> vector<16xf32>
      %rev3A_967 = arith.constant 15 : i32
      %rev3A_968 = vector.broadcast %rev3A_967 : i32 to vector<16xi32>
      %rev3A_969 = tpu.iota {dimensions = array<i32: 0>} : vector<16xi32>
      %rev3A_970 = arith.subi %rev3A_968, %rev3A_969 : vector<16xi32>
      %rev3A_971 = tpu.dynamic_gather %rev3A_952[%rev3A_970] in [0] : vector<16xf32>, vector<16xi32> -> vector<16xf32>
      %rev3A_972 = arith.constant 15 : i32
      %rev3A_973 = vector.broadcast %rev3A_972 : i32 to vector<16xi32>
      %rev3A_974 = tpu.iota {dimensions = array<i32: 0>} : vector<16xi32>
      %rev3A_975 = arith.subi %rev3A_973, %rev3A_974 : vector<16xi32>
      %rev3A_976 = tpu.dynamic_gather %rev3A_941[%rev3A_975] in [0] : vector<16xf32>, vector<16xi32> -> vector<16xf32>
      %rev3A_977 = arith.constant 15 : i32
      %rev3A_978 = vector.broadcast %rev3A_977 : i32 to vector<16xi32>
      %rev3A_979 = tpu.iota {dimensions = array<i32: 0>} : vector<16xi32>
      %rev3A_980 = arith.subi %rev3A_978, %rev3A_979 : vector<16xi32>
      %rev3A_981 = tpu.dynamic_gather %rev3A_932[%rev3A_980] in [0] : vector<16xf32>, vector<16xi32> -> vector<16xf32>
      %max3A_982 = arith.maximumf %rev3A_784, %rev3A_966 : vector<16xf32>
      %max3A_983 = arith.maximumf %rev3A_793, %rev3A_971 : vector<16xf32>
      %max3A_984 = arith.maximumf %rev3A_804, %rev3A_976 : vector<16xf32>
      %max3A_985 = arith.maximumf %rev3A_813, %rev3A_981 : vector<16xf32>
      %max3A_986 = arith.maximumf %max3A_982, %max3A_984 : vector<16xf32>
      %max3A_987 = arith.maximumf %max3A_983, %max3A_985 : vector<16xf32>
      %min3A_988 = arith.minimumf %max3A_982, %max3A_984 : vector<16xf32>
      %min3A_989 = arith.minimumf %max3A_983, %max3A_985 : vector<16xf32>
      %max3A_990 = arith.maximumf %max3A_986, %max3A_987 : vector<16xf32>
      %min3A_991 = arith.minimumf %max3A_986, %max3A_987 : vector<16xf32>
      %sort3A_992 = arith.constant dense<true> : vector<16xi1>
      %sort3A_993, %sort3A_994, %sort3A_995 = tpu.sort %max3A_990, %max3A_990 masked %sort3A_992 : (vector<16xf32>, vector<16xf32>, vector<16xi1>) -> (vector<16xi1>, vector<16xf32>, vector<16xf32>)
      %rev3A_996 = arith.constant 15 : i32
      %rev3A_997 = vector.broadcast %rev3A_996 : i32 to vector<16xi32>
      %rev3A_998 = tpu.iota {dimensions = array<i32: 0>} : vector<16xi32>
      %rev3A_999 = arith.subi %rev3A_997, %rev3A_998 : vector<16xi32>
      %rev3A_1000 = tpu.dynamic_gather %sort3A_994[%rev3A_999] in [0] : vector<16xf32>, vector<16xi32> -> vector<16xf32>
      %sort3A_1001 = arith.constant dense<true> : vector<16xi1>
      %sort3A_1002, %sort3A_1003, %sort3A_1004 = tpu.sort %min3A_991, %min3A_991 masked %sort3A_1001 : (vector<16xf32>, vector<16xf32>, vector<16xi1>) -> (vector<16xi1>, vector<16xf32>, vector<16xf32>)
      %rev3A_1005 = arith.constant 15 : i32
      %rev3A_1006 = vector.broadcast %rev3A_1005 : i32 to vector<16xi32>
      %rev3A_1007 = tpu.iota {dimensions = array<i32: 0>} : vector<16xi32>
      %rev3A_1008 = arith.subi %rev3A_1006, %rev3A_1007 : vector<16xi32>
      %rev3A_1009 = tpu.dynamic_gather %sort3A_1003[%rev3A_1008] in [0] : vector<16xf32>, vector<16xi32> -> vector<16xf32>
      %max3A_1010 = arith.maximumf %min3A_988, %min3A_989 : vector<16xf32>
      %min3A_1011 = arith.minimumf %min3A_988, %min3A_989 : vector<16xf32>
      %sort3A_1012 = arith.constant dense<true> : vector<16xi1>
      %sort3A_1013, %sort3A_1014, %sort3A_1015 = tpu.sort %max3A_1010, %max3A_1010 masked %sort3A_1012 : (vector<16xf32>, vector<16xf32>, vector<16xi1>) -> (vector<16xi1>, vector<16xf32>, vector<16xf32>)
      %rev3A_1016 = arith.constant 15 : i32
      %rev3A_1017 = vector.broadcast %rev3A_1016 : i32 to vector<16xi32>
      %rev3A_1018 = tpu.iota {dimensions = array<i32: 0>} : vector<16xi32>
      %rev3A_1019 = arith.subi %rev3A_1017, %rev3A_1018 : vector<16xi32>
      %rev3A_1020 = tpu.dynamic_gather %sort3A_1014[%rev3A_1019] in [0] : vector<16xf32>, vector<16xi32> -> vector<16xf32>
      %sort3A_1021 = arith.constant dense<true> : vector<16xi1>
      %sort3A_1022, %sort3A_1023, %sort3A_1024 = tpu.sort %min3A_1011, %min3A_1011 masked %sort3A_1021 : (vector<16xf32>, vector<16xf32>, vector<16xi1>) -> (vector<16xi1>, vector<16xf32>, vector<16xf32>)
      %rev3A_1025 = arith.constant 15 : i32
      %rev3A_1026 = vector.broadcast %rev3A_1025 : i32 to vector<16xi32>
      %rev3A_1027 = tpu.iota {dimensions = array<i32: 0>} : vector<16xi32>
      %rev3A_1028 = arith.subi %rev3A_1026, %rev3A_1027 : vector<16xi32>
      %rev3A_1029 = tpu.dynamic_gather %sort3A_1023[%rev3A_1028] in [0] : vector<16xf32>, vector<16xi32> -> vector<16xf32>
      %get3A_1030 = arith.constant 320 : index
      %get3A_1031 = tpu.vector_load %arg15[%get3A_1030] {strides = array<i32>} : memref<512xf32, #tpu.memory_space<vmem>>, vector<16xf32>,
      %get3A_1032 = arith.constant 336 : index
      %get3A_1033 = tpu.vector_load %arg15[%get3A_1032] {strides = array<i32>} : memref<512xf32, #tpu.memory_space<vmem>>, vector<16xf32>,
      %get3A_1034 = arith.constant 352 : index
      %get3A_1035 = tpu.vector_load %arg15[%get3A_1034] {strides = array<i32>} : memref<512xf32, #tpu.memory_space<vmem>>, vector<16xf32>,
      %get3A_1036 = arith.constant 368 : index
      %get3A_1037 = tpu.vector_load %arg15[%get3A_1036] {strides = array<i32>} : memref<512xf32, #tpu.memory_space<vmem>>, vector<16xf32>,
      %sort3A_1038 = arith.constant dense<true> : vector<16xi1>
      %sort3A_1039, %sort3A_1040, %sort3A_1041 = tpu.sort %get3A_1031, %get3A_1031 masked %sort3A_1038 : (vector<16xf32>, vector<16xf32>, vector<16xi1>) -> (vector<16xi1>, vector<16xf32>, vector<16xf32>)
      %rev3A_1042 = arith.constant 15 : i32
      %rev3A_1043 = vector.broadcast %rev3A_1042 : i32 to vector<16xi32>
      %rev3A_1044 = tpu.iota {dimensions = array<i32: 0>} : vector<16xi32>
      %rev3A_1045 = arith.subi %rev3A_1043, %rev3A_1044 : vector<16xi32>
      %rev3A_1046 = tpu.dynamic_gather %sort3A_1040[%rev3A_1045] in [0] : vector<16xf32>, vector<16xi32> -> vector<16xf32>
      %sort3A_1047 = arith.constant dense<true> : vector<16xi1>
      %sort3A_1048, %sort3A_1049, %sort3A_1050 = tpu.sort %get3A_1033, %get3A_1033 masked %sort3A_1047 : (vector<16xf32>, vector<16xf32>, vector<16xi1>) -> (vector<16xi1>, vector<16xf32>, vector<16xf32>)
      %rev3A_1051 = arith.constant 15 : i32
      %rev3A_1052 = vector.broadcast %rev3A_1051 : i32 to vector<16xi32>
      %rev3A_1053 = tpu.iota {dimensions = array<i32: 0>} : vector<16xi32>
      %rev3A_1054 = arith.subi %rev3A_1052, %rev3A_1053 : vector<16xi32>
      %rev3A_1055 = tpu.dynamic_gather %sort3A_1049[%rev3A_1054] in [0] : vector<16xf32>, vector<16xi32> -> vector<16xf32>
      %rev3A_1056 = arith.constant 15 : i32
      %rev3A_1057 = vector.broadcast %rev3A_1056 : i32 to vector<16xi32>
      %rev3A_1058 = tpu.iota {dimensions = array<i32: 0>} : vector<16xi32>
      %rev3A_1059 = arith.subi %rev3A_1057, %rev3A_1058 : vector<16xi32>
      %rev3A_1060 = tpu.dynamic_gather %rev3A_1055[%rev3A_1059] in [0] : vector<16xf32>, vector<16xi32> -> vector<16xf32>
      %max3A_1061 = arith.maximumf %rev3A_1046, %rev3A_1060 : vector<16xf32>
      %sort3A_1062 = arith.constant dense<true> : vector<16xi1>
      %sort3A_1063, %sort3A_1064, %sort3A_1065 = tpu.sort %max3A_1061, %max3A_1061 masked %sort3A_1062 : (vector<16xf32>, vector<16xf32>, vector<16xi1>) -> (vector<16xi1>, vector<16xf32>, vector<16xf32>)
      %rev3A_1066 = arith.constant 15 : i32
      %rev3A_1067 = vector.broadcast %rev3A_1066 : i32 to vector<16xi32>
      %rev3A_1068 = tpu.iota {dimensions = array<i32: 0>} : vector<16xi32>
      %rev3A_1069 = arith.subi %rev3A_1067, %rev3A_1068 : vector<16xi32>
      %rev3A_1070 = tpu.dynamic_gather %sort3A_1064[%rev3A_1069] in [0] : vector<16xf32>, vector<16xi32> -> vector<16xf32>
      %min3A_1071 = arith.minimumf %rev3A_1046, %rev3A_1060 : vector<16xf32>
      %sort3A_1072 = arith.constant dense<true> : vector<16xi1>
      %sort3A_1073, %sort3A_1074, %sort3A_1075 = tpu.sort %min3A_1071, %min3A_1071 masked %sort3A_1072 : (vector<16xf32>, vector<16xf32>, vector<16xi1>) -> (vector<16xi1>, vector<16xf32>, vector<16xf32>)
      %rev3A_1076 = arith.constant 15 : i32
      %rev3A_1077 = vector.broadcast %rev3A_1076 : i32 to vector<16xi32>
      %rev3A_1078 = tpu.iota {dimensions = array<i32: 0>} : vector<16xi32>
      %rev3A_1079 = arith.subi %rev3A_1077, %rev3A_1078 : vector<16xi32>
      %rev3A_1080 = tpu.dynamic_gather %sort3A_1074[%rev3A_1079] in [0] : vector<16xf32>, vector<16xi32> -> vector<16xf32>
      %sort3A_1081 = arith.constant dense<true> : vector<16xi1>
      %sort3A_1082, %sort3A_1083, %sort3A_1084 = tpu.sort %get3A_1035, %get3A_1035 masked %sort3A_1081 : (vector<16xf32>, vector<16xf32>, vector<16xi1>) -> (vector<16xi1>, vector<16xf32>, vector<16xf32>)
      %rev3A_1085 = arith.constant 15 : i32
      %rev3A_1086 = vector.broadcast %rev3A_1085 : i32 to vector<16xi32>
      %rev3A_1087 = tpu.iota {dimensions = array<i32: 0>} : vector<16xi32>
      %rev3A_1088 = arith.subi %rev3A_1086, %rev3A_1087 : vector<16xi32>
      %rev3A_1089 = tpu.dynamic_gather %sort3A_1083[%rev3A_1088] in [0] : vector<16xf32>, vector<16xi32> -> vector<16xf32>
      %sort3A_1090 = arith.constant dense<true> : vector<16xi1>
      %sort3A_1091, %sort3A_1092, %sort3A_1093 = tpu.sort %get3A_1037, %get3A_1037 masked %sort3A_1090 : (vector<16xf32>, vector<16xf32>, vector<16xi1>) -> (vector<16xi1>, vector<16xf32>, vector<16xf32>)
      %rev3A_1094 = arith.constant 15 : i32
      %rev3A_1095 = vector.broadcast %rev3A_1094 : i32 to vector<16xi32>
      %rev3A_1096 = tpu.iota {dimensions = array<i32: 0>} : vector<16xi32>
      %rev3A_1097 = arith.subi %rev3A_1095, %rev3A_1096 : vector<16xi32>
      %rev3A_1098 = tpu.dynamic_gather %sort3A_1092[%rev3A_1097] in [0] : vector<16xf32>, vector<16xi32> -> vector<16xf32>
      %rev3A_1099 = arith.constant 15 : i32
      %rev3A_1100 = vector.broadcast %rev3A_1099 : i32 to vector<16xi32>
      %rev3A_1101 = tpu.iota {dimensions = array<i32: 0>} : vector<16xi32>
      %rev3A_1102 = arith.subi %rev3A_1100, %rev3A_1101 : vector<16xi32>
      %rev3A_1103 = tpu.dynamic_gather %rev3A_1098[%rev3A_1102] in [0] : vector<16xf32>, vector<16xi32> -> vector<16xf32>
      %max3A_1104 = arith.maximumf %rev3A_1089, %rev3A_1103 : vector<16xf32>
      %sort3A_1105 = arith.constant dense<true> : vector<16xi1>
      %sort3A_1106, %sort3A_1107, %sort3A_1108 = tpu.sort %max3A_1104, %max3A_1104 masked %sort3A_1105 : (vector<16xf32>, vector<16xf32>, vector<16xi1>) -> (vector<16xi1>, vector<16xf32>, vector<16xf32>)
      %rev3A_1109 = arith.constant 15 : i32
      %rev3A_1110 = vector.broadcast %rev3A_1109 : i32 to vector<16xi32>
      %rev3A_1111 = tpu.iota {dimensions = array<i32: 0>} : vector<16xi32>
      %rev3A_1112 = arith.subi %rev3A_1110, %rev3A_1111 : vector<16xi32>
      %rev3A_1113 = tpu.dynamic_gather %sort3A_1107[%rev3A_1112] in [0] : vector<16xf32>, vector<16xi32> -> vector<16xf32>
      %min3A_1114 = arith.minimumf %rev3A_1089, %rev3A_1103 : vector<16xf32>
      %sort3A_1115 = arith.constant dense<true> : vector<16xi1>
      %sort3A_1116, %sort3A_1117, %sort3A_1118 = tpu.sort %min3A_1114, %min3A_1114 masked %sort3A_1115 : (vector<16xf32>, vector<16xf32>, vector<16xi1>) -> (vector<16xi1>, vector<16xf32>, vector<16xf32>)
      %rev3A_1119 = arith.constant 15 : i32
      %rev3A_1120 = vector.broadcast %rev3A_1119 : i32 to vector<16xi32>
      %rev3A_1121 = tpu.iota {dimensions = array<i32: 0>} : vector<16xi32>
      %rev3A_1122 = arith.subi %rev3A_1120, %rev3A_1121 : vector<16xi32>
      %rev3A_1123 = tpu.dynamic_gather %sort3A_1117[%rev3A_1122] in [0] : vector<16xf32>, vector<16xi32> -> vector<16xf32>
      %rev3A_1124 = arith.constant 15 : i32
      %rev3A_1125 = vector.broadcast %rev3A_1124 : i32 to vector<16xi32>
      %rev3A_1126 = tpu.iota {dimensions = array<i32: 0>} : vector<16xi32>
      %rev3A_1127 = arith.subi %rev3A_1125, %rev3A_1126 : vector<16xi32>
      %rev3A_1128 = tpu.dynamic_gather %rev3A_1123[%rev3A_1127] in [0] : vector<16xf32>, vector<16xi32> -> vector<16xf32>
      %rev3A_1129 = arith.constant 15 : i32
      %rev3A_1130 = vector.broadcast %rev3A_1129 : i32 to vector<16xi32>
      %rev3A_1131 = tpu.iota {dimensions = array<i32: 0>} : vector<16xi32>
      %rev3A_1132 = arith.subi %rev3A_1130, %rev3A_1131 : vector<16xi32>
      %rev3A_1133 = tpu.dynamic_gather %rev3A_1113[%rev3A_1132] in [0] : vector<16xf32>, vector<16xi32> -> vector<16xf32>
      %max3A_1134 = arith.maximumf %rev3A_1070, %rev3A_1128 : vector<16xf32>
      %max3A_1135 = arith.maximumf %rev3A_1080, %rev3A_1133 : vector<16xf32>
      %min3A_1136 = arith.minimumf %rev3A_1070, %rev3A_1128 : vector<16xf32>
      %min3A_1137 = arith.minimumf %rev3A_1080, %rev3A_1133 : vector<16xf32>
      %max3A_1138 = arith.maximumf %max3A_1134, %max3A_1135 : vector<16xf32>
      %min3A_1139 = arith.minimumf %max3A_1134, %max3A_1135 : vector<16xf32>
      %sort3A_1140 = arith.constant dense<true> : vector<16xi1>
      %sort3A_1141, %sort3A_1142, %sort3A_1143 = tpu.sort %max3A_1138, %max3A_1138 masked %sort3A_1140 : (vector<16xf32>, vector<16xf32>, vector<16xi1>) -> (vector<16xi1>, vector<16xf32>, vector<16xf32>)
      %rev3A_1144 = arith.constant 15 : i32
      %rev3A_1145 = vector.broadcast %rev3A_1144 : i32 to vector<16xi32>
      %rev3A_1146 = tpu.iota {dimensions = array<i32: 0>} : vector<16xi32>
      %rev3A_1147 = arith.subi %rev3A_1145, %rev3A_1146 : vector<16xi32>
      %rev3A_1148 = tpu.dynamic_gather %sort3A_1142[%rev3A_1147] in [0] : vector<16xf32>, vector<16xi32> -> vector<16xf32>
      %sort3A_1149 = arith.constant dense<true> : vector<16xi1>
      %sort3A_1150, %sort3A_1151, %sort3A_1152 = tpu.sort %min3A_1139, %min3A_1139 masked %sort3A_1149 : (vector<16xf32>, vector<16xf32>, vector<16xi1>) -> (vector<16xi1>, vector<16xf32>, vector<16xf32>)
      %rev3A_1153 = arith.constant 15 : i32
      %rev3A_1154 = vector.broadcast %rev3A_1153 : i32 to vector<16xi32>
      %rev3A_1155 = tpu.iota {dimensions = array<i32: 0>} : vector<16xi32>
      %rev3A_1156 = arith.subi %rev3A_1154, %rev3A_1155 : vector<16xi32>
      %rev3A_1157 = tpu.dynamic_gather %sort3A_1151[%rev3A_1156] in [0] : vector<16xf32>, vector<16xi32> -> vector<16xf32>
      %max3A_1158 = arith.maximumf %min3A_1136, %min3A_1137 : vector<16xf32>
      %min3A_1159 = arith.minimumf %min3A_1136, %min3A_1137 : vector<16xf32>
      %sort3A_1160 = arith.constant dense<true> : vector<16xi1>
      %sort3A_1161, %sort3A_1162, %sort3A_1163 = tpu.sort %max3A_1158, %max3A_1158 masked %sort3A_1160 : (vector<16xf32>, vector<16xf32>, vector<16xi1>) -> (vector<16xi1>, vector<16xf32>, vector<16xf32>)
      %rev3A_1164 = arith.constant 15 : i32
      %rev3A_1165 = vector.broadcast %rev3A_1164 : i32 to vector<16xi32>
      %rev3A_1166 = tpu.iota {dimensions = array<i32: 0>} : vector<16xi32>
      %rev3A_1167 = arith.subi %rev3A_1165, %rev3A_1166 : vector<16xi32>
      %rev3A_1168 = tpu.dynamic_gather %sort3A_1162[%rev3A_1167] in [0] : vector<16xf32>, vector<16xi32> -> vector<16xf32>
      %sort3A_1169 = arith.constant dense<true> : vector<16xi1>
      %sort3A_1170, %sort3A_1171, %sort3A_1172 = tpu.sort %min3A_1159, %min3A_1159 masked %sort3A_1169 : (vector<16xf32>, vector<16xf32>, vector<16xi1>) -> (vector<16xi1>, vector<16xf32>, vector<16xf32>)
      %rev3A_1173 = arith.constant 15 : i32
      %rev3A_1174 = vector.broadcast %rev3A_1173 : i32 to vector<16xi32>
      %rev3A_1175 = tpu.iota {dimensions = array<i32: 0>} : vector<16xi32>
      %rev3A_1176 = arith.subi %rev3A_1174, %rev3A_1175 : vector<16xi32>
      %rev3A_1177 = tpu.dynamic_gather %sort3A_1171[%rev3A_1176] in [0] : vector<16xf32>, vector<16xi32> -> vector<16xf32>
      %rev3A_1178 = arith.constant 15 : i32
      %rev3A_1179 = vector.broadcast %rev3A_1178 : i32 to vector<16xi32>
      %rev3A_1180 = tpu.iota {dimensions = array<i32: 0>} : vector<16xi32>
      %rev3A_1181 = arith.subi %rev3A_1179, %rev3A_1180 : vector<16xi32>
      %rev3A_1182 = tpu.dynamic_gather %rev3A_1177[%rev3A_1181] in [0] : vector<16xf32>, vector<16xi32> -> vector<16xf32>
      %rev3A_1183 = arith.constant 15 : i32
      %rev3A_1184 = vector.broadcast %rev3A_1183 : i32 to vector<16xi32>
      %rev3A_1185 = tpu.iota {dimensions = array<i32: 0>} : vector<16xi32>
      %rev3A_1186 = arith.subi %rev3A_1184, %rev3A_1185 : vector<16xi32>
      %rev3A_1187 = tpu.dynamic_gather %rev3A_1168[%rev3A_1186] in [0] : vector<16xf32>, vector<16xi32> -> vector<16xf32>
      %rev3A_1188 = arith.constant 15 : i32
      %rev3A_1189 = vector.broadcast %rev3A_1188 : i32 to vector<16xi32>
      %rev3A_1190 = tpu.iota {dimensions = array<i32: 0>} : vector<16xi32>
      %rev3A_1191 = arith.subi %rev3A_1189, %rev3A_1190 : vector<16xi32>
      %rev3A_1192 = tpu.dynamic_gather %rev3A_1157[%rev3A_1191] in [0] : vector<16xf32>, vector<16xi32> -> vector<16xf32>
      %rev3A_1193 = arith.constant 15 : i32
      %rev3A_1194 = vector.broadcast %rev3A_1193 : i32 to vector<16xi32>
      %rev3A_1195 = tpu.iota {dimensions = array<i32: 0>} : vector<16xi32>
      %rev3A_1196 = arith.subi %rev3A_1194, %rev3A_1195 : vector<16xi32>
      %rev3A_1197 = tpu.dynamic_gather %rev3A_1148[%rev3A_1196] in [0] : vector<16xf32>, vector<16xi32> -> vector<16xf32>
      %max3A_1198 = arith.maximumf %rev3A_1000, %rev3A_1182 : vector<16xf32>
      %max3A_1199 = arith.maximumf %rev3A_1009, %rev3A_1187 : vector<16xf32>
      %max3A_1200 = arith.maximumf %rev3A_1020, %rev3A_1192 : vector<16xf32>
      %max3A_1201 = arith.maximumf %rev3A_1029, %rev3A_1197 : vector<16xf32>
      %max3A_1202 = arith.maximumf %max3A_1198, %max3A_1200 : vector<16xf32>
      %max3A_1203 = arith.maximumf %max3A_1199, %max3A_1201 : vector<16xf32>
      %min3A_1204 = arith.minimumf %max3A_1198, %max3A_1200 : vector<16xf32>
      %min3A_1205 = arith.minimumf %max3A_1199, %max3A_1201 : vector<16xf32>
      %max3A_1206 = arith.maximumf %max3A_1202, %max3A_1203 : vector<16xf32>
      %min3A_1207 = arith.minimumf %max3A_1202, %max3A_1203 : vector<16xf32>
      %sort3A_1208 = arith.constant dense<true> : vector<16xi1>
      %sort3A_1209, %sort3A_1210, %sort3A_1211 = tpu.sort %max3A_1206, %max3A_1206 masked %sort3A_1208 : (vector<16xf32>, vector<16xf32>, vector<16xi1>) -> (vector<16xi1>, vector<16xf32>, vector<16xf32>)
      %rev3A_1212 = arith.constant 15 : i32
      %rev3A_1213 = vector.broadcast %rev3A_1212 : i32 to vector<16xi32>
      %rev3A_1214 = tpu.iota {dimensions = array<i32: 0>} : vector<16xi32>
      %rev3A_1215 = arith.subi %rev3A_1213, %rev3A_1214 : vector<16xi32>
      %rev3A_1216 = tpu.dynamic_gather %sort3A_1210[%rev3A_1215] in [0] : vector<16xf32>, vector<16xi32> -> vector<16xf32>
      %sort3A_1217 = arith.constant dense<true> : vector<16xi1>
      %sort3A_1218, %sort3A_1219, %sort3A_1220 = tpu.sort %min3A_1207, %min3A_1207 masked %sort3A_1217 : (vector<16xf32>, vector<16xf32>, vector<16xi1>) -> (vector<16xi1>, vector<16xf32>, vector<16xf32>)
      %rev3A_1221 = arith.constant 15 : i32
      %rev3A_1222 = vector.broadcast %rev3A_1221 : i32 to vector<16xi32>
      %rev3A_1223 = tpu.iota {dimensions = array<i32: 0>} : vector<16xi32>
      %rev3A_1224 = arith.subi %rev3A_1222, %rev3A_1223 : vector<16xi32>
      %rev3A_1225 = tpu.dynamic_gather %sort3A_1219[%rev3A_1224] in [0] : vector<16xf32>, vector<16xi32> -> vector<16xf32>
      %max3A_1226 = arith.maximumf %min3A_1204, %min3A_1205 : vector<16xf32>
      %min3A_1227 = arith.minimumf %min3A_1204, %min3A_1205 : vector<16xf32>
      %sort3A_1228 = arith.constant dense<true> : vector<16xi1>
      %sort3A_1229, %sort3A_1230, %sort3A_1231 = tpu.sort %max3A_1226, %max3A_1226 masked %sort3A_1228 : (vector<16xf32>, vector<16xf32>, vector<16xi1>) -> (vector<16xi1>, vector<16xf32>, vector<16xf32>)
      %rev3A_1232 = arith.constant 15 : i32
      %rev3A_1233 = vector.broadcast %rev3A_1232 : i32 to vector<16xi32>
      %rev3A_1234 = tpu.iota {dimensions = array<i32: 0>} : vector<16xi32>
      %rev3A_1235 = arith.subi %rev3A_1233, %rev3A_1234 : vector<16xi32>
      %rev3A_1236 = tpu.dynamic_gather %sort3A_1230[%rev3A_1235] in [0] : vector<16xf32>, vector<16xi32> -> vector<16xf32>
      %sort3A_1237 = arith.constant dense<true> : vector<16xi1>
      %sort3A_1238, %sort3A_1239, %sort3A_1240 = tpu.sort %min3A_1227, %min3A_1227 masked %sort3A_1237 : (vector<16xf32>, vector<16xf32>, vector<16xi1>) -> (vector<16xi1>, vector<16xf32>, vector<16xf32>)
      %rev3A_1241 = arith.constant 15 : i32
      %rev3A_1242 = vector.broadcast %rev3A_1241 : i32 to vector<16xi32>
      %rev3A_1243 = tpu.iota {dimensions = array<i32: 0>} : vector<16xi32>
      %rev3A_1244 = arith.subi %rev3A_1242, %rev3A_1243 : vector<16xi32>
      %rev3A_1245 = tpu.dynamic_gather %sort3A_1239[%rev3A_1244] in [0] : vector<16xf32>, vector<16xi32> -> vector<16xf32>
      %get3A_1246 = arith.constant 384 : index
      %get3A_1247 = tpu.vector_load %arg15[%get3A_1246] {strides = array<i32>} : memref<512xf32, #tpu.memory_space<vmem>>, vector<16xf32>,
      %get3A_1248 = arith.constant 400 : index
      %get3A_1249 = tpu.vector_load %arg15[%get3A_1248] {strides = array<i32>} : memref<512xf32, #tpu.memory_space<vmem>>, vector<16xf32>,
      %get3A_1250 = arith.constant 416 : index
      %get3A_1251 = tpu.vector_load %arg15[%get3A_1250] {strides = array<i32>} : memref<512xf32, #tpu.memory_space<vmem>>, vector<16xf32>,
      %get3A_1252 = arith.constant 432 : index
      %get3A_1253 = tpu.vector_load %arg15[%get3A_1252] {strides = array<i32>} : memref<512xf32, #tpu.memory_space<vmem>>, vector<16xf32>,
      %sort3A_1254 = arith.constant dense<true> : vector<16xi1>
      %sort3A_1255, %sort3A_1256, %sort3A_1257 = tpu.sort %get3A_1247, %get3A_1247 masked %sort3A_1254 : (vector<16xf32>, vector<16xf32>, vector<16xi1>) -> (vector<16xi1>, vector<16xf32>, vector<16xf32>)
      %rev3A_1258 = arith.constant 15 : i32
      %rev3A_1259 = vector.broadcast %rev3A_1258 : i32 to vector<16xi32>
      %rev3A_1260 = tpu.iota {dimensions = array<i32: 0>} : vector<16xi32>
      %rev3A_1261 = arith.subi %rev3A_1259, %rev3A_1260 : vector<16xi32>
      %rev3A_1262 = tpu.dynamic_gather %sort3A_1256[%rev3A_1261] in [0] : vector<16xf32>, vector<16xi32> -> vector<16xf32>
      %sort3A_1263 = arith.constant dense<true> : vector<16xi1>
      %sort3A_1264, %sort3A_1265, %sort3A_1266 = tpu.sort %get3A_1249, %get3A_1249 masked %sort3A_1263 : (vector<16xf32>, vector<16xf32>, vector<16xi1>) -> (vector<16xi1>, vector<16xf32>, vector<16xf32>)
      %rev3A_1267 = arith.constant 15 : i32
      %rev3A_1268 = vector.broadcast %rev3A_1267 : i32 to vector<16xi32>
      %rev3A_1269 = tpu.iota {dimensions = array<i32: 0>} : vector<16xi32>
      %rev3A_1270 = arith.subi %rev3A_1268, %rev3A_1269 : vector<16xi32>
      %rev3A_1271 = tpu.dynamic_gather %sort3A_1265[%rev3A_1270] in [0] : vector<16xf32>, vector<16xi32> -> vector<16xf32>
      %rev3A_1272 = arith.constant 15 : i32
      %rev3A_1273 = vector.broadcast %rev3A_1272 : i32 to vector<16xi32>
      %rev3A_1274 = tpu.iota {dimensions = array<i32: 0>} : vector<16xi32>
      %rev3A_1275 = arith.subi %rev3A_1273, %rev3A_1274 : vector<16xi32>
      %rev3A_1276 = tpu.dynamic_gather %rev3A_1271[%rev3A_1275] in [0] : vector<16xf32>, vector<16xi32> -> vector<16xf32>
      %max3A_1277 = arith.maximumf %rev3A_1262, %rev3A_1276 : vector<16xf32>
      %sort3A_1278 = arith.constant dense<true> : vector<16xi1>
      %sort3A_1279, %sort3A_1280, %sort3A_1281 = tpu.sort %max3A_1277, %max3A_1277 masked %sort3A_1278 : (vector<16xf32>, vector<16xf32>, vector<16xi1>) -> (vector<16xi1>, vector<16xf32>, vector<16xf32>)
      %rev3A_1282 = arith.constant 15 : i32
      %rev3A_1283 = vector.broadcast %rev3A_1282 : i32 to vector<16xi32>
      %rev3A_1284 = tpu.iota {dimensions = array<i32: 0>} : vector<16xi32>
      %rev3A_1285 = arith.subi %rev3A_1283, %rev3A_1284 : vector<16xi32>
      %rev3A_1286 = tpu.dynamic_gather %sort3A_1280[%rev3A_1285] in [0] : vector<16xf32>, vector<16xi32> -> vector<16xf32>
      %min3A_1287 = arith.minimumf %rev3A_1262, %rev3A_1276 : vector<16xf32>
      %sort3A_1288 = arith.constant dense<true> : vector<16xi1>
      %sort3A_1289, %sort3A_1290, %sort3A_1291 = tpu.sort %min3A_1287, %min3A_1287 masked %sort3A_1288 : (vector<16xf32>, vector<16xf32>, vector<16xi1>) -> (vector<16xi1>, vector<16xf32>, vector<16xf32>)
      %rev3A_1292 = arith.constant 15 : i32
      %rev3A_1293 = vector.broadcast %rev3A_1292 : i32 to vector<16xi32>
      %rev3A_1294 = tpu.iota {dimensions = array<i32: 0>} : vector<16xi32>
      %rev3A_1295 = arith.subi %rev3A_1293, %rev3A_1294 : vector<16xi32>
      %rev3A_1296 = tpu.dynamic_gather %sort3A_1290[%rev3A_1295] in [0] : vector<16xf32>, vector<16xi32> -> vector<16xf32>
      %sort3A_1297 = arith.constant dense<true> : vector<16xi1>
      %sort3A_1298, %sort3A_1299, %sort3A_1300 = tpu.sort %get3A_1251, %get3A_1251 masked %sort3A_1297 : (vector<16xf32>, vector<16xf32>, vector<16xi1>) -> (vector<16xi1>, vector<16xf32>, vector<16xf32>)
      %rev3A_1301 = arith.constant 15 : i32
      %rev3A_1302 = vector.broadcast %rev3A_1301 : i32 to vector<16xi32>
      %rev3A_1303 = tpu.iota {dimensions = array<i32: 0>} : vector<16xi32>
      %rev3A_1304 = arith.subi %rev3A_1302, %rev3A_1303 : vector<16xi32>
      %rev3A_1305 = tpu.dynamic_gather %sort3A_1299[%rev3A_1304] in [0] : vector<16xf32>, vector<16xi32> -> vector<16xf32>
      %sort3A_1306 = arith.constant dense<true> : vector<16xi1>
      %sort3A_1307, %sort3A_1308, %sort3A_1309 = tpu.sort %get3A_1253, %get3A_1253 masked %sort3A_1306 : (vector<16xf32>, vector<16xf32>, vector<16xi1>) -> (vector<16xi1>, vector<16xf32>, vector<16xf32>)
      %rev3A_1310 = arith.constant 15 : i32
      %rev3A_1311 = vector.broadcast %rev3A_1310 : i32 to vector<16xi32>
      %rev3A_1312 = tpu.iota {dimensions = array<i32: 0>} : vector<16xi32>
      %rev3A_1313 = arith.subi %rev3A_1311, %rev3A_1312 : vector<16xi32>
      %rev3A_1314 = tpu.dynamic_gather %sort3A_1308[%rev3A_1313] in [0] : vector<16xf32>, vector<16xi32> -> vector<16xf32>
      %rev3A_1315 = arith.constant 15 : i32
      %rev3A_1316 = vector.broadcast %rev3A_1315 : i32 to vector<16xi32>
      %rev3A_1317 = tpu.iota {dimensions = array<i32: 0>} : vector<16xi32>
      %rev3A_1318 = arith.subi %rev3A_1316, %rev3A_1317 : vector<16xi32>
      %rev3A_1319 = tpu.dynamic_gather %rev3A_1314[%rev3A_1318] in [0] : vector<16xf32>, vector<16xi32> -> vector<16xf32>
      %max3A_1320 = arith.maximumf %rev3A_1305, %rev3A_1319 : vector<16xf32>
      %sort3A_1321 = arith.constant dense<true> : vector<16xi1>
      %sort3A_1322, %sort3A_1323, %sort3A_1324 = tpu.sort %max3A_1320, %max3A_1320 masked %sort3A_1321 : (vector<16xf32>, vector<16xf32>, vector<16xi1>) -> (vector<16xi1>, vector<16xf32>, vector<16xf32>)
      %rev3A_1325 = arith.constant 15 : i32
      %rev3A_1326 = vector.broadcast %rev3A_1325 : i32 to vector<16xi32>
      %rev3A_1327 = tpu.iota {dimensions = array<i32: 0>} : vector<16xi32>
      %rev3A_1328 = arith.subi %rev3A_1326, %rev3A_1327 : vector<16xi32>
      %rev3A_1329 = tpu.dynamic_gather %sort3A_1323[%rev3A_1328] in [0] : vector<16xf32>, vector<16xi32> -> vector<16xf32>
      %min3A_1330 = arith.minimumf %rev3A_1305, %rev3A_1319 : vector<16xf32>
      %sort3A_1331 = arith.constant dense<true> : vector<16xi1>
      %sort3A_1332, %sort3A_1333, %sort3A_1334 = tpu.sort %min3A_1330, %min3A_1330 masked %sort3A_1331 : (vector<16xf32>, vector<16xf32>, vector<16xi1>) -> (vector<16xi1>, vector<16xf32>, vector<16xf32>)
      %rev3A_1335 = arith.constant 15 : i32
      %rev3A_1336 = vector.broadcast %rev3A_1335 : i32 to vector<16xi32>
      %rev3A_1337 = tpu.iota {dimensions = array<i32: 0>} : vector<16xi32>
      %rev3A_1338 = arith.subi %rev3A_1336, %rev3A_1337 : vector<16xi32>
      %rev3A_1339 = tpu.dynamic_gather %sort3A_1333[%rev3A_1338] in [0] : vector<16xf32>, vector<16xi32> -> vector<16xf32>
      %rev3A_1340 = arith.constant 15 : i32
      %rev3A_1341 = vector.broadcast %rev3A_1340 : i32 to vector<16xi32>
      %rev3A_1342 = tpu.iota {dimensions = array<i32: 0>} : vector<16xi32>
      %rev3A_1343 = arith.subi %rev3A_1341, %rev3A_1342 : vector<16xi32>
      %rev3A_1344 = tpu.dynamic_gather %rev3A_1339[%rev3A_1343] in [0] : vector<16xf32>, vector<16xi32> -> vector<16xf32>
      %rev3A_1345 = arith.constant 15 : i32
      %rev3A_1346 = vector.broadcast %rev3A_1345 : i32 to vector<16xi32>
      %rev3A_1347 = tpu.iota {dimensions = array<i32: 0>} : vector<16xi32>
      %rev3A_1348 = arith.subi %rev3A_1346, %rev3A_1347 : vector<16xi32>
      %rev3A_1349 = tpu.dynamic_gather %rev3A_1329[%rev3A_1348] in [0] : vector<16xf32>, vector<16xi32> -> vector<16xf32>
      %max3A_1350 = arith.maximumf %rev3A_1286, %rev3A_1344 : vector<16xf32>
      %max3A_1351 = arith.maximumf %rev3A_1296, %rev3A_1349 : vector<16xf32>
      %min3A_1352 = arith.minimumf %rev3A_1286, %rev3A_1344 : vector<16xf32>
      %min3A_1353 = arith.minimumf %rev3A_1296, %rev3A_1349 : vector<16xf32>
      %max3A_1354 = arith.maximumf %max3A_1350, %max3A_1351 : vector<16xf32>
      %min3A_1355 = arith.minimumf %max3A_1350, %max3A_1351 : vector<16xf32>
      %sort3A_1356 = arith.constant dense<true> : vector<16xi1>
      %sort3A_1357, %sort3A_1358, %sort3A_1359 = tpu.sort %max3A_1354, %max3A_1354 masked %sort3A_1356 : (vector<16xf32>, vector<16xf32>, vector<16xi1>) -> (vector<16xi1>, vector<16xf32>, vector<16xf32>)
      %rev3A_1360 = arith.constant 15 : i32
      %rev3A_1361 = vector.broadcast %rev3A_1360 : i32 to vector<16xi32>
      %rev3A_1362 = tpu.iota {dimensions = array<i32: 0>} : vector<16xi32>
      %rev3A_1363 = arith.subi %rev3A_1361, %rev3A_1362 : vector<16xi32>
      %rev3A_1364 = tpu.dynamic_gather %sort3A_1358[%rev3A_1363] in [0] : vector<16xf32>, vector<16xi32> -> vector<16xf32>
      %sort3A_1365 = arith.constant dense<true> : vector<16xi1>
      %sort3A_1366, %sort3A_1367, %sort3A_1368 = tpu.sort %min3A_1355, %min3A_1355 masked %sort3A_1365 : (vector<16xf32>, vector<16xf32>, vector<16xi1>) -> (vector<16xi1>, vector<16xf32>, vector<16xf32>)
      %rev3A_1369 = arith.constant 15 : i32
      %rev3A_1370 = vector.broadcast %rev3A_1369 : i32 to vector<16xi32>
      %rev3A_1371 = tpu.iota {dimensions = array<i32: 0>} : vector<16xi32>
      %rev3A_1372 = arith.subi %rev3A_1370, %rev3A_1371 : vector<16xi32>
      %rev3A_1373 = tpu.dynamic_gather %sort3A_1367[%rev3A_1372] in [0] : vector<16xf32>, vector<16xi32> -> vector<16xf32>
      %max3A_1374 = arith.maximumf %min3A_1352, %min3A_1353 : vector<16xf32>
      %min3A_1375 = arith.minimumf %min3A_1352, %min3A_1353 : vector<16xf32>
      %sort3A_1376 = arith.constant dense<true> : vector<16xi1>
      %sort3A_1377, %sort3A_1378, %sort3A_1379 = tpu.sort %max3A_1374, %max3A_1374 masked %sort3A_1376 : (vector<16xf32>, vector<16xf32>, vector<16xi1>) -> (vector<16xi1>, vector<16xf32>, vector<16xf32>)
      %rev3A_1380 = arith.constant 15 : i32
      %rev3A_1381 = vector.broadcast %rev3A_1380 : i32 to vector<16xi32>
      %rev3A_1382 = tpu.iota {dimensions = array<i32: 0>} : vector<16xi32>
      %rev3A_1383 = arith.subi %rev3A_1381, %rev3A_1382 : vector<16xi32>
      %rev3A_1384 = tpu.dynamic_gather %sort3A_1378[%rev3A_1383] in [0] : vector<16xf32>, vector<16xi32> -> vector<16xf32>
      %sort3A_1385 = arith.constant dense<true> : vector<16xi1>
      %sort3A_1386, %sort3A_1387, %sort3A_1388 = tpu.sort %min3A_1375, %min3A_1375 masked %sort3A_1385 : (vector<16xf32>, vector<16xf32>, vector<16xi1>) -> (vector<16xi1>, vector<16xf32>, vector<16xf32>)
      %rev3A_1389 = arith.constant 15 : i32
      %rev3A_1390 = vector.broadcast %rev3A_1389 : i32 to vector<16xi32>
      %rev3A_1391 = tpu.iota {dimensions = array<i32: 0>} : vector<16xi32>
      %rev3A_1392 = arith.subi %rev3A_1390, %rev3A_1391 : vector<16xi32>
      %rev3A_1393 = tpu.dynamic_gather %sort3A_1387[%rev3A_1392] in [0] : vector<16xf32>, vector<16xi32> -> vector<16xf32>
      %rev3A_1394 = arith.constant 15 : i32
      %rev3A_1395 = vector.broadcast %rev3A_1394 : i32 to vector<16xi32>
      %rev3A_1396 = tpu.iota {dimensions = array<i32: 0>} : vector<16xi32>
      %rev3A_1397 = arith.subi %rev3A_1395, %rev3A_1396 : vector<16xi32>
      %rev3A_1398 = tpu.dynamic_gather %rev3A_1393[%rev3A_1397] in [0] : vector<16xf32>, vector<16xi32> -> vector<16xf32>
      %rev3A_1399 = arith.constant 15 : i32
      %rev3A_1400 = vector.broadcast %rev3A_1399 : i32 to vector<16xi32>
      %rev3A_1401 = tpu.iota {dimensions = array<i32: 0>} : vector<16xi32>
      %rev3A_1402 = arith.subi %rev3A_1400, %rev3A_1401 : vector<16xi32>
      %rev3A_1403 = tpu.dynamic_gather %rev3A_1384[%rev3A_1402] in [0] : vector<16xf32>, vector<16xi32> -> vector<16xf32>
      %rev3A_1404 = arith.constant 15 : i32
      %rev3A_1405 = vector.broadcast %rev3A_1404 : i32 to vector<16xi32>
      %rev3A_1406 = tpu.iota {dimensions = array<i32: 0>} : vector<16xi32>
      %rev3A_1407 = arith.subi %rev3A_1405, %rev3A_1406 : vector<16xi32>
      %rev3A_1408 = tpu.dynamic_gather %rev3A_1373[%rev3A_1407] in [0] : vector<16xf32>, vector<16xi32> -> vector<16xf32>
      %rev3A_1409 = arith.constant 15 : i32
      %rev3A_1410 = vector.broadcast %rev3A_1409 : i32 to vector<16xi32>
      %rev3A_1411 = tpu.iota {dimensions = array<i32: 0>} : vector<16xi32>
      %rev3A_1412 = arith.subi %rev3A_1410, %rev3A_1411 : vector<16xi32>
      %rev3A_1413 = tpu.dynamic_gather %rev3A_1364[%rev3A_1412] in [0] : vector<16xf32>, vector<16xi32> -> vector<16xf32>
      %max3A_1414 = arith.maximumf %rev3A_1216, %rev3A_1398 : vector<16xf32>
      %max3A_1415 = arith.maximumf %rev3A_1225, %rev3A_1403 : vector<16xf32>
      %max3A_1416 = arith.maximumf %rev3A_1236, %rev3A_1408 : vector<16xf32>
      %max3A_1417 = arith.maximumf %rev3A_1245, %rev3A_1413 : vector<16xf32>
      %max3A_1418 = arith.maximumf %max3A_1414, %max3A_1416 : vector<16xf32>
      %max3A_1419 = arith.maximumf %max3A_1415, %max3A_1417 : vector<16xf32>
      %min3A_1420 = arith.minimumf %max3A_1414, %max3A_1416 : vector<16xf32>
      %min3A_1421 = arith.minimumf %max3A_1415, %max3A_1417 : vector<16xf32>
      %max3A_1422 = arith.maximumf %max3A_1418, %max3A_1419 : vector<16xf32>
      %min3A_1423 = arith.minimumf %max3A_1418, %max3A_1419 : vector<16xf32>
      %sort3A_1424 = arith.constant dense<true> : vector<16xi1>
      %sort3A_1425, %sort3A_1426, %sort3A_1427 = tpu.sort %max3A_1422, %max3A_1422 masked %sort3A_1424 : (vector<16xf32>, vector<16xf32>, vector<16xi1>) -> (vector<16xi1>, vector<16xf32>, vector<16xf32>)
      %rev3A_1428 = arith.constant 15 : i32
      %rev3A_1429 = vector.broadcast %rev3A_1428 : i32 to vector<16xi32>
      %rev3A_1430 = tpu.iota {dimensions = array<i32: 0>} : vector<16xi32>
      %rev3A_1431 = arith.subi %rev3A_1429, %rev3A_1430 : vector<16xi32>
      %rev3A_1432 = tpu.dynamic_gather %sort3A_1426[%rev3A_1431] in [0] : vector<16xf32>, vector<16xi32> -> vector<16xf32>
      %sort3A_1433 = arith.constant dense<true> : vector<16xi1>
      %sort3A_1434, %sort3A_1435, %sort3A_1436 = tpu.sort %min3A_1423, %min3A_1423 masked %sort3A_1433 : (vector<16xf32>, vector<16xf32>, vector<16xi1>) -> (vector<16xi1>, vector<16xf32>, vector<16xf32>)
      %rev3A_1437 = arith.constant 15 : i32
      %rev3A_1438 = vector.broadcast %rev3A_1437 : i32 to vector<16xi32>
      %rev3A_1439 = tpu.iota {dimensions = array<i32: 0>} : vector<16xi32>
      %rev3A_1440 = arith.subi %rev3A_1438, %rev3A_1439 : vector<16xi32>
      %rev3A_1441 = tpu.dynamic_gather %sort3A_1435[%rev3A_1440] in [0] : vector<16xf32>, vector<16xi32> -> vector<16xf32>
      %max3A_1442 = arith.maximumf %min3A_1420, %min3A_1421 : vector<16xf32>
      %min3A_1443 = arith.minimumf %min3A_1420, %min3A_1421 : vector<16xf32>
      %sort3A_1444 = arith.constant dense<true> : vector<16xi1>
      %sort3A_1445, %sort3A_1446, %sort3A_1447 = tpu.sort %max3A_1442, %max3A_1442 masked %sort3A_1444 : (vector<16xf32>, vector<16xf32>, vector<16xi1>) -> (vector<16xi1>, vector<16xf32>, vector<16xf32>)
      %rev3A_1448 = arith.constant 15 : i32
      %rev3A_1449 = vector.broadcast %rev3A_1448 : i32 to vector<16xi32>
      %rev3A_1450 = tpu.iota {dimensions = array<i32: 0>} : vector<16xi32>
      %rev3A_1451 = arith.subi %rev3A_1449, %rev3A_1450 : vector<16xi32>
      %rev3A_1452 = tpu.dynamic_gather %sort3A_1446[%rev3A_1451] in [0] : vector<16xf32>, vector<16xi32> -> vector<16xf32>
      %sort3A_1453 = arith.constant dense<true> : vector<16xi1>
      %sort3A_1454, %sort3A_1455, %sort3A_1456 = tpu.sort %min3A_1443, %min3A_1443 masked %sort3A_1453 : (vector<16xf32>, vector<16xf32>, vector<16xi1>) -> (vector<16xi1>, vector<16xf32>, vector<16xf32>)
      %rev3A_1457 = arith.constant 15 : i32
      %rev3A_1458 = vector.broadcast %rev3A_1457 : i32 to vector<16xi32>
      %rev3A_1459 = tpu.iota {dimensions = array<i32: 0>} : vector<16xi32>
      %rev3A_1460 = arith.subi %rev3A_1458, %rev3A_1459 : vector<16xi32>
      %rev3A_1461 = tpu.dynamic_gather %sort3A_1455[%rev3A_1460] in [0] : vector<16xf32>, vector<16xi32> -> vector<16xf32>
      %get3A_1462 = arith.constant 448 : index
      %get3A_1463 = tpu.vector_load %arg15[%get3A_1462] {strides = array<i32>} : memref<512xf32, #tpu.memory_space<vmem>>, vector<16xf32>,
      %get3A_1464 = arith.constant 464 : index
      %get3A_1465 = tpu.vector_load %arg15[%get3A_1464] {strides = array<i32>} : memref<512xf32, #tpu.memory_space<vmem>>, vector<16xf32>,
      %get3A_1466 = arith.constant 480 : index
      %get3A_1467 = tpu.vector_load %arg15[%get3A_1466] {strides = array<i32>} : memref<512xf32, #tpu.memory_space<vmem>>, vector<16xf32>,
      %get3A_1468 = arith.constant 496 : index
      %get3A_1469 = tpu.vector_load %arg15[%get3A_1468] {strides = array<i32>} : memref<512xf32, #tpu.memory_space<vmem>>, vector<16xf32>,
      %sort3A_1470 = arith.constant dense<true> : vector<16xi1>
      %sort3A_1471, %sort3A_1472, %sort3A_1473 = tpu.sort %get3A_1463, %get3A_1463 masked %sort3A_1470 : (vector<16xf32>, vector<16xf32>, vector<16xi1>) -> (vector<16xi1>, vector<16xf32>, vector<16xf32>)
      %rev3A_1474 = arith.constant 15 : i32
      %rev3A_1475 = vector.broadcast %rev3A_1474 : i32 to vector<16xi32>
      %rev3A_1476 = tpu.iota {dimensions = array<i32: 0>} : vector<16xi32>
      %rev3A_1477 = arith.subi %rev3A_1475, %rev3A_1476 : vector<16xi32>
      %rev3A_1478 = tpu.dynamic_gather %sort3A_1472[%rev3A_1477] in [0] : vector<16xf32>, vector<16xi32> -> vector<16xf32>
      %sort3A_1479 = arith.constant dense<true> : vector<16xi1>
      %sort3A_1480, %sort3A_1481, %sort3A_1482 = tpu.sort %get3A_1465, %get3A_1465 masked %sort3A_1479 : (vector<16xf32>, vector<16xf32>, vector<16xi1>) -> (vector<16xi1>, vector<16xf32>, vector<16xf32>)
      %rev3A_1483 = arith.constant 15 : i32
      %rev3A_1484 = vector.broadcast %rev3A_1483 : i32 to vector<16xi32>
      %rev3A_1485 = tpu.iota {dimensions = array<i32: 0>} : vector<16xi32>
      %rev3A_1486 = arith.subi %rev3A_1484, %rev3A_1485 : vector<16xi32>
      %rev3A_1487 = tpu.dynamic_gather %sort3A_1481[%rev3A_1486] in [0] : vector<16xf32>, vector<16xi32> -> vector<16xf32>
      %rev3A_1488 = arith.constant 15 : i32
      %rev3A_1489 = vector.broadcast %rev3A_1488 : i32 to vector<16xi32>
      %rev3A_1490 = tpu.iota {dimensions = array<i32: 0>} : vector<16xi32>
      %rev3A_1491 = arith.subi %rev3A_1489, %rev3A_1490 : vector<16xi32>
      %rev3A_1492 = tpu.dynamic_gather %rev3A_1487[%rev3A_1491] in [0] : vector<16xf32>, vector<16xi32> -> vector<16xf32>
      %max3A_1493 = arith.maximumf %rev3A_1478, %rev3A_1492 : vector<16xf32>
      %sort3A_1494 = arith.constant dense<true> : vector<16xi1>
      %sort3A_1495, %sort3A_1496, %sort3A_1497 = tpu.sort %max3A_1493, %max3A_1493 masked %sort3A_1494 : (vector<16xf32>, vector<16xf32>, vector<16xi1>) -> (vector<16xi1>, vector<16xf32>, vector<16xf32>)
      %rev3A_1498 = arith.constant 15 : i32
      %rev3A_1499 = vector.broadcast %rev3A_1498 : i32 to vector<16xi32>
      %rev3A_1500 = tpu.iota {dimensions = array<i32: 0>} : vector<16xi32>
      %rev3A_1501 = arith.subi %rev3A_1499, %rev3A_1500 : vector<16xi32>
      %rev3A_1502 = tpu.dynamic_gather %sort3A_1496[%rev3A_1501] in [0] : vector<16xf32>, vector<16xi32> -> vector<16xf32>
      %min3A_1503 = arith.minimumf %rev3A_1478, %rev3A_1492 : vector<16xf32>
      %sort3A_1504 = arith.constant dense<true> : vector<16xi1>
      %sort3A_1505, %sort3A_1506, %sort3A_1507 = tpu.sort %min3A_1503, %min3A_1503 masked %sort3A_1504 : (vector<16xf32>, vector<16xf32>, vector<16xi1>) -> (vector<16xi1>, vector<16xf32>, vector<16xf32>)
      %rev3A_1508 = arith.constant 15 : i32
      %rev3A_1509 = vector.broadcast %rev3A_1508 : i32 to vector<16xi32>
      %rev3A_1510 = tpu.iota {dimensions = array<i32: 0>} : vector<16xi32>
      %rev3A_1511 = arith.subi %rev3A_1509, %rev3A_1510 : vector<16xi32>
      %rev3A_1512 = tpu.dynamic_gather %sort3A_1506[%rev3A_1511] in [0] : vector<16xf32>, vector<16xi32> -> vector<16xf32>
      %sort3A_1513 = arith.constant dense<true> : vector<16xi1>
      %sort3A_1514, %sort3A_1515, %sort3A_1516 = tpu.sort %get3A_1467, %get3A_1467 masked %sort3A_1513 : (vector<16xf32>, vector<16xf32>, vector<16xi1>) -> (vector<16xi1>, vector<16xf32>, vector<16xf32>)
      %rev3A_1517 = arith.constant 15 : i32
      %rev3A_1518 = vector.broadcast %rev3A_1517 : i32 to vector<16xi32>
      %rev3A_1519 = tpu.iota {dimensions = array<i32: 0>} : vector<16xi32>
      %rev3A_1520 = arith.subi %rev3A_1518, %rev3A_1519 : vector<16xi32>
      %rev3A_1521 = tpu.dynamic_gather %sort3A_1515[%rev3A_1520] in [0] : vector<16xf32>, vector<16xi32> -> vector<16xf32>
      %sort3A_1522 = arith.constant dense<true> : vector<16xi1>
      %sort3A_1523, %sort3A_1524, %sort3A_1525 = tpu.sort %get3A_1469, %get3A_1469 masked %sort3A_1522 : (vector<16xf32>, vector<16xf32>, vector<16xi1>) -> (vector<16xi1>, vector<16xf32>, vector<16xf32>)
      %rev3A_1526 = arith.constant 15 : i32
      %rev3A_1527 = vector.broadcast %rev3A_1526 : i32 to vector<16xi32>
      %rev3A_1528 = tpu.iota {dimensions = array<i32: 0>} : vector<16xi32>
      %rev3A_1529 = arith.subi %rev3A_1527, %rev3A_1528 : vector<16xi32>
      %rev3A_1530 = tpu.dynamic_gather %sort3A_1524[%rev3A_1529] in [0] : vector<16xf32>, vector<16xi32> -> vector<16xf32>
      %rev3A_1531 = arith.constant 15 : i32
      %rev3A_1532 = vector.broadcast %rev3A_1531 : i32 to vector<16xi32>
      %rev3A_1533 = tpu.iota {dimensions = array<i32: 0>} : vector<16xi32>
      %rev3A_1534 = arith.subi %rev3A_1532, %rev3A_1533 : vector<16xi32>
      %rev3A_1535 = tpu.dynamic_gather %rev3A_1530[%rev3A_1534] in [0] : vector<16xf32>, vector<16xi32> -> vector<16xf32>
      %max3A_1536 = arith.maximumf %rev3A_1521, %rev3A_1535 : vector<16xf32>
      %sort3A_1537 = arith.constant dense<true> : vector<16xi1>
      %sort3A_1538, %sort3A_1539, %sort3A_1540 = tpu.sort %max3A_1536, %max3A_1536 masked %sort3A_1537 : (vector<16xf32>, vector<16xf32>, vector<16xi1>) -> (vector<16xi1>, vector<16xf32>, vector<16xf32>)
      %rev3A_1541 = arith.constant 15 : i32
      %rev3A_1542 = vector.broadcast %rev3A_1541 : i32 to vector<16xi32>
      %rev3A_1543 = tpu.iota {dimensions = array<i32: 0>} : vector<16xi32>
      %rev3A_1544 = arith.subi %rev3A_1542, %rev3A_1543 : vector<16xi32>
      %rev3A_1545 = tpu.dynamic_gather %sort3A_1539[%rev3A_1544] in [0] : vector<16xf32>, vector<16xi32> -> vector<16xf32>
      %min3A_1546 = arith.minimumf %rev3A_1521, %rev3A_1535 : vector<16xf32>
      %sort3A_1547 = arith.constant dense<true> : vector<16xi1>
      %sort3A_1548, %sort3A_1549, %sort3A_1550 = tpu.sort %min3A_1546, %min3A_1546 masked %sort3A_1547 : (vector<16xf32>, vector<16xf32>, vector<16xi1>) -> (vector<16xi1>, vector<16xf32>, vector<16xf32>)
      %rev3A_1551 = arith.constant 15 : i32
      %rev3A_1552 = vector.broadcast %rev3A_1551 : i32 to vector<16xi32>
      %rev3A_1553 = tpu.iota {dimensions = array<i32: 0>} : vector<16xi32>
      %rev3A_1554 = arith.subi %rev3A_1552, %rev3A_1553 : vector<16xi32>
      %rev3A_1555 = tpu.dynamic_gather %sort3A_1549[%rev3A_1554] in [0] : vector<16xf32>, vector<16xi32> -> vector<16xf32>
      %rev3A_1556 = arith.constant 15 : i32
      %rev3A_1557 = vector.broadcast %rev3A_1556 : i32 to vector<16xi32>
      %rev3A_1558 = tpu.iota {dimensions = array<i32: 0>} : vector<16xi32>
      %rev3A_1559 = arith.subi %rev3A_1557, %rev3A_1558 : vector<16xi32>
      %rev3A_1560 = tpu.dynamic_gather %rev3A_1555[%rev3A_1559] in [0] : vector<16xf32>, vector<16xi32> -> vector<16xf32>
      %rev3A_1561 = arith.constant 15 : i32
      %rev3A_1562 = vector.broadcast %rev3A_1561 : i32 to vector<16xi32>
      %rev3A_1563 = tpu.iota {dimensions = array<i32: 0>} : vector<16xi32>
      %rev3A_1564 = arith.subi %rev3A_1562, %rev3A_1563 : vector<16xi32>
      %rev3A_1565 = tpu.dynamic_gather %rev3A_1545[%rev3A_1564] in [0] : vector<16xf32>, vector<16xi32> -> vector<16xf32>
      %max3A_1566 = arith.maximumf %rev3A_1502, %rev3A_1560 : vector<16xf32>
      %max3A_1567 = arith.maximumf %rev3A_1512, %rev3A_1565 : vector<16xf32>
      %min3A_1568 = arith.minimumf %rev3A_1502, %rev3A_1560 : vector<16xf32>
      %min3A_1569 = arith.minimumf %rev3A_1512, %rev3A_1565 : vector<16xf32>
      %max3A_1570 = arith.maximumf %max3A_1566, %max3A_1567 : vector<16xf32>
      %min3A_1571 = arith.minimumf %max3A_1566, %max3A_1567 : vector<16xf32>
      %sort3A_1572 = arith.constant dense<true> : vector<16xi1>
      %sort3A_1573, %sort3A_1574, %sort3A_1575 = tpu.sort %max3A_1570, %max3A_1570 masked %sort3A_1572 : (vector<16xf32>, vector<16xf32>, vector<16xi1>) -> (vector<16xi1>, vector<16xf32>, vector<16xf32>)
      %rev3A_1576 = arith.constant 15 : i32
      %rev3A_1577 = vector.broadcast %rev3A_1576 : i32 to vector<16xi32>
      %rev3A_1578 = tpu.iota {dimensions = array<i32: 0>} : vector<16xi32>
      %rev3A_1579 = arith.subi %rev3A_1577, %rev3A_1578 : vector<16xi32>
      %rev3A_1580 = tpu.dynamic_gather %sort3A_1574[%rev3A_1579] in [0] : vector<16xf32>, vector<16xi32> -> vector<16xf32>
      %sort3A_1581 = arith.constant dense<true> : vector<16xi1>
      %sort3A_1582, %sort3A_1583, %sort3A_1584 = tpu.sort %min3A_1571, %min3A_1571 masked %sort3A_1581 : (vector<16xf32>, vector<16xf32>, vector<16xi1>) -> (vector<16xi1>, vector<16xf32>, vector<16xf32>)
      %rev3A_1585 = arith.constant 15 : i32
      %rev3A_1586 = vector.broadcast %rev3A_1585 : i32 to vector<16xi32>
      %rev3A_1587 = tpu.iota {dimensions = array<i32: 0>} : vector<16xi32>
      %rev3A_1588 = arith.subi %rev3A_1586, %rev3A_1587 : vector<16xi32>
      %rev3A_1589 = tpu.dynamic_gather %sort3A_1583[%rev3A_1588] in [0] : vector<16xf32>, vector<16xi32> -> vector<16xf32>
      %max3A_1590 = arith.maximumf %min3A_1568, %min3A_1569 : vector<16xf32>
      %min3A_1591 = arith.minimumf %min3A_1568, %min3A_1569 : vector<16xf32>
      %sort3A_1592 = arith.constant dense<true> : vector<16xi1>
      %sort3A_1593, %sort3A_1594, %sort3A_1595 = tpu.sort %max3A_1590, %max3A_1590 masked %sort3A_1592 : (vector<16xf32>, vector<16xf32>, vector<16xi1>) -> (vector<16xi1>, vector<16xf32>, vector<16xf32>)
      %rev3A_1596 = arith.constant 15 : i32
      %rev3A_1597 = vector.broadcast %rev3A_1596 : i32 to vector<16xi32>
      %rev3A_1598 = tpu.iota {dimensions = array<i32: 0>} : vector<16xi32>
      %rev3A_1599 = arith.subi %rev3A_1597, %rev3A_1598 : vector<16xi32>
      %rev3A_1600 = tpu.dynamic_gather %sort3A_1594[%rev3A_1599] in [0] : vector<16xf32>, vector<16xi32> -> vector<16xf32>
      %sort3A_1601 = arith.constant dense<true> : vector<16xi1>
      %sort3A_1602, %sort3A_1603, %sort3A_1604 = tpu.sort %min3A_1591, %min3A_1591 masked %sort3A_1601 : (vector<16xf32>, vector<16xf32>, vector<16xi1>) -> (vector<16xi1>, vector<16xf32>, vector<16xf32>)
      %rev3A_1605 = arith.constant 15 : i32
      %rev3A_1606 = vector.broadcast %rev3A_1605 : i32 to vector<16xi32>
      %rev3A_1607 = tpu.iota {dimensions = array<i32: 0>} : vector<16xi32>
      %rev3A_1608 = arith.subi %rev3A_1606, %rev3A_1607 : vector<16xi32>
      %rev3A_1609 = tpu.dynamic_gather %sort3A_1603[%rev3A_1608] in [0] : vector<16xf32>, vector<16xi32> -> vector<16xf32>
      %rev3A_1610 = arith.constant 15 : i32
      %rev3A_1611 = vector.broadcast %rev3A_1610 : i32 to vector<16xi32>
      %rev3A_1612 = tpu.iota {dimensions = array<i32: 0>} : vector<16xi32>
      %rev3A_1613 = arith.subi %rev3A_1611, %rev3A_1612 : vector<16xi32>
      %rev3A_1614 = tpu.dynamic_gather %rev3A_1609[%rev3A_1613] in [0] : vector<16xf32>, vector<16xi32> -> vector<16xf32>
      %rev3A_1615 = arith.constant 15 : i32
      %rev3A_1616 = vector.broadcast %rev3A_1615 : i32 to vector<16xi32>
      %rev3A_1617 = tpu.iota {dimensions = array<i32: 0>} : vector<16xi32>
      %rev3A_1618 = arith.subi %rev3A_1616, %rev3A_1617 : vector<16xi32>
      %rev3A_1619 = tpu.dynamic_gather %rev3A_1600[%rev3A_1618] in [0] : vector<16xf32>, vector<16xi32> -> vector<16xf32>
      %rev3A_1620 = arith.constant 15 : i32
      %rev3A_1621 = vector.broadcast %rev3A_1620 : i32 to vector<16xi32>
      %rev3A_1622 = tpu.iota {dimensions = array<i32: 0>} : vector<16xi32>
      %rev3A_1623 = arith.subi %rev3A_1621, %rev3A_1622 : vector<16xi32>
      %rev3A_1624 = tpu.dynamic_gather %rev3A_1589[%rev3A_1623] in [0] : vector<16xf32>, vector<16xi32> -> vector<16xf32>
      %rev3A_1625 = arith.constant 15 : i32
      %rev3A_1626 = vector.broadcast %rev3A_1625 : i32 to vector<16xi32>
      %rev3A_1627 = tpu.iota {dimensions = array<i32: 0>} : vector<16xi32>
      %rev3A_1628 = arith.subi %rev3A_1626, %rev3A_1627 : vector<16xi32>
      %rev3A_1629 = tpu.dynamic_gather %rev3A_1580[%rev3A_1628] in [0] : vector<16xf32>, vector<16xi32> -> vector<16xf32>
      %max3A_1630 = arith.maximumf %rev3A_1432, %rev3A_1614 : vector<16xf32>
      %max3A_1631 = arith.maximumf %rev3A_1441, %rev3A_1619 : vector<16xf32>
      %max3A_1632 = arith.maximumf %rev3A_1452, %rev3A_1624 : vector<16xf32>
      %max3A_1633 = arith.maximumf %rev3A_1461, %rev3A_1629 : vector<16xf32>
      %max3A_1634 = arith.maximumf %max3A_1630, %max3A_1632 : vector<16xf32>
      %max3A_1635 = arith.maximumf %max3A_1631, %max3A_1633 : vector<16xf32>
      %min3A_1636 = arith.minimumf %max3A_1630, %max3A_1632 : vector<16xf32>
      %min3A_1637 = arith.minimumf %max3A_1631, %max3A_1633 : vector<16xf32>
      %max3A_1638 = arith.maximumf %max3A_1634, %max3A_1635 : vector<16xf32>
      %min3A_1639 = arith.minimumf %max3A_1634, %max3A_1635 : vector<16xf32>
      %sort3A_1640 = arith.constant dense<true> : vector<16xi1>
      %sort3A_1641, %sort3A_1642, %sort3A_1643 = tpu.sort %max3A_1638, %max3A_1638 masked %sort3A_1640 : (vector<16xf32>, vector<16xf32>, vector<16xi1>) -> (vector<16xi1>, vector<16xf32>, vector<16xf32>)
      %rev3A_1644 = arith.constant 15 : i32
      %rev3A_1645 = vector.broadcast %rev3A_1644 : i32 to vector<16xi32>
      %rev3A_1646 = tpu.iota {dimensions = array<i32: 0>} : vector<16xi32>
      %rev3A_1647 = arith.subi %rev3A_1645, %rev3A_1646 : vector<16xi32>
      %rev3A_1648 = tpu.dynamic_gather %sort3A_1642[%rev3A_1647] in [0] : vector<16xf32>, vector<16xi32> -> vector<16xf32>
      %sort3A_1649 = arith.constant dense<true> : vector<16xi1>
      %sort3A_1650, %sort3A_1651, %sort3A_1652 = tpu.sort %min3A_1639, %min3A_1639 masked %sort3A_1649 : (vector<16xf32>, vector<16xf32>, vector<16xi1>) -> (vector<16xi1>, vector<16xf32>, vector<16xf32>)
      %rev3A_1653 = arith.constant 15 : i32
      %rev3A_1654 = vector.broadcast %rev3A_1653 : i32 to vector<16xi32>
      %rev3A_1655 = tpu.iota {dimensions = array<i32: 0>} : vector<16xi32>
      %rev3A_1656 = arith.subi %rev3A_1654, %rev3A_1655 : vector<16xi32>
      %rev3A_1657 = tpu.dynamic_gather %sort3A_1651[%rev3A_1656] in [0] : vector<16xf32>, vector<16xi32> -> vector<16xf32>
      %max3A_1658 = arith.maximumf %min3A_1636, %min3A_1637 : vector<16xf32>
      %min3A_1659 = arith.minimumf %min3A_1636, %min3A_1637 : vector<16xf32>
      %sort3A_1660 = arith.constant dense<true> : vector<16xi1>
      %sort3A_1661, %sort3A_1662, %sort3A_1663 = tpu.sort %max3A_1658, %max3A_1658 masked %sort3A_1660 : (vector<16xf32>, vector<16xf32>, vector<16xi1>) -> (vector<16xi1>, vector<16xf32>, vector<16xf32>)
      %rev3A_1664 = arith.constant 15 : i32
      %rev3A_1665 = vector.broadcast %rev3A_1664 : i32 to vector<16xi32>
      %rev3A_1666 = tpu.iota {dimensions = array<i32: 0>} : vector<16xi32>
      %rev3A_1667 = arith.subi %rev3A_1665, %rev3A_1666 : vector<16xi32>
      %rev3A_1668 = tpu.dynamic_gather %sort3A_1662[%rev3A_1667] in [0] : vector<16xf32>, vector<16xi32> -> vector<16xf32>
      %sort3A_1669 = arith.constant dense<true> : vector<16xi1>
      %sort3A_1670, %sort3A_1671, %sort3A_1672 = tpu.sort %min3A_1659, %min3A_1659 masked %sort3A_1669 : (vector<16xf32>, vector<16xf32>, vector<16xi1>) -> (vector<16xi1>, vector<16xf32>, vector<16xf32>)
      %rev3A_1673 = arith.constant 15 : i32
      %rev3A_1674 = vector.broadcast %rev3A_1673 : i32 to vector<16xi32>
      %rev3A_1675 = tpu.iota {dimensions = array<i32: 0>} : vector<16xi32>
      %rev3A_1676 = arith.subi %rev3A_1674, %rev3A_1675 : vector<16xi32>
      %rev3A_1677 = tpu.dynamic_gather %sort3A_1671[%rev3A_1676] in [0] : vector<16xf32>, vector<16xi32> -> vector<16xf32>
      %slice3A = vector.extract_strided_slice %rev3A_1677 {offsets = [15], sizes = [1], strides = [1]} : vector<16xf32> to vector<1xf32>
      %squeeze3A = vector.extract %slice3A[0] : f32 from vector<1xf32>
      %broadcast_in_dim3A_1678 = vector.broadcast %squeeze3A : f32 to vector<16xf32>
      %scan3A_1679 = arith.constant 0 : i32
      %scan3A_1680 = arith.constant 128 : i32
      %scan3A_1681 = arith.addi %scan3A_1679, %scan3A_1680 : i32
      %scan3A_1682 = arith.constant 1 : i32
      %scan3A_1683 = scf.for %scan3A_1975 = %scan3A_1679 to %scan3A_1681 step %scan3A_1682 iter_args(%scan3A_1976 = %broadcast_in_dim3A_5) -> (vector<16xi32>)  : i32 {
        %mul3A_1977 = arith.constant 16 : i32
        %mul3A_1978 = arith.muli %scan3A_1975, %mul3A_1977 : i32
        %get3A_1979 = arith.index_cast %mul3A_1978 : i32 to index
        %get3A_1980 = tpu.vector_load %arg16[%get3A_1979] {strides = array<i32>} : memref<2048xf32, #tpu.memory_space<vmem>>, vector<16xf32>,
        %ge3A = arith.cmpf oge, %get3A_1980, %broadcast_in_dim3A_1678 : vector<16xf32>
        %jit3A_1981 = arith.constant 1 : i32
        %jit3A_1982 = arith.constant 0 : i32
        %broadcast_in_dim3A_1983 = vector.broadcast %jit3A_1981 : i32 to vector<16xi32>
        %broadcast_in_dim3A_1984 = vector.broadcast %jit3A_1982 : i32 to vector<16xi32>
        %select_n3A_1985 = arith.select %ge3A, %broadcast_in_dim3A_1983, %broadcast_in_dim3A_1984 : vector<16xi1>, vector<16xi32>
        %broadcast_in_dim3A_1986 = arith.constant true
        %broadcast_in_dim3A_1987 = vector.broadcast %broadcast_in_dim3A_1986 : i1 to vector<16xi1>
        %masked_cumsum3A = tpu.scan <sum>, %select_n3A_1985 masked %broadcast_in_dim3A_1987 : vector<16xi32>, vector<16xi1> -> vector<16xi32>
        %all_reduce_population_count3A = tpu.all_reduce %ge3A {dim = 0 : i64, kind = #tpu.reduction_kind<sum>} : vector<16xi1> -> vector<16xi32>
        %add3A_1988 = arith.addi %scan3A_1976, %masked_cumsum3A : vector<16xi32>
        %sub3A_1989 = arith.constant 1 : i32
        %sub3A_1990 = vector.broadcast %sub3A_1989 : i32 to vector<16xi32>
        %sub3A_1991 = arith.subi %add3A_1988, %sub3A_1990 : vector<16xi32>
        %mul3A_1992 = arith.constant 16 : i32
        %mul3A_1993 = arith.muli %scan3A_1975, %mul3A_1992 : i32
        %broadcast_in_dim3A_1994 = vector.broadcast %mul3A_1993 : i32 to vector<16xi32>
        %add3A_1995 = arith.addi %broadcast_in_dim3A_1994, %iota3A : vector<16xi32>
        tpu.vector_store_idx %arg10[%sub3A_1991], %add3A_1995 masked %ge3A : memref<2048xi32, #tpu.memory_space<vmem>>[vector<16xi32>], vector<16xi32>, vector<16xi1>
        %add3A_1996 = arith.addi %scan3A_1976, %all_reduce_population_count3A : vector<16xi32>
        scf.yield %add3A_1996 : vector<16xi32>
      }
      %scan3A_1684 = arith.constant 128 : i32
      %slice3A_1685 = vector.extract_strided_slice %scan3A_1683 {offsets = [0], sizes = [1], strides = [1]} : vector<16xi32> to vector<1xi32>
      %squeeze3A_1686 = vector.extract %slice3A_1685[0] : i32 from vector<1xi32>
      %while3A = arith.constant 0 : i32
      %while3A_1687 = arith.subi %squeeze3A_1686, %while3A : i32
      %while3A_1688 = arith.addi %while3A, %while3A_1687 : i32
      %while3A_1689 = arith.constant 1 : i32
      %while3A_1690 = arith.divsi %while3A_1687, %while3A_1689 : i32
      %while3A_1691 = arith.muli %while3A_1690, %while3A_1689 : i32
      %while3A_1692 = arith.addi %while3A, %while3A_1691 : i32
      %while3A_1693 = arith.constant 1 : i32
      %while3A_1694 = scf.for %while3A_1975 = %while3A to %while3A_1692 step %while3A_1693 iter_args(%while3A_1976 = %broadcast_in_dim3A_5) -> (vector<16xi32>)  : i32 {
        %jit3A_1977 = arith.constant 16 : i32
        %div3A_1978 = arith.divsi %while3A_1975, %jit3A_1977 : i32
        %sign3A_1979 = arith.constant 0 : i32
        %sign3A_1980 = arith.cmpi sgt, %while3A_1975, %sign3A_1979 : i32
        %sign3A_1981 = arith.extui %sign3A_1980 : i1 to i32
        %sign3A_1982 = arith.constant 0 : i32
        %sign3A_1983 = arith.cmpi slt, %while3A_1975, %sign3A_1982 : i32
        %sign3A_1984 = arith.extui %sign3A_1983 : i1 to i32
        %sign3A_1985 = arith.subi %sign3A_1981, %sign3A_1984 : i32
        %sign3A_1986 = arith.constant 0 : i32
        %sign3A_1987 = arith.cmpi sgt, %jit3A_1977, %sign3A_1986 : i32
        %sign3A_1988 = arith.extui %sign3A_1987 : i1 to i32
        %sign3A_1989 = arith.constant 0 : i32
        %sign3A_1990 = arith.cmpi slt, %jit3A_1977, %sign3A_1989 : i32
        %sign3A_1991 = arith.extui %sign3A_1990 : i1 to i32
        %sign3A_1992 = arith.subi %sign3A_1988, %sign3A_1991 : i32
        %ne3A_1993 = arith.cmpi ne, %sign3A_1985, %sign3A_1992 : i32
        %rem3A_1994 = arith.remsi %while3A_1975, %jit3A_1977 : i32
        %ne3A_1995 = arith.constant 0 : i32
        %ne3A_1996 = arith.cmpi ne, %rem3A_1994, %ne3A_1995 : i32
        %and3A_1997 = arith.andi %ne3A_1993, %ne3A_1996 : i1
        %sub3A_1998 = arith.constant 1 : i32
        %sub3A_1999 = arith.subi %div3A_1978, %sub3A_1998 : i32
        %select_n3A_2000 = arith.select %and3A_1997, %sub3A_1999, %div3A_1978 : i32
        %mul3A_2001 = arith.constant 16 : i32
        %mul3A_2002 = arith.muli %select_n3A_2000, %mul3A_2001 : i32
        %get3A_2003 = arith.index_cast %mul3A_2002 : i32 to index
        %get3A_2004 = tpu.vector_load %arg10[%get3A_2003] {strides = array<i32>} : memref<2048xi32, #tpu.memory_space<vmem>>, vector<16xi32>,
        %jit3A_2005 = arith.constant 16 : i32
        %eq3A_2006 = arith.constant 0 : i32
        %eq3A_2007 = arith.cmpi eq, %jit3A_2005, %eq3A_2006 : i32
        %jit3A_2008 = arith.constant 1 : i32
        %select_n3A_2009 = arith.select %eq3A_2007, %jit3A_2008, %jit3A_2005 : i32
        %rem3A_2010 = arith.remsi %while3A_1975, %select_n3A_2009 : i32
        %ne3A_2011 = arith.constant 0 : i32
        %ne3A_2012 = arith.cmpi ne, %rem3A_2010, %ne3A_2011 : i32
        %lt3A = arith.constant 0 : i32
        %lt3A_2013 = arith.cmpi slt, %rem3A_2010, %lt3A : i32
        %lt3A_2014 = arith.constant 0 : i32
        %lt3A_2015 = arith.cmpi slt, %select_n3A_2009, %lt3A_2014 : i32
        %ne3A_2016 = arith.xori %lt3A_2013, %lt3A_2015 : i1
        %and3A_2017 = arith.andi %ne3A_2016, %ne3A_2012 : i1
        %add3A_2018 = arith.addi %rem3A_2010, %select_n3A_2009 : i32
        %select_n3A_2019 = arith.select %and3A_2017, %add3A_2018, %rem3A_2010 : i32
        %broadcast_in_dim3A_2020 = vector.broadcast %select_n3A_2019 : i32 to vector<16xi32>
        %broadcast_in_dim3A_2021 = vector.shape_cast %broadcast_in_dim3A_2020 : vector<16xi32> to vector<16x1xi32>
        %gather3A = vector.shape_cast %broadcast_in_dim3A_2021 : vector<16x1xi32> to vector<16xi32>
        %gather3A_2022 = tpu.dynamic_gather %get3A_2004[%gather3A] in [0] : vector<16xi32>, vector<16xi32> -> vector<16xi32>
        %slice3A_2023 = vector.extract_strided_slice %gather3A_2022 {offsets = [0], sizes = [1], strides = [1]} : vector<16xi32> to vector<1xi32>
        %squeeze3A_2024 = vector.extract %slice3A_2023[0] : i32 from vector<1xi32>
        %mul3A_2025 = arith.constant 16 : i32
        %mul3A_2026 = arith.muli %squeeze3A_2024, %mul3A_2025 : i32
        %get3A_2027 = arith.index_cast %mul3A_2026 : i32 to index
        %get3A_2028 = tpu.vector_load %arg7[%get3A_2027] {strides = array<i32>} : memref<32768xf32, #tpu.memory_space<vmem>>, vector<16xf32>,
        %ge3A = arith.cmpf oge, %get3A_2028, %broadcast_in_dim3A_1678 : vector<16xf32>
        %jit3A_2029 = arith.constant 1 : i32
        %jit3A_2030 = arith.constant 0 : i32
        %broadcast_in_dim3A_2031 = vector.broadcast %jit3A_2029 : i32 to vector<16xi32>
        %broadcast_in_dim3A_2032 = vector.broadcast %jit3A_2030 : i32 to vector<16xi32>
        %select_n3A_2033 = arith.select %ge3A, %broadcast_in_dim3A_2031, %broadcast_in_dim3A_2032 : vector<16xi1>, vector<16xi32>
        %broadcast_in_dim3A_2034 = arith.constant true
        %broadcast_in_dim3A_2035 = vector.broadcast %broadcast_in_dim3A_2034 : i1 to vector<16xi1>
        %masked_cumsum3A = tpu.scan <sum>, %select_n3A_2033 masked %broadcast_in_dim3A_2035 : vector<16xi32>, vector<16xi1> -> vector<16xi32>
        %all_reduce_population_count3A = tpu.all_reduce %ge3A {dim = 0 : i64, kind = #tpu.reduction_kind<sum>} : vector<16xi1> -> vector<16xi32>
        %add3A_2036 = arith.addi %while3A_1976, %masked_cumsum3A : vector<16xi32>
        %sub3A_2037 = arith.constant 1 : i32
        %sub3A_2038 = vector.broadcast %sub3A_2037 : i32 to vector<16xi32>
        %sub3A_2039 = arith.subi %add3A_2036, %sub3A_2038 : vector<16xi32>
        tpu.vector_store_idx %arg8[%sub3A_2039], %get3A_2028 masked %ge3A : memref<33024xf32, #tpu.memory_space<vmem>>[vector<16xi32>], vector<16xf32>, vector<16xi1>
        %broadcast_in_dim3A_2040 = vector.broadcast %mul3A_2026 : i32 to vector<16xi32>
        %add3A_2041 = arith.addi %broadcast_in_dim3A_2040, %iota3A : vector<16xi32>
        tpu.vector_store_idx %arg9[%sub3A_2039], %add3A_2041 masked %ge3A : memref<33024xi32, #tpu.memory_space<vmem>>[vector<16xi32>], vector<16xi32>, vector<16xi1>
        %add3A_2042 = arith.addi %while3A_1976, %all_reduce_population_count3A : vector<16xi32>
        scf.yield %add3A_2042 : vector<16xi32>
      }
      %while3A_1695 = arith.constant 1 : i32
      %while3A_1696 = scf.for %while3A_1975 = %while3A_1692 to %while3A_1688 step %while3A_1695 iter_args(%while3A_1976 = %while3A_1694) -> (vector<16xi32>)  : i32 {
        %jit3A_1977 = arith.constant 16 : i32
        %div3A_1978 = arith.divsi %while3A_1975, %jit3A_1977 : i32
        %sign3A_1979 = arith.constant 0 : i32
        %sign3A_1980 = arith.cmpi sgt, %while3A_1975, %sign3A_1979 : i32
        %sign3A_1981 = arith.extui %sign3A_1980 : i1 to i32
        %sign3A_1982 = arith.constant 0 : i32
        %sign3A_1983 = arith.cmpi slt, %while3A_1975, %sign3A_1982 : i32
        %sign3A_1984 = arith.extui %sign3A_1983 : i1 to i32
        %sign3A_1985 = arith.subi %sign3A_1981, %sign3A_1984 : i32
        %sign3A_1986 = arith.constant 0 : i32
        %sign3A_1987 = arith.cmpi sgt, %jit3A_1977, %sign3A_1986 : i32
        %sign3A_1988 = arith.extui %sign3A_1987 : i1 to i32
        %sign3A_1989 = arith.constant 0 : i32
        %sign3A_1990 = arith.cmpi slt, %jit3A_1977, %sign3A_1989 : i32
        %sign3A_1991 = arith.extui %sign3A_1990 : i1 to i32
        %sign3A_1992 = arith.subi %sign3A_1988, %sign3A_1991 : i32
        %ne3A_1993 = arith.cmpi ne, %sign3A_1985, %sign3A_1992 : i32
        %rem3A_1994 = arith.remsi %while3A_1975, %jit3A_1977 : i32
        %ne3A_1995 = arith.constant 0 : i32
        %ne3A_1996 = arith.cmpi ne, %rem3A_1994, %ne3A_1995 : i32
        %and3A_1997 = arith.andi %ne3A_1993, %ne3A_1996 : i1
        %sub3A_1998 = arith.constant 1 : i32
        %sub3A_1999 = arith.subi %div3A_1978, %sub3A_1998 : i32
        %select_n3A_2000 = arith.select %and3A_1997, %sub3A_1999, %div3A_1978 : i32
        %mul3A_2001 = arith.constant 16 : i32
        %mul3A_2002 = arith.muli %select_n3A_2000, %mul3A_2001 : i32
        %get3A_2003 = arith.index_cast %mul3A_2002 : i32 to index
        %get3A_2004 = tpu.vector_load %arg10[%get3A_2003] {strides = array<i32>} : memref<2048xi32, #tpu.memory_space<vmem>>, vector<16xi32>,
        %jit3A_2005 = arith.constant 16 : i32
        %eq3A_2006 = arith.constant 0 : i32
        %eq3A_2007 = arith.cmpi eq, %jit3A_2005, %eq3A_2006 : i32
        %jit3A_2008 = arith.constant 1 : i32
        %select_n3A_2009 = arith.select %eq3A_2007, %jit3A_2008, %jit3A_2005 : i32
        %rem3A_2010 = arith.remsi %while3A_1975, %select_n3A_2009 : i32
        %ne3A_2011 = arith.constant 0 : i32
        %ne3A_2012 = arith.cmpi ne, %rem3A_2010, %ne3A_2011 : i32
        %lt3A = arith.constant 0 : i32
        %lt3A_2013 = arith.cmpi slt, %rem3A_2010, %lt3A : i32
        %lt3A_2014 = arith.constant 0 : i32
        %lt3A_2015 = arith.cmpi slt, %select_n3A_2009, %lt3A_2014 : i32
        %ne3A_2016 = arith.xori %lt3A_2013, %lt3A_2015 : i1
        %and3A_2017 = arith.andi %ne3A_2016, %ne3A_2012 : i1
        %add3A_2018 = arith.addi %rem3A_2010, %select_n3A_2009 : i32
        %select_n3A_2019 = arith.select %and3A_2017, %add3A_2018, %rem3A_2010 : i32
        %broadcast_in_dim3A_2020 = vector.broadcast %select_n3A_2019 : i32 to vector<16xi32>
        %broadcast_in_dim3A_2021 = vector.shape_cast %broadcast_in_dim3A_2020 : vector<16xi32> to vector<16x1xi32>
        %gather3A = vector.shape_cast %broadcast_in_dim3A_2021 : vector<16x1xi32> to vector<16xi32>
        %gather3A_2022 = tpu.dynamic_gather %get3A_2004[%gather3A] in [0] : vector<16xi32>, vector<16xi32> -> vector<16xi32>
        %slice3A_2023 = vector.extract_strided_slice %gather3A_2022 {offsets = [0], sizes = [1], strides = [1]} : vector<16xi32> to vector<1xi32>
        %squeeze3A_2024 = vector.extract %slice3A_2023[0] : i32 from vector<1xi32>
        %mul3A_2025 = arith.constant 16 : i32
        %mul3A_2026 = arith.muli %squeeze3A_2024, %mul3A_2025 : i32
        %get3A_2027 = arith.index_cast %mul3A_2026 : i32 to index
        %get3A_2028 = tpu.vector_load %arg7[%get3A_2027] {strides = array<i32>} : memref<32768xf32, #tpu.memory_space<vmem>>, vector<16xf32>,
        %ge3A = arith.cmpf oge, %get3A_2028, %broadcast_in_dim3A_1678 : vector<16xf32>
        %jit3A_2029 = arith.constant 1 : i32
        %jit3A_2030 = arith.constant 0 : i32
        %broadcast_in_dim3A_2031 = vector.broadcast %jit3A_2029 : i32 to vector<16xi32>
        %broadcast_in_dim3A_2032 = vector.broadcast %jit3A_2030 : i32 to vector<16xi32>
        %select_n3A_2033 = arith.select %ge3A, %broadcast_in_dim3A_2031, %broadcast_in_dim3A_2032 : vector<16xi1>, vector<16xi32>
        %broadcast_in_dim3A_2034 = arith.constant true
        %broadcast_in_dim3A_2035 = vector.broadcast %broadcast_in_dim3A_2034 : i1 to vector<16xi1>
        %masked_cumsum3A = tpu.scan <sum>, %select_n3A_2033 masked %broadcast_in_dim3A_2035 : vector<16xi32>, vector<16xi1> -> vector<16xi32>
        %all_reduce_population_count3A = tpu.all_reduce %ge3A {dim = 0 : i64, kind = #tpu.reduction_kind<sum>} : vector<16xi1> -> vector<16xi32>
        %add3A_2036 = arith.addi %while3A_1976, %masked_cumsum3A : vector<16xi32>
        %sub3A_2037 = arith.constant 1 : i32
        %sub3A_2038 = vector.broadcast %sub3A_2037 : i32 to vector<16xi32>
        %sub3A_2039 = arith.subi %add3A_2036, %sub3A_2038 : vector<16xi32>
        tpu.vector_store_idx %arg8[%sub3A_2039], %get3A_2028 masked %ge3A : memref<33024xf32, #tpu.memory_space<vmem>>[vector<16xi32>], vector<16xf32>, vector<16xi1>
        %broadcast_in_dim3A_2040 = vector.broadcast %mul3A_2026 : i32 to vector<16xi32>
        %add3A_2041 = arith.addi %broadcast_in_dim3A_2040, %iota3A : vector<16xi32>
        tpu.vector_store_idx %arg9[%sub3A_2039], %add3A_2041 masked %ge3A : memref<33024xi32, #tpu.memory_space<vmem>>[vector<16xi32>], vector<16xi32>, vector<16xi1>
        %add3A_2042 = arith.addi %while3A_1976, %all_reduce_population_count3A : vector<16xi32>
        scf.yield %add3A_2042 : vector<16xi32>
      }
      %slice3A_1697 = vector.extract_strided_slice %while3A_1696 {offsets = [0], sizes = [1], strides = [1]} : vector<16xi32> to vector<1xi32>
      %squeeze3A_1698 = vector.extract %slice3A_1697[0] : i32 from vector<1xi32>
      %add3A_1699 = arith.constant 0 : i32
      %add3A_1700 = vector.broadcast %add3A_1699 : i32 to vector<16xi32>
      %add3A_1701 = arith.addi %iota3A, %add3A_1700 : vector<16xi32>
      %add3A_1702 = arith.addi %while3A_1696, %add3A_1701 : vector<16xi32>
      tpu.vector_store_idx %arg8[%add3A_1702], %broadcast_in_dim3A_3 : memref<33024xf32, #tpu.memory_space<vmem>>[vector<16xi32>], vector<16xf32>,
      %broadcast_in_dim3A_1703 = arith.constant 1073741824 : i32
      %broadcast_in_dim3A_1704 = vector.broadcast %broadcast_in_dim3A_1703 : i32 to vector<16xi32>
      tpu.vector_store_idx %arg9[%add3A_1702], %broadcast_in_dim3A_1704 : memref<33024xi32, #tpu.memory_space<vmem>>[vector<16xi32>], vector<16xi32>,
      %add3A_1705 = arith.constant 16 : i32
      %add3A_1706 = vector.broadcast %add3A_1705 : i32 to vector<16xi32>
      %add3A_1707 = arith.addi %iota3A, %add3A_1706 : vector<16xi32>
      %add3A_1708 = arith.addi %while3A_1696, %add3A_1707 : vector<16xi32>
      tpu.vector_store_idx %arg8[%add3A_1708], %broadcast_in_dim3A_3 : memref<33024xf32, #tpu.memory_space<vmem>>[vector<16xi32>], vector<16xf32>,
      %broadcast_in_dim3A_1709 = arith.constant 1073741824 : i32
      %broadcast_in_dim3A_1710 = vector.broadcast %broadcast_in_dim3A_1709 : i32 to vector<16xi32>
      tpu.vector_store_idx %arg9[%add3A_1708], %broadcast_in_dim3A_1710 : memref<33024xi32, #tpu.memory_space<vmem>>[vector<16xi32>], vector<16xi32>,
      %add3A_1711 = arith.constant 32 : i32
      %add3A_1712 = vector.broadcast %add3A_1711 : i32 to vector<16xi32>
      %add3A_1713 = arith.addi %iota3A, %add3A_1712 : vector<16xi32>
      %add3A_1714 = arith.addi %while3A_1696, %add3A_1713 : vector<16xi32>
      tpu.vector_store_idx %arg8[%add3A_1714], %broadcast_in_dim3A_3 : memref<33024xf32, #tpu.memory_space<vmem>>[vector<16xi32>], vector<16xf32>,
      %broadcast_in_dim3A_1715 = arith.constant 1073741824 : i32
      %broadcast_in_dim3A_1716 = vector.broadcast %broadcast_in_dim3A_1715 : i32 to vector<16xi32>
      tpu.vector_store_idx %arg9[%add3A_1714], %broadcast_in_dim3A_1716 : memref<33024xi32, #tpu.memory_space<vmem>>[vector<16xi32>], vector<16xi32>,
      %add3A_1717 = arith.constant 48 : i32
      %add3A_1718 = vector.broadcast %add3A_1717 : i32 to vector<16xi32>
      %add3A_1719 = arith.addi %iota3A, %add3A_1718 : vector<16xi32>
      %add3A_1720 = arith.addi %while3A_1696, %add3A_1719 : vector<16xi32>
      tpu.vector_store_idx %arg8[%add3A_1720], %broadcast_in_dim3A_3 : memref<33024xf32, #tpu.memory_space<vmem>>[vector<16xi32>], vector<16xf32>,
      %broadcast_in_dim3A_1721 = arith.constant 1073741824 : i32
      %broadcast_in_dim3A_1722 = vector.broadcast %broadcast_in_dim3A_1721 : i32 to vector<16xi32>
      tpu.vector_store_idx %arg9[%add3A_1720], %broadcast_in_dim3A_1722 : memref<33024xi32, #tpu.memory_space<vmem>>[vector<16xi32>], vector<16xi32>,
      %get3A_1723 = arith.constant 0 : index
      %get3A_1724 = tpu.vector_load %arg8[%get3A_1723] {strides = array<i32>} : memref<33024xf32, #tpu.memory_space<vmem>>, vector<16xf32>,
      %get3A_1725 = arith.constant 16 : index
      %get3A_1726 = tpu.vector_load %arg8[%get3A_1725] {strides = array<i32>} : memref<33024xf32, #tpu.memory_space<vmem>>, vector<16xf32>,
      %get3A_1727 = arith.constant 32 : index
      %get3A_1728 = tpu.vector_load %arg8[%get3A_1727] {strides = array<i32>} : memref<33024xf32, #tpu.memory_space<vmem>>, vector<16xf32>,
      %get3A_1729 = arith.constant 48 : index
      %get3A_1730 = tpu.vector_load %arg8[%get3A_1729] {strides = array<i32>} : memref<33024xf32, #tpu.memory_space<vmem>>, vector<16xf32>,
      %sort3A_1731 = arith.constant dense<true> : vector<16xi1>
      %sort3A_1732, %sort3A_1733, %sort3A_1734 = tpu.sort %get3A_1724, %get3A_1724 masked %sort3A_1731 : (vector<16xf32>, vector<16xf32>, vector<16xi1>) -> (vector<16xi1>, vector<16xf32>, vector<16xf32>)
      %rev3A_1735 = arith.constant 15 : i32
      %rev3A_1736 = vector.broadcast %rev3A_1735 : i32 to vector<16xi32>
      %rev3A_1737 = tpu.iota {dimensions = array<i32: 0>} : vector<16xi32>
      %rev3A_1738 = arith.subi %rev3A_1736, %rev3A_1737 : vector<16xi32>
      %rev3A_1739 = tpu.dynamic_gather %sort3A_1733[%rev3A_1738] in [0] : vector<16xf32>, vector<16xi32> -> vector<16xf32>
      %sort3A_1740 = arith.constant dense<true> : vector<16xi1>
      %sort3A_1741, %sort3A_1742, %sort3A_1743 = tpu.sort %get3A_1726, %get3A_1726 masked %sort3A_1740 : (vector<16xf32>, vector<16xf32>, vector<16xi1>) -> (vector<16xi1>, vector<16xf32>, vector<16xf32>)
      %rev3A_1744 = arith.constant 15 : i32
      %rev3A_1745 = vector.broadcast %rev3A_1744 : i32 to vector<16xi32>
      %rev3A_1746 = tpu.iota {dimensions = array<i32: 0>} : vector<16xi32>
      %rev3A_1747 = arith.subi %rev3A_1745, %rev3A_1746 : vector<16xi32>
      %rev3A_1748 = tpu.dynamic_gather %sort3A_1742[%rev3A_1747] in [0] : vector<16xf32>, vector<16xi32> -> vector<16xf32>
      %rev3A_1749 = arith.constant 15 : i32
      %rev3A_1750 = vector.broadcast %rev3A_1749 : i32 to vector<16xi32>
      %rev3A_1751 = tpu.iota {dimensions = array<i32: 0>} : vector<16xi32>
      %rev3A_1752 = arith.subi %rev3A_1750, %rev3A_1751 : vector<16xi32>
      %rev3A_1753 = tpu.dynamic_gather %rev3A_1748[%rev3A_1752] in [0] : vector<16xf32>, vector<16xi32> -> vector<16xf32>
      %max3A_1754 = arith.maximumf %rev3A_1739, %rev3A_1753 : vector<16xf32>
      %sort3A_1755 = arith.constant dense<true> : vector<16xi1>
      %sort3A_1756, %sort3A_1757, %sort3A_1758 = tpu.sort %max3A_1754, %max3A_1754 masked %sort3A_1755 : (vector<16xf32>, vector<16xf32>, vector<16xi1>) -> (vector<16xi1>, vector<16xf32>, vector<16xf32>)
      %rev3A_1759 = arith.constant 15 : i32
      %rev3A_1760 = vector.broadcast %rev3A_1759 : i32 to vector<16xi32>
      %rev3A_1761 = tpu.iota {dimensions = array<i32: 0>} : vector<16xi32>
      %rev3A_1762 = arith.subi %rev3A_1760, %rev3A_1761 : vector<16xi32>
      %rev3A_1763 = tpu.dynamic_gather %sort3A_1757[%rev3A_1762] in [0] : vector<16xf32>, vector<16xi32> -> vector<16xf32>
      %min3A_1764 = arith.minimumf %rev3A_1739, %rev3A_1753 : vector<16xf32>
      %sort3A_1765 = arith.constant dense<true> : vector<16xi1>
      %sort3A_1766, %sort3A_1767, %sort3A_1768 = tpu.sort %min3A_1764, %min3A_1764 masked %sort3A_1765 : (vector<16xf32>, vector<16xf32>, vector<16xi1>) -> (vector<16xi1>, vector<16xf32>, vector<16xf32>)
      %rev3A_1769 = arith.constant 15 : i32
      %rev3A_1770 = vector.broadcast %rev3A_1769 : i32 to vector<16xi32>
      %rev3A_1771 = tpu.iota {dimensions = array<i32: 0>} : vector<16xi32>
      %rev3A_1772 = arith.subi %rev3A_1770, %rev3A_1771 : vector<16xi32>
      %rev3A_1773 = tpu.dynamic_gather %sort3A_1767[%rev3A_1772] in [0] : vector<16xf32>, vector<16xi32> -> vector<16xf32>
      %sort3A_1774 = arith.constant dense<true> : vector<16xi1>
      %sort3A_1775, %sort3A_1776, %sort3A_1777 = tpu.sort %get3A_1728, %get3A_1728 masked %sort3A_1774 : (vector<16xf32>, vector<16xf32>, vector<16xi1>) -> (vector<16xi1>, vector<16xf32>, vector<16xf32>)
      %rev3A_1778 = arith.constant 15 : i32
      %rev3A_1779 = vector.broadcast %rev3A_1778 : i32 to vector<16xi32>
      %rev3A_1780 = tpu.iota {dimensions = array<i32: 0>} : vector<16xi32>
      %rev3A_1781 = arith.subi %rev3A_1779, %rev3A_1780 : vector<16xi32>
      %rev3A_1782 = tpu.dynamic_gather %sort3A_1776[%rev3A_1781] in [0] : vector<16xf32>, vector<16xi32> -> vector<16xf32>
      %sort3A_1783 = arith.constant dense<true> : vector<16xi1>
      %sort3A_1784, %sort3A_1785, %sort3A_1786 = tpu.sort %get3A_1730, %get3A_1730 masked %sort3A_1783 : (vector<16xf32>, vector<16xf32>, vector<16xi1>) -> (vector<16xi1>, vector<16xf32>, vector<16xf32>)
      %rev3A_1787 = arith.constant 15 : i32
      %rev3A_1788 = vector.broadcast %rev3A_1787 : i32 to vector<16xi32>
      %rev3A_1789 = tpu.iota {dimensions = array<i32: 0>} : vector<16xi32>
      %rev3A_1790 = arith.subi %rev3A_1788, %rev3A_1789 : vector<16xi32>
      %rev3A_1791 = tpu.dynamic_gather %sort3A_1785[%rev3A_1790] in [0] : vector<16xf32>, vector<16xi32> -> vector<16xf32>
      %rev3A_1792 = arith.constant 15 : i32
      %rev3A_1793 = vector.broadcast %rev3A_1792 : i32 to vector<16xi32>
      %rev3A_1794 = tpu.iota {dimensions = array<i32: 0>} : vector<16xi32>
      %rev3A_1795 = arith.subi %rev3A_1793, %rev3A_1794 : vector<16xi32>
      %rev3A_1796 = tpu.dynamic_gather %rev3A_1791[%rev3A_1795] in [0] : vector<16xf32>, vector<16xi32> -> vector<16xf32>
      %max3A_1797 = arith.maximumf %rev3A_1782, %rev3A_1796 : vector<16xf32>
      %sort3A_1798 = arith.constant dense<true> : vector<16xi1>
      %sort3A_1799, %sort3A_1800, %sort3A_1801 = tpu.sort %max3A_1797, %max3A_1797 masked %sort3A_1798 : (vector<16xf32>, vector<16xf32>, vector<16xi1>) -> (vector<16xi1>, vector<16xf32>, vector<16xf32>)
      %rev3A_1802 = arith.constant 15 : i32
      %rev3A_1803 = vector.broadcast %rev3A_1802 : i32 to vector<16xi32>
      %rev3A_1804 = tpu.iota {dimensions = array<i32: 0>} : vector<16xi32>
      %rev3A_1805 = arith.subi %rev3A_1803, %rev3A_1804 : vector<16xi32>
      %rev3A_1806 = tpu.dynamic_gather %sort3A_1800[%rev3A_1805] in [0] : vector<16xf32>, vector<16xi32> -> vector<16xf32>
      %min3A_1807 = arith.minimumf %rev3A_1782, %rev3A_1796 : vector<16xf32>
      %sort3A_1808 = arith.constant dense<true> : vector<16xi1>
      %sort3A_1809, %sort3A_1810, %sort3A_1811 = tpu.sort %min3A_1807, %min3A_1807 masked %sort3A_1808 : (vector<16xf32>, vector<16xf32>, vector<16xi1>) -> (vector<16xi1>, vector<16xf32>, vector<16xf32>)
      %rev3A_1812 = arith.constant 15 : i32
      %rev3A_1813 = vector.broadcast %rev3A_1812 : i32 to vector<16xi32>
      %rev3A_1814 = tpu.iota {dimensions = array<i32: 0>} : vector<16xi32>
      %rev3A_1815 = arith.subi %rev3A_1813, %rev3A_1814 : vector<16xi32>
      %rev3A_1816 = tpu.dynamic_gather %sort3A_1810[%rev3A_1815] in [0] : vector<16xf32>, vector<16xi32> -> vector<16xf32>
      %rev3A_1817 = arith.constant 15 : i32
      %rev3A_1818 = vector.broadcast %rev3A_1817 : i32 to vector<16xi32>
      %rev3A_1819 = tpu.iota {dimensions = array<i32: 0>} : vector<16xi32>
      %rev3A_1820 = arith.subi %rev3A_1818, %rev3A_1819 : vector<16xi32>
      %rev3A_1821 = tpu.dynamic_gather %rev3A_1816[%rev3A_1820] in [0] : vector<16xf32>, vector<16xi32> -> vector<16xf32>
      %rev3A_1822 = arith.constant 15 : i32
      %rev3A_1823 = vector.broadcast %rev3A_1822 : i32 to vector<16xi32>
      %rev3A_1824 = tpu.iota {dimensions = array<i32: 0>} : vector<16xi32>
      %rev3A_1825 = arith.subi %rev3A_1823, %rev3A_1824 : vector<16xi32>
      %rev3A_1826 = tpu.dynamic_gather %rev3A_1806[%rev3A_1825] in [0] : vector<16xf32>, vector<16xi32> -> vector<16xf32>
      %max3A_1827 = arith.maximumf %rev3A_1763, %rev3A_1821 : vector<16xf32>
      %max3A_1828 = arith.maximumf %rev3A_1773, %rev3A_1826 : vector<16xf32>
      %min3A_1829 = arith.minimumf %rev3A_1763, %rev3A_1821 : vector<16xf32>
      %min3A_1830 = arith.minimumf %rev3A_1773, %rev3A_1826 : vector<16xf32>
      %max3A_1831 = arith.maximumf %max3A_1827, %max3A_1828 : vector<16xf32>
      %min3A_1832 = arith.minimumf %max3A_1827, %max3A_1828 : vector<16xf32>
      %sort3A_1833 = arith.constant dense<true> : vector<16xi1>
      %sort3A_1834, %sort3A_1835, %sort3A_1836 = tpu.sort %max3A_1831, %max3A_1831 masked %sort3A_1833 : (vector<16xf32>, vector<16xf32>, vector<16xi1>) -> (vector<16xi1>, vector<16xf32>, vector<16xf32>)
      %rev3A_1837 = arith.constant 15 : i32
      %rev3A_1838 = vector.broadcast %rev3A_1837 : i32 to vector<16xi32>
      %rev3A_1839 = tpu.iota {dimensions = array<i32: 0>} : vector<16xi32>
      %rev3A_1840 = arith.subi %rev3A_1838, %rev3A_1839 : vector<16xi32>
      %rev3A_1841 = tpu.dynamic_gather %sort3A_1835[%rev3A_1840] in [0] : vector<16xf32>, vector<16xi32> -> vector<16xf32>
      %sort3A_1842 = arith.constant dense<true> : vector<16xi1>
      %sort3A_1843, %sort3A_1844, %sort3A_1845 = tpu.sort %min3A_1832, %min3A_1832 masked %sort3A_1842 : (vector<16xf32>, vector<16xf32>, vector<16xi1>) -> (vector<16xi1>, vector<16xf32>, vector<16xf32>)
      %rev3A_1846 = arith.constant 15 : i32
      %rev3A_1847 = vector.broadcast %rev3A_1846 : i32 to vector<16xi32>
      %rev3A_1848 = tpu.iota {dimensions = array<i32: 0>} : vector<16xi32>
      %rev3A_1849 = arith.subi %rev3A_1847, %rev3A_1848 : vector<16xi32>
      %rev3A_1850 = tpu.dynamic_gather %sort3A_1844[%rev3A_1849] in [0] : vector<16xf32>, vector<16xi32> -> vector<16xf32>
      %max3A_1851 = arith.maximumf %min3A_1829, %min3A_1830 : vector<16xf32>
      %min3A_1852 = arith.minimumf %min3A_1829, %min3A_1830 : vector<16xf32>
      %sort3A_1853 = arith.constant dense<true> : vector<16xi1>
      %sort3A_1854, %sort3A_1855, %sort3A_1856 = tpu.sort %max3A_1851, %max3A_1851 masked %sort3A_1853 : (vector<16xf32>, vector<16xf32>, vector<16xi1>) -> (vector<16xi1>, vector<16xf32>, vector<16xf32>)
      %rev3A_1857 = arith.constant 15 : i32
      %rev3A_1858 = vector.broadcast %rev3A_1857 : i32 to vector<16xi32>
      %rev3A_1859 = tpu.iota {dimensions = array<i32: 0>} : vector<16xi32>
      %rev3A_1860 = arith.subi %rev3A_1858, %rev3A_1859 : vector<16xi32>
      %rev3A_1861 = tpu.dynamic_gather %sort3A_1855[%rev3A_1860] in [0] : vector<16xf32>, vector<16xi32> -> vector<16xf32>
      %sort3A_1862 = arith.constant dense<true> : vector<16xi1>
      %sort3A_1863, %sort3A_1864, %sort3A_1865 = tpu.sort %min3A_1852, %min3A_1852 masked %sort3A_1862 : (vector<16xf32>, vector<16xf32>, vector<16xi1>) -> (vector<16xi1>, vector<16xf32>, vector<16xf32>)
      %rev3A_1866 = arith.constant 15 : i32
      %rev3A_1867 = vector.broadcast %rev3A_1866 : i32 to vector<16xi32>
      %rev3A_1868 = tpu.iota {dimensions = array<i32: 0>} : vector<16xi32>
      %rev3A_1869 = arith.subi %rev3A_1867, %rev3A_1868 : vector<16xi32>
      %rev3A_1870 = tpu.dynamic_gather %sort3A_1864[%rev3A_1869] in [0] : vector<16xf32>, vector<16xi32> -> vector<16xf32>
      %add3A_1871 = arith.constant 63 : i32
      %add3A_1872 = arith.addi %squeeze3A_1698, %add3A_1871 : i32
      %jit3A = arith.constant 64 : i32
      %div3A = arith.divsi %add3A_1872, %jit3A : i32
      %sign3A = arith.constant 0 : i32
      %sign3A_1873 = arith.cmpi sgt, %add3A_1872, %sign3A : i32
      %sign3A_1874 = arith.extui %sign3A_1873 : i1 to i32
      %sign3A_1875 = arith.constant 0 : i32
      %sign3A_1876 = arith.cmpi slt, %add3A_1872, %sign3A_1875 : i32
      %sign3A_1877 = arith.extui %sign3A_1876 : i1 to i32
      %sign3A_1878 = arith.subi %sign3A_1874, %sign3A_1877 : i32
      %sign3A_1879 = arith.constant 0 : i32
      %sign3A_1880 = arith.cmpi sgt, %jit3A, %sign3A_1879 : i32
      %sign3A_1881 = arith.extui %sign3A_1880 : i1 to i32
      %sign3A_1882 = arith.constant 0 : i32
      %sign3A_1883 = arith.cmpi slt, %jit3A, %sign3A_1882 : i32
      %sign3A_1884 = arith.extui %sign3A_1883 : i1 to i32
      %sign3A_1885 = arith.subi %sign3A_1881, %sign3A_1884 : i32
      %ne3A = arith.cmpi ne, %sign3A_1878, %sign3A_1885 : i32
      %rem3A = arith.remsi %add3A_1872, %jit3A : i32
      %ne3A_1886 = arith.constant 0 : i32
      %ne3A_1887 = arith.cmpi ne, %rem3A, %ne3A_1886 : i32
      %and3A = arith.andi %ne3A, %ne3A_1887 : i1
      %sub3A = arith.constant 1 : i32
      %sub3A_1888 = arith.subi %div3A, %sub3A : i32
      %select_n3A = arith.select %and3A, %sub3A_1888, %div3A : i32
      %while3A_1889 = arith.constant 1 : i32
      %while3A_1890 = arith.subi %select_n3A, %while3A_1889 : i32
      %while3A_1891 = arith.addi %while3A_1889, %while3A_1890 : i32
      %while3A_1892 = arith.constant 1 : i32
      %while3A_1893 = arith.divsi %while3A_1890, %while3A_1892 : i32
      %while3A_1894 = arith.muli %while3A_1893, %while3A_1892 : i32
      %while3A_1895 = arith.addi %while3A_1889, %while3A_1894 : i32
      %while3A_1896 = arith.constant 1 : i32
      %while3A_1897:4 = scf.for %while3A_1975 = %while3A_1889 to %while3A_1895 step %while3A_1896 iter_args(%while3A_1976 = %rev3A_1841, %while3A_1977 = %rev3A_1850, %while3A_1978 = %rev3A_1861, %while3A_1979 = %rev3A_1870) -> (vector<16xf32>, vector<16xf32>, vector<16xf32>, vector<16xf32>)  : i32 {
        %mul3A_1980 = arith.constant 64 : i32
        %mul3A_1981 = arith.muli %while3A_1975, %mul3A_1980 : i32
        %get3A_1982 = arith.index_cast %mul3A_1981 : i32 to index
        %get3A_1983 = tpu.vector_load %arg8[%get3A_1982] {strides = array<i32>} : memref<33024xf32, #tpu.memory_space<vmem>>, vector<16xf32>,
        %add3A_1984 = arith.constant 16 : i32
        %add3A_1985 = arith.addi %mul3A_1981, %add3A_1984 : i32
        %get3A_1986 = arith.index_cast %add3A_1985 : i32 to index
        %get3A_1987 = tpu.vector_load %arg8[%get3A_1986] {strides = array<i32>} : memref<33024xf32, #tpu.memory_space<vmem>>, vector<16xf32>,
        %add3A_1988 = arith.constant 32 : i32
        %add3A_1989 = arith.addi %mul3A_1981, %add3A_1988 : i32
        %get3A_1990 = arith.index_cast %add3A_1989 : i32 to index
        %get3A_1991 = tpu.vector_load %arg8[%get3A_1990] {strides = array<i32>} : memref<33024xf32, #tpu.memory_space<vmem>>, vector<16xf32>,
        %add3A_1992 = arith.constant 48 : i32
        %add3A_1993 = arith.addi %mul3A_1981, %add3A_1992 : i32
        %get3A_1994 = arith.index_cast %add3A_1993 : i32 to index
        %get3A_1995 = tpu.vector_load %arg8[%get3A_1994] {strides = array<i32>} : memref<33024xf32, #tpu.memory_space<vmem>>, vector<16xf32>,
        %sort3A_1996 = arith.constant dense<true> : vector<16xi1>
        %sort3A_1997, %sort3A_1998, %sort3A_1999 = tpu.sort %get3A_1983, %get3A_1983 masked %sort3A_1996 : (vector<16xf32>, vector<16xf32>, vector<16xi1>) -> (vector<16xi1>, vector<16xf32>, vector<16xf32>)
        %rev3A_2000 = arith.constant 15 : i32
        %rev3A_2001 = vector.broadcast %rev3A_2000 : i32 to vector<16xi32>
        %rev3A_2002 = tpu.iota {dimensions = array<i32: 0>} : vector<16xi32>
        %rev3A_2003 = arith.subi %rev3A_2001, %rev3A_2002 : vector<16xi32>
        %rev3A_2004 = tpu.dynamic_gather %sort3A_1998[%rev3A_2003] in [0] : vector<16xf32>, vector<16xi32> -> vector<16xf32>
        %sort3A_2005 = arith.constant dense<true> : vector<16xi1>
        %sort3A_2006, %sort3A_2007, %sort3A_2008 = tpu.sort %get3A_1987, %get3A_1987 masked %sort3A_2005 : (vector<16xf32>, vector<16xf32>, vector<16xi1>) -> (vector<16xi1>, vector<16xf32>, vector<16xf32>)
        %rev3A_2009 = arith.constant 15 : i32
        %rev3A_2010 = vector.broadcast %rev3A_2009 : i32 to vector<16xi32>
        %rev3A_2011 = tpu.iota {dimensions = array<i32: 0>} : vector<16xi32>
        %rev3A_2012 = arith.subi %rev3A_2010, %rev3A_2011 : vector<16xi32>
        %rev3A_2013 = tpu.dynamic_gather %sort3A_2007[%rev3A_2012] in [0] : vector<16xf32>, vector<16xi32> -> vector<16xf32>
        %rev3A_2014 = arith.constant 15 : i32
        %rev3A_2015 = vector.broadcast %rev3A_2014 : i32 to vector<16xi32>
        %rev3A_2016 = tpu.iota {dimensions = array<i32: 0>} : vector<16xi32>
        %rev3A_2017 = arith.subi %rev3A_2015, %rev3A_2016 : vector<16xi32>
        %rev3A_2018 = tpu.dynamic_gather %rev3A_2013[%rev3A_2017] in [0] : vector<16xf32>, vector<16xi32> -> vector<16xf32>
        %max3A_2019 = arith.maximumf %rev3A_2004, %rev3A_2018 : vector<16xf32>
        %sort3A_2020 = arith.constant dense<true> : vector<16xi1>
        %sort3A_2021, %sort3A_2022, %sort3A_2023 = tpu.sort %max3A_2019, %max3A_2019 masked %sort3A_2020 : (vector<16xf32>, vector<16xf32>, vector<16xi1>) -> (vector<16xi1>, vector<16xf32>, vector<16xf32>)
        %rev3A_2024 = arith.constant 15 : i32
        %rev3A_2025 = vector.broadcast %rev3A_2024 : i32 to vector<16xi32>
        %rev3A_2026 = tpu.iota {dimensions = array<i32: 0>} : vector<16xi32>
        %rev3A_2027 = arith.subi %rev3A_2025, %rev3A_2026 : vector<16xi32>
        %rev3A_2028 = tpu.dynamic_gather %sort3A_2022[%rev3A_2027] in [0] : vector<16xf32>, vector<16xi32> -> vector<16xf32>
        %min3A_2029 = arith.minimumf %rev3A_2004, %rev3A_2018 : vector<16xf32>
        %sort3A_2030 = arith.constant dense<true> : vector<16xi1>
        %sort3A_2031, %sort3A_2032, %sort3A_2033 = tpu.sort %min3A_2029, %min3A_2029 masked %sort3A_2030 : (vector<16xf32>, vector<16xf32>, vector<16xi1>) -> (vector<16xi1>, vector<16xf32>, vector<16xf32>)
        %rev3A_2034 = arith.constant 15 : i32
        %rev3A_2035 = vector.broadcast %rev3A_2034 : i32 to vector<16xi32>
        %rev3A_2036 = tpu.iota {dimensions = array<i32: 0>} : vector<16xi32>
        %rev3A_2037 = arith.subi %rev3A_2035, %rev3A_2036 : vector<16xi32>
        %rev3A_2038 = tpu.dynamic_gather %sort3A_2032[%rev3A_2037] in [0] : vector<16xf32>, vector<16xi32> -> vector<16xf32>
        %sort3A_2039 = arith.constant dense<true> : vector<16xi1>
        %sort3A_2040, %sort3A_2041, %sort3A_2042 = tpu.sort %get3A_1991, %get3A_1991 masked %sort3A_2039 : (vector<16xf32>, vector<16xf32>, vector<16xi1>) -> (vector<16xi1>, vector<16xf32>, vector<16xf32>)
        %rev3A_2043 = arith.constant 15 : i32
        %rev3A_2044 = vector.broadcast %rev3A_2043 : i32 to vector<16xi32>
        %rev3A_2045 = tpu.iota {dimensions = array<i32: 0>} : vector<16xi32>
        %rev3A_2046 = arith.subi %rev3A_2044, %rev3A_2045 : vector<16xi32>
        %rev3A_2047 = tpu.dynamic_gather %sort3A_2041[%rev3A_2046] in [0] : vector<16xf32>, vector<16xi32> -> vector<16xf32>
        %sort3A_2048 = arith.constant dense<true> : vector<16xi1>
        %sort3A_2049, %sort3A_2050, %sort3A_2051 = tpu.sort %get3A_1995, %get3A_1995 masked %sort3A_2048 : (vector<16xf32>, vector<16xf32>, vector<16xi1>) -> (vector<16xi1>, vector<16xf32>, vector<16xf32>)
        %rev3A_2052 = arith.constant 15 : i32
        %rev3A_2053 = vector.broadcast %rev3A_2052 : i32 to vector<16xi32>
        %rev3A_2054 = tpu.iota {dimensions = array<i32: 0>} : vector<16xi32>
        %rev3A_2055 = arith.subi %rev3A_2053, %rev3A_2054 : vector<16xi32>
        %rev3A_2056 = tpu.dynamic_gather %sort3A_2050[%rev3A_2055] in [0] : vector<16xf32>, vector<16xi32> -> vector<16xf32>
        %rev3A_2057 = arith.constant 15 : i32
        %rev3A_2058 = vector.broadcast %rev3A_2057 : i32 to vector<16xi32>
        %rev3A_2059 = tpu.iota {dimensions = array<i32: 0>} : vector<16xi32>
        %rev3A_2060 = arith.subi %rev3A_2058, %rev3A_2059 : vector<16xi32>
        %rev3A_2061 = tpu.dynamic_gather %rev3A_2056[%rev3A_2060] in [0] : vector<16xf32>, vector<16xi32> -> vector<16xf32>
        %max3A_2062 = arith.maximumf %rev3A_2047, %rev3A_2061 : vector<16xf32>
        %sort3A_2063 = arith.constant dense<true> : vector<16xi1>
        %sort3A_2064, %sort3A_2065, %sort3A_2066 = tpu.sort %max3A_2062, %max3A_2062 masked %sort3A_2063 : (vector<16xf32>, vector<16xf32>, vector<16xi1>) -> (vector<16xi1>, vector<16xf32>, vector<16xf32>)
        %rev3A_2067 = arith.constant 15 : i32
        %rev3A_2068 = vector.broadcast %rev3A_2067 : i32 to vector<16xi32>
        %rev3A_2069 = tpu.iota {dimensions = array<i32: 0>} : vector<16xi32>
        %rev3A_2070 = arith.subi %rev3A_2068, %rev3A_2069 : vector<16xi32>
        %rev3A_2071 = tpu.dynamic_gather %sort3A_2065[%rev3A_2070] in [0] : vector<16xf32>, vector<16xi32> -> vector<16xf32>
        %min3A_2072 = arith.minimumf %rev3A_2047, %rev3A_2061 : vector<16xf32>
        %sort3A_2073 = arith.constant dense<true> : vector<16xi1>
        %sort3A_2074, %sort3A_2075, %sort3A_2076 = tpu.sort %min3A_2072, %min3A_2072 masked %sort3A_2073 : (vector<16xf32>, vector<16xf32>, vector<16xi1>) -> (vector<16xi1>, vector<16xf32>, vector<16xf32>)
        %rev3A_2077 = arith.constant 15 : i32
        %rev3A_2078 = vector.broadcast %rev3A_2077 : i32 to vector<16xi32>
        %rev3A_2079 = tpu.iota {dimensions = array<i32: 0>} : vector<16xi32>
        %rev3A_2080 = arith.subi %rev3A_2078, %rev3A_2079 : vector<16xi32>
        %rev3A_2081 = tpu.dynamic_gather %sort3A_2075[%rev3A_2080] in [0] : vector<16xf32>, vector<16xi32> -> vector<16xf32>
        %rev3A_2082 = arith.constant 15 : i32
        %rev3A_2083 = vector.broadcast %rev3A_2082 : i32 to vector<16xi32>
        %rev3A_2084 = tpu.iota {dimensions = array<i32: 0>} : vector<16xi32>
        %rev3A_2085 = arith.subi %rev3A_2083, %rev3A_2084 : vector<16xi32>
        %rev3A_2086 = tpu.dynamic_gather %rev3A_2081[%rev3A_2085] in [0] : vector<16xf32>, vector<16xi32> -> vector<16xf32>
        %rev3A_2087 = arith.constant 15 : i32
        %rev3A_2088 = vector.broadcast %rev3A_2087 : i32 to vector<16xi32>
        %rev3A_2089 = tpu.iota {dimensions = array<i32: 0>} : vector<16xi32>
        %rev3A_2090 = arith.subi %rev3A_2088, %rev3A_2089 : vector<16xi32>
        %rev3A_2091 = tpu.dynamic_gather %rev3A_2071[%rev3A_2090] in [0] : vector<16xf32>, vector<16xi32> -> vector<16xf32>
        %max3A_2092 = arith.maximumf %rev3A_2028, %rev3A_2086 : vector<16xf32>
        %max3A_2093 = arith.maximumf %rev3A_2038, %rev3A_2091 : vector<16xf32>
        %min3A_2094 = arith.minimumf %rev3A_2028, %rev3A_2086 : vector<16xf32>
        %min3A_2095 = arith.minimumf %rev3A_2038, %rev3A_2091 : vector<16xf32>
        %max3A_2096 = arith.maximumf %max3A_2092, %max3A_2093 : vector<16xf32>
        %min3A_2097 = arith.minimumf %max3A_2092, %max3A_2093 : vector<16xf32>
        %sort3A_2098 = arith.constant dense<true> : vector<16xi1>
        %sort3A_2099, %sort3A_2100, %sort3A_2101 = tpu.sort %max3A_2096, %max3A_2096 masked %sort3A_2098 : (vector<16xf32>, vector<16xf32>, vector<16xi1>) -> (vector<16xi1>, vector<16xf32>, vector<16xf32>)
        %rev3A_2102 = arith.constant 15 : i32
        %rev3A_2103 = vector.broadcast %rev3A_2102 : i32 to vector<16xi32>
        %rev3A_2104 = tpu.iota {dimensions = array<i32: 0>} : vector<16xi32>
        %rev3A_2105 = arith.subi %rev3A_2103, %rev3A_2104 : vector<16xi32>
        %rev3A_2106 = tpu.dynamic_gather %sort3A_2100[%rev3A_2105] in [0] : vector<16xf32>, vector<16xi32> -> vector<16xf32>
        %sort3A_2107 = arith.constant dense<true> : vector<16xi1>
        %sort3A_2108, %sort3A_2109, %sort3A_2110 = tpu.sort %min3A_2097, %min3A_2097 masked %sort3A_2107 : (vector<16xf32>, vector<16xf32>, vector<16xi1>) -> (vector<16xi1>, vector<16xf32>, vector<16xf32>)
        %rev3A_2111 = arith.constant 15 : i32
        %rev3A_2112 = vector.broadcast %rev3A_2111 : i32 to vector<16xi32>
        %rev3A_2113 = tpu.iota {dimensions = array<i32: 0>} : vector<16xi32>
        %rev3A_2114 = arith.subi %rev3A_2112, %rev3A_2113 : vector<16xi32>
        %rev3A_2115 = tpu.dynamic_gather %sort3A_2109[%rev3A_2114] in [0] : vector<16xf32>, vector<16xi32> -> vector<16xf32>
        %max3A_2116 = arith.maximumf %min3A_2094, %min3A_2095 : vector<16xf32>
        %min3A_2117 = arith.minimumf %min3A_2094, %min3A_2095 : vector<16xf32>
        %sort3A_2118 = arith.constant dense<true> : vector<16xi1>
        %sort3A_2119, %sort3A_2120, %sort3A_2121 = tpu.sort %max3A_2116, %max3A_2116 masked %sort3A_2118 : (vector<16xf32>, vector<16xf32>, vector<16xi1>) -> (vector<16xi1>, vector<16xf32>, vector<16xf32>)
        %rev3A_2122 = arith.constant 15 : i32
        %rev3A_2123 = vector.broadcast %rev3A_2122 : i32 to vector<16xi32>
        %rev3A_2124 = tpu.iota {dimensions = array<i32: 0>} : vector<16xi32>
        %rev3A_2125 = arith.subi %rev3A_2123, %rev3A_2124 : vector<16xi32>
        %rev3A_2126 = tpu.dynamic_gather %sort3A_2120[%rev3A_2125] in [0] : vector<16xf32>, vector<16xi32> -> vector<16xf32>
        %sort3A_2127 = arith.constant dense<true> : vector<16xi1>
        %sort3A_2128, %sort3A_2129, %sort3A_2130 = tpu.sort %min3A_2117, %min3A_2117 masked %sort3A_2127 : (vector<16xf32>, vector<16xf32>, vector<16xi1>) -> (vector<16xi1>, vector<16xf32>, vector<16xf32>)
        %rev3A_2131 = arith.constant 15 : i32
        %rev3A_2132 = vector.broadcast %rev3A_2131 : i32 to vector<16xi32>
        %rev3A_2133 = tpu.iota {dimensions = array<i32: 0>} : vector<16xi32>
        %rev3A_2134 = arith.subi %rev3A_2132, %rev3A_2133 : vector<16xi32>
        %rev3A_2135 = tpu.dynamic_gather %sort3A_2129[%rev3A_2134] in [0] : vector<16xf32>, vector<16xi32> -> vector<16xf32>
        %rev3A_2136 = arith.constant 15 : i32
        %rev3A_2137 = vector.broadcast %rev3A_2136 : i32 to vector<16xi32>
        %rev3A_2138 = tpu.iota {dimensions = array<i32: 0>} : vector<16xi32>
        %rev3A_2139 = arith.subi %rev3A_2137, %rev3A_2138 : vector<16xi32>
        %rev3A_2140 = tpu.dynamic_gather %rev3A_2135[%rev3A_2139] in [0] : vector<16xf32>, vector<16xi32> -> vector<16xf32>
        %rev3A_2141 = arith.constant 15 : i32
        %rev3A_2142 = vector.broadcast %rev3A_2141 : i32 to vector<16xi32>
        %rev3A_2143 = tpu.iota {dimensions = array<i32: 0>} : vector<16xi32>
        %rev3A_2144 = arith.subi %rev3A_2142, %rev3A_2143 : vector<16xi32>
        %rev3A_2145 = tpu.dynamic_gather %rev3A_2126[%rev3A_2144] in [0] : vector<16xf32>, vector<16xi32> -> vector<16xf32>
        %rev3A_2146 = arith.constant 15 : i32
        %rev3A_2147 = vector.broadcast %rev3A_2146 : i32 to vector<16xi32>
        %rev3A_2148 = tpu.iota {dimensions = array<i32: 0>} : vector<16xi32>
        %rev3A_2149 = arith.subi %rev3A_2147, %rev3A_2148 : vector<16xi32>
        %rev3A_2150 = tpu.dynamic_gather %rev3A_2115[%rev3A_2149] in [0] : vector<16xf32>, vector<16xi32> -> vector<16xf32>
        %rev3A_2151 = arith.constant 15 : i32
        %rev3A_2152 = vector.broadcast %rev3A_2151 : i32 to vector<16xi32>
        %rev3A_2153 = tpu.iota {dimensions = array<i32: 0>} : vector<16xi32>
        %rev3A_2154 = arith.subi %rev3A_2152, %rev3A_2153 : vector<16xi32>
        %rev3A_2155 = tpu.dynamic_gather %rev3A_2106[%rev3A_2154] in [0] : vector<16xf32>, vector<16xi32> -> vector<16xf32>
        %max3A_2156 = arith.maximumf %while3A_1976, %rev3A_2140 : vector<16xf32>
        %max3A_2157 = arith.maximumf %while3A_1977, %rev3A_2145 : vector<16xf32>
        %max3A_2158 = arith.maximumf %while3A_1978, %rev3A_2150 : vector<16xf32>
        %max3A_2159 = arith.maximumf %while3A_1979, %rev3A_2155 : vector<16xf32>
        %max3A_2160 = arith.maximumf %max3A_2156, %max3A_2158 : vector<16xf32>
        %max3A_2161 = arith.maximumf %max3A_2157, %max3A_2159 : vector<16xf32>
        %min3A_2162 = arith.minimumf %max3A_2156, %max3A_2158 : vector<16xf32>
        %min3A_2163 = arith.minimumf %max3A_2157, %max3A_2159 : vector<16xf32>
        %max3A_2164 = arith.maximumf %max3A_2160, %max3A_2161 : vector<16xf32>
        %min3A_2165 = arith.minimumf %max3A_2160, %max3A_2161 : vector<16xf32>
        %sort3A_2166 = arith.constant dense<true> : vector<16xi1>
        %sort3A_2167, %sort3A_2168, %sort3A_2169 = tpu.sort %max3A_2164, %max3A_2164 masked %sort3A_2166 : (vector<16xf32>, vector<16xf32>, vector<16xi1>) -> (vector<16xi1>, vector<16xf32>, vector<16xf32>)
        %rev3A_2170 = arith.constant 15 : i32
        %rev3A_2171 = vector.broadcast %rev3A_2170 : i32 to vector<16xi32>
        %rev3A_2172 = tpu.iota {dimensions = array<i32: 0>} : vector<16xi32>
        %rev3A_2173 = arith.subi %rev3A_2171, %rev3A_2172 : vector<16xi32>
        %rev3A_2174 = tpu.dynamic_gather %sort3A_2168[%rev3A_2173] in [0] : vector<16xf32>, vector<16xi32> -> vector<16xf32>
        %sort3A_2175 = arith.constant dense<true> : vector<16xi1>
        %sort3A_2176, %sort3A_2177, %sort3A_2178 = tpu.sort %min3A_2165, %min3A_2165 masked %sort3A_2175 : (vector<16xf32>, vector<16xf32>, vector<16xi1>) -> (vector<16xi1>, vector<16xf32>, vector<16xf32>)
        %rev3A_2179 = arith.constant 15 : i32
        %rev3A_2180 = vector.broadcast %rev3A_2179 : i32 to vector<16xi32>
        %rev3A_2181 = tpu.iota {dimensions = array<i32: 0>} : vector<16xi32>
        %rev3A_2182 = arith.subi %rev3A_2180, %rev3A_2181 : vector<16xi32>
        %rev3A_2183 = tpu.dynamic_gather %sort3A_2177[%rev3A_2182] in [0] : vector<16xf32>, vector<16xi32> -> vector<16xf32>
        %max3A_2184 = arith.maximumf %min3A_2162, %min3A_2163 : vector<16xf32>
        %min3A_2185 = arith.minimumf %min3A_2162, %min3A_2163 : vector<16xf32>
        %sort3A_2186 = arith.constant dense<true> : vector<16xi1>
        %sort3A_2187, %sort3A_2188, %sort3A_2189 = tpu.sort %max3A_2184, %max3A_2184 masked %sort3A_2186 : (vector<16xf32>, vector<16xf32>, vector<16xi1>) -> (vector<16xi1>, vector<16xf32>, vector<16xf32>)
        %rev3A_2190 = arith.constant 15 : i32
        %rev3A_2191 = vector.broadcast %rev3A_2190 : i32 to vector<16xi32>
        %rev3A_2192 = tpu.iota {dimensions = array<i32: 0>} : vector<16xi32>
        %rev3A_2193 = arith.subi %rev3A_2191, %rev3A_2192 : vector<16xi32>
        %rev3A_2194 = tpu.dynamic_gather %sort3A_2188[%rev3A_2193] in [0] : vector<16xf32>, vector<16xi32> -> vector<16xf32>
        %sort3A_2195 = arith.constant dense<true> : vector<16xi1>
        %sort3A_2196, %sort3A_2197, %sort3A_2198 = tpu.sort %min3A_2185, %min3A_2185 masked %sort3A_2195 : (vector<16xf32>, vector<16xf32>, vector<16xi1>) -> (vector<16xi1>, vector<16xf32>, vector<16xf32>)
        %rev3A_2199 = arith.constant 15 : i32
        %rev3A_2200 = vector.broadcast %rev3A_2199 : i32 to vector<16xi32>
        %rev3A_2201 = tpu.iota {dimensions = array<i32: 0>} : vector<16xi32>
        %rev3A_2202 = arith.subi %rev3A_2200, %rev3A_2201 : vector<16xi32>
        %rev3A_2203 = tpu.dynamic_gather %sort3A_2197[%rev3A_2202] in [0] : vector<16xf32>, vector<16xi32> -> vector<16xf32>
        scf.yield %rev3A_2174, %rev3A_2183, %rev3A_2194, %rev3A_2203 : vector<16xf32>, vector<16xf32>, vector<16xf32>, vector<16xf32>
      }
      %while3A_1898 = arith.constant 1 : i32
      %while3A_1899:4 = scf.for %while3A_1975 = %while3A_1895 to %while3A_1891 step %while3A_1898 iter_args(%while3A_1976 = %while3A_1897#0, %while3A_1977 = %while3A_1897#1, %while3A_1978 = %while3A_1897#2, %while3A_1979 = %while3A_1897#3) -> (vector<16xf32>, vector<16xf32>, vector<16xf32>, vector<16xf32>)  : i32 {
        %mul3A_1980 = arith.constant 64 : i32
        %mul3A_1981 = arith.muli %while3A_1975, %mul3A_1980 : i32
        %get3A_1982 = arith.index_cast %mul3A_1981 : i32 to index
        %get3A_1983 = tpu.vector_load %arg8[%get3A_1982] {strides = array<i32>} : memref<33024xf32, #tpu.memory_space<vmem>>, vector<16xf32>,
        %add3A_1984 = arith.constant 16 : i32
        %add3A_1985 = arith.addi %mul3A_1981, %add3A_1984 : i32
        %get3A_1986 = arith.index_cast %add3A_1985 : i32 to index
        %get3A_1987 = tpu.vector_load %arg8[%get3A_1986] {strides = array<i32>} : memref<33024xf32, #tpu.memory_space<vmem>>, vector<16xf32>,
        %add3A_1988 = arith.constant 32 : i32
        %add3A_1989 = arith.addi %mul3A_1981, %add3A_1988 : i32
        %get3A_1990 = arith.index_cast %add3A_1989 : i32 to index
        %get3A_1991 = tpu.vector_load %arg8[%get3A_1990] {strides = array<i32>} : memref<33024xf32, #tpu.memory_space<vmem>>, vector<16xf32>,
        %add3A_1992 = arith.constant 48 : i32
        %add3A_1993 = arith.addi %mul3A_1981, %add3A_1992 : i32
        %get3A_1994 = arith.index_cast %add3A_1993 : i32 to index
        %get3A_1995 = tpu.vector_load %arg8[%get3A_1994] {strides = array<i32>} : memref<33024xf32, #tpu.memory_space<vmem>>, vector<16xf32>,
        %sort3A_1996 = arith.constant dense<true> : vector<16xi1>
        %sort3A_1997, %sort3A_1998, %sort3A_1999 = tpu.sort %get3A_1983, %get3A_1983 masked %sort3A_1996 : (vector<16xf32>, vector<16xf32>, vector<16xi1>) -> (vector<16xi1>, vector<16xf32>, vector<16xf32>)
        %rev3A_2000 = arith.constant 15 : i32
        %rev3A_2001 = vector.broadcast %rev3A_2000 : i32 to vector<16xi32>
        %rev3A_2002 = tpu.iota {dimensions = array<i32: 0>} : vector<16xi32>
        %rev3A_2003 = arith.subi %rev3A_2001, %rev3A_2002 : vector<16xi32>
        %rev3A_2004 = tpu.dynamic_gather %sort3A_1998[%rev3A_2003] in [0] : vector<16xf32>, vector<16xi32> -> vector<16xf32>
        %sort3A_2005 = arith.constant dense<true> : vector<16xi1>
        %sort3A_2006, %sort3A_2007, %sort3A_2008 = tpu.sort %get3A_1987, %get3A_1987 masked %sort3A_2005 : (vector<16xf32>, vector<16xf32>, vector<16xi1>) -> (vector<16xi1>, vector<16xf32>, vector<16xf32>)
        %rev3A_2009 = arith.constant 15 : i32
        %rev3A_2010 = vector.broadcast %rev3A_2009 : i32 to vector<16xi32>
        %rev3A_2011 = tpu.iota {dimensions = array<i32: 0>} : vector<16xi32>
        %rev3A_2012 = arith.subi %rev3A_2010, %rev3A_2011 : vector<16xi32>
        %rev3A_2013 = tpu.dynamic_gather %sort3A_2007[%rev3A_2012] in [0] : vector<16xf32>, vector<16xi32> -> vector<16xf32>
        %rev3A_2014 = arith.constant 15 : i32
        %rev3A_2015 = vector.broadcast %rev3A_2014 : i32 to vector<16xi32>
        %rev3A_2016 = tpu.iota {dimensions = array<i32: 0>} : vector<16xi32>
        %rev3A_2017 = arith.subi %rev3A_2015, %rev3A_2016 : vector<16xi32>
        %rev3A_2018 = tpu.dynamic_gather %rev3A_2013[%rev3A_2017] in [0] : vector<16xf32>, vector<16xi32> -> vector<16xf32>
        %max3A_2019 = arith.maximumf %rev3A_2004, %rev3A_2018 : vector<16xf32>
        %sort3A_2020 = arith.constant dense<true> : vector<16xi1>
        %sort3A_2021, %sort3A_2022, %sort3A_2023 = tpu.sort %max3A_2019, %max3A_2019 masked %sort3A_2020 : (vector<16xf32>, vector<16xf32>, vector<16xi1>) -> (vector<16xi1>, vector<16xf32>, vector<16xf32>)
        %rev3A_2024 = arith.constant 15 : i32
        %rev3A_2025 = vector.broadcast %rev3A_2024 : i32 to vector<16xi32>
        %rev3A_2026 = tpu.iota {dimensions = array<i32: 0>} : vector<16xi32>
        %rev3A_2027 = arith.subi %rev3A_2025, %rev3A_2026 : vector<16xi32>
        %rev3A_2028 = tpu.dynamic_gather %sort3A_2022[%rev3A_2027] in [0] : vector<16xf32>, vector<16xi32> -> vector<16xf32>
        %min3A_2029 = arith.minimumf %rev3A_2004, %rev3A_2018 : vector<16xf32>
        %sort3A_2030 = arith.constant dense<true> : vector<16xi1>
        %sort3A_2031, %sort3A_2032, %sort3A_2033 = tpu.sort %min3A_2029, %min3A_2029 masked %sort3A_2030 : (vector<16xf32>, vector<16xf32>, vector<16xi1>) -> (vector<16xi1>, vector<16xf32>, vector<16xf32>)
        %rev3A_2034 = arith.constant 15 : i32
        %rev3A_2035 = vector.broadcast %rev3A_2034 : i32 to vector<16xi32>
        %rev3A_2036 = tpu.iota {dimensions = array<i32: 0>} : vector<16xi32>
        %rev3A_2037 = arith.subi %rev3A_2035, %rev3A_2036 : vector<16xi32>
        %rev3A_2038 = tpu.dynamic_gather %sort3A_2032[%rev3A_2037] in [0] : vector<16xf32>, vector<16xi32> -> vector<16xf32>
        %sort3A_2039 = arith.constant dense<true> : vector<16xi1>
        %sort3A_2040, %sort3A_2041, %sort3A_2042 = tpu.sort %get3A_1991, %get3A_1991 masked %sort3A_2039 : (vector<16xf32>, vector<16xf32>, vector<16xi1>) -> (vector<16xi1>, vector<16xf32>, vector<16xf32>)
        %rev3A_2043 = arith.constant 15 : i32
        %rev3A_2044 = vector.broadcast %rev3A_2043 : i32 to vector<16xi32>
        %rev3A_2045 = tpu.iota {dimensions = array<i32: 0>} : vector<16xi32>
        %rev3A_2046 = arith.subi %rev3A_2044, %rev3A_2045 : vector<16xi32>
        %rev3A_2047 = tpu.dynamic_gather %sort3A_2041[%rev3A_2046] in [0] : vector<16xf32>, vector<16xi32> -> vector<16xf32>
        %sort3A_2048 = arith.constant dense<true> : vector<16xi1>
        %sort3A_2049, %sort3A_2050, %sort3A_2051 = tpu.sort %get3A_1995, %get3A_1995 masked %sort3A_2048 : (vector<16xf32>, vector<16xf32>, vector<16xi1>) -> (vector<16xi1>, vector<16xf32>, vector<16xf32>)
        %rev3A_2052 = arith.constant 15 : i32
        %rev3A_2053 = vector.broadcast %rev3A_2052 : i32 to vector<16xi32>
        %rev3A_2054 = tpu.iota {dimensions = array<i32: 0>} : vector<16xi32>
        %rev3A_2055 = arith.subi %rev3A_2053, %rev3A_2054 : vector<16xi32>
        %rev3A_2056 = tpu.dynamic_gather %sort3A_2050[%rev3A_2055] in [0] : vector<16xf32>, vector<16xi32> -> vector<16xf32>
        %rev3A_2057 = arith.constant 15 : i32
        %rev3A_2058 = vector.broadcast %rev3A_2057 : i32 to vector<16xi32>
        %rev3A_2059 = tpu.iota {dimensions = array<i32: 0>} : vector<16xi32>
        %rev3A_2060 = arith.subi %rev3A_2058, %rev3A_2059 : vector<16xi32>
        %rev3A_2061 = tpu.dynamic_gather %rev3A_2056[%rev3A_2060] in [0] : vector<16xf32>, vector<16xi32> -> vector<16xf32>
        %max3A_2062 = arith.maximumf %rev3A_2047, %rev3A_2061 : vector<16xf32>
        %sort3A_2063 = arith.constant dense<true> : vector<16xi1>
        %sort3A_2064, %sort3A_2065, %sort3A_2066 = tpu.sort %max3A_2062, %max3A_2062 masked %sort3A_2063 : (vector<16xf32>, vector<16xf32>, vector<16xi1>) -> (vector<16xi1>, vector<16xf32>, vector<16xf32>)
        %rev3A_2067 = arith.constant 15 : i32
        %rev3A_2068 = vector.broadcast %rev3A_2067 : i32 to vector<16xi32>
        %rev3A_2069 = tpu.iota {dimensions = array<i32: 0>} : vector<16xi32>
        %rev3A_2070 = arith.subi %rev3A_2068, %rev3A_2069 : vector<16xi32>
        %rev3A_2071 = tpu.dynamic_gather %sort3A_2065[%rev3A_2070] in [0] : vector<16xf32>, vector<16xi32> -> vector<16xf32>
        %min3A_2072 = arith.minimumf %rev3A_2047, %rev3A_2061 : vector<16xf32>
        %sort3A_2073 = arith.constant dense<true> : vector<16xi1>
        %sort3A_2074, %sort3A_2075, %sort3A_2076 = tpu.sort %min3A_2072, %min3A_2072 masked %sort3A_2073 : (vector<16xf32>, vector<16xf32>, vector<16xi1>) -> (vector<16xi1>, vector<16xf32>, vector<16xf32>)
        %rev3A_2077 = arith.constant 15 : i32
        %rev3A_2078 = vector.broadcast %rev3A_2077 : i32 to vector<16xi32>
        %rev3A_2079 = tpu.iota {dimensions = array<i32: 0>} : vector<16xi32>
        %rev3A_2080 = arith.subi %rev3A_2078, %rev3A_2079 : vector<16xi32>
        %rev3A_2081 = tpu.dynamic_gather %sort3A_2075[%rev3A_2080] in [0] : vector<16xf32>, vector<16xi32> -> vector<16xf32>
        %rev3A_2082 = arith.constant 15 : i32
        %rev3A_2083 = vector.broadcast %rev3A_2082 : i32 to vector<16xi32>
        %rev3A_2084 = tpu.iota {dimensions = array<i32: 0>} : vector<16xi32>
        %rev3A_2085 = arith.subi %rev3A_2083, %rev3A_2084 : vector<16xi32>
        %rev3A_2086 = tpu.dynamic_gather %rev3A_2081[%rev3A_2085] in [0] : vector<16xf32>, vector<16xi32> -> vector<16xf32>
        %rev3A_2087 = arith.constant 15 : i32
        %rev3A_2088 = vector.broadcast %rev3A_2087 : i32 to vector<16xi32>
        %rev3A_2089 = tpu.iota {dimensions = array<i32: 0>} : vector<16xi32>
        %rev3A_2090 = arith.subi %rev3A_2088, %rev3A_2089 : vector<16xi32>
        %rev3A_2091 = tpu.dynamic_gather %rev3A_2071[%rev3A_2090] in [0] : vector<16xf32>, vector<16xi32> -> vector<16xf32>
        %max3A_2092 = arith.maximumf %rev3A_2028, %rev3A_2086 : vector<16xf32>
        %max3A_2093 = arith.maximumf %rev3A_2038, %rev3A_2091 : vector<16xf32>
        %min3A_2094 = arith.minimumf %rev3A_2028, %rev3A_2086 : vector<16xf32>
        %min3A_2095 = arith.minimumf %rev3A_2038, %rev3A_2091 : vector<16xf32>
        %max3A_2096 = arith.maximumf %max3A_2092, %max3A_2093 : vector<16xf32>
        %min3A_2097 = arith.minimumf %max3A_2092, %max3A_2093 : vector<16xf32>
        %sort3A_2098 = arith.constant dense<true> : vector<16xi1>
        %sort3A_2099, %sort3A_2100, %sort3A_2101 = tpu.sort %max3A_2096, %max3A_2096 masked %sort3A_2098 : (vector<16xf32>, vector<16xf32>, vector<16xi1>) -> (vector<16xi1>, vector<16xf32>, vector<16xf32>)
        %rev3A_2102 = arith.constant 15 : i32
        %rev3A_2103 = vector.broadcast %rev3A_2102 : i32 to vector<16xi32>
        %rev3A_2104 = tpu.iota {dimensions = array<i32: 0>} : vector<16xi32>
        %rev3A_2105 = arith.subi %rev3A_2103, %rev3A_2104 : vector<16xi32>
        %rev3A_2106 = tpu.dynamic_gather %sort3A_2100[%rev3A_2105] in [0] : vector<16xf32>, vector<16xi32> -> vector<16xf32>
        %sort3A_2107 = arith.constant dense<true> : vector<16xi1>
        %sort3A_2108, %sort3A_2109, %sort3A_2110 = tpu.sort %min3A_2097, %min3A_2097 masked %sort3A_2107 : (vector<16xf32>, vector<16xf32>, vector<16xi1>) -> (vector<16xi1>, vector<16xf32>, vector<16xf32>)
        %rev3A_2111 = arith.constant 15 : i32
        %rev3A_2112 = vector.broadcast %rev3A_2111 : i32 to vector<16xi32>
        %rev3A_2113 = tpu.iota {dimensions = array<i32: 0>} : vector<16xi32>
        %rev3A_2114 = arith.subi %rev3A_2112, %rev3A_2113 : vector<16xi32>
        %rev3A_2115 = tpu.dynamic_gather %sort3A_2109[%rev3A_2114] in [0] : vector<16xf32>, vector<16xi32> -> vector<16xf32>
        %max3A_2116 = arith.maximumf %min3A_2094, %min3A_2095 : vector<16xf32>
        %min3A_2117 = arith.minimumf %min3A_2094, %min3A_2095 : vector<16xf32>
        %sort3A_2118 = arith.constant dense<true> : vector<16xi1>
        %sort3A_2119, %sort3A_2120, %sort3A_2121 = tpu.sort %max3A_2116, %max3A_2116 masked %sort3A_2118 : (vector<16xf32>, vector<16xf32>, vector<16xi1>) -> (vector<16xi1>, vector<16xf32>, vector<16xf32>)
        %rev3A_2122 = arith.constant 15 : i32
        %rev3A_2123 = vector.broadcast %rev3A_2122 : i32 to vector<16xi32>
        %rev3A_2124 = tpu.iota {dimensions = array<i32: 0>} : vector<16xi32>
        %rev3A_2125 = arith.subi %rev3A_2123, %rev3A_2124 : vector<16xi32>
        %rev3A_2126 = tpu.dynamic_gather %sort3A_2120[%rev3A_2125] in [0] : vector<16xf32>, vector<16xi32> -> vector<16xf32>
        %sort3A_2127 = arith.constant dense<true> : vector<16xi1>
        %sort3A_2128, %sort3A_2129, %sort3A_2130 = tpu.sort %min3A_2117, %min3A_2117 masked %sort3A_2127 : (vector<16xf32>, vector<16xf32>, vector<16xi1>) -> (vector<16xi1>, vector<16xf32>, vector<16xf32>)
        %rev3A_2131 = arith.constant 15 : i32
        %rev3A_2132 = vector.broadcast %rev3A_2131 : i32 to vector<16xi32>
        %rev3A_2133 = tpu.iota {dimensions = array<i32: 0>} : vector<16xi32>
        %rev3A_2134 = arith.subi %rev3A_2132, %rev3A_2133 : vector<16xi32>
        %rev3A_2135 = tpu.dynamic_gather %sort3A_2129[%rev3A_2134] in [0] : vector<16xf32>, vector<16xi32> -> vector<16xf32>
        %rev3A_2136 = arith.constant 15 : i32
        %rev3A_2137 = vector.broadcast %rev3A_2136 : i32 to vector<16xi32>
        %rev3A_2138 = tpu.iota {dimensions = array<i32: 0>} : vector<16xi32>
        %rev3A_2139 = arith.subi %rev3A_2137, %rev3A_2138 : vector<16xi32>
        %rev3A_2140 = tpu.dynamic_gather %rev3A_2135[%rev3A_2139] in [0] : vector<16xf32>, vector<16xi32> -> vector<16xf32>
        %rev3A_2141 = arith.constant 15 : i32
        %rev3A_2142 = vector.broadcast %rev3A_2141 : i32 to vector<16xi32>
        %rev3A_2143 = tpu.iota {dimensions = array<i32: 0>} : vector<16xi32>
        %rev3A_2144 = arith.subi %rev3A_2142, %rev3A_2143 : vector<16xi32>
        %rev3A_2145 = tpu.dynamic_gather %rev3A_2126[%rev3A_2144] in [0] : vector<16xf32>, vector<16xi32> -> vector<16xf32>
        %rev3A_2146 = arith.constant 15 : i32
        %rev3A_2147 = vector.broadcast %rev3A_2146 : i32 to vector<16xi32>
        %rev3A_2148 = tpu.iota {dimensions = array<i32: 0>} : vector<16xi32>
        %rev3A_2149 = arith.subi %rev3A_2147, %rev3A_2148 : vector<16xi32>
        %rev3A_2150 = tpu.dynamic_gather %rev3A_2115[%rev3A_2149] in [0] : vector<16xf32>, vector<16xi32> -> vector<16xf32>
        %rev3A_2151 = arith.constant 15 : i32
        %rev3A_2152 = vector.broadcast %rev3A_2151 : i32 to vector<16xi32>
        %rev3A_2153 = tpu.iota {dimensions = array<i32: 0>} : vector<16xi32>
        %rev3A_2154 = arith.subi %rev3A_2152, %rev3A_2153 : vector<16xi32>
        %rev3A_2155 = tpu.dynamic_gather %rev3A_2106[%rev3A_2154] in [0] : vector<16xf32>, vector<16xi32> -> vector<16xf32>
        %max3A_2156 = arith.maximumf %while3A_1976, %rev3A_2140 : vector<16xf32>
        %max3A_2157 = arith.maximumf %while3A_1977, %rev3A_2145 : vector<16xf32>
        %max3A_2158 = arith.maximumf %while3A_1978, %rev3A_2150 : vector<16xf32>
        %max3A_2159 = arith.maximumf %while3A_1979, %rev3A_2155 : vector<16xf32>
        %max3A_2160 = arith.maximumf %max3A_2156, %max3A_2158 : vector<16xf32>
        %max3A_2161 = arith.maximumf %max3A_2157, %max3A_2159 : vector<16xf32>
        %min3A_2162 = arith.minimumf %max3A_2156, %max3A_2158 : vector<16xf32>
        %min3A_2163 = arith.minimumf %max3A_2157, %max3A_2159 : vector<16xf32>
        %max3A_2164 = arith.maximumf %max3A_2160, %max3A_2161 : vector<16xf32>
        %min3A_2165 = arith.minimumf %max3A_2160, %max3A_2161 : vector<16xf32>
        %sort3A_2166 = arith.constant dense<true> : vector<16xi1>
        %sort3A_2167, %sort3A_2168, %sort3A_2169 = tpu.sort %max3A_2164, %max3A_2164 masked %sort3A_2166 : (vector<16xf32>, vector<16xf32>, vector<16xi1>) -> (vector<16xi1>, vector<16xf32>, vector<16xf32>)
        %rev3A_2170 = arith.constant 15 : i32
        %rev3A_2171 = vector.broadcast %rev3A_2170 : i32 to vector<16xi32>
        %rev3A_2172 = tpu.iota {dimensions = array<i32: 0>} : vector<16xi32>
        %rev3A_2173 = arith.subi %rev3A_2171, %rev3A_2172 : vector<16xi32>
        %rev3A_2174 = tpu.dynamic_gather %sort3A_2168[%rev3A_2173] in [0] : vector<16xf32>, vector<16xi32> -> vector<16xf32>
        %sort3A_2175 = arith.constant dense<true> : vector<16xi1>
        %sort3A_2176, %sort3A_2177, %sort3A_2178 = tpu.sort %min3A_2165, %min3A_2165 masked %sort3A_2175 : (vector<16xf32>, vector<16xf32>, vector<16xi1>) -> (vector<16xi1>, vector<16xf32>, vector<16xf32>)
        %rev3A_2179 = arith.constant 15 : i32
        %rev3A_2180 = vector.broadcast %rev3A_2179 : i32 to vector<16xi32>
        %rev3A_2181 = tpu.iota {dimensions = array<i32: 0>} : vector<16xi32>
        %rev3A_2182 = arith.subi %rev3A_2180, %rev3A_2181 : vector<16xi32>
        %rev3A_2183 = tpu.dynamic_gather %sort3A_2177[%rev3A_2182] in [0] : vector<16xf32>, vector<16xi32> -> vector<16xf32>
        %max3A_2184 = arith.maximumf %min3A_2162, %min3A_2163 : vector<16xf32>
        %min3A_2185 = arith.minimumf %min3A_2162, %min3A_2163 : vector<16xf32>
        %sort3A_2186 = arith.constant dense<true> : vector<16xi1>
        %sort3A_2187, %sort3A_2188, %sort3A_2189 = tpu.sort %max3A_2184, %max3A_2184 masked %sort3A_2186 : (vector<16xf32>, vector<16xf32>, vector<16xi1>) -> (vector<16xi1>, vector<16xf32>, vector<16xf32>)
        %rev3A_2190 = arith.constant 15 : i32
        %rev3A_2191 = vector.broadcast %rev3A_2190 : i32 to vector<16xi32>
        %rev3A_2192 = tpu.iota {dimensions = array<i32: 0>} : vector<16xi32>
        %rev3A_2193 = arith.subi %rev3A_2191, %rev3A_2192 : vector<16xi32>
        %rev3A_2194 = tpu.dynamic_gather %sort3A_2188[%rev3A_2193] in [0] : vector<16xf32>, vector<16xi32> -> vector<16xf32>
        %sort3A_2195 = arith.constant dense<true> : vector<16xi1>
        %sort3A_2196, %sort3A_2197, %sort3A_2198 = tpu.sort %min3A_2185, %min3A_2185 masked %sort3A_2195 : (vector<16xf32>, vector<16xf32>, vector<16xi1>) -> (vector<16xi1>, vector<16xf32>, vector<16xf32>)
        %rev3A_2199 = arith.constant 15 : i32
        %rev3A_2200 = vector.broadcast %rev3A_2199 : i32 to vector<16xi32>
        %rev3A_2201 = tpu.iota {dimensions = array<i32: 0>} : vector<16xi32>
        %rev3A_2202 = arith.subi %rev3A_2200, %rev3A_2201 : vector<16xi32>
        %rev3A_2203 = tpu.dynamic_gather %sort3A_2197[%rev3A_2202] in [0] : vector<16xf32>, vector<16xi32> -> vector<16xf32>
        scf.yield %rev3A_2174, %rev3A_2183, %rev3A_2194, %rev3A_2203 : vector<16xf32>, vector<16xf32>, vector<16xf32>, vector<16xf32>
      }
      %slice3A_1900 = vector.extract_strided_slice %while3A_1899#3 {offsets = [15], sizes = [1], strides = [1]} : vector<16xf32> to vector<1xf32>
      %squeeze3A_1901 = vector.extract %slice3A_1900[0] : f32 from vector<1xf32>
      %broadcast_in_dim3A_1902 = vector.broadcast %squeeze3A_1901 : f32 to vector<16xf32>
      %add3A_1903 = arith.constant 15 : i32
      %add3A_1904 = arith.addi %squeeze3A_1698, %add3A_1903 : i32
      %jit3A_1905 = arith.constant 16 : i32
      %div3A_1906 = arith.divsi %add3A_1904, %jit3A_1905 : i32
      %sign3A_1907 = arith.constant 0 : i32
      %sign3A_1908 = arith.cmpi sgt, %add3A_1904, %sign3A_1907 : i32
      %sign3A_1909 = arith.extui %sign3A_1908 : i1 to i32
      %sign3A_1910 = arith.constant 0 : i32
      %sign3A_1911 = arith.cmpi slt, %add3A_1904, %sign3A_1910 : i32
      %sign3A_1912 = arith.extui %sign3A_1911 : i1 to i32
      %sign3A_1913 = arith.subi %sign3A_1909, %sign3A_1912 : i32
      %sign3A_1914 = arith.constant 0 : i32
      %sign3A_1915 = arith.cmpi sgt, %jit3A_1905, %sign3A_1914 : i32
      %sign3A_1916 = arith.extui %sign3A_1915 : i1 to i32
      %sign3A_1917 = arith.constant 0 : i32
      %sign3A_1918 = arith.cmpi slt, %jit3A_1905, %sign3A_1917 : i32
      %sign3A_1919 = arith.extui %sign3A_1918 : i1 to i32
      %sign3A_1920 = arith.subi %sign3A_1916, %sign3A_1919 : i32
      %ne3A_1921 = arith.cmpi ne, %sign3A_1913, %sign3A_1920 : i32
      %rem3A_1922 = arith.remsi %add3A_1904, %jit3A_1905 : i32
      %ne3A_1923 = arith.constant 0 : i32
      %ne3A_1924 = arith.cmpi ne, %rem3A_1922, %ne3A_1923 : i32
      %and3A_1925 = arith.andi %ne3A_1921, %ne3A_1924 : i1
      %sub3A_1926 = arith.constant 1 : i32
      %sub3A_1927 = arith.subi %div3A_1906, %sub3A_1926 : i32
      %select_n3A_1928 = arith.select %and3A_1925, %sub3A_1927, %div3A_1906 : i32
      %while3A_1929 = arith.constant 0 : i32
      %while3A_1930 = arith.subi %select_n3A_1928, %while3A_1929 : i32
      %while3A_1931 = arith.addi %while3A_1929, %while3A_1930 : i32
      %while3A_1932 = arith.constant 1 : i32
      %while3A_1933 = arith.divsi %while3A_1930, %while3A_1932 : i32
      %while3A_1934 = arith.muli %while3A_1933, %while3A_1932 : i32
      %while3A_1935 = arith.addi %while3A_1929, %while3A_1934 : i32
      %while3A_1936 = arith.constant 1 : i32
      %while3A_1937 = scf.for %while3A_1975 = %while3A_1929 to %while3A_1935 step %while3A_1936 iter_args(%while3A_1976 = %broadcast_in_dim3A_5) -> (vector<16xi32>)  : i32 {
        %mul3A_1977 = arith.constant 16 : i32
        %mul3A_1978 = arith.muli %while3A_1975, %mul3A_1977 : i32
        %get3A_1979 = arith.index_cast %mul3A_1978 : i32 to index
        %get3A_1980 = tpu.vector_load %arg8[%get3A_1979] {strides = array<i32>} : memref<33024xf32, #tpu.memory_space<vmem>>, vector<16xf32>,
        %mul3A_1981 = arith.constant 16 : i32
        %mul3A_1982 = arith.muli %while3A_1975, %mul3A_1981 : i32
        %get3A_1983 = arith.index_cast %mul3A_1982 : i32 to index
        %get3A_1984 = tpu.vector_load %arg9[%get3A_1983] {strides = array<i32>} : memref<33024xi32, #tpu.memory_space<vmem>>, vector<16xi32>,
        %gt3A = arith.cmpf ogt, %get3A_1980, %broadcast_in_dim3A_1902 : vector<16xf32>
        %jit3A_1985 = arith.constant 1 : i32
        %jit3A_1986 = arith.constant 0 : i32
        %broadcast_in_dim3A_1987 = vector.broadcast %jit3A_1985 : i32 to vector<16xi32>
        %broadcast_in_dim3A_1988 = vector.broadcast %jit3A_1986 : i32 to vector<16xi32>
        %select_n3A_1989 = arith.select %gt3A, %broadcast_in_dim3A_1987, %broadcast_in_dim3A_1988 : vector<16xi1>, vector<16xi32>
        %broadcast_in_dim3A_1990 = arith.constant true
        %broadcast_in_dim3A_1991 = vector.broadcast %broadcast_in_dim3A_1990 : i1 to vector<16xi1>
        %masked_cumsum3A = tpu.scan <sum>, %select_n3A_1989 masked %broadcast_in_dim3A_1991 : vector<16xi32>, vector<16xi1> -> vector<16xi32>
        %all_reduce_population_count3A = tpu.all_reduce %gt3A {dim = 0 : i64, kind = #tpu.reduction_kind<sum>} : vector<16xi1> -> vector<16xi32>
        %add3A_1992 = arith.addi %while3A_1976, %masked_cumsum3A : vector<16xi32>
        %sub3A_1993 = arith.constant 1 : i32
        %sub3A_1994 = vector.broadcast %sub3A_1993 : i32 to vector<16xi32>
        %sub3A_1995 = arith.subi %add3A_1992, %sub3A_1994 : vector<16xi32>
        tpu.vector_store_idx %arg11[%sub3A_1995], %get3A_1980 masked %gt3A : memref<80xf32, #tpu.memory_space<vmem>>[vector<16xi32>], vector<16xf32>, vector<16xi1>
        tpu.vector_store_idx %arg12[%sub3A_1995], %get3A_1984 masked %gt3A : memref<80xi32, #tpu.memory_space<vmem>>[vector<16xi32>], vector<16xi32>, vector<16xi1>
        %add3A_1996 = arith.addi %while3A_1976, %all_reduce_population_count3A : vector<16xi32>
        scf.yield %add3A_1996 : vector<16xi32>
      }
      %while3A_1938 = arith.constant 1 : i32
      %while3A_1939 = scf.for %while3A_1975 = %while3A_1935 to %while3A_1931 step %while3A_1938 iter_args(%while3A_1976 = %while3A_1937) -> (vector<16xi32>)  : i32 {
        %mul3A_1977 = arith.constant 16 : i32
        %mul3A_1978 = arith.muli %while3A_1975, %mul3A_1977 : i32
        %get3A_1979 = arith.index_cast %mul3A_1978 : i32 to index
        %get3A_1980 = tpu.vector_load %arg8[%get3A_1979] {strides = array<i32>} : memref<33024xf32, #tpu.memory_space<vmem>>, vector<16xf32>,
        %mul3A_1981 = arith.constant 16 : i32
        %mul3A_1982 = arith.muli %while3A_1975, %mul3A_1981 : i32
        %get3A_1983 = arith.index_cast %mul3A_1982 : i32 to index
        %get3A_1984 = tpu.vector_load %arg9[%get3A_1983] {strides = array<i32>} : memref<33024xi32, #tpu.memory_space<vmem>>, vector<16xi32>,
        %gt3A = arith.cmpf ogt, %get3A_1980, %broadcast_in_dim3A_1902 : vector<16xf32>
        %jit3A_1985 = arith.constant 1 : i32
        %jit3A_1986 = arith.constant 0 : i32
        %broadcast_in_dim3A_1987 = vector.broadcast %jit3A_1985 : i32 to vector<16xi32>
        %broadcast_in_dim3A_1988 = vector.broadcast %jit3A_1986 : i32 to vector<16xi32>
        %select_n3A_1989 = arith.select %gt3A, %broadcast_in_dim3A_1987, %broadcast_in_dim3A_1988 : vector<16xi1>, vector<16xi32>
        %broadcast_in_dim3A_1990 = arith.constant true
        %broadcast_in_dim3A_1991 = vector.broadcast %broadcast_in_dim3A_1990 : i1 to vector<16xi1>
        %masked_cumsum3A = tpu.scan <sum>, %select_n3A_1989 masked %broadcast_in_dim3A_1991 : vector<16xi32>, vector<16xi1> -> vector<16xi32>
        %all_reduce_population_count3A = tpu.all_reduce %gt3A {dim = 0 : i64, kind = #tpu.reduction_kind<sum>} : vector<16xi1> -> vector<16xi32>
        %add3A_1992 = arith.addi %while3A_1976, %masked_cumsum3A : vector<16xi32>
        %sub3A_1993 = arith.constant 1 : i32
        %sub3A_1994 = vector.broadcast %sub3A_1993 : i32 to vector<16xi32>
        %sub3A_1995 = arith.subi %add3A_1992, %sub3A_1994 : vector<16xi32>
        tpu.vector_store_idx %arg11[%sub3A_1995], %get3A_1980 masked %gt3A : memref<80xf32, #tpu.memory_space<vmem>>[vector<16xi32>], vector<16xf32>, vector<16xi1>
        tpu.vector_store_idx %arg12[%sub3A_1995], %get3A_1984 masked %gt3A : memref<80xi32, #tpu.memory_space<vmem>>[vector<16xi32>], vector<16xi32>, vector<16xi1>
        %add3A_1996 = arith.addi %while3A_1976, %all_reduce_population_count3A : vector<16xi32>
        scf.yield %add3A_1996 : vector<16xi32>
      }
      %while3A_1940 = arith.constant 0 : i32
      %while3A_1941 = arith.subi %select_n3A_1928, %while3A_1940 : i32
      %while3A_1942 = arith.addi %while3A_1940, %while3A_1941 : i32
      %while3A_1943 = arith.constant 1 : i32
      %while3A_1944 = arith.divsi %while3A_1941, %while3A_1943 : i32
      %while3A_1945 = arith.muli %while3A_1944, %while3A_1943 : i32
      %while3A_1946 = arith.addi %while3A_1940, %while3A_1945 : i32
      %while3A_1947 = arith.constant 1 : i32
      %while3A_1948 = scf.for %while3A_1975 = %while3A_1940 to %while3A_1946 step %while3A_1947 iter_args(%while3A_1976 = %while3A_1939) -> (vector<16xi32>)  : i32 {
        %mul3A_1977 = arith.constant 16 : i32
        %mul3A_1978 = arith.muli %while3A_1975, %mul3A_1977 : i32
        %get3A_1979 = arith.index_cast %mul3A_1978 : i32 to index
        %get3A_1980 = tpu.vector_load %arg8[%get3A_1979] {strides = array<i32>} : memref<33024xf32, #tpu.memory_space<vmem>>, vector<16xf32>,
        %mul3A_1981 = arith.constant 16 : i32
        %mul3A_1982 = arith.muli %while3A_1975, %mul3A_1981 : i32
        %get3A_1983 = arith.index_cast %mul3A_1982 : i32 to index
        %get3A_1984 = tpu.vector_load %arg9[%get3A_1983] {strides = array<i32>} : memref<33024xi32, #tpu.memory_space<vmem>>, vector<16xi32>,
        %eq3A_1985 = arith.cmpf oeq, %get3A_1980, %broadcast_in_dim3A_1902 : vector<16xf32>
        %jit3A_1986 = arith.constant 1 : i32
        %jit3A_1987 = arith.constant 0 : i32
        %broadcast_in_dim3A_1988 = vector.broadcast %jit3A_1986 : i32 to vector<16xi32>
        %broadcast_in_dim3A_1989 = vector.broadcast %jit3A_1987 : i32 to vector<16xi32>
        %select_n3A_1990 = arith.select %eq3A_1985, %broadcast_in_dim3A_1988, %broadcast_in_dim3A_1989 : vector<16xi1>, vector<16xi32>
        %broadcast_in_dim3A_1991 = arith.constant true
        %broadcast_in_dim3A_1992 = vector.broadcast %broadcast_in_dim3A_1991 : i1 to vector<16xi1>
        %masked_cumsum3A = tpu.scan <sum>, %select_n3A_1990 masked %broadcast_in_dim3A_1992 : vector<16xi32>, vector<16xi1> -> vector<16xi32>
        %all_reduce_population_count3A = tpu.all_reduce %eq3A_1985 {dim = 0 : i64, kind = #tpu.reduction_kind<sum>} : vector<16xi1> -> vector<16xi32>
        %add3A_1993 = arith.addi %while3A_1976, %masked_cumsum3A : vector<16xi32>
        %sub3A_1994 = arith.constant 1 : i32
        %sub3A_1995 = vector.broadcast %sub3A_1994 : i32 to vector<16xi32>
        %sub3A_1996 = arith.subi %add3A_1993, %sub3A_1995 : vector<16xi32>
        %lt3A = arith.constant 64 : i32
        %lt3A_1997 = vector.broadcast %lt3A : i32 to vector<16xi32>
        %lt3A_1998 = arith.cmpi slt, %sub3A_1996, %lt3A_1997 : vector<16xi32>
        %and3A_1999 = arith.andi %eq3A_1985, %lt3A_1998 : vector<16xi1>
        %jit3A_2000 = arith.constant 1 : i32
        %jit3A_2001 = arith.constant 0 : i32
        %broadcast_in_dim3A_2002 = vector.broadcast %jit3A_2000 : i32 to vector<16xi32>
        %broadcast_in_dim3A_2003 = vector.broadcast %jit3A_2001 : i32 to vector<16xi32>
        %select_n3A_2004 = arith.select %and3A_1999, %broadcast_in_dim3A_2002, %broadcast_in_dim3A_2003 : vector<16xi1>, vector<16xi32>
        %broadcast_in_dim3A_2005 = arith.constant true
        %broadcast_in_dim3A_2006 = vector.broadcast %broadcast_in_dim3A_2005 : i1 to vector<16xi1>
        %masked_cumsum3A_2007 = tpu.scan <sum>, %select_n3A_2004 masked %broadcast_in_dim3A_2006 : vector<16xi32>, vector<16xi1> -> vector<16xi32>
        %all_reduce_population_count3A_2008 = tpu.all_reduce %and3A_1999 {dim = 0 : i64, kind = #tpu.reduction_kind<sum>} : vector<16xi1> -> vector<16xi32>
        tpu.vector_store_idx %arg11[%sub3A_1996], %get3A_1980 masked %and3A_1999 : memref<80xf32, #tpu.memory_space<vmem>>[vector<16xi32>], vector<16xf32>, vector<16xi1>
        tpu.vector_store_idx %arg12[%sub3A_1996], %get3A_1984 masked %and3A_1999 : memref<80xi32, #tpu.memory_space<vmem>>[vector<16xi32>], vector<16xi32>, vector<16xi1>
        %add3A_2009 = arith.addi %while3A_1976, %all_reduce_population_count3A_2008 : vector<16xi32>
        scf.yield %add3A_2009 : vector<16xi32>
      }
      %while3A_1949 = arith.constant 1 : i32
      %while3A_1950 = scf.for %while3A_1975 = %while3A_1946 to %while3A_1942 step %while3A_1949 iter_args(%while3A_1976 = %while3A_1948) -> (vector<16xi32>)  : i32 {
        %mul3A_1977 = arith.constant 16 : i32
        %mul3A_1978 = arith.muli %while3A_1975, %mul3A_1977 : i32
        %get3A_1979 = arith.index_cast %mul3A_1978 : i32 to index
        %get3A_1980 = tpu.vector_load %arg8[%get3A_1979] {strides = array<i32>} : memref<33024xf32, #tpu.memory_space<vmem>>, vector<16xf32>,
        %mul3A_1981 = arith.constant 16 : i32
        %mul3A_1982 = arith.muli %while3A_1975, %mul3A_1981 : i32
        %get3A_1983 = arith.index_cast %mul3A_1982 : i32 to index
        %get3A_1984 = tpu.vector_load %arg9[%get3A_1983] {strides = array<i32>} : memref<33024xi32, #tpu.memory_space<vmem>>, vector<16xi32>,
        %eq3A_1985 = arith.cmpf oeq, %get3A_1980, %broadcast_in_dim3A_1902 : vector<16xf32>
        %jit3A_1986 = arith.constant 1 : i32
        %jit3A_1987 = arith.constant 0 : i32
        %broadcast_in_dim3A_1988 = vector.broadcast %jit3A_1986 : i32 to vector<16xi32>
        %broadcast_in_dim3A_1989 = vector.broadcast %jit3A_1987 : i32 to vector<16xi32>
        %select_n3A_1990 = arith.select %eq3A_1985, %broadcast_in_dim3A_1988, %broadcast_in_dim3A_1989 : vector<16xi1>, vector<16xi32>
        %broadcast_in_dim3A_1991 = arith.constant true
        %broadcast_in_dim3A_1992 = vector.broadcast %broadcast_in_dim3A_1991 : i1 to vector<16xi1>
        %masked_cumsum3A = tpu.scan <sum>, %select_n3A_1990 masked %broadcast_in_dim3A_1992 : vector<16xi32>, vector<16xi1> -> vector<16xi32>
        %all_reduce_population_count3A = tpu.all_reduce %eq3A_1985 {dim = 0 : i64, kind = #tpu.reduction_kind<sum>} : vector<16xi1> -> vector<16xi32>
        %add3A_1993 = arith.addi %while3A_1976, %masked_cumsum3A : vector<16xi32>
        %sub3A_1994 = arith.constant 1 : i32
        %sub3A_1995 = vector.broadcast %sub3A_1994 : i32 to vector<16xi32>
        %sub3A_1996 = arith.subi %add3A_1993, %sub3A_1995 : vector<16xi32>
        %lt3A = arith.constant 64 : i32
        %lt3A_1997 = vector.broadcast %lt3A : i32 to vector<16xi32>
        %lt3A_1998 = arith.cmpi slt, %sub3A_1996, %lt3A_1997 : vector<16xi32>
        %and3A_1999 = arith.andi %eq3A_1985, %lt3A_1998 : vector<16xi1>
        %jit3A_2000 = arith.constant 1 : i32
        %jit3A_2001 = arith.constant 0 : i32
        %broadcast_in_dim3A_2002 = vector.broadcast %jit3A_2000 : i32 to vector<16xi32>
        %broadcast_in_dim3A_2003 = vector.broadcast %jit3A_2001 : i32 to vector<16xi32>
        %select_n3A_2004 = arith.select %and3A_1999, %broadcast_in_dim3A_2002, %broadcast_in_dim3A_2003 : vector<16xi1>, vector<16xi32>
        %broadcast_in_dim3A_2005 = arith.constant true
        %broadcast_in_dim3A_2006 = vector.broadcast %broadcast_in_dim3A_2005 : i1 to vector<16xi1>
        %masked_cumsum3A_2007 = tpu.scan <sum>, %select_n3A_2004 masked %broadcast_in_dim3A_2006 : vector<16xi32>, vector<16xi1> -> vector<16xi32>
        %all_reduce_population_count3A_2008 = tpu.all_reduce %and3A_1999 {dim = 0 : i64, kind = #tpu.reduction_kind<sum>} : vector<16xi1> -> vector<16xi32>
        tpu.vector_store_idx %arg11[%sub3A_1996], %get3A_1980 masked %and3A_1999 : memref<80xf32, #tpu.memory_space<vmem>>[vector<16xi32>], vector<16xf32>, vector<16xi1>
        tpu.vector_store_idx %arg12[%sub3A_1996], %get3A_1984 masked %and3A_1999 : memref<80xi32, #tpu.memory_space<vmem>>[vector<16xi32>], vector<16xi32>, vector<16xi1>
        %add3A_2009 = arith.addi %while3A_1976, %all_reduce_population_count3A_2008 : vector<16xi32>
        scf.yield %add3A_2009 : vector<16xi32>
      }
      %get3A_1951 = arith.constant 0 : index
      %get3A_1952 = tpu.vector_load %arg11[%get3A_1951] {strides = array<i32>} : memref<80xf32, #tpu.memory_space<vmem>>, vector<16xf32>,
      %get3A_1953 = arith.constant 16 : index
      %get3A_1954 = tpu.vector_load %arg11[%get3A_1953] {strides = array<i32>} : memref<80xf32, #tpu.memory_space<vmem>>, vector<16xf32>,
      %get3A_1955 = arith.constant 32 : index
      %get3A_1956 = tpu.vector_load %arg11[%get3A_1955] {strides = array<i32>} : memref<80xf32, #tpu.memory_space<vmem>>, vector<16xf32>,
      %get3A_1957 = arith.constant 48 : index
      %get3A_1958 = tpu.vector_load %arg11[%get3A_1957] {strides = array<i32>} : memref<80xf32, #tpu.memory_space<vmem>>, vector<16xf32>,
      %get3A_1959 = arith.constant 0 : index
      %get3A_1960 = tpu.vector_load %arg12[%get3A_1959] {strides = array<i32>} : memref<80xi32, #tpu.memory_space<vmem>>, vector<16xi32>,
      %get3A_1961 = arith.constant 16 : index
      %get3A_1962 = tpu.vector_load %arg12[%get3A_1961] {strides = array<i32>} : memref<80xi32, #tpu.memory_space<vmem>>, vector<16xi32>,
      %get3A_1963 = arith.constant 32 : index
      %get3A_1964 = tpu.vector_load %arg12[%get3A_1963] {strides = array<i32>} : memref<80xi32, #tpu.memory_space<vmem>>, vector<16xi32>,
      %get3A_1965 = arith.constant 48 : index
      %get3A_1966 = tpu.vector_load %arg12[%get3A_1965] {strides = array<i32>} : memref<80xi32, #tpu.memory_space<vmem>>, vector<16xi32>,
      %scan3A_1967 = arith.constant 0 : i32
      %scan3A_1968 = arith.constant 64 : i32
      %scan3A_1969 = arith.addi %scan3A_1967, %scan3A_1968 : i32
      %scan3A_1970 = arith.constant 1 : i32
      %scan3A_1971:4 = scf.for %scan3A_1975 = %scan3A_1967 to %scan3A_1969 step %scan3A_1970 iter_args(%scan3A_1976 = %broadcast_in_dim3A_5, %scan3A_1977 = %broadcast_in_dim3A_5, %scan3A_1978 = %broadcast_in_dim3A_5, %scan3A_1979 = %broadcast_in_dim3A_5) -> (vector<16xi32>, vector<16xi32>, vector<16xi32>, vector<16xi32>)  : i32 {
        %jit3A_1980 = arith.constant 16 : i32
        %div3A_1981 = arith.divsi %scan3A_1975, %jit3A_1980 : i32
        %sign3A_1982 = arith.constant 0 : i32
        %sign3A_1983 = arith.cmpi sgt, %scan3A_1975, %sign3A_1982 : i32
        %sign3A_1984 = arith.extui %sign3A_1983 : i1 to i32
        %sign3A_1985 = arith.constant 0 : i32
        %sign3A_1986 = arith.cmpi slt, %scan3A_1975, %sign3A_1985 : i32
        %sign3A_1987 = arith.extui %sign3A_1986 : i1 to i32
        %sign3A_1988 = arith.subi %sign3A_1984, %sign3A_1987 : i32
        %sign3A_1989 = arith.constant 0 : i32
        %sign3A_1990 = arith.cmpi sgt, %jit3A_1980, %sign3A_1989 : i32
        %sign3A_1991 = arith.extui %sign3A_1990 : i1 to i32
        %sign3A_1992 = arith.constant 0 : i32
        %sign3A_1993 = arith.cmpi slt, %jit3A_1980, %sign3A_1992 : i32
        %sign3A_1994 = arith.extui %sign3A_1993 : i1 to i32
        %sign3A_1995 = arith.subi %sign3A_1991, %sign3A_1994 : i32
        %ne3A_1996 = arith.cmpi ne, %sign3A_1988, %sign3A_1995 : i32
        %rem3A_1997 = arith.remsi %scan3A_1975, %jit3A_1980 : i32
        %ne3A_1998 = arith.constant 0 : i32
        %ne3A_1999 = arith.cmpi ne, %rem3A_1997, %ne3A_1998 : i32
        %and3A_2000 = arith.andi %ne3A_1996, %ne3A_1999 : i1
        %sub3A_2001 = arith.constant 1 : i32
        %sub3A_2002 = arith.subi %div3A_1981, %sub3A_2001 : i32
        %select_n3A_2003 = arith.select %and3A_2000, %sub3A_2002, %div3A_1981 : i32
        %mul3A_2004 = arith.constant 16 : i32
        %mul3A_2005 = arith.muli %select_n3A_2003, %mul3A_2004 : i32
        %jit3A_2006 = arith.constant 16 : i32
        %eq3A_2007 = arith.constant 0 : i32
        %eq3A_2008 = arith.cmpi eq, %jit3A_2006, %eq3A_2007 : i32
        %jit3A_2009 = arith.constant 1 : i32
        %select_n3A_2010 = arith.select %eq3A_2008, %jit3A_2009, %jit3A_2006 : i32
        %rem3A_2011 = arith.remsi %scan3A_1975, %select_n3A_2010 : i32
        %ne3A_2012 = arith.constant 0 : i32
        %ne3A_2013 = arith.cmpi ne, %rem3A_2011, %ne3A_2012 : i32
        %lt3A = arith.constant 0 : i32
        %lt3A_2014 = arith.cmpi slt, %rem3A_2011, %lt3A : i32
        %lt3A_2015 = arith.constant 0 : i32
        %lt3A_2016 = arith.cmpi slt, %select_n3A_2010, %lt3A_2015 : i32
        %ne3A_2017 = arith.xori %lt3A_2014, %lt3A_2016 : i1
        %and3A_2018 = arith.andi %ne3A_2017, %ne3A_2013 : i1
        %add3A_2019 = arith.addi %rem3A_2011, %select_n3A_2010 : i32
        %select_n3A_2020 = arith.select %and3A_2018, %add3A_2019, %rem3A_2011 : i32
        %broadcast_in_dim3A_2021 = vector.broadcast %select_n3A_2020 : i32 to vector<16xi32>
        %get3A_2022 = arith.index_cast %mul3A_2005 : i32 to index
        %get3A_2023 = tpu.vector_load %arg11[%get3A_2022] {strides = array<i32>} : memref<80xf32, #tpu.memory_space<vmem>>, vector<16xf32>,
        %broadcast_in_dim3A_2024 = vector.shape_cast %broadcast_in_dim3A_2021 : vector<16xi32> to vector<16x1xi32>
        %gather3A = vector.shape_cast %broadcast_in_dim3A_2024 : vector<16x1xi32> to vector<16xi32>
        %gather3A_2025 = tpu.dynamic_gather %get3A_2023[%gather3A] in [0] : vector<16xf32>, vector<16xi32> -> vector<16xf32>
        %get3A_2026 = arith.index_cast %mul3A_2005 : i32 to index
        %get3A_2027 = tpu.vector_load %arg12[%get3A_2026] {strides = array<i32>} : memref<80xi32, #tpu.memory_space<vmem>>, vector<16xi32>,
        %broadcast_in_dim3A_2028 = vector.shape_cast %broadcast_in_dim3A_2021 : vector<16xi32> to vector<16x1xi32>
        %gather3A_2029 = vector.shape_cast %broadcast_in_dim3A_2028 : vector<16x1xi32> to vector<16xi32>
        %gather3A_2030 = tpu.dynamic_gather %get3A_2027[%gather3A_2029] in [0] : vector<16xi32>, vector<16xi32> -> vector<16xi32>
        %gt3A = arith.cmpf ogt, %gather3A_2025, %get3A_1952 : vector<16xf32>
        %eq3A_2031 = arith.cmpf oeq, %gather3A_2025, %get3A_1952 : vector<16xf32>
        %lt3A_2032 = arith.cmpi slt, %gather3A_2030, %get3A_1960 : vector<16xi32>
        %and3A_2033 = arith.andi %eq3A_2031, %lt3A_2032 : vector<16xi1>
        %or3A = arith.ori %gt3A, %and3A_2033 : vector<16xi1>
        %select_n3A_2034 = arith.select %or3A, %broadcast_in_dim3A_7, %broadcast_in_dim3A_5 : vector<16xi1>, vector<16xi32>
        %add3A_2035 = arith.addi %scan3A_1976, %select_n3A_2034 : vector<16xi32>
        %gt3A_2036 = arith.cmpf ogt, %gather3A_2025, %get3A_1954 : vector<16xf32>
        %eq3A_2037 = arith.cmpf oeq, %gather3A_2025, %get3A_1954 : vector<16xf32>
        %lt3A_2038 = arith.cmpi slt, %gather3A_2030, %get3A_1962 : vector<16xi32>
        %and3A_2039 = arith.andi %eq3A_2037, %lt3A_2038 : vector<16xi1>
        %or3A_2040 = arith.ori %gt3A_2036, %and3A_2039 : vector<16xi1>
        %select_n3A_2041 = arith.select %or3A_2040, %broadcast_in_dim3A_7, %broadcast_in_dim3A_5 : vector<16xi1>, vector<16xi32>
        %add3A_2042 = arith.addi %scan3A_1977, %select_n3A_2041 : vector<16xi32>
        %gt3A_2043 = arith.cmpf ogt, %gather3A_2025, %get3A_1956 : vector<16xf32>
        %eq3A_2044 = arith.cmpf oeq, %gather3A_2025, %get3A_1956 : vector<16xf32>
        %lt3A_2045 = arith.cmpi slt, %gather3A_2030, %get3A_1964 : vector<16xi32>
        %and3A_2046 = arith.andi %eq3A_2044, %lt3A_2045 : vector<16xi1>
        %or3A_2047 = arith.ori %gt3A_2043, %and3A_2046 : vector<16xi1>
        %select_n3A_2048 = arith.select %or3A_2047, %broadcast_in_dim3A_7, %broadcast_in_dim3A_5 : vector<16xi1>, vector<16xi32>
        %add3A_2049 = arith.addi %scan3A_1978, %select_n3A_2048 : vector<16xi32>
        %gt3A_2050 = arith.cmpf ogt, %gather3A_2025, %get3A_1958 : vector<16xf32>
        %eq3A_2051 = arith.cmpf oeq, %gather3A_2025, %get3A_1958 : vector<16xf32>
        %lt3A_2052 = arith.cmpi slt, %gather3A_2030, %get3A_1966 : vector<16xi32>
        %and3A_2053 = arith.andi %eq3A_2051, %lt3A_2052 : vector<16xi1>
        %or3A_2054 = arith.ori %gt3A_2050, %and3A_2053 : vector<16xi1>
        %select_n3A_2055 = arith.select %or3A_2054, %broadcast_in_dim3A_7, %broadcast_in_dim3A_5 : vector<16xi1>, vector<16xi32>
        %add3A_2056 = arith.addi %scan3A_1979, %select_n3A_2055 : vector<16xi32>
        scf.yield %add3A_2035, %add3A_2042, %add3A_2049, %add3A_2056 : vector<16xi32>, vector<16xi32>, vector<16xi32>, vector<16xi32>
      }
      %scan3A_1972 = arith.constant 64 : i32
      %broadcast_in_dim3A_1973 = vector.broadcast %scan3A_18 : i32 to vector<16xi32>
      tpu.vector_store_idx %arg13[%broadcast_in_dim3A_1973, %scan3A_1971#0], %get3A_1952 : memref<4x64xf32, #tpu.memory_space<vmem>>[vector<16xi32>, vector<16xi32>], vector<16xf32>,
      tpu.vector_store_idx %arg14[%broadcast_in_dim3A_1973, %scan3A_1971#0], %get3A_1960 : memref<4x64xi32, #tpu.memory_space<vmem>>[vector<16xi32>, vector<16xi32>], vector<16xi32>,
      tpu.vector_store_idx %arg13[%broadcast_in_dim3A_1973, %scan3A_1971#1], %get3A_1954 : memref<4x64xf32, #tpu.memory_space<vmem>>[vector<16xi32>, vector<16xi32>], vector<16xf32>,
      tpu.vector_store_idx %arg14[%broadcast_in_dim3A_1973, %scan3A_1971#1], %get3A_1962 : memref<4x64xi32, #tpu.memory_space<vmem>>[vector<16xi32>, vector<16xi32>], vector<16xi32>,
      tpu.vector_store_idx %arg13[%broadcast_in_dim3A_1973, %scan3A_1971#2], %get3A_1956 : memref<4x64xf32, #tpu.memory_space<vmem>>[vector<16xi32>, vector<16xi32>], vector<16xf32>,
      tpu.vector_store_idx %arg14[%broadcast_in_dim3A_1973, %scan3A_1971#2], %get3A_1964 : memref<4x64xi32, #tpu.memory_space<vmem>>[vector<16xi32>, vector<16xi32>], vector<16xi32>,
      tpu.vector_store_idx %arg13[%broadcast_in_dim3A_1973, %scan3A_1971#3], %get3A_1958 : memref<4x64xf32, #tpu.memory_space<vmem>>[vector<16xi32>, vector<16xi32>], vector<16xf32>,
      tpu.vector_store_idx %arg14[%broadcast_in_dim3A_1973, %scan3A_1971#3], %get3A_1966 : memref<4x64xi32, #tpu.memory_space<vmem>>[vector<16xi32>, vector<16xi32>], vector<16xi32>,
      %scan3A_1974 = arith.constant 0 : i32
      scf.yield %scan3A_1974 : i32
    }
    %scan3A_13 = arith.constant 4 : i32
    %mul3A_14 = arith.constant 4 : i32
    %mul3A_15 = arith.muli %add3A, %mul3A_14 : i32
    "tpu.region"() ({
      %run_scoped3A = tpu.sem_alloc : memref<!tpu.dma_semaphore, #tpu.memory_space<semaphore_mem>>
      %dma_start3A = arith.constant 0 : i32
      %dma_start3A_18 = tpu.memref_slice %arg5[%mul3A_15, %dma_start3A] : memref<128x64xf32, #tpu.memory_space<hbm>> -> memref<4x64xf32, #tpu.memory_space<hbm>>
      %dma_start3A_19 = arith.constant 0 : i32
      %dma_start3A_20 = tpu.memref_slice %arg5[%mul3A_15, %dma_start3A_19] : memref<128x64xf32, #tpu.memory_space<hbm>> -> memref<4x64xf32, #tpu.memory_space<hbm>>
      tpu.enqueue_dma source(%arg13 : memref<4x64xf32, #tpu.memory_space<vmem>>) target(%dma_start3A_20 : memref<4x64xf32, #tpu.memory_space<hbm>>) target_semaphore(%run_scoped3A : memref<!tpu.dma_semaphore, #tpu.memory_space<semaphore_mem>>)
      %dma_wait3A = arith.constant 0 : i32
      %dma_wait3A_21 = tpu.memref_slice %arg5[%mul3A_15, %dma_wait3A] : memref<128x64xf32, #tpu.memory_space<hbm>> -> memref<4x64xf32, #tpu.memory_space<hbm>>
      %dma_wait3A_22 = arith.constant 0 : i32
      %dma_wait3A_23 = tpu.memref_slice %arg5[%mul3A_15, %dma_wait3A_22] : memref<128x64xf32, #tpu.memory_space<hbm>> -> memref<4x64xf32, #tpu.memory_space<hbm>>
      tpu.wait_dma2 semaphore(%run_scoped3A : memref<!tpu.dma_semaphore, #tpu.memory_space<semaphore_mem>>) src(%arg13 : memref<4x64xf32, #tpu.memory_space<vmem>>) dst(%dma_wait3A_23 : memref<4x64xf32, #tpu.memory_space<hbm>>)
      tpu.yield
    }) : () -> ()
    %mul3A_16 = arith.constant 4 : i32
    %mul3A_17 = arith.muli %add3A, %mul3A_16 : i32
    "tpu.region"() ({
      %run_scoped3A = tpu.sem_alloc : memref<!tpu.dma_semaphore, #tpu.memory_space<semaphore_mem>>
      %dma_start3A = arith.constant 0 : i32
      %dma_start3A_18 = tpu.memref_slice %arg6[%mul3A_17, %dma_start3A] : memref<128x64xi32, #tpu.memory_space<hbm>> -> memref<4x64xi32, #tpu.memory_space<hbm>>
      %dma_start3A_19 = arith.constant 0 : i32
      %dma_start3A_20 = tpu.memref_slice %arg6[%mul3A_17, %dma_start3A_19] : memref<128x64xi32, #tpu.memory_space<hbm>> -> memref<4x64xi32, #tpu.memory_space<hbm>>
      tpu.enqueue_dma source(%arg14 : memref<4x64xi32, #tpu.memory_space<vmem>>) target(%dma_start3A_20 : memref<4x64xi32, #tpu.memory_space<hbm>>) target_semaphore(%run_scoped3A : memref<!tpu.dma_semaphore, #tpu.memory_space<semaphore_mem>>)
      %dma_wait3A = arith.constant 0 : i32
      %dma_wait3A_21 = tpu.memref_slice %arg6[%mul3A_17, %dma_wait3A] : memref<128x64xi32, #tpu.memory_space<hbm>> -> memref<4x64xi32, #tpu.memory_space<hbm>>
      %dma_wait3A_22 = arith.constant 0 : i32
      %dma_wait3A_23 = tpu.memref_slice %arg6[%mul3A_17, %dma_wait3A_22] : memref<128x64xi32, #tpu.memory_space<hbm>> -> memref<4x64xi32, #tpu.memory_space<hbm>>
      tpu.wait_dma2 semaphore(%run_scoped3A : memref<!tpu.dma_semaphore, #tpu.memory_space<semaphore_mem>>) src(%arg14 : memref<4x64xi32, #tpu.memory_space<vmem>>) dst(%dma_wait3A_23 : memref<4x64xi32, #tpu.memory_space<hbm>>)
      tpu.yield
    }) : () -> ()
    return
  }
}

module attributes {stable_mosaic.version = 14 : i64} {
  func.func @_tc_body(%arg0: i32, %arg1: memref<16x32768xf32, #tpu.memory_space<vmem>>, %arg2: memref<16x512xf32, #tpu.memory_space<vmem>>, %arg3: memref<16x2048xf32, #tpu.memory_space<vmem>>, %arg4: memref<16x32768xf32, #tpu.memory_space<vmem>>) attributes {dimension_semantics = [#tpu.dimension_semantics<arbitrary>], iteration_bounds = array<i64: 8>, scalar_prefetch = 0 : i64, scratch_operands = 0 : i64, tpu.core_type = #tpu.core_type<tc>, window_params = [{transform_indices = @transform_0, window_bounds = array<i64: 16, 32768>}, {transform_indices = @transform_1, window_bounds = array<i64: 16, 512>}, {transform_indices = @transform_2, window_bounds = array<i64: 16, 2048>}, {transform_indices = @transform_3, window_bounds = array<i64: 16, 32768>}]} {
    %get3A = arith.constant 0 : index
    %get3A_0 = arith.constant 0 : index
    %get3A_1 = vector.load %arg1[%get3A, %get3A_0] : memref<16x32768xf32, #tpu.memory_space<vmem>>, vector<16x32768xf32>
    %reshape3A = vector.shape_cast %get3A_1 : vector<16x32768xf32> to vector<16x2048x16xf32>
    %reduce_max3A = arith.constant dense<0xFF800000> : vector<16x2048xf32>
    %reduce_max3A_2 = vector.multi_reduction <maximumf>, %reshape3A, %reduce_max3A [2] : vector<16x2048x16xf32> to vector<16x2048xf32>
    %swap3A = arith.constant 0 : index
    %swap3A_3 = arith.constant 0 : index
    %swap3A_4 = vector.load %arg3[%swap3A, %swap3A_3] : memref<16x2048xf32, #tpu.memory_space<vmem>>, vector<16x2048xf32>
    tpu.vector_store %arg3[%swap3A, %swap3A_3], %reduce_max3A_2 {strides = array<i32>} : memref<16x2048xf32, #tpu.memory_space<vmem>>, vector<16x2048xf32>,
    %reshape3A_5 = vector.shape_cast %reduce_max3A_2 : vector<16x2048xf32> to vector<16x512x4xf32>
    %reduce_max3A_6 = arith.constant dense<0xFF800000> : vector<16x512xf32>
    %reduce_max3A_7 = vector.multi_reduction <maximumf>, %reshape3A_5, %reduce_max3A_6 [2] : vector<16x512x4xf32> to vector<16x512xf32>
    %swap3A_8 = arith.constant 0 : index
    %swap3A_9 = arith.constant 0 : index
    %swap3A_10 = vector.load %arg2[%swap3A_8, %swap3A_9] : memref<16x512xf32, #tpu.memory_space<vmem>>, vector<16x512xf32>
    tpu.vector_store %arg2[%swap3A_8, %swap3A_9], %reduce_max3A_7 {strides = array<i32>} : memref<16x512xf32, #tpu.memory_space<vmem>>, vector<16x512xf32>,
    %swap3A_11 = arith.constant 0 : index
    %swap3A_12 = arith.constant 0 : index
    %swap3A_13 = vector.load %arg4[%swap3A_11, %swap3A_12] : memref<16x32768xf32, #tpu.memory_space<vmem>>, vector<16x32768xf32>
    tpu.vector_store %arg4[%swap3A_11, %swap3A_12], %get3A_1 {strides = array<i32>} : memref<16x32768xf32, #tpu.memory_space<vmem>>, vector<16x32768xf32>,
    return
  }
  func.func @transform_0(%arg0: i32) -> (i32, i32) {
    %c0_i32 = arith.constant 0 : i32
    %c0_i32_0 = arith.constant 0 : i32
    return %arg0, %c0_i32 : i32, i32
  }
  func.func @transform_1(%arg0: i32) -> (i32, i32) {
    %c0_i32 = arith.constant 0 : i32
    %c0_i32_0 = arith.constant 0 : i32
    return %arg0, %c0_i32 : i32, i32
  }
  func.func @transform_2(%arg0: i32) -> (i32, i32) {
    %c0_i32 = arith.constant 0 : i32
    %c0_i32_0 = arith.constant 0 : i32
    return %arg0, %c0_i32 : i32, i32
  }
  func.func @transform_3(%arg0: i32) -> (i32, i32) {
    %c0_i32 = arith.constant 0 : i32
    %c0_i32_0 = arith.constant 0 : i32
    return %arg0, %c0_i32 : i32, i32
  }
}

</mosaic_0001>

<sc_bundles>
// kernel: kernel.4.cloned.1.call-start
scs
__scs_entry_jumppad:
0x0: {  	(pc) =	sbr.rel $0x88, $3  }
0x1: {  	(tag) =	ssettag $0x0;
	lr =	simm.s32 $0x1  }
0x2: {  	[smem:$0x3FA0] =	sst lr;
	_ =	strace $0xD0000000  }
0x3: {  	_ = 	snop  }
0x4: {  	_ = 	snop  }
0x5: {  	_ = 	snop  }
0x6: {  	_ = 	snop  }
0x7: {  	_ = 	snop  }
__scs_overlays_trampoline_lowered:
0x8: {  	[smem:$0x3FAF] =	sst s0  }
0x9: {  	[smem:$0x3FB0] =	sst s1  }
0xa: {  	[smem:$0x3FB1] =	sst s2  }
0xb: {  	[smem:$0x3FB2] =	sst s3  }
0xc: {  	[smem:$0x3FB3] =	sst s4  }
0xd: {  	[smem:$0x3FB4] =	sst s5  }
0xe: {  	[smem:$0x3FB5] =	sst s6  }
0xf: {  	[smem:$0x3FB6] =	sst s7  }
0x10: {  	[smem:$0x3FB7] =	sst s8  }
0x11: {  	[smem:$0x3FB8] =	sst s9;
	s0 =	simm.s32 @!p0 $0x0  }
0x12: {  	s1 =	sld [smem:$0x3F9E];
	s0 =	simm.s32 @p0 $0x1  }
0x13: {  	[smem:$0x3FB9] =	sst s0;
	s0 =	simm.s32 @!p1 $0x0  }
0x14: {  	s2 =	sld [smem:$0x3F9D];
	s0 =	simm.s32 @p1 $0x1  }
0x15: {  	[smem:$0x3FBA] =	sst s0;
	s0 =	simm.s32 @!p2 $0x0  }
0x16: {  	s3 =	sld [smem:$0x3FDB];
	s0 =	simm.s32 @p2 $0x1  }
0x17: {  	s4 =	simm.s32 $0x1BF5;
	[smem:$0x3FBC] =	sst s0  }
0x18: {  	s0 =	sld [smem:$0x3F9F];
	_ =	swait.ge [sflag:s4], $0x0  }
0x19: {  	s7 =	sld [smem:$0x3FA0]  }
0x1a: {  	s8 =	sadd.s32 $0xFFFFE003, lr  }
0x1b: {  	s9 =	sadd.s32 $0xFFFFFEF7, lr;
	s5 =	simm.s32 $0xFFFFFFFF;
	p2 =	slt.u32 s8, $0xFFFFF086  }
0x1c: {  	p1 =	slt.u32 s9, $0xF7A;
	s5 =	simm.s32 @!p2 $0x0  }
0x1d: {  	s5 =	simm.s32 @p1 $0x1;
	p0 =	seq.s32 s7, s2  }
0x1e: {  	s7 =	smul.u32 @!p0 $0xF7A, s2;
	p2 =	seq.s32 @!p0 s5, $0x0  }
0x1f: {  	s9 =	smul.u32 $0xF7A, s1;
	s8 =	simm.s32 @!p0 $0x1BF5;
	p2 =	por !p2, p0  }
0x20: {  	[sflag:s8] =	ssyncset.s32 @!p0 $0xFFFFF086;
	s6 =	sadd.s32 @!p0 s3, s7;
	s7 =	simm.s32 @!p0 $0x108  }
0x21: {  	s3 =	sadd.s32 s3, s9;
	s6 =	sadd.s32 @!p0 $0x88, s6;
	s7 =	simm.s32 @p2 $0x1082  }
0x22: {  	[simem:s7], [sflag:s8] =	dma.local @!p0 [hbm:s6], $0xF7A  }
0x23: {  	s9 =	sor.u32 $0xD0000000, s2;
	s6 =	simm.s32 $0x108;
	_ =	swait.ge @!p0 [sflag:s8], $0x0  }
0x24: {  	s3 =	sadd.s32 $0x88, s3;
	s6 =	simm.s32 @!p1 $0x1082;
	[sflag:s4] =	ssyncset.s32 $0xFFFFF086  }
0x25: {  	[simem:s6], [sflag:s4] =	dma.local [hbm:s3], $0xF7A  }
0x26: {  	[smem:$0x3FA0] =	sst s1;
	(tag) =	ssettag s2;
	_ =	strace s9  }
0x27: {  	s1 =	sld [smem:$0x3FB0]  }
0x28: {  	s2 =	sld [smem:$0x3FB1]  }
0x29: {  	s4 =	sld [smem:$0x3FB3]  }
0x2a: {  	p0 =	seq.s32 s5, $0x0;
	s5 =	sld [smem:$0x3FB4]  }
0x2b: {  	s6 =	sld [smem:$0x3FB5]  }
0x2c: {  	s7 =	sld [smem:$0x3FB6]  }
0x2d: {  	s3 =	simm.s32 $0x108;
	s8 =	sld [smem:$0x3FB7]  }
0x2e: {  	s3 =	simm.s32 @!p0 $0x1082;
	s9 =	sld [smem:$0x3FB8]  }
0x2f: {  	lr =	sadd.s32 s0, s3;
	s0 =	sld [smem:$0x3FAF]  }
0x30: {  	s3 =	sld [smem:$0x3FB2]  }
0x31: {  	[smem:$0x3FBB] =	sst s10  }
0x32: {  	s10 =	sld [smem:$0x3FB9];
	_ =	sdelay $0x3  }
0x33: {  	p0 =	seq.s32 s10, $0x1;
	s10 =	sld [smem:$0x3FBB];
	_ =	sdelay $0x3  }
0x34: {  	[smem:$0x3FBB] =	sst s10  }
0x35: {  	s10 =	sld [smem:$0x3FBA];
	_ =	sdelay $0x3  }
0x36: {  	p1 =	seq.s32 s10, $0x1;
	s10 =	sld [smem:$0x3FBB];
	_ =	sdelay $0x3  }
0x37: {  	[smem:$0x3FBB] =	sst s10  }
0x38: {  	s10 =	sld [smem:$0x3FBC]  }
0x39: {  	_ = 	snop;
	(pc) =	sbr.ind lr, $3  }
0x3a: {  	_ = 	snop  }
0x3b: {  	_ = 	snop  }
0x3c: {  	p2 =	seq.s32 s10, $0x1;
	s10 =	sld [smem:$0x3FBB]  }
0x3d: {  	_ =	shalt  }
0x3e: {  	_ =	shalt  }
0x3f: {  	_ =	shalt  }
0x40: {  	_ =	shalt  }
0x41: {  	_ =	shalt  }
0x42: {  	_ =	shalt  }
0x43: {  	_ =	shalt  }
0x44: {  	_ =	shalt  }
0x45: {  	_ =	shalt  }
0x46: {  	_ =	shalt  }
0x47: {  	_ =	shalt  }
0x48: {  	_ =	shalt  }
0x49: {  	_ =	shalt  }
0x4a: {  	_ =	shalt  }
0x4b: {  	_ =	shalt  }
0x4c: {  	_ =	shalt  }
0x4d: {  	_ =	shalt  }
0x4e: {  	_ =	shalt  }
0x4f: {  	_ =	shalt  }
0x50: {  	_ =	shalt  }
0x51: {  	_ =	shalt  }
0x52: {  	_ =	shalt  }
0x53: {  	_ =	shalt  }
0x54: {  	_ =	shalt  }
0x55: {  	_ =	shalt  }
0x56: {  	_ =	shalt  }
0x57: {  	_ =	shalt  }
0x58: {  	_ =	shalt  }
0x59: {  	_ =	shalt  }
0x5a: {  	_ =	shalt  }
0x5b: {  	_ =	shalt  }
0x5c: {  	_ =	shalt  }
0x5d: {  	_ =	shalt  }
0x5e: {  	_ =	shalt  }
0x5f: {  	_ =	shalt  }
0x60: {  	_ =	shalt  }
0x61: {  	_ =	shalt  }
0x62: {  	_ =	shalt  }
0x63: {  	_ =	shalt  }
0x64: {  	_ =	shalt  }
0x65: {  	_ =	shalt  }
0x66: {  	_ =	shalt  }
0x67: {  	_ =	shalt  }
0x68: {  	_ =	shalt  }
0x69: {  	_ =	shalt  }
0x6a: {  	_ =	shalt  }
0x6b: {  	_ =	shalt  }
0x6c: {  	_ =	shalt  }
0x6d: {  	_ =	shalt  }
0x6e: {  	_ =	shalt  }
0x6f: {  	_ =	shalt  }
0x70: {  	_ =	shalt  }
0x71: {  	_ =	shalt  }
0x72: {  	_ =	shalt  }
0x73: {  	_ =	shalt  }
0x74: {  	_ =	shalt  }
0x75: {  	_ =	shalt  }
0x76: {  	_ =	shalt  }
0x77: {  	_ =	shalt  }
0x78: {  	_ =	shalt  }
0x79: {  	_ =	shalt  }
0x7a: {  	_ =	shalt  }
0x7b: {  	_ =	shalt  }
0x7c: {  	_ =	shalt  }
0x7d: {  	_ =	shalt  }
0x7e: {  	_ =	shalt  }
0x7f: {  	_ =	shalt  }
0x80: {  	_ =	shalt  }
0x81: {  	_ =	shalt  }
0x82: {  	_ =	shalt  }
0x83: {  	_ =	shalt  }
0x84: {  	_ =	shalt  }
0x85: {  	_ =	shalt  }
0x86: {  	_ =	shalt  }
0x87: {  	_ =	shalt  }
.Lfunc_end0:
.L_simem_size_0:
called_computation_lowered:
.L_overlay_start_0:
0x88: {  	s2 =	sld [smem:$0x3FD9]  }
0x89: {  	s3 =	sld [smem:$0x3FFE];
	_ =	sdelay $0x1  }
0x8a: {  	s1 =	srdreg.scid  }
0x8b: {  	s0 =	sand.u32 $0x1, s1  }
0x8c: {  	s17 =	sshll.u32 s0, $0xA;
	s2 =	sadd.s32 s3, s2  }
0x8d: {  	s2 =	sadd.s32 s2, s17  }
0x8e: {  	[smem:$0x3FC7] =	sst s2  }
0x8f: {  	_ = 	snop  }
0x90: {  	s2 =	sld [smem:$0x3FC9];
	(tm) =	ssettm $0x1  }
0x91: {  	s18 =	sld [smem:$0x3FFB];
	_ =	sdelay $0x3  }
0x92: {  	_ =	strace s18  }
0x93: {  	s3 =	sld [smem:$0x3FFC];
	_ =	sdelay $0x3  }
0x94: {  	_ =	strace s3  }
0x95: {  	s3 =	sld [smem:$0x3FFD];
	_ =	sdelay $0x3  }
0x96: {  	_ =	strace s3  }
0x97: {  	_ =	strace $0x8FFFFFFF  }
0x98: {  	s19 =	sld [smem:$0x3FDB];
	_ =	sdelay $0x1  }
0x99: {  	s4 =	simm.s32 $_scs_section_size  }
0x9a: {  	s5 =	simm.s32 $_size__tile_overlayer_lowered;
	s6 =	simm.s32 $_tile_overlayer_lowered  }
0x9b: {  	s22 =	simm.s32 $0x1BFF;
	s21 =	sshll.u32 s6, $0x1;
	s3 =	sadd.s32 s4, s19  }
0x9c: {  	s7 =	simm.s32 $0x0;
	s20 =	sshll.u32 s5, $0x1;
	s5 =	sadd.s32 s21, s3  }
0x9d: {  	[timem:s7], [sflag:s22] =	dma.local [hbm:s5], s20  }
0x9e: {  	_ =	swait.ge [sflag:s22], s20  }
0x9f: {  	s4 =	ssub.s32 $0x0, s20;
	[sflag:s22] =	ssyncset.done $0x0  }
0xa0: {  	[sflag:s22] =	ssyncadd.s32 s4;
	_ =	sdelay $0x1  }
0xa1: {  	s23 =	simm.s32 $0x1B8B  }
0xa2: {  	_ =	swait.ge [sflag:s23], $0x1  }
0xa3: {  	[sflag:s23] =	ssyncset.done $0x0  }
0xa4: {  	s25 =	simm.s32 $0x1B8E;
	s24 =	sld [smem:$0x3FFE];
	[sflag:s23] =	ssyncadd.s32 $0xFFFFFFFF  }
0xa5: {  	s26 =	simm.s32 $execute0_lowered;
	[smem:$0x3FD2] =	sst s25  }
0xa6: {  	s5 =	sshll.u32 s26, $0x1;
	_ =	strace $0x80000046;
	[dreg:$0x1] =	wrdreg $0xFFFFFFFF  }
0xa7: {  	s28 =	simm.s32 $_size_execute0_lowered;
	s3 =	sadd.s32 s3, s5;
	[dreg:$0x0] =	wrdreg $0x0  }
0xa8: {  	s5 =	sshll.u32 s28, $0x1;
	[dreg:$0x2] =	wrdreg s3  }
0xa9: {  	[dreg:$0x3] =	wrdreg s5  }
0xaa: {  	[dreg:$0x4] =	wrdreg $0xC0  }
0xab: {  	_ =	task [dreg:s7], $0x5FFFF  }
0xac: {  	[dreg:$0x1] =	wrdreg $0xFFFFFFFF  }
0xad: {  	[dreg:$0x0] =	wrdreg $0x60  }
0xae: {  	[dreg:$0x2] =	wrdreg s2  }
0xaf: {  	[dreg:$0x3] =	wrdreg s24  }
0xb0: {  	[dreg:$0x4] =	wrdreg $0x9  }
0xb1: {  	_ =	task.clear_ibuf [dreg:s7], $0x5FFFF;
	_ =	strace $0x90000046  }
0xb2: {  	s29 =	simm.s32 $0x9;
	_ =	strace $0x80000048  }
0xb3: {  	_ =	swait.ge [sflag:s29], $0x1  }
0xb4: {  	[sflag:s29] =	ssyncadd.s32 $0xFFFFFFFF  }
0xb5: {  	_ =	strace $0x90000048  }
0xb6: {  	_ =	sfence  }
0xb7: {  	s30 =	sld [smem:$0x0];
	_ =	sdelay $0x2  }
0xb8: {  	s31 =	sshll.u32 s1, $0xD;
	s1 =	sshrl.u32 s1, $0x2  }
0xb9: {  	s3 =	sand.u32 $0x4000, s31;
	s1 =	sadd.s32 s1, s30  }
0xba: {  	s0 =	sor.u32 s3, s0;
	s1 =	sshll.u32 s1, $0x11  }
0xbb: {  	s0 =	sor.u32 s1, s0  }
0xbc: {  	s0 =	sadd.s32 $0x8F2B, s0  }
0xbd: {  	[sflag:s0] =	ssyncadd.remote.s32 $0x1  }
0xbe: {  	_ =	sfence.sel $0xFFFF  }
0xbf: {  	[dreg:$0x0] =	wrdreg $0xFFFFFFFF;
	(pc) =	sbr.abs _section_cstart, $3  }
0xc0: {  	[dreg:$0x1] =	wrdreg $0xFFFFFFFF  }
0xc1: {  	_ =	task.clear_ibuf [dreg:s7], $0x2FFFF;
	_ =	strace $0x9FFFFFFF  }
0xc2: {  	(tm) =	ssettm $0x7FFFFFFF  }
0xc3: {  	_ =	shalt  }
tec
execute0_lowered:
.L_overlay_start_1:
0x0: {  	(tag) =	ssettag $0x1  }
0x1: {  	s1 =	rddreg [dreg:$0x0]  }
0x2: {  	s0 =	rddreg [dreg:$0x1];
	s2 =	srdreg.scid;
	s3 =	simm.s32 $0x0  }
0x3: {  	s9 =	stileid.u32;
	s13 =	simm.s32 $0x80;
	s14 =	simm.s32 $0x400  }
0x4: {  	s15 =	simm.s32 $0x1;
	s16 =	simm.s32 $0x18F00;
	s17 =	simm.s32 $0x18200  }
0x5: {  	s18 =	simm.s32 $0x8000;
	s19 =	simm.s32 $0x10100;
	s20 =	simm.s32 $0x18A00  }
0x6: {  	s21 =	simm.s32 $0x18A80;
	s22 =	simm.s32 $0x18B00;
	s23 =	simm.s32 $0x18D00  }
0x7: {  	s24 =	simm.s32 $0x0;
	s2 =	sand.u32 $0x1, s2;
	[smem:$0x7FF] =	sst s3  }
0x8: {  	s7 =	sshll.u32 s9, $0x6;
	s30 =	sshll.u32 s9, $0x9;
	s4 =	sshll.u32 s2, $0x4  }
0x9: {  	_ =	strace $0x80000047;
	s7 =	sand.u32 $0x40, s7;
	s2 =	ssub.s32 $0x2, s2  }
0xa: {  	s6 =	sor.u32 s9, s4;
	s4 =	sadd.s32 $0x9000, s0;
	s29 =	sshrl.u32 s2, $0x1  }
.Ltmp0:
0xb: {  	s5 =	sshll.u32 s6, $0x6;
	s2 =	ssub.s32 s2, s29;
	(pc) =	sbr.rel .LBB2_1-.Ltmp0, $4  }
0xc: {  	v0 =	vlaneseq.u32;
	s31 =	sshrl.u32 s6, $0x1;
	s6 =	sand.u32 $0x200, s30;
	s8 =	sand.u32 $0x780, s5  }
0xd: {  	v1 =	vmul.u32 $0xFFFFFFFF, v0;
	s5 =	sadd.s32 $0x1000, s0;
	s9 =	sshll.u32 s31, $0xE;
	s7 =	sor.u32 s7, s8  }
0xe: {  	v2 =	vimm.s32 $0x0;
	s12 =	smax.u32 s2, $0x1;
	s8 =	sshll.u32 s31, $0xC;
	s0 =	sadd.s32 s7, s0  }
0xf: {  	v3 =	vimm.f32 $-Inf;
	v4 =	vimm.s32 $0x40000000;
	v1 =	vadd.s32 $0xF, v1;
	s7 =	sshll.u32 s31, $0x12;
	s10 =	sadd.s32 $0xB000, s0;
	s11 =	sadd.s32 $0xB800, s0  }
.LBB2_38:
0x10: {  	[hbm4b:s10+s3] =	stream.linear.scatter [tilespmem:s22], [sflag:$0x1], $0x200, $0x38;
	[tilespmem:$0x19900] =	vst v63  }
0x11: {  	s24 =	sadd.s32 $0x1, s24;
	_ =	swait.ge [sflag:s15], $0x200  }
0x12: {  	p0 =	sne.s32 s24, s12;
	[sflag:s15] =	ssyncset.done $0x0  }
.Ltmp1:
0x13: {  	[sflag:s15] =	ssyncadd.s32 $0xFFFFFE00;
	(pc) =	sbr.rel @!p0 .LBB2_39-.Ltmp1, $4  }
0x14: {  	[hbm4b:s11+s3] =	stream.linear.scatter [tilespmem:s23], [sflag:$0x1], $0x200, $0x38;
	[tilespmem:$0x19900] =	vst v63  }
0x15: {  	_ =	swait.ge [sflag:s15], $0x200  }
0x16: {  	[sflag:s15] =	ssyncset.done $0x0  }
0x17: {  	[sflag:s15] =	ssyncadd.s32 $0xFFFFFE00  }
.LBB2_1:
0x18: {  	s25 =	simm.s32 $0x0  }
.LBB2_2:
0x19: {  	s26 =	sshll.u32 s25, $0x7  }
0x1a: {  	s0 =	sadd.s32 s6, s26  }
0x1b: {  	s2 =	sadd.s32 s7, s0  }
0x1c: {  	s2 =	sshrl.u32 s2, $0x3  }
0x1d: {  	s28 =	simm.s32 $0x0;
	s2 =	sadd.s32 s1, s2  }
0x1e: {  	[tilespmem:s28], [sflag:$0x1] =	stream.strided.gather [hbm4b:s2+s13], $0x8000, s14, s13, $0x38;
	[tilespmem:$0x19900] =	vst v63  }
0x1f: {  	s31 =	sadd.s32 s8, s0;
	_ =	swait.ge [sflag:s15], $0x8000  }
0x20: {  	s2 =	sshrl.u32 s31, $0x3;
	[sflag:s15] =	ssyncset.done $0x0  }
0x21: {  	s2 =	sadd.s32 s4, s2;
	[sflag:s15] =	ssyncadd.s32 $0xFFFF8000  }
0x22: {  	[tilespmem:s16], [sflag:$0x1] =	stream.strided.gather [hbm4b:s2+s13], $0x200, s14, s13, $0x38;
	[tilespmem:$0x19900] =	vst v63  }
0x23: {  	s0 =	sadd.s32 s9, s0;
	_ =	swait.ge [sflag:s15], $0x200  }
0x24: {  	s0 =	sshrl.u32 s0, $0x3;
	[sflag:s15] =	ssyncset.done $0x0  }
0x25: {  	s29 =	simm.s32 $0x19100;
	s0 =	sadd.s32 s5, s0;
	[sflag:s15] =	ssyncadd.s32 $0xFFFFFE00  }
0x26: {  	[tilespmem:s29], [sflag:$0x1] =	stream.strided.gather [hbm4b:s0+s13], $0x800, s14, s13, $0x38;
	[tilespmem:$0x19900] =	vst v63  }
0x27: {  	_ =	swait.ge [sflag:s15], $0x800  }
0x28: {  	[sflag:s15] =	ssyncset.done $0x0  }
0x29: {  	[sflag:s15] =	ssyncadd.s32 $0xFFFFF800  }
0x2a: {  	v5 =	vld [tilespmem:$0x18F00]  }
0x2b: {  	v6 =	vld [tilespmem:$0x18F10];
	_ =	sdelay $0x3  }
0x2c: {  	(xrf1) =	vsort.ascd.msk.f32 $0xffff, v5, v5  }
0x2d: {  	(xrf1) =	vsort.ascd.msk.f32 $0xffff, v6, v6;
	_ =	sdelay $0xc  }
0x2e: {  	v5, _, _ =	vpop (xrf1)  }
0x2f: {  	v6, _, _ =	vpop (xrf1)  }
0x30: {  	v6 =	vperm.xlane v6, v1;
	_ =	sdelay $0x1  }
0x31: {  	v7 =	vld [tilespmem:$0x18F20];
	v5 =	vperm.xlane v5, v1;
	v6 =	vperm.xlane v6, v1  }
0x32: {  	v8 =	vld [tilespmem:$0x18F30]  }
0x33: {  	v9 =	vmax.f32 v5, v6  }
0x34: {  	v5 =	vmin.f32 v5, v6;
	(xrf1) =	vsort.ascd.msk.f32 $0xffff, v9, v9  }
0x35: {  	(xrf1) =	vsort.ascd.msk.f32 $0xffff, v5, v5  }
0x36: {  	(xrf1) =	vsort.ascd.msk.f32 $0xffff, v7, v7  }
0x37: {  	(xrf1) =	vsort.ascd.msk.f32 $0xffff, v8, v8;
	_ =	sdelay $0xa  }
0x38: {  	v5, _, _ =	vpop (xrf1)  }
0x39: {  	v6, _, _ =	vpop (xrf1)  }
0x3a: {  	v7, _, _ =	vpop (xrf1)  }
0x3b: {  	v8, _, _ =	vpop (xrf1)  }
0x3c: {  	v8 =	vperm.xlane v8, v1;
	_ =	sdelay $0x1  }
0x3d: {  	v7 =	vperm.xlane v7, v1;
	v8 =	vperm.xlane v8, v1;
	_ =	sdelay $0x1  }
0x3e: {  	v9 =	vmax.f32 v7, v8  }
0x3f: {  	v7 =	vmin.f32 v7, v8;
	(xrf1) =	vsort.ascd.msk.f32 $0xffff, v9, v9  }
0x40: {  	(xrf1) =	vsort.ascd.msk.f32 $0xffff, v7, v7;
	_ =	sdelay $0xc  }
0x41: {  	v7, _, _ =	vpop (xrf1)  }
0x42: {  	v8, _, _ =	vpop (xrf1)  }
0x43: {  	v7 =	vperm.xlane v7, v1;
	v8 =	vperm.xlane v8, v1  }
0x44: {  	v5 =	vperm.xlane v5, v1;
	v6 =	vperm.xlane v6, v1  }
0x45: {  	v7 =	vperm.xlane v7, v1;
	v8 =	vperm.xlane v8, v1;
	_ =	sdelay $0x1  }
0x46: {  	v10 =	vmax.f32 v6, v7;
	v9 =	vmax.f32 v5, v8  }
0x47: {  	v11 =	vld [tilespmem:$0x18F40];
	v5 =	vmin.f32 v5, v8;
	v8 =	vmax.f32 v9, v10  }
0x48: {  	v6 =	vmin.f32 v6, v7;
	v7 =	vmin.f32 v9, v10;
	(xrf1) =	vsort.ascd.msk.f32 $0xffff, v8, v8;
	v8 =	vld [tilespmem:$0x18F50]  }
0x49: {  	(xrf1) =	vsort.ascd.msk.f32 $0xffff, v7, v7;
	v7 =	vmax.f32 v5, v6  }
0x4a: {  	v5 =	vmin.f32 v5, v6;
	(xrf1) =	vsort.ascd.msk.f32 $0xffff, v7, v7  }
0x4b: {  	(xrf1) =	vsort.ascd.msk.f32 $0xffff, v5, v5  }
0x4c: {  	(xrf1) =	vsort.ascd.msk.f32 $0xffff, v11, v11  }
0x4d: {  	(xrf1) =	vsort.ascd.msk.f32 $0xffff, v8, v8;
	_ =	sdelay $0x8  }
0x4e: {  	v5, _, _ =	vpop (xrf1)  }
0x4f: {  	v6, _, _ =	vpop (xrf1)  }
0x50: {  	v7, _, _ =	vpop (xrf1)  }
0x51: {  	v8, _, _ =	vpop (xrf1)  }
0x52: {  	v9, _, _ =	vpop (xrf1)  }
0x53: {  	v10, _, _ =	vpop (xrf1)  }
0x54: {  	v10 =	vperm.xlane v10, v1;
	_ =	sdelay $0x1  }
0x55: {  	v11 =	vld [tilespmem:$0x18F60];
	v9 =	vperm.xlane v9, v1;
	v10 =	vperm.xlane v10, v1  }
0x56: {  	v12 =	vld [tilespmem:$0x18F70]  }
0x57: {  	v13 =	vmax.f32 v9, v10  }
0x58: {  	v9 =	vmin.f32 v9, v10;
	(xrf1) =	vsort.ascd.msk.f32 $0xffff, v13, v13  }
0x59: {  	(xrf1) =	vsort.ascd.msk.f32 $0xffff, v9, v9  }
0x5a: {  	(xrf1) =	vsort.ascd.msk.f32 $0xffff, v11, v11  }
0x5b: {  	(xrf1) =	vsort.ascd.msk.f32 $0xffff, v12, v12;
	_ =	sdelay $0xa  }
0x5c: {  	v9, _, _ =	vpop (xrf1)  }
0x5d: {  	v10, _, _ =	vpop (xrf1)  }
0x5e: {  	v11, _, _ =	vpop (xrf1)  }
0x5f: {  	v12, _, _ =	vpop (xrf1)  }
0x60: {  	v12 =	vperm.xlane v12, v1;
	_ =	sdelay $0x1  }
0x61: {  	v11 =	vperm.xlane v11, v1;
	v12 =	vperm.xlane v12, v1;
	_ =	sdelay $0x1  }
0x62: {  	v59 =	vmax.f32 v11, v12  }
0x63: {  	v11 =	vmin.f32 v11, v12;
	(xrf1) =	vsort.ascd.msk.f32 $0xffff, v59, v59  }
0x64: {  	(xrf1) =	vsort.ascd.msk.f32 $0xffff, v11, v11;
	_ =	sdelay $0xc  }
0x65: {  	v11, _, _ =	vpop (xrf1)  }
0x66: {  	v60, _, _ =	vpop (xrf1)  }
0x67: {  	v11 =	vperm.xlane v11, v1;
	v12 =	vperm.xlane v60, v1  }
0x68: {  	v9 =	vperm.xlane v9, v1;
	v10 =	vperm.xlane v10, v1  }
0x69: {  	v11 =	vperm.xlane v11, v1;
	v12 =	vperm.xlane v12, v1;
	_ =	sdelay $0x1  }
0x6a: {  	v14 =	vmax.f32 v10, v11;
	v61 =	vmax.f32 v9, v12  }
0x6b: {  	v10 =	vmin.f32 v10, v11;
	v62 =	vmax.f32 v61, v14  }
0x6c: {  	v9 =	vmin.f32 v9, v12;
	v11 =	vmin.f32 v61, v14;
	(xrf1) =	vsort.ascd.msk.f32 $0xffff, v62, v62  }
0x6d: {  	(xrf1) =	vsort.ascd.msk.f32 $0xffff, v11, v11;
	v11 =	vmax.f32 v9, v10  }
0x6e: {  	v9 =	vmin.f32 v9, v10;
	(xrf1) =	vsort.ascd.msk.f32 $0xffff, v11, v11  }
0x6f: {  	(xrf1) =	vsort.ascd.msk.f32 $0xffff, v9, v9;
	_ =	sdelay $0xa  }
0x70: {  	v9, _, _ =	vpop (xrf1)  }
0x71: {  	v5 =	vperm.xlane v5, v1;
	v6 =	vperm.xlane v6, v1;
	v10, _, _ =	vpop (xrf1)  }
0x72: {  	v7 =	vperm.xlane v7, v1;
	v8 =	vperm.xlane v8, v1;
	v11, _, _ =	vpop (xrf1)  }
0x73: {  	v9 =	vperm.xlane v9, v1;
	v10 =	vperm.xlane v10, v1;
	v63, _, _ =	vpop (xrf1)  }
0x74: {  	v11 =	vperm.xlane v11, v1;
	v12 =	vperm.xlane v63, v1  }
0x75: {  	v9 =	vperm.xlane v9, v1;
	v10 =	vperm.xlane v10, v1  }
0x76: {  	v11 =	vperm.xlane v11, v1;
	v12 =	vperm.xlane v12, v1  }
0x77: {  	v8 =	vmax.f32 v8, v9  }
0x78: {  	v7 =	vmax.f32 v7, v10;
	v6 =	vmax.f32 v6, v11;
	v5 =	vmax.f32 v5, v12  }
0x79: {  	v10 =	vmax.f32 v6, v8;
	v9 =	vmax.f32 v5, v7  }
0x7a: {  	v11 =	vld [tilespmem:$0x18F80];
	v5 =	vmin.f32 v5, v7;
	v7 =	vmax.f32 v9, v10  }
0x7b: {  	v6 =	vmin.f32 v6, v8;
	v8 =	vmin.f32 v9, v10;
	(xrf1) =	vsort.ascd.msk.f32 $0xffff, v7, v7;
	v7 =	vld [tilespmem:$0x18F90]  }
0x7c: {  	(xrf1) =	vsort.ascd.msk.f32 $0xffff, v8, v8;
	v8 =	vmax.f32 v5, v6  }
0x7d: {  	v5 =	vmin.f32 v5, v6;
	(xrf1) =	vsort.ascd.msk.f32 $0xffff, v8, v8  }
0x7e: {  	(xrf1) =	vsort.ascd.msk.f32 $0xffff, v5, v5  }
0x7f: {  	(xrf1) =	vsort.ascd.msk.f32 $0xffff, v11, v11  }
0x80: {  	(xrf1) =	vsort.ascd.msk.f32 $0xffff, v7, v7;
	_ =	sdelay $0x8  }
0x81: {  	v5, _, _ =	vpop (xrf1)  }
0x82: {  	v6, _, _ =	vpop (xrf1)  }
0x83: {  	v7, _, _ =	vpop (xrf1)  }
0x84: {  	v8, _, _ =	vpop (xrf1)  }
0x85: {  	v9, _, _ =	vpop (xrf1)  }
0x86: {  	v10, _, _ =	vpop (xrf1)  }
0x87: {  	v10 =	vperm.xlane v10, v1;
	_ =	sdelay $0x1  }
0x88: {  	v11 =	vld [tilespmem:$0x18FA0];
	v9 =	vperm.xlane v9, v1;
	v10 =	vperm.xlane v10, v1  }
0x89: {  	v16 =	vld [tilespmem:$0x18FB0]  }
0x8a: {  	v17 =	vmax.f32 v9, v10  }
0x8b: {  	v9 =	vmin.f32 v9, v10;
	(xrf1) =	vsort.ascd.msk.f32 $0xffff, v17, v17  }
0x8c: {  	(xrf1) =	vsort.ascd.msk.f32 $0xffff, v9, v9  }
0x8d: {  	(xrf1) =	vsort.ascd.msk.f32 $0xffff, v11, v11  }
0x8e: {  	(xrf1) =	vsort.ascd.msk.f32 $0xffff, v16, v16;
	_ =	sdelay $0xa  }
0x8f: {  	v9, _, _ =	vpop (xrf1)  }
0x90: {  	v10, _, _ =	vpop (xrf1)  }
0x91: {  	v11, _, _ =	vpop (xrf1)  }
0x92: {  	v12, _, _ =	vpop (xrf1)  }
0x93: {  	v12 =	vperm.xlane v12, v1;
	_ =	sdelay $0x1  }
0x94: {  	v11 =	vperm.xlane v11, v1;
	v12 =	vperm.xlane v12, v1;
	_ =	sdelay $0x1  }
0x95: {  	v18 =	vmax.f32 v11, v12  }
0x96: {  	v11 =	vmin.f32 v11, v12;
	(xrf1) =	vsort.ascd.msk.f32 $0xffff, v18, v18  }
0x97: {  	(xrf1) =	vsort.ascd.msk.f32 $0xffff, v11, v11;
	_ =	sdelay $0xc  }
0x98: {  	v11, _, _ =	vpop (xrf1)  }
0x99: {  	v19, _, _ =	vpop (xrf1)  }
0x9a: {  	v11 =	vperm.xlane v11, v1;
	v12 =	vperm.xlane v19, v1  }
0x9b: {  	v9 =	vperm.xlane v9, v1;
	v10 =	vperm.xlane v10, v1  }
0x9c: {  	v11 =	vperm.xlane v11, v1;
	v12 =	vperm.xlane v12, v1;
	_ =	sdelay $0x1  }
0x9d: {  	v21 =	vmax.f32 v10, v11;
	v20 =	vmax.f32 v9, v12  }
0x9e: {  	v10 =	vmin.f32 v10, v11;
	v22 =	vmax.f32 v20, v21  }
0x9f: {  	v9 =	vmin.f32 v9, v12;
	v11 =	vmin.f32 v20, v21;
	(xrf1) =	vsort.ascd.msk.f32 $0xffff, v22, v22  }
0xa0: {  	(xrf1) =	vsort.ascd.msk.f32 $0xffff, v11, v11;
	v11 =	vmax.f32 v9, v10  }
0xa1: {  	v9 =	vmin.f32 v9, v10;
	(xrf1) =	vsort.ascd.msk.f32 $0xffff, v11, v11  }
0xa2: {  	(xrf1) =	vsort.ascd.msk.f32 $0xffff, v9, v9;
	_ =	sdelay $0xa  }
0xa3: {  	v9, _, _ =	vpop (xrf1)  }
0xa4: {  	v5 =	vperm.xlane v5, v1;
	v6 =	vperm.xlane v6, v1;
	v10, _, _ =	vpop (xrf1)  }
0xa5: {  	v7 =	vperm.xlane v7, v1;
	v8 =	vperm.xlane v8, v1;
	v11, _, _ =	vpop (xrf1)  }
0xa6: {  	v9 =	vperm.xlane v9, v1;
	v10 =	vperm.xlane v10, v1;
	v23, _, _ =	vpop (xrf1)  }
0xa7: {  	v11 =	vperm.xlane v11, v1;
	v12 =	vperm.xlane v23, v1  }
0xa8: {  	v9 =	vperm.xlane v9, v1;
	v10 =	vperm.xlane v10, v1  }
0xa9: {  	v11 =	vperm.xlane v11, v1;
	v12 =	vperm.xlane v12, v1  }
0xaa: {  	v8 =	vmax.f32 v8, v9  }
0xab: {  	v7 =	vmax.f32 v7, v10;
	v6 =	vmax.f32 v6, v11;
	v5 =	vmax.f32 v5, v12  }
0xac: {  	v10 =	vmax.f32 v6, v8;
	v9 =	vmax.f32 v5, v7  }
0xad: {  	v11 =	vld [tilespmem:$0x18FC0];
	v5 =	vmin.f32 v5, v7;
	v7 =	vmax.f32 v9, v10  }
0xae: {  	v6 =	vmin.f32 v6, v8;
	v8 =	vmin.f32 v9, v10;
	(xrf1) =	vsort.ascd.msk.f32 $0xffff, v7, v7;
	v7 =	vld [tilespmem:$0x18FD0]  }
0xaf: {  	(xrf1) =	vsort.ascd.msk.f32 $0xffff, v8, v8;
	v8 =	vmax.f32 v5, v6  }
0xb0: {  	v5 =	vmin.f32 v5, v6;
	(xrf1) =	vsort.ascd.msk.f32 $0xffff, v8, v8  }
0xb1: {  	(xrf1) =	vsort.ascd.msk.f32 $0xffff, v5, v5  }
0xb2: {  	(xrf1) =	vsort.ascd.msk.f32 $0xffff, v11, v11  }
0xb3: {  	(xrf1) =	vsort.ascd.msk.f32 $0xffff, v7, v7;
	_ =	sdelay $0x8  }
0xb4: {  	v5, _, _ =	vpop (xrf1)  }
0xb5: {  	v6, _, _ =	vpop (xrf1)  }
0xb6: {  	v7, _, _ =	vpop (xrf1)  }
0xb7: {  	v8, _, _ =	vpop (xrf1)  }
0xb8: {  	v9, _, _ =	vpop (xrf1)  }
0xb9: {  	v10, _, _ =	vpop (xrf1)  }
0xba: {  	v10 =	vperm.xlane v10, v1;
	_ =	sdelay $0x1  }
0xbb: {  	v11 =	vld [tilespmem:$0x18FE0];
	v9 =	vperm.xlane v9, v1;
	v10 =	vperm.xlane v10, v1  }
0xbc: {  	v24 =	vld [tilespmem:$0x18FF0]  }
0xbd: {  	v25 =	vmax.f32 v9, v10  }
0xbe: {  	v9 =	vmin.f32 v9, v10;
	(xrf1) =	vsort.ascd.msk.f32 $0xffff, v25, v25  }
0xbf: {  	(xrf1) =	vsort.ascd.msk.f32 $0xffff, v9, v9  }
0xc0: {  	(xrf1) =	vsort.ascd.msk.f32 $0xffff, v11, v11  }
0xc1: {  	(xrf1) =	vsort.ascd.msk.f32 $0xffff, v24, v24;
	_ =	sdelay $0xa  }
0xc2: {  	v9, _, _ =	vpop (xrf1)  }
0xc3: {  	v10, _, _ =	vpop (xrf1)  }
0xc4: {  	v11, _, _ =	vpop (xrf1)  }
0xc5: {  	v12, _, _ =	vpop (xrf1)  }
0xc6: {  	v12 =	vperm.xlane v12, v1;
	_ =	sdelay $0x1  }
0xc7: {  	v11 =	vperm.xlane v11, v1;
	v12 =	vperm.xlane v12, v1;
	_ =	sdelay $0x1  }
0xc8: {  	v26 =	vmax.f32 v11, v12  }
0xc9: {  	v11 =	vmin.f32 v11, v12;
	(xrf1) =	vsort.ascd.msk.f32 $0xffff, v26, v26  }
0xca: {  	(xrf1) =	vsort.ascd.msk.f32 $0xffff, v11, v11;
	_ =	sdelay $0xc  }
0xcb: {  	v11, _, _ =	vpop (xrf1)  }
0xcc: {  	v27, _, _ =	vpop (xrf1)  }
0xcd: {  	v11 =	vperm.xlane v11, v1;
	v12 =	vperm.xlane v27, v1  }
0xce: {  	v9 =	vperm.xlane v9, v1;
	v10 =	vperm.xlane v10, v1  }
0xcf: {  	v11 =	vperm.xlane v11, v1;
	v12 =	vperm.xlane v12, v1;
	_ =	sdelay $0x1  }
0xd0: {  	v29 =	vmax.f32 v10, v11;
	v28 =	vmax.f32 v9, v12  }
0xd1: {  	v10 =	vmin.f32 v10, v11;
	v30 =	vmax.f32 v28, v29  }
0xd2: {  	v9 =	vmin.f32 v9, v12;
	v11 =	vmin.f32 v28, v29;
	(xrf1) =	vsort.ascd.msk.f32 $0xffff, v30, v30  }
0xd3: {  	(xrf1) =	vsort.ascd.msk.f32 $0xffff, v11, v11;
	v11 =	vmax.f32 v9, v10  }
0xd4: {  	v9 =	vmin.f32 v9, v10;
	(xrf1) =	vsort.ascd.msk.f32 $0xffff, v11, v11  }
0xd5: {  	(xrf1) =	vsort.ascd.msk.f32 $0xffff, v9, v9;
	_ =	sdelay $0xa  }
0xd6: {  	v9, _, _ =	vpop (xrf1)  }
0xd7: {  	v5 =	vperm.xlane v5, v1;
	v6 =	vperm.xlane v6, v1;
	v10, _, _ =	vpop (xrf1)  }
0xd8: {  	v7 =	vperm.xlane v7, v1;
	v8 =	vperm.xlane v8, v1;
	v11, _, _ =	vpop (xrf1)  }
0xd9: {  	v9 =	vperm.xlane v9, v1;
	v10 =	vperm.xlane v10, v1;
	v31, _, _ =	vpop (xrf1)  }
0xda: {  	v11 =	vperm.xlane v11, v1;
	v12 =	vperm.xlane v31, v1  }
0xdb: {  	v9 =	vperm.xlane v9, v1;
	v10 =	vperm.xlane v10, v1  }
0xdc: {  	v11 =	vperm.xlane v11, v1;
	v12 =	vperm.xlane v12, v1  }
0xdd: {  	v8 =	vmax.f32 v8, v9  }
0xde: {  	v7 =	vmax.f32 v7, v10;
	v6 =	vmax.f32 v6, v11;
	v5 =	vmax.f32 v5, v12  }
0xdf: {  	v10 =	vmax.f32 v6, v8;
	v9 =	vmax.f32 v5, v7  }
0xe0: {  	v11 =	vld [tilespmem:$0x19000];
	v5 =	vmin.f32 v5, v7;
	v7 =	vmax.f32 v9, v10  }
0xe1: {  	v6 =	vmin.f32 v6, v8;
	v8 =	vmin.f32 v9, v10;
	(xrf1) =	vsort.ascd.msk.f32 $0xffff, v7, v7;
	v7 =	vld [tilespmem:$0x19010]  }
0xe2: {  	(xrf1) =	vsort.ascd.msk.f32 $0xffff, v8, v8;
	v8 =	vmax.f32 v5, v6  }
0xe3: {  	v5 =	vmin.f32 v5, v6;
	(xrf1) =	vsort.ascd.msk.f32 $0xffff, v8, v8  }
0xe4: {  	(xrf1) =	vsort.ascd.msk.f32 $0xffff, v5, v5  }
0xe5: {  	(xrf1) =	vsort.ascd.msk.f32 $0xffff, v11, v11  }
0xe6: {  	(xrf1) =	vsort.ascd.msk.f32 $0xffff, v7, v7;
	_ =	sdelay $0x8  }
0xe7: {  	v5, _, _ =	vpop (xrf1)  }
0xe8: {  	v6, _, _ =	vpop (xrf1)  }
0xe9: {  	v7, _, _ =	vpop (xrf1)  }
0xea: {  	v8, _, _ =	vpop (xrf1)  }
0xeb: {  	v9, _, _ =	vpop (xrf1)  }
0xec: {  	v10, _, _ =	vpop (xrf1)  }
0xed: {  	v10 =	vperm.xlane v10, v1;
	_ =	sdelay $0x1  }
0xee: {  	v11 =	vld [tilespmem:$0x19020];
	v9 =	vperm.xlane v9, v1;
	v10 =	vperm.xlane v10, v1  }
0xef: {  	v32 =	vld [tilespmem:$0x19030]  }
0xf0: {  	v33 =	vmax.f32 v9, v10  }
0xf1: {  	v9 =	vmin.f32 v9, v10;
	(xrf1) =	vsort.ascd.msk.f32 $0xffff, v33, v33  }
0xf2: {  	(xrf1) =	vsort.ascd.msk.f32 $0xffff, v9, v9  }
0xf3: {  	(xrf1) =	vsort.ascd.msk.f32 $0xffff, v11, v11  }
0xf4: {  	(xrf1) =	vsort.ascd.msk.f32 $0xffff, v32, v32;
	_ =	sdelay $0xa  }
0xf5: {  	v9, _, _ =	vpop (xrf1)  }
0xf6: {  	v10, _, _ =	vpop (xrf1)  }
0xf7: {  	v11, _, _ =	vpop (xrf1)  }
0xf8: {  	v12, _, _ =	vpop (xrf1)  }
0xf9: {  	v12 =	vperm.xlane v12, v1;
	_ =	sdelay $0x1  }
0xfa: {  	v11 =	vperm.xlane v11, v1;
	v12 =	vperm.xlane v12, v1;
	_ =	sdelay $0x1  }
0xfb: {  	v34 =	vmax.f32 v11, v12  }
0xfc: {  	v11 =	vmin.f32 v11, v12;
	(xrf1) =	vsort.ascd.msk.f32 $0xffff, v34, v34  }
0xfd: {  	(xrf1) =	vsort.ascd.msk.f32 $0xffff, v11, v11;
	_ =	sdelay $0xc  }
0xfe: {  	v11, _, _ =	vpop (xrf1)  }
0xff: {  	v35, _, _ =	vpop (xrf1)  }
0x100: {  	v11 =	vperm.xlane v11, v1;
	v12 =	vperm.xlane v35, v1  }
0x101: {  	v9 =	vperm.xlane v9, v1;
	v10 =	vperm.xlane v10, v1  }
0x102: {  	v11 =	vperm.xlane v11, v1;
	v12 =	vperm.xlane v12, v1;
	_ =	sdelay $0x1  }
0x103: {  	v37 =	vmax.f32 v10, v11;
	v36 =	vmax.f32 v9, v12  }
0x104: {  	v10 =	vmin.f32 v10, v11;
	v38 =	vmax.f32 v36, v37  }
0x105: {  	v9 =	vmin.f32 v9, v12;
	v11 =	vmin.f32 v36, v37;
	(xrf1) =	vsort.ascd.msk.f32 $0xffff, v38, v38  }
0x106: {  	(xrf1) =	vsort.ascd.msk.f32 $0xffff, v11, v11;
	v11 =	vmax.f32 v9, v10  }
0x107: {  	v9 =	vmin.f32 v9, v10;
	(xrf1) =	vsort.ascd.msk.f32 $0xffff, v11, v11  }
0x108: {  	(xrf1) =	vsort.ascd.msk.f32 $0xffff, v9, v9;
	_ =	sdelay $0xa  }
0x109: {  	v9, _, _ =	vpop (xrf1)  }
0x10a: {  	v5 =	vperm.xlane v5, v1;
	v6 =	vperm.xlane v6, v1;
	v10, _, _ =	vpop (xrf1)  }
0x10b: {  	v7 =	vperm.xlane v7, v1;
	v8 =	vperm.xlane v8, v1;
	v11, _, _ =	vpop (xrf1)  }
0x10c: {  	v9 =	vperm.xlane v9, v1;
	v10 =	vperm.xlane v10, v1;
	v39, _, _ =	vpop (xrf1)  }
0x10d: {  	v11 =	vperm.xlane v11, v1;
	v12 =	vperm.xlane v39, v1  }
0x10e: {  	v9 =	vperm.xlane v9, v1;
	v10 =	vperm.xlane v10, v1  }
0x10f: {  	v11 =	vperm.xlane v11, v1;
	v12 =	vperm.xlane v12, v1  }
0x110: {  	v8 =	vmax.f32 v8, v9  }
0x111: {  	v7 =	vmax.f32 v7, v10;
	v6 =	vmax.f32 v6, v11;
	v5 =	vmax.f32 v5, v12  }
0x112: {  	v10 =	vmax.f32 v6, v8;
	v9 =	vmax.f32 v5, v7  }
0x113: {  	v11 =	vld [tilespmem:$0x19040];
	v5 =	vmin.f32 v5, v7;
	v7 =	vmax.f32 v9, v10  }
0x114: {  	v6 =	vmin.f32 v6, v8;
	v8 =	vmin.f32 v9, v10;
	(xrf1) =	vsort.ascd.msk.f32 $0xffff, v7, v7;
	v7 =	vld [tilespmem:$0x19050]  }
0x115: {  	(xrf1) =	vsort.ascd.msk.f32 $0xffff, v8, v8;
	v8 =	vmax.f32 v5, v6  }
0x116: {  	v5 =	vmin.f32 v5, v6;
	(xrf1) =	vsort.ascd.msk.f32 $0xffff, v8, v8  }
0x117: {  	(xrf1) =	vsort.ascd.msk.f32 $0xffff, v5, v5  }
0x118: {  	(xrf1) =	vsort.ascd.msk.f32 $0xffff, v11, v11  }
0x119: {  	(xrf1) =	vsort.ascd.msk.f32 $0xffff, v7, v7;
	_ =	sdelay $0x8  }
0x11a: {  	v5, _, _ =	vpop (xrf1)  }
0x11b: {  	v6, _, _ =	vpop (xrf1)  }
0x11c: {  	v7, _, _ =	vpop (xrf1)  }
0x11d: {  	v8, _, _ =	vpop (xrf1)  }
0x11e: {  	v9, _, _ =	vpop (xrf1)  }
0x11f: {  	v10, _, _ =	vpop (xrf1)  }
0x120: {  	v10 =	vperm.xlane v10, v1;
	_ =	sdelay $0x1  }
0x121: {  	v11 =	vld [tilespmem:$0x19060];
	v9 =	vperm.xlane v9, v1;
	v10 =	vperm.xlane v10, v1  }
0x122: {  	v40 =	vld [tilespmem:$0x19070]  }
0x123: {  	v41 =	vmax.f32 v9, v10  }
0x124: {  	v9 =	vmin.f32 v9, v10;
	(xrf1) =	vsort.ascd.msk.f32 $0xffff, v41, v41  }
0x125: {  	(xrf1) =	vsort.ascd.msk.f32 $0xffff, v9, v9  }
0x126: {  	(xrf1) =	vsort.ascd.msk.f32 $0xffff, v11, v11  }
0x127: {  	(xrf1) =	vsort.ascd.msk.f32 $0xffff, v40, v40;
	_ =	sdelay $0xa  }
0x128: {  	v9, _, _ =	vpop (xrf1)  }
0x129: {  	v10, _, _ =	vpop (xrf1)  }
0x12a: {  	v11, _, _ =	vpop (xrf1)  }
0x12b: {  	v12, _, _ =	vpop (xrf1)  }
0x12c: {  	v12 =	vperm.xlane v12, v1;
	_ =	sdelay $0x1  }
0x12d: {  	v11 =	vperm.xlane v11, v1;
	v12 =	vperm.xlane v12, v1;
	_ =	sdelay $0x1  }
0x12e: {  	v42 =	vmax.f32 v11, v12  }
0x12f: {  	v11 =	vmin.f32 v11, v12;
	(xrf1) =	vsort.ascd.msk.f32 $0xffff, v42, v42  }
0x130: {  	(xrf1) =	vsort.ascd.msk.f32 $0xffff, v11, v11;
	_ =	sdelay $0xc  }
0x131: {  	v11, _, _ =	vpop (xrf1)  }
0x132: {  	v43, _, _ =	vpop (xrf1)  }
0x133: {  	v11 =	vperm.xlane v11, v1;
	v12 =	vperm.xlane v43, v1  }
0x134: {  	v9 =	vperm.xlane v9, v1;
	v10 =	vperm.xlane v10, v1  }
0x135: {  	v11 =	vperm.xlane v11, v1;
	v12 =	vperm.xlane v12, v1;
	_ =	sdelay $0x1  }
0x136: {  	v45 =	vmax.f32 v10, v11;
	v44 =	vmax.f32 v9, v12  }
0x137: {  	v10 =	vmin.f32 v10, v11;
	v46 =	vmax.f32 v44, v45  }
0x138: {  	v9 =	vmin.f32 v9, v12;
	v11 =	vmin.f32 v44, v45;
	(xrf1) =	vsort.ascd.msk.f32 $0xffff, v46, v46  }
0x139: {  	(xrf1) =	vsort.ascd.msk.f32 $0xffff, v11, v11;
	v11 =	vmax.f32 v9, v10  }
0x13a: {  	v9 =	vmin.f32 v9, v10;
	(xrf1) =	vsort.ascd.msk.f32 $0xffff, v11, v11  }
0x13b: {  	(xrf1) =	vsort.ascd.msk.f32 $0xffff, v9, v9;
	_ =	sdelay $0xa  }
0x13c: {  	v9, _, _ =	vpop (xrf1)  }
0x13d: {  	v5 =	vperm.xlane v5, v1;
	v6 =	vperm.xlane v6, v1;
	v10, _, _ =	vpop (xrf1)  }
0x13e: {  	v7 =	vperm.xlane v7, v1;
	v8 =	vperm.xlane v8, v1;
	v11, _, _ =	vpop (xrf1)  }
0x13f: {  	v9 =	vperm.xlane v9, v1;
	v10 =	vperm.xlane v10, v1;
	v47, _, _ =	vpop (xrf1)  }
0x140: {  	v11 =	vperm.xlane v11, v1;
	v12 =	vperm.xlane v47, v1  }
0x141: {  	v9 =	vperm.xlane v9, v1;
	v10 =	vperm.xlane v10, v1  }
0x142: {  	v11 =	vperm.xlane v11, v1;
	v12 =	vperm.xlane v12, v1  }
0x143: {  	v8 =	vmax.f32 v8, v9  }
0x144: {  	v7 =	vmax.f32 v7, v10;
	v6 =	vmax.f32 v6, v11;
	v5 =	vmax.f32 v5, v12  }
0x145: {  	v10 =	vmax.f32 v6, v8;
	v9 =	vmax.f32 v5, v7  }
0x146: {  	v11 =	vld [tilespmem:$0x19080];
	v5 =	vmin.f32 v5, v7;
	v7 =	vmax.f32 v9, v10  }
0x147: {  	v6 =	vmin.f32 v6, v8;
	v8 =	vmin.f32 v9, v10;
	(xrf1) =	vsort.ascd.msk.f32 $0xffff, v7, v7;
	v7 =	vld [tilespmem:$0x19090]  }
0x148: {  	(xrf1) =	vsort.ascd.msk.f32 $0xffff, v8, v8;
	v8 =	vmax.f32 v5, v6  }
0x149: {  	v5 =	vmin.f32 v5, v6;
	(xrf1) =	vsort.ascd.msk.f32 $0xffff, v8, v8  }
0x14a: {  	(xrf1) =	vsort.ascd.msk.f32 $0xffff, v5, v5  }
0x14b: {  	(xrf1) =	vsort.ascd.msk.f32 $0xffff, v11, v11  }
0x14c: {  	(xrf1) =	vsort.ascd.msk.f32 $0xffff, v7, v7;
	_ =	sdelay $0x8  }
0x14d: {  	v5, _, _ =	vpop (xrf1)  }
0x14e: {  	v6, _, _ =	vpop (xrf1)  }
0x14f: {  	v7, _, _ =	vpop (xrf1)  }
0x150: {  	v8, _, _ =	vpop (xrf1)  }
0x151: {  	v9, _, _ =	vpop (xrf1)  }
0x152: {  	v10, _, _ =	vpop (xrf1)  }
0x153: {  	v10 =	vperm.xlane v10, v1;
	_ =	sdelay $0x1  }
0x154: {  	v11 =	vld [tilespmem:$0x190A0];
	v9 =	vperm.xlane v9, v1;
	v10 =	vperm.xlane v10, v1  }
0x155: {  	v48 =	vld [tilespmem:$0x190B0]  }
0x156: {  	v49 =	vmax.f32 v9, v10  }
0x157: {  	v9 =	vmin.f32 v9, v10;
	(xrf1) =	vsort.ascd.msk.f32 $0xffff, v49, v49  }
0x158: {  	(xrf1) =	vsort.ascd.msk.f32 $0xffff, v9, v9  }
0x159: {  	(xrf1) =	vsort.ascd.msk.f32 $0xffff, v11, v11  }
0x15a: {  	(xrf1) =	vsort.ascd.msk.f32 $0xffff, v48, v48;
	_ =	sdelay $0xa  }
0x15b: {  	v9, _, _ =	vpop (xrf1)  }
0x15c: {  	v10, _, _ =	vpop (xrf1)  }
0x15d: {  	v11, _, _ =	vpop (xrf1)  }
0x15e: {  	v12, _, _ =	vpop (xrf1)  }
0x15f: {  	v12 =	vperm.xlane v12, v1;
	_ =	sdelay $0x1  }
0x160: {  	v11 =	vperm.xlane v11, v1;
	v12 =	vperm.xlane v12, v1;
	_ =	sdelay $0x1  }
0x161: {  	v50 =	vmax.f32 v11, v12  }
0x162: {  	v11 =	vmin.f32 v11, v12;
	(xrf1) =	vsort.ascd.msk.f32 $0xffff, v50, v50  }
0x163: {  	(xrf1) =	vsort.ascd.msk.f32 $0xffff, v11, v11;
	_ =	sdelay $0xc  }
0x164: {  	v11, _, _ =	vpop (xrf1)  }
0x165: {  	v51, _, _ =	vpop (xrf1)  }
0x166: {  	v11 =	vperm.xlane v11, v1;
	v12 =	vperm.xlane v51, v1  }
0x167: {  	v9 =	vperm.xlane v9, v1;
	v10 =	vperm.xlane v10, v1  }
0x168: {  	v11 =	vperm.xlane v11, v1;
	v12 =	vperm.xlane v12, v1;
	_ =	sdelay $0x1  }
0x169: {  	v53 =	vmax.f32 v10, v11;
	v52 =	vmax.f32 v9, v12  }
0x16a: {  	v10 =	vmin.f32 v10, v11;
	v54 =	vmax.f32 v52, v53  }
0x16b: {  	v9 =	vmin.f32 v9, v12;
	v11 =	vmin.f32 v52, v53;
	(xrf1) =	vsort.ascd.msk.f32 $0xffff, v54, v54  }
0x16c: {  	(xrf1) =	vsort.ascd.msk.f32 $0xffff, v11, v11;
	v11 =	vmax.f32 v9, v10  }
0x16d: {  	v9 =	vmin.f32 v9, v10;
	(xrf1) =	vsort.ascd.msk.f32 $0xffff, v11, v11  }
0x16e: {  	(xrf1) =	vsort.ascd.msk.f32 $0xffff, v9, v9;
	_ =	sdelay $0xa  }
0x16f: {  	v9, _, _ =	vpop (xrf1)  }
0x170: {  	v5 =	vperm.xlane v5, v1;
	v6 =	vperm.xlane v6, v1;
	v10, _, _ =	vpop (xrf1)  }
0x171: {  	v7 =	vperm.xlane v7, v1;
	v8 =	vperm.xlane v8, v1;
	v11, _, _ =	vpop (xrf1)  }
0x172: {  	v9 =	vperm.xlane v9, v1;
	v10 =	vperm.xlane v10, v1;
	v55, _, _ =	vpop (xrf1)  }
0x173: {  	v11 =	vperm.xlane v11, v1;
	v12 =	vperm.xlane v55, v1  }
0x174: {  	v9 =	vperm.xlane v9, v1;
	v10 =	vperm.xlane v10, v1  }
0x175: {  	v11 =	vperm.xlane v11, v1;
	v12 =	vperm.xlane v12, v1  }
0x176: {  	v8 =	vmax.f32 v8, v9  }
0x177: {  	v7 =	vmax.f32 v7, v10;
	v6 =	vmax.f32 v6, v11;
	v5 =	vmax.f32 v5, v12  }
0x178: {  	v10 =	vmax.f32 v6, v8;
	v9 =	vmax.f32 v5, v7  }
0x179: {  	v11 =	vld [tilespmem:$0x190C0];
	v5 =	vmin.f32 v5, v7;
	v7 =	vmax.f32 v9, v10  }
0x17a: {  	v6 =	vmin.f32 v6, v8;
	v8 =	vmin.f32 v9, v10;
	(xrf1) =	vsort.ascd.msk.f32 $0xffff, v7, v7;
	v7 =	vld [tilespmem:$0x190D0]  }
0x17b: {  	(xrf1) =	vsort.ascd.msk.f32 $0xffff, v8, v8;
	v8 =	vmax.f32 v5, v6  }
0x17c: {  	v5 =	vmin.f32 v5, v6;
	(xrf1) =	vsort.ascd.msk.f32 $0xffff, v8, v8  }
0x17d: {  	(xrf1) =	vsort.ascd.msk.f32 $0xffff, v5, v5  }
0x17e: {  	(xrf1) =	vsort.ascd.msk.f32 $0xffff, v11, v11  }
0x17f: {  	(xrf1) =	vsort.ascd.msk.f32 $0xffff, v7, v7;
	_ =	sdelay $0x8  }
0x180: {  	v5, _, _ =	vpop (xrf1)  }
0x181: {  	v6, _, _ =	vpop (xrf1)  }
0x182: {  	v7, _, _ =	vpop (xrf1)  }
0x183: {  	v8, _, _ =	vpop (xrf1)  }
0x184: {  	v9, _, _ =	vpop (xrf1)  }
0x185: {  	v10, _, _ =	vpop (xrf1)  }
0x186: {  	v10 =	vperm.xlane v10, v1;
	_ =	sdelay $0x1  }
0x187: {  	v11 =	vld [tilespmem:$0x190E0];
	v9 =	vperm.xlane v9, v1;
	v10 =	vperm.xlane v10, v1  }
0x188: {  	v56 =	vld [tilespmem:$0x190F0]  }
0x189: {  	v57 =	vmax.f32 v9, v10  }
0x18a: {  	v9 =	vmin.f32 v9, v10;
	(xrf1) =	vsort.ascd.msk.f32 $0xffff, v57, v57  }
0x18b: {  	(xrf1) =	vsort.ascd.msk.f32 $0xffff, v9, v9  }
0x18c: {  	(xrf1) =	vsort.ascd.msk.f32 $0xffff, v11, v11  }
0x18d: {  	(xrf1) =	vsort.ascd.msk.f32 $0xffff, v56, v56;
	_ =	sdelay $0xa  }
0x18e: {  	v9, _, _ =	vpop (xrf1)  }
0x18f: {  	v10, _, _ =	vpop (xrf1)  }
0x190: {  	v11, _, _ =	vpop (xrf1)  }
0x191: {  	v12, _, _ =	vpop (xrf1)  }
0x192: {  	v12 =	vperm.xlane v12, v1;
	_ =	sdelay $0x1  }
0x193: {  	v11 =	vperm.xlane v11, v1;
	v12 =	vperm.xlane v12, v1;
	_ =	sdelay $0x1  }
0x194: {  	v58 =	vmax.f32 v11, v12  }
0x195: {  	v11 =	vmin.f32 v11, v12;
	(xrf1) =	vsort.ascd.msk.f32 $0xffff, v58, v58  }
0x196: {  	(xrf1) =	vsort.ascd.msk.f32 $0xffff, v11, v11;
	_ =	sdelay $0xc  }
0x197: {  	v11, _, _ =	vpop (xrf1)  }
0x198: {  	v59, _, _ =	vpop (xrf1)  }
0x199: {  	v11 =	vperm.xlane v11, v1;
	v12 =	vperm.xlane v59, v1  }
0x19a: {  	v9 =	vperm.xlane v9, v1;
	v10 =	vperm.xlane v10, v1  }
0x19b: {  	v11 =	vperm.xlane v11, v1;
	v12 =	vperm.xlane v12, v1;
	_ =	sdelay $0x1  }
0x19c: {  	v61 =	vmax.f32 v10, v11;
	v60 =	vmax.f32 v9, v12  }
0x19d: {  	v10 =	vmin.f32 v10, v11;
	v62 =	vmax.f32 v60, v61  }
0x19e: {  	v9 =	vmin.f32 v9, v12;
	v11 =	vmin.f32 v60, v61;
	(xrf1) =	vsort.ascd.msk.f32 $0xffff, v62, v62  }
0x19f: {  	(xrf1) =	vsort.ascd.msk.f32 $0xffff, v11, v11;
	v11 =	vmax.f32 v9, v10  }
0x1a0: {  	v9 =	vmin.f32 v9, v10;
	(xrf1) =	vsort.ascd.msk.f32 $0xffff, v11, v11  }
0x1a1: {  	(xrf1) =	vsort.ascd.msk.f32 $0xffff, v9, v9;
	_ =	sdelay $0xa  }
0x1a2: {  	v9, _, _ =	vpop (xrf1)  }
0x1a3: {  	v5 =	vperm.xlane v5, v1;
	v6 =	vperm.xlane v6, v1;
	v10, _, _ =	vpop (xrf1)  }
0x1a4: {  	v7 =	vperm.xlane v7, v1;
	v8 =	vperm.xlane v8, v1;
	v11, _, _ =	vpop (xrf1)  }
0x1a5: {  	v9 =	vperm.xlane v9, v1;
	v10 =	vperm.xlane v10, v1;
	v63, _, _ =	vpop (xrf1)  }
0x1a6: {  	v11 =	vperm.xlane v11, v1;
	v12 =	vperm.xlane v63, v1  }
0x1a7: {  	v9 =	vperm.xlane v9, v1;
	v10 =	vperm.xlane v10, v1  }
0x1a8: {  	v11 =	vperm.xlane v11, v1;
	v12 =	vperm.xlane v12, v1  }
0x1a9: {  	v8 =	vmax.f32 v8, v9  }
0x1aa: {  	v7 =	vmax.f32 v7, v10;
	v6 =	vmax.f32 v6, v11;
	v5 =	vmax.f32 v5, v12  }
0x1ab: {  	v6 =	vmin.f32 v6, v8;
	v5 =	vmin.f32 v5, v7  }
0x1ac: {  	v5 =	vmin.f32 v5, v6  }
0x1ad: {  	(xrf1) =	vsort.ascd.msk.f32 $0xffff, v5, v5;
	_ =	sdelay $0xd  }
0x1ae: {  	v5, _, _ =	vpop (xrf1)  }
0x1af: {  	v5 =	vperm.xlane v5, v1;
	_ =	sdelay $0x1  }
0x1b0: {  	s0 =	simm.s32 $0x10;
	v8 =	vld [tilespmem:s29+$0x0];
	v7 =	vimm.s32 $0x0;
	v6 =	vimm.s32 $0x0;
	v5 =	vbroadcast v5, $0xF  }
.LBB2_3:
0x1b1: {  	p0 =	sne.s32 s0, $0x7F0;
	_ =	sdelay $0x3  }
0x1b2: {  	vm0 =	vge.f32 v8, v5  }
0x1b3: {  	v8 =	vsel vm0, $0x1, v2;
	v9 =	vmpcnt.ones.xlane vm0  }
0x1b4: {  	(xrf0) =	vadd.scan.msk.s32 $0xffff, v8  }
0x1b5: {  	v7 =	vadd.s32 v7, v9;
	_ =	sdelay $0x4  }
0x1b6: {  	v8, _, _ =	vpop (xrf0)  }
0x1b7: {  	v8 =	vadd.s32 v8, v6;
	v6 =	vmov v7  }
0x1b8: {  	v8 =	vadd.s32 $0xFFFFFFFF, v8;
	_ =	sdelay $0x1  }
.Ltmp2:
0x1b9: {  	(pc) =	sbr.rel @p0 .LBB2_3-.Ltmp2, $4  }
0x1ba: {  	_ = 	snop  }
0x1bb: {  	v9 =	vor.u32 s28, v0;
	s28 =	smov.u32 s0  }
0x1bc: {  	s29 =	sadd.s32 $0x10, s29;
	[tilespmem:v8+s17+$0x0] =	vst.idx.msk vm0, v9  }
0x1bd: {  	s0 =	sadd.s32 $0x10, s0;
	v8 =	vld [tilespmem:s29+$0x0]  }
0x1be: {  	_ =	sdelay $0x3  }
0x1bf: {  	vm0 =	vge.f32 v8, v5  }
0x1c0: {  	v8 =	vmpcnt.ones.xlane vm0;
	_ =	sdelay $0x1  }
0x1c1: {  	v7 =	vadd.s32 v7, v8  }
0x1c2: {  	(v2sf) =	vpush v7, $0x0;
	_ =	sdelay $0x6  }
0x1c3: {  	v7 =	vsel vm0, $0x1, v2  }
0x1c4: {  	(xrf0) =	vadd.scan.msk.s32 $0xffff, v7;
	_ =	sdelay $0x5  }
0x1c5: {  	v7, _, _ =	vpop (xrf0)  }
0x1c6: {  	v6 =	vadd.s32 v7, v6;
	s29 =	spop (v2sf)  }
0x1c7: {  	v6 =	vadd.s32 $0xFFFFFFFF, v6;
	p0 =	slt.s32 s29, $0x1  }
.Ltmp3:
0x1c8: {  	_ = 	snop;
	(pc) =	sbr.rel @p0 .LBB2_8-.Ltmp3, $3  }
0x1c9: {  	_ =	sdelay $0x1  }
0x1ca: {  	v7 =	vor.u32 s28, v0  }
0x1cb: {  	s0 =	simm.s32 $0x0;
	[tilespmem:v6+s17+$0x0] =	vst.idx.msk vm0, v7;
	v6 =	vimm.s32 $0x0  }
0x1cc: {  	s2 =	sand.u32 $0xFFFFFFC0, s0  }
0x1cd: {  	s2 =	sshra.s32 s2, $0x2  }
0x1ce: {  	v7 =	vld [tilespmem:s2+$0x18200];
	_ =	sdelay $0x3  }
0x1cf: {  	v8 =	vmov s0  }
0x1d0: {  	v7 =	vperm.xlane v7, v8;
	_ =	sdelay $0x1  }
0x1d1: {  	(v2sf) =	vpush v7, $0x0;
	_ =	sdelay $0xe  }
0x1d2: {  	s31 =	spop (v2sf)  }
0x1d3: {  	s0 =	sshll.u32 s31, $0x4  }
0x1d4: {  	v7 =	vld [tilespmem:s0+$0x0];
	_ =	sdelay $0x4  }
0x1d5: {  	vm0 =	vge.f32 v7, v5  }
0x1d6: {  	v8 =	vsel vm0, $0x1, v2  }
0x1d7: {  	(xrf0) =	vadd.scan.msk.s32 $0xffff, v8;
	_ =	sdelay $0x5  }
0x1d8: {  	v9 =	vmpcnt.ones.xlane vm0;
	v8, _, _ =	vpop (xrf0)  }
0x1d9: {  	p0 =	sne.s32 s29, $0x1;
	v10 =	vadd.s32 v8, v6  }
.Ltmp4:
0x1da: {  	v6 =	vadd.s32 v6, v9;
	v9 =	vadd.s32 $0xFFFFFFFF, v10;
	(pc) =	sbr.rel @!p0 .LBB2_7-.Ltmp4, $2  }
0x1db: {  	_ =	sdelay $0x2  }
0x1dc: {  	s28 =	simm.s32 $0x1;
	s30 =	simm.s32 $0x4;
	v8 =	vor.u32 s0, v0  }
.LBB2_6:
0x1dd: {  	s0 =	sand.u32 $0xFFFFFFC0, s30;
	[tilespmem:v9+s18+$0x0] =	vst.idx.msk vm0, v7;
	v10 =	vmov v6;
	s2 =	smov.u32 s28  }
0x1de: {  	s28 =	sadd.s32 $0x1, s28;
	s0 =	sshra.s32 s0, $0x2;
	[tilespmem:v9+s19+$0x0] =	vst.idx.msk vm0, v8  }
0x1df: {  	p0 =	sne.s32 s29, s28;
	v7 =	vld [tilespmem:s0+$0x18200];
	_ =	sdelay $0x3  }
0x1e0: {  	v8 =	vmov s2  }
0x1e1: {  	v7 =	vperm.xlane v7, v8;
	_ =	sdelay $0x1  }
0x1e2: {  	(v2sf) =	vpush v7, $0x0;
	_ =	sdelay $0xe  }
0x1e3: {  	s0 =	spop (v2sf)  }
0x1e4: {  	s0 =	sshll.u32 s0, $0x4  }
0x1e5: {  	v7 =	vld [tilespmem:s0+$0x0];
	v8 =	vor.u32 s0, v0;
	_ =	sdelay $0x4  }
0x1e6: {  	vm0 =	vge.f32 v7, v5  }
0x1e7: {  	v9 =	vsel vm0, $0x1, v2;
	v11 =	vmpcnt.ones.xlane vm0  }
0x1e8: {  	(xrf0) =	vadd.scan.msk.s32 $0xffff, v9  }
0x1e9: {  	v6 =	vadd.s32 v6, v11;
	_ =	sdelay $0x4  }
0x1ea: {  	v9, _, _ =	vpop (xrf0)  }
0x1eb: {  	v9 =	vadd.s32 v9, v10  }
.Ltmp5:
0x1ec: {  	v9 =	vadd.s32 $0xFFFFFFFF, v9;
	(pc) =	sbr.rel @p0 .LBB2_6-.Ltmp5, $2  }
0x1ed: {  	_ =	sdelay $0x2  }
0x1ee: {  	s30 =	sadd.s32 $0x4, s30  }
.LBB2_7:
0x1ef: {  	_ =	sdelay $0x4  }
0x1f0: {  	[tilespmem:v9+s18+$0x0] =	vst.idx.msk vm0, v7  }
0x1f1: {  	[tilespmem:v9+s19+$0x0] =	vst.idx.msk vm0, v8  }
.LBB2_8:
0x1f2: {  	v5 =	vadd.s32 v0, v6  }
0x1f3: {  	v7 =	vor.u32 $0x10, v0  }
0x1f4: {  	v7 =	vadd.s32 v7, v6  }
0x1f5: {  	v8 =	vor.u32 $0x20, v0  }
0x1f6: {  	v8 =	vadd.s32 v8, v6  }
0x1f7: {  	v9 =	vor.u32 $0x30, v0;
	[tilespmem:v5+s18+$0x0] =	vst.idx.msk $0xffff, v3  }
0x1f8: {  	[tilespmem:v5+s19+$0x0] =	vst.idx.msk $0xffff, v4;
	v5 =	vadd.s32 v9, v6  }
0x1f9: {  	[tilespmem:v7+s18+$0x0] =	vst.idx.msk $0xffff, v3  }
0x1fa: {  	[tilespmem:v7+s19+$0x0] =	vst.idx.msk $0xffff, v4  }
0x1fb: {  	[tilespmem:v8+s18+$0x0] =	vst.idx.msk $0xffff, v3  }
0x1fc: {  	[tilespmem:v8+s19+$0x0] =	vst.idx.msk $0xffff, v4  }
0x1fd: {  	[tilespmem:v5+s18+$0x0] =	vst.idx.msk $0xffff, v3  }
0x1fe: {  	[tilespmem:v5+s19+$0x0] =	vst.idx.msk $0xffff, v4  }
0x1ff: {  	v5 =	vld [tilespmem:$0x8000]  }
0x200: {  	v7 =	vld [tilespmem:$0x8010];
	_ =	sdelay $0x3  }
0x201: {  	(xrf1) =	vsort.ascd.msk.f32 $0xffff, v5, v5  }
0x202: {  	(xrf1) =	vsort.ascd.msk.f32 $0xffff, v7, v7;
	_ =	sdelay $0xc  }
0x203: {  	v5, _, _ =	vpop (xrf1)  }
0x204: {  	v7, _, _ =	vpop (xrf1)  }
0x205: {  	v7 =	vperm.xlane v7, v1;
	_ =	sdelay $0x1  }
0x206: {  	v8 =	vld [tilespmem:$0x8020];
	v5 =	vperm.xlane v5, v1;
	v7 =	vperm.xlane v7, v1  }
0x207: {  	v9 =	vld [tilespmem:$0x8030]  }
0x208: {  	v10 =	vmax.f32 v5, v7  }
0x209: {  	v5 =	vmin.f32 v5, v7;
	(xrf1) =	vsort.ascd.msk.f32 $0xffff, v10, v10  }
0x20a: {  	(xrf1) =	vsort.ascd.msk.f32 $0xffff, v5, v5  }
0x20b: {  	(xrf1) =	vsort.ascd.msk.f32 $0xffff, v8, v8  }
0x20c: {  	(xrf1) =	vsort.ascd.msk.f32 $0xffff, v9, v9;
	_ =	sdelay $0xa  }
0x20d: {  	v5, _, _ =	vpop (xrf1)  }
0x20e: {  	v7, _, _ =	vpop (xrf1)  }
0x20f: {  	v8, _, _ =	vpop (xrf1)  }
0x210: {  	v9, _, _ =	vpop (xrf1)  }
0x211: {  	v9 =	vperm.xlane v9, v1;
	_ =	sdelay $0x1  }
0x212: {  	v8 =	vperm.xlane v8, v1;
	v9 =	vperm.xlane v9, v1;
	_ =	sdelay $0x1  }
0x213: {  	v10 =	vmax.f32 v8, v9  }
0x214: {  	v8 =	vmin.f32 v8, v9;
	(xrf1) =	vsort.ascd.msk.f32 $0xffff, v10, v10  }
0x215: {  	(xrf1) =	vsort.ascd.msk.f32 $0xffff, v8, v8;
	_ =	sdelay $0xa  }
0x216: {  	(v2sf) =	vpush v6, $0x0;
	_ =	sdelay $0x1  }
0x217: {  	v8, _, _ =	vpop (xrf1)  }
0x218: {  	v9, _, _ =	vpop (xrf1)  }
0x219: {  	v6 =	vperm.xlane v8, v1;
	v8 =	vperm.xlane v9, v1  }
0x21a: {  	v5 =	vperm.xlane v5, v1;
	v7 =	vperm.xlane v7, v1  }
0x21b: {  	v6 =	vperm.xlane v6, v1;
	v8 =	vperm.xlane v8, v1;
	_ =	sdelay $0x1  }
0x21c: {  	v10 =	vmax.f32 v7, v6;
	v9 =	vmax.f32 v5, v8  }
0x21d: {  	v5 =	vmin.f32 v5, v8;
	v8 =	vmax.f32 v9, v10  }
0x21e: {  	v6 =	vmin.f32 v7, v6;
	v7 =	vmin.f32 v9, v10;
	(xrf1) =	vsort.ascd.msk.f32 $0xffff, v8, v8  }
0x21f: {  	(xrf1) =	vsort.ascd.msk.f32 $0xffff, v7, v7;
	v7 =	vmax.f32 v5, v6  }
0x220: {  	v5 =	vmin.f32 v5, v6;
	(xrf1) =	vsort.ascd.msk.f32 $0xffff, v7, v7  }
0x221: {  	(xrf1) =	vsort.ascd.msk.f32 $0xffff, v5, v5;
	_ =	sdelay $0x1  }
0x222: {  	s28 =	spop (v2sf)  }
0x223: {  	s0 =	sadd.s32 $0x3F, s28  }
0x224: {  	s2 =	sand.u32 $0x3F, s0  }
0x225: {  	s31 =	sshra.s32 s0, $0x1F;
	p1 =	slt.s32 s0, $0x1;
	p0 =	sne.s32 s2, $0x0  }
0x226: {  	s2 =	sshrl.u32 s31, $0x1A;
	p0 =	por !p1, !p0  }
0x227: {  	s0 =	sadd.s32 s2, s0;
	s2 =	simm.s32 $0x1;
	p0 =	por !p0, !p0  }
0x228: {  	s0 =	sshra.s32 s0, $0x6;
	s2 =	simm.s32 @!p0 $0x0  }
0x229: {  	s2 =	ssub.s32 s0, s2  }
0x22a: {  	p1 =	slt.s32 s2, $0x2  }
.Ltmp6:
0x22b: {  	v7, _, _ =	vpop (xrf1);
	(pc) =	sbr.rel @p1 .LBB2_22-.Ltmp6, $4  }
0x22c: {  	v6, _, _ =	vpop (xrf1)  }
0x22d: {  	v9, _, _ =	vpop (xrf1)  }
0x22e: {  	v5, _, _ =	vpop (xrf1)  }
0x22f: {  	v5 =	vperm.xlane v5, v1  }
0x230: {  	s29 =	simm.s32 $0xFFFFFFFF  }
0x231: {  	s2 =	simm.s32 $0x8070;
	s29 =	simm.s32 @!p0 $0x0  }
0x232: {  	v8 =	vld [tilespmem:s2+$0x0];
	s0 =	sadd.s32 s29, s0  }
0x233: {  	v10 =	vld [tilespmem:s2+$0xFFFFFFF0];
	s0 =	sadd.s32 $0xFFFFFFFF, s0  }
0x234: {  	v11 =	vld [tilespmem:s2+$0xFFFFFFD0];
	p5 =	sne.s32 s0, $0x1  }
.Ltmp7:
0x235: {  	_ = 	snop;
	(pc) =	sbr.rel @!p5 .LBB2_10-.Ltmp7, $4  }
0x236: {  	_ = 	snop  }
0x237: {  	(xrf1) =	vsort.ascd.msk.f32 $0xffff, v8, v8  }
0x238: {  	p1 =	por $0x0, $0x0;
	v6 =	vperm.xlane v6, v1;
	p2 =	por $0x0, $0x0;
	p3 =	por $0x0, $0x0;
	(xrf1) =	vsort.ascd.msk.f32 $0xffff, v10, v10  }
0x239: {  	p4 =	por $0x0, $0x0;
	p0 =	por $0x0, $0x0;
	v26 =	vld [tilespmem:s2+$0xFFFFFFE0];
	s0 =	sadd.s32 $0xFFFFFFFF, s0;
	v8 =	vperm.xlane v7, v1;
	v7 =	vperm.xlane v9, v1;
	(xrf1) =	vsort.ascd.msk.f32 $0xffff, v11, v11  }
0x23a: {  	_ =	sdelay $0x3  }
0x23b: {  	(xrf1) =	vsort.ascd.msk.f32 $0xffff, v26, v26;
	_ =	sdelay $0x8  }
0x23c: {  	v9, _, _ =	vpop (xrf1)  }
0x23d: {  	s2 =	simm.s32 $0x80B0;
	v9 =	vperm.xlane v9, v1  }
0x23e: {  	v10 =	vld [tilespmem:s2+$0x0];
	v11, _, _ =	vpop (xrf1)  }
0x23f: {  	v12 =	vld [tilespmem:s2+$0xFFFFFFF0];
	v11 =	vperm.xlane v11, v1;
	v9 =	vperm.xlane v9, v1  }
0x240: {  	v13, _, _ =	vpop (xrf1)  }
0x241: {  	v16 =	vld [tilespmem:s2+$0xFFFFFFD0];
	v15 =	vmin.f32 v11, v9;
	v14, _, _ =	vpop (xrf1)  }
0x242: {  	p5 =	sne.s32 s0, $0x1;
	(xrf1) =	vsort.ascd.msk.f32 $0xffff, v15, v15;
	v14 =	vperm.xlane v14, v1  }
.Ltmp8:
0x243: {  	v9 =	vmax.f32 v11, v9;
	(xrf1) =	vsort.ascd.msk.f32 $0xffff, v10, v10;
	(pc) =	sbr.rel @!p5 .LBB2_12-.Ltmp8, $4  }
0x244: {  	v10 =	vperm.xlane v13, v1;
	(xrf1) =	vsort.ascd.msk.f32 $0xffff, v12, v12;
	v11 =	vperm.xlane v14, v1  }
0x245: {  	(xrf1) =	vsort.ascd.msk.f32 $0xffff, v9, v9  }
0x246: {  	(xrf1) =	vsort.ascd.msk.f32 $0xffff, v16, v16;
	v9 =	vmax.f32 v10, v11  }
0x247: {  	s0 =	sadd.s32 $0xFFFFFFFF, s0;
	p0 =	por $0x1, $0x1;
	v26 =	vld [tilespmem:s2+$0xFFFFFFE0];
	v30 =	vmin.f32 v10, v11;
	(xrf1) =	vsort.ascd.msk.f32 $0xffff, v9, v9  }
0x248: {  	_ =	sdelay $0x3  }
0x249: {  	(xrf1) =	vsort.ascd.msk.f32 $0xffff, v26, v26;
	_ =	sdelay $0x1  }
0x24a: {  	(xrf1) =	vsort.ascd.msk.f32 $0xffff, v30, v30;
	_ =	sdelay $0x4  }
0x24b: {  	v9, _, _ =	vpop (xrf1)  }
0x24c: {  	v10, _, _ =	vpop (xrf1)  }
0x24d: {  	s2 =	simm.s32 $0x80F0;
	v10 =	vperm.xlane v10, v1  }
0x24e: {  	v13 =	vld [tilespmem:s2+$0x0];
	v11, _, _ =	vpop (xrf1)  }
0x24f: {  	v15 =	vld [tilespmem:s2+$0xFFFFFFF0];
	v12, _, _ =	vpop (xrf1);
	v11 =	vperm.xlane v11, v1;
	v10 =	vperm.xlane v10, v1  }
0x250: {  	v9 =	vperm.xlane v9, v1;
	v14, _, _ =	vpop (xrf1)  }
0x251: {  	v18 =	vld [tilespmem:s2+$0xFFFFFFD0];
	v12 =	vperm.xlane v12, v1;
	v16, _, _ =	vpop (xrf1);
	v62 =	vmin.f32 v11, v10  }
0x252: {  	v27 =	vperm.xlane v9, v1;
	v9 =	vperm.xlane v14, v1;
	(xrf1) =	vsort.ascd.msk.f32 $0xffff, v62, v62;
	v17, _, _ =	vpop (xrf1)  }
0x253: {  	p5 =	sne.s32 s0, $0x1;
	v12 =	vperm.xlane v12, v1;
	(xrf1) =	vsort.ascd.msk.f32 $0xffff, v13, v13;
	v17 =	vperm.xlane v17, v1  }
.Ltmp9:
0x254: {  	v21 =	vperm.xlane v16, v1;
	v10 =	vmax.f32 v11, v10;
	(xrf1) =	vsort.ascd.msk.f32 $0xffff, v15, v15;
	v11, _, _ =	vpop (xrf1);
	(pc) =	sbr.rel @!p5 .LBB2_14-.Ltmp9, $4  }
0x255: {  	(xrf1) =	vsort.ascd.msk.f32 $0xffff, v10, v10;
	v11 =	vperm.xlane v11, v1;
	v63 =	vperm.xlane v17, v1  }
0x256: {  	v24 =	vmax.f32 v21, v27;
	(xrf1) =	vsort.ascd.msk.f32 $0xffff, v18, v18  }
0x257: {  	v23 =	vmin.f32 v11, v12;
	v25 =	vmax.f32 v11, v12;
	v10 =	vmax.f32 v9, v63  }
0x258: {  	s29 =	sadd.s32 $0xFFFFFFFF, s0;
	p1 =	por $0x1, $0x1;
	v26 =	vld [tilespmem:s2+$0xFFFFFFE0];
	v30 =	vmin.f32 v9, v63;
	v22 =	vmax.f32 v24, v25;
	(xrf1) =	vsort.ascd.msk.f32 $0xffff, v10, v10  }
0x259: {  	_ =	sdelay $0x3  }
0x25a: {  	(xrf1) =	vsort.ascd.msk.f32 $0xffff, v26, v26;
	_ =	sdelay $0x1  }
0x25b: {  	(xrf1) =	vsort.ascd.msk.f32 $0xffff, v30, v30  }
0x25c: {  	v9 =	vmin.f32 v21, v27  }
0x25d: {  	v10 =	vmin.f32 v9, v23;
	_ =	sdelay $0x1  }
0x25e: {  	(xrf1) =	vsort.ascd.msk.f32 $0xffff, v10, v10  }
0x25f: {  	v10, _, _ =	vpop (xrf1)  }
0x260: {  	v11, _, _ =	vpop (xrf1)  }
0x261: {  	s0 =	simm.s32 $0x8130;
	v11 =	vperm.xlane v11, v1  }
0x262: {  	v14 =	vmin.f32 v24, v25;
	v9 =	vmax.f32 v9, v23;
	v15 =	vld [tilespmem:s0+$0x0];
	v12, _, _ =	vpop (xrf1)  }
0x263: {  	v60 =	vld [tilespmem:s0+$0xFFFFFFF0];
	(xrf1) =	vsort.ascd.msk.f32 $0xffff, v9, v9;
	v13, _, _ =	vpop (xrf1);
	v12 =	vperm.xlane v12, v1;
	v11 =	vperm.xlane v11, v1  }
0x264: {  	(xrf1) =	vsort.ascd.msk.f32 $0xffff, v14, v14;
	v10 =	vperm.xlane v10, v1;
	v59, _, _ =	vpop (xrf1)  }
0x265: {  	v18 =	vld [tilespmem:s0+$0xFFFFFFD0];
	(xrf1) =	vsort.ascd.msk.f32 $0xffff, v22, v22;
	v9 =	vperm.xlane v13, v1;
	v16, _, _ =	vpop (xrf1);
	v61 =	vmin.f32 v12, v11  }
0x266: {  	v27 =	vperm.xlane v10, v1;
	v10 =	vperm.xlane v59, v1;
	(xrf1) =	vsort.ascd.msk.f32 $0xffff, v61, v61;
	v17, _, _ =	vpop (xrf1)  }
0x267: {  	p5 =	sne.s32 s29, $0x1;
	v9 =	vperm.xlane v9, v1;
	(xrf1) =	vsort.ascd.msk.f32 $0xffff, v15, v15;
	v17 =	vperm.xlane v17, v1  }
.Ltmp10:
0x268: {  	v11 =	vmax.f32 v12, v11;
	v21 =	vperm.xlane v16, v1;
	(xrf1) =	vsort.ascd.msk.f32 $0xffff, v60, v60;
	v62, _, _ =	vpop (xrf1);
	(pc) =	sbr.rel @!p5 .LBB2_16-.Ltmp10, $4  }
0x269: {  	(xrf1) =	vsort.ascd.msk.f32 $0xffff, v11, v11;
	v12 =	vperm.xlane v62, v1;
	v63 =	vperm.xlane v17, v1  }
0x26a: {  	v24 =	vmax.f32 v21, v27;
	(xrf1) =	vsort.ascd.msk.f32 $0xffff, v18, v18  }
0x26b: {  	v23 =	vmin.f32 v12, v9;
	v25 =	vmax.f32 v12, v9;
	v11 =	vmax.f32 v10, v63  }
0x26c: {  	s29 =	sadd.s32 $0xFFFFFFFF, s29;
	p2 =	por $0x1, $0x1;
	v26 =	vld [tilespmem:s0+$0xFFFFFFE0];
	v9, _, _ =	vpop (xrf1);
	v30 =	vmin.f32 v10, v63;
	v22 =	vmax.f32 v24, v25;
	(xrf1) =	vsort.ascd.msk.f32 $0xffff, v11, v11  }
0x26d: {  	_ =	sdelay $0x3  }
0x26e: {  	(xrf1) =	vsort.ascd.msk.f32 $0xffff, v26, v26  }
0x26f: {  	(xrf1) =	vsort.ascd.msk.f32 $0xffff, v30, v30;
	_ =	sdelay $0x2  }
0x270: {  	v11 =	vmin.f32 v21, v27  }
0x271: {  	v13 =	vmin.f32 v11, v23;
	v10, _, _ =	vpop (xrf1)  }
0x272: {  	v12, _, _ =	vpop (xrf1)  }
0x273: {  	v14, _, _ =	vpop (xrf1);
	(xrf1) =	vsort.ascd.msk.f32 $0xffff, v13, v13  }
0x274: {  	v16 =	vperm.xlane v10, v1;
	v12 =	vperm.xlane v12, v1;
	v13, _, _ =	vpop (xrf1)  }
0x275: {  	v18 =	vmax.f32 v11, v23;
	v10, _, _ =	vpop (xrf1);
	v17 =	vperm.xlane v13, v1;
	v13 =	vperm.xlane v14, v1  }
0x276: {  	v15 =	vperm.xlane v9, v1;
	s0 =	simm.s32 $0x8170;
	v14, _, _ =	vpop (xrf1);
	v19 =	vperm.xlane v10, v1  }
0x277: {  	v20 =	vmin.f32 v24, v25;
	v23 =	vld [tilespmem:s0+$0x0];
	(xrf1) =	vsort.ascd.msk.f32 $0xffff, v18, v18;
	v10, _, _ =	vpop (xrf1);
	v11 =	vperm.xlane v13, v1  }
0x278: {  	(xrf1) =	vsort.ascd.msk.f32 $0xffff, v20, v20;
	v20 =	vld [tilespmem:s0+$0xFFFFFFF0];
	v14 =	vperm.xlane v14, v1;
	v18, _, _ =	vpop (xrf1);
	v19 =	vperm.xlane v19, v1  }
0x279: {  	(xrf1) =	vsort.ascd.msk.f32 $0xffff, v22, v22;
	v21 =	vperm.xlane v10, v1;
	v10 =	vperm.xlane v12, v1;
	v12, _, _ =	vpop (xrf1)  }
0x27a: {  	v25 =	vld [tilespmem:s0+$0xFFFFFFD0];
	v13 =	vperm.xlane v16, v1;
	v24 =	vmax.f32 v14, v19;
	v14 =	vmin.f32 v14, v19;
	v22, _, _ =	vpop (xrf1)  }
0x27b: {  	v21 =	vperm.xlane v21, v1;
	(xrf1) =	vsort.ascd.msk.f32 $0xffff, v14, v14;
	v22 =	vperm.xlane v22, v1;
	v16, _, _ =	vpop (xrf1)  }
0x27c: {  	p5 =	sne.s32 s29, $0x1;
	v12 =	vperm.xlane v12, v1;
	(xrf1) =	vsort.ascd.msk.f32 $0xffff, v23, v23;
	v26 =	vperm.xlane v16, v1  }
.Ltmp11:
0x27d: {  	(xrf1) =	vsort.ascd.msk.f32 $0xffff, v20, v20;
	v16 =	vperm.xlane v17, v1;
	v17 =	vperm.xlane v22, v1;
	(pc) =	sbr.rel @!p5 .LBB2_18-.Ltmp11, $4  }
0x27e: {  	v27 =	vperm.xlane v15, v1;
	v18 =	vperm.xlane v18, v1;
	(xrf1) =	vsort.ascd.msk.f32 $0xffff, v24, v24  }
0x27f: {  	(xrf1) =	vsort.ascd.msk.f32 $0xffff, v25, v25;
	v19 =	vmin.f32 v26, v21;
	v14 =	vmax.f32 v12, v16  }
0x280: {  	v15 =	vmax.f32 v26, v21;
	v20 =	vmax.f32 v18, v17;
	v30 =	vmin.f32 v18, v17  }
0x281: {  	s30 =	sadd.s32 $0xFFFFFFFF, s29;
	p3 =	por $0x1, $0x1;
	v26 =	vld [tilespmem:s0+$0xFFFFFFE0];
	v18 =	vmax.f32 v14, v15;
	(xrf1) =	vsort.ascd.msk.f32 $0xffff, v20, v20;
	v20 =	vmax.f32 v8, v27;
	v17, _, _ =	vpop (xrf1)  }
0x282: {  	_ =	sdelay $0x3  }
0x283: {  	v21 =	vmin.f32 v12, v16;
	v22 =	vmax.f32 v6, v13;
	(xrf1) =	vsort.ascd.msk.f32 $0xffff, v26, v26  }
0x284: {  	v23 =	vmax.f32 v7, v10;
	v24 =	vmax.f32 v5, v11;
	(xrf1) =	vsort.ascd.msk.f32 $0xffff, v30, v30  }
0x285: {  	v25 =	vmin.f32 v21, v19;
	v27 =	vmax.f32 v22, v24;
	v26 =	vmax.f32 v20, v23  }
0x286: {  	v22 =	vmin.f32 v22, v24;
	v24 =	vmax.f32 v26, v27;
	(xrf1) =	vsort.ascd.msk.f32 $0xffff, v25, v25  }
0x287: {  	v26 =	vmin.f32 v26, v27;
	(xrf1) =	vsort.ascd.msk.f32 $0xffff, v24, v24  }
0x288: {  	v28, _, _ =	vpop (xrf1);
	v23 =	vmin.f32 v20, v23;
	(xrf1) =	vsort.ascd.msk.f32 $0xffff, v26, v26  }
0x289: {  	v25, _, _ =	vpop (xrf1)  }
0x28a: {  	v31 =	vmin.f32 v14, v15;
	v21 =	vmax.f32 v21, v19;
	v25 =	vperm.xlane v25, v1;
	v24, _, _ =	vpop (xrf1)  }
0x28b: {  	v27 =	vmax.f32 v23, v22;
	v22 =	vmin.f32 v23, v22;
	v26 =	vperm.xlane v17, v1;
	v23, _, _ =	vpop (xrf1)  }
0x28c: {  	(xrf1) =	vsort.ascd.msk.f32 $0xffff, v27, v27;
	v27 =	vperm.xlane v28, v1;
	v29 =	vperm.xlane v25, v1;
	v28, _, _ =	vpop (xrf1)  }
0x28d: {  	(xrf1) =	vsort.ascd.msk.f32 $0xffff, v22, v22;
	v22 =	vperm.xlane v23, v1;
	v23 =	vperm.xlane v24, v1;
	v24, _, _ =	vpop (xrf1)  }
0x28e: {  	s29 =	simm.s32 $0x81B0;
	v38 =	vperm.xlane v26, v1;
	v30 =	vperm.xlane v28, v1;
	(xrf1) =	vsort.ascd.msk.f32 $0xffff, v21, v21;
	v28, _, _ =	vpop (xrf1)  }
0x28f: {  	(xrf1) =	vsort.ascd.msk.f32 $0xffff, v31, v31;
	v32 =	vperm.xlane v28, v1;
	v28 =	vperm.xlane v23, v1;
	v23 =	vld [tilespmem:s29+$0x0];
	v33, _, _ =	vpop (xrf1)  }
0x290: {  	v25 =	vld [tilespmem:s29+$0xFFFFFFF0];
	v24 =	vperm.xlane v24, v1;
	v30 =	vperm.xlane v30, v1;
	(xrf1) =	vsort.ascd.msk.f32 $0xffff, v18, v18;
	v21, _, _ =	vpop (xrf1)  }
0x291: {  	v31 =	vperm.xlane v27, v1;
	v26 =	vperm.xlane v33, v1;
	v59, _, _ =	vpop (xrf1)  }
0x292: {  	v36 =	vmax.f32 v24, v30;
	v24 =	vmin.f32 v24, v30;
	v35 =	vperm.xlane v59, v1;
	v27, _, _ =	vpop (xrf1)  }
0x293: {  	v34 =	vperm.xlane v32, v1;
	(xrf1) =	vsort.ascd.msk.f32 $0xffff, v24, v24;
	v30 =	vperm.xlane v27, v1  }
0x294: {  	(xrf1) =	vsort.ascd.msk.f32 $0xffff, v23, v23;
	v27 =	vperm.xlane v22, v1;
	v32, _, _ =	vpop (xrf1);
	v22 =	vperm.xlane v35, v1  }
0x295: {  	v37 =	vld [tilespmem:s29+$0xFFFFFFD0];
	(xrf1) =	vsort.ascd.msk.f32 $0xffff, v25, v25;
	v60, _, _ =	vpop (xrf1);
	v23 =	vmin.f32 v30, v34  }
0x296: {  	p5 =	sne.s32 s30, $0x1;
	v25 =	vmax.f32 v30, v34;
	v61 =	vmax.f32 v26, v22;
	v30 =	vmin.f32 v26, v22;
	v26, _, _ =	vpop (xrf1)  }
.Ltmp12:
0x297: {  	v21 =	vperm.xlane v21, v1;
	v33 =	vperm.xlane v26, v1;
	v26 =	vld [tilespmem:s29+$0xFFFFFFE0];
	(pc) =	sbr.rel @!p5 .LBB2_21-.Ltmp12, $4  }
0x298: {  	(xrf1) =	vsort.ascd.msk.f32 $0xffff, v36, v36  }
0x299: {  	v24 =	vmax.f32 v21, v27;
	v62 =	vperm.xlane v60, v1  }
0x29a: {  	(xrf1) =	vsort.ascd.msk.f32 $0xffff, v37, v37;
	v22 =	vmax.f32 v24, v25;
	v63, _, _ =	vpop (xrf1)  }
0x29b: {  	s30 =	sadd.s32 $0xFFFFFFFF, s30;
	p4 =	por $0x1, $0x1;
	(xrf1) =	vsort.ascd.msk.f32 $0xffff, v61, v61;
	v35 =	vmax.f32 v62, v38;
	v36 =	vperm.xlane v63, v1;
	v34, _, _ =	vpop (xrf1)  }
.LBB2_20:
0x29c: {  	p5 =	sne.s32 s30, $0x1;
	s30 =	sadd.s32 $0xFFFFFFFF, s30;
	(xrf1) =	vsort.ascd.msk.f32 $0xffff, v26, v26;
	v21 =	vmin.f32 v21, v27;
	v26, _, _ =	vpop (xrf1);
	v27 =	vperm.xlane v34, v1  }
0x29d: {  	v31 =	vmax.f32 v33, v31;
	(xrf1) =	vsort.ascd.msk.f32 $0xffff, v30, v30;
	v30, _, _ =	vpop (xrf1);
	v29 =	vmax.f32 v36, v29  }
0x29e: {  	v33 =	vmin.f32 v21, v23;
	v34, _, _ =	vpop (xrf1);
	v27 =	vmax.f32 v27, v28;
	v28 =	vmax.f32 v35, v29  }
0x29f: {  	(xrf1) =	vsort.ascd.msk.f32 $0xffff, v33, v33;
	v33 =	vmax.f32 v31, v27;
	v27 =	vmin.f32 v31, v27  }
0x2a0: {  	v29 =	vmin.f32 v35, v29;
	v31 =	vmax.f32 v28, v33;
	v28 =	vmin.f32 v28, v33  }
0x2a1: {  	v33 =	vmax.f32 v29, v27;
	v27 =	vmin.f32 v29, v27;
	(xrf1) =	vsort.ascd.msk.f32 $0xffff, v31, v31  }
0x2a2: {  	v21 =	vmax.f32 v21, v23;
	v23 =	vperm.xlane v32, v1;
	(xrf1) =	vsort.ascd.msk.f32 $0xffff, v28, v28  }
0x2a3: {  	v24 =	vmin.f32 v24, v25;
	v25 =	vperm.xlane v26, v1;
	v28, _, _ =	vpop (xrf1);
	(xrf1) =	vsort.ascd.msk.f32 $0xffff, v33, v33  }
0x2a4: {  	s29 =	sadd.s32 $0x40, s29;
	v26, _, _ =	vpop (xrf1);
	v32 =	vperm.xlane v28, v1;
	v28 =	vperm.xlane v34, v1;
	(xrf1) =	vsort.ascd.msk.f32 $0xffff, v27, v27  }
0x2a5: {  	v27 =	vld [tilespmem:s29+$0x0];
	v29, _, _ =	vpop (xrf1);
	(xrf1) =	vsort.ascd.msk.f32 $0xffff, v21, v21  }
0x2a6: {  	v31 =	vperm.xlane v26, v1;
	v26, _, _ =	vpop (xrf1);
	(xrf1) =	vsort.ascd.msk.f32 $0xffff, v24, v24;
	v24 =	vperm.xlane v30, v1  }
0x2a7: {  	v28 =	vperm.xlane v28, v1;
	v30 =	vperm.xlane v26, v1;
	(xrf1) =	vsort.ascd.msk.f32 $0xffff, v22, v22  }
0x2a8: {  	v22 =	vperm.xlane v29, v1;
	v26 =	vld [tilespmem:s29+$0xFFFFFFE0];
	v33, _, _ =	vpop (xrf1);
	v29 =	vperm.xlane v24, v1  }
0x2a9: {  	v36 =	vperm.xlane v31, v1;
	v24 =	vld [tilespmem:s29+$0xFFFFFFF0];
	v30 =	vperm.xlane v30, v1;
	v21, _, _ =	vpop (xrf1)  }
0x2aa: {  	v31 =	vperm.xlane v25, v1;
	v35, _, _ =	vpop (xrf1);
	v21 =	vperm.xlane v21, v1  }
0x2ab: {  	v25 =	vperm.xlane v35, v1;
	v35 =	vmax.f32 v22, v36;
	v22 =	vmin.f32 v22, v36;
	v34, _, _ =	vpop (xrf1)  }
0x2ac: {  	v36 =	vld [tilespmem:s29+$0xFFFFFFD0];
	(xrf1) =	vsort.ascd.msk.f32 $0xffff, v22, v22;
	v38 =	vperm.xlane v34, v1;
	v34 =	vperm.xlane v23, v1  }
0x2ad: {  	v39 =	vperm.xlane v33, v1;
	(xrf1) =	vsort.ascd.msk.f32 $0xffff, v27, v27;
	v27 =	vperm.xlane v32, v1;
	v32, _, _ =	vpop (xrf1)  }
.Ltmp13:
0x2ae: {  	v37 =	vperm.xlane v25, v1;
	(xrf1) =	vsort.ascd.msk.f32 $0xffff, v24, v24;
	v23 =	vmin.f32 v38, v30;
	(pc) =	sbr.rel @p5 .LBB2_20-.Ltmp13, $4  }
0x2af: {  	v25 =	vmax.f32 v38, v30;
	(xrf1) =	vsort.ascd.msk.f32 $0xffff, v35, v35;
	v24 =	vmax.f32 v21, v27;
	v22, _, _ =	vpop (xrf1)  }
0x2b0: {  	v35 =	vmax.f32 v39, v37;
	v30 =	vmin.f32 v39, v37;
	v37 =	vperm.xlane v22, v1;
	v33, _, _ =	vpop (xrf1)  }
0x2b1: {  	v22 =	vmax.f32 v24, v25;
	(xrf1) =	vsort.ascd.msk.f32 $0xffff, v36, v36;
	v33 =	vperm.xlane v33, v1;
	v36, _, _ =	vpop (xrf1)  }
0x2b2: {  	(xrf1) =	vsort.ascd.msk.f32 $0xffff, v35, v35;
	v35 =	vmax.f32 v37, v34;
	v36 =	vperm.xlane v36, v1;
	v34, _, _ =	vpop (xrf1)  }
.LBB2_21:
0x2b3: {  	v34 =	vperm.xlane @p4 v34, v1  }
0x2b4: {  	(xrf1) =	vsort.ascd.msk.f32 $0xffff, v26, v26  }
0x2b5: {  	v21 =	vmin.f32 @p1 v21, v27;
	v27 =	vmax.f32 @p3 v33, v31;
	v26 =	vpsel p4, v34, v5  }
0x2b6: {  	(xrf1) =	vsort.ascd.msk.f32 @p0 $0xffff, v30, v30;
	v29 =	vmax.f32 @p3 v36, v29;
	v26 =	vmax.f32 @p3 v26, v28  }
0x2b7: {  	v30 =	vmax.f32 @p3 v35, v29;
	v28 =	vmin.f32 @p1 v21, v23;
	v31 =	vmax.f32 @p3 v27, v26  }
0x2b8: {  	(xrf1) =	vsort.ascd.msk.f32 @p1 $0xffff, v28, v28;
	v28 =	vmax.f32 @p3 v30, v31;
	_ =	sdelay $0x1  }
0x2b9: {  	v26 =	vmin.f32 @p3 v27, v26;
	v27 =	vmin.f32 @p3 v35, v29;
	v29 =	vmin.f32 @p3 v30, v31  }
0x2ba: {  	(xrf1) =	vsort.ascd.msk.f32 @p3 $0xffff, v28, v28;
	v28, _, _ =	vpop @p2 (xrf1)  }
0x2bb: {  	v31 =	vmax.f32 @p3 v27, v26;
	(xrf1) =	vsort.ascd.msk.f32 @p3 $0xffff, v29, v29;
	v30, _, _ =	vpop @p2 (xrf1)  }
0x2bc: {  	v26 =	vmin.f32 @p3 v27, v26;
	(xrf1) =	vsort.ascd.msk.f32 @p3 $0xffff, v31, v31;
	v29, _, _ =	vpop @p2 (xrf1)  }
0x2bd: {  	v27, _, _ =	vpop @p0 (xrf1);
	(xrf1) =	vsort.ascd.msk.f32 @p3 $0xffff, v26, v26  }
0x2be: {  	v28 =	vperm.xlane @p2 v28, v1;
	v30 =	vperm.xlane @p2 v30, v1  }
0x2bf: {  	v26 =	vperm.xlane @p2 v32, v1;
	v29 =	vperm.xlane @p2 v29, v1  }
0x2c0: {  	v24 =	vmin.f32 @p1 v24, v25;
	v28 =	vperm.xlane @p2 v28, v1;
	v61, _, _ =	vpop (xrf1);
	v27 =	vperm.xlane @p0 v27, v1  }
0x2c1: {  	v21 =	vmax.f32 @p1 v21, v23;
	v30 =	vperm.xlane @p2 v30, v1;
	v62, _, _ =	vpop (xrf1);
	v63 =	vperm.xlane v61, v1  }
0x2c2: {  	v29 =	vperm.xlane @p2 v29, v1;
	v13 =	vpsel p2, v28, v13;
	v31, _, _ =	vpop @p0 (xrf1);
	v37 =	vperm.xlane v62, v1  }
0x2c3: {  	v27 =	vperm.xlane @p0 v27, v1;
	v10 =	vpsel p2, v30, v10;
	v25 =	vperm.xlane @p0 v31, v1;
	v36, _, _ =	vpop (xrf1)  }
0x2c4: {  	(xrf1) =	vsort.ascd.msk.f32 @p1 $0xffff, v21, v21;
	v23 =	vperm.xlane v63, v1;
	v11 =	vpsel p2, v29, v11;
	v32, _, _ =	vpop @p0 (xrf1)  }
0x2c5: {  	(xrf1) =	vsort.ascd.msk.f32 @p1 $0xffff, v24, v24;
	v40 =	vperm.xlane v36, v1;
	v16 =	vpsel p0, v27, v16;
	v38, _, _ =	vpop (xrf1)  }
0x2c6: {  	v24 =	vperm.xlane @p0 v25, v1;
	(xrf1) =	vsort.ascd.msk.f32 @p1 $0xffff, v22, v22;
	v22 =	vperm.xlane @p0 v32, v1;
	v32, _, _ =	vpop @p0 (xrf1)  }
0x2c7: {  	v39 =	vmax.f32 v37, v23;
	v21 =	vmin.f32 v37, v23;
	v25 =	vperm.xlane v38, v1;
	v34, _, _ =	vpop @p1 (xrf1)  }
0x2c8: {  	v23 =	vperm.xlane @p2 v26, v1;
	(xrf1) =	vsort.ascd.msk.f32 $0xffff, v21, v21;
	v32 =	vperm.xlane @p0 v32, v1;
	v31, _, _ =	vpop @p3 (xrf1)  }
0x2c9: {  	(xrf1) =	vsort.ascd.msk.f32 $0xffff, v39, v39;
	v12 =	vpsel p0, v22, v12;
	v41 =	vperm.xlane v25, v1;
	v26, _, _ =	vpop @p3 (xrf1)  }
0x2ca: {  	v12 =	vmin.f32 @p0 v12, v16;
	v25 =	vperm.xlane @p3 v31, v1;
	v31 =	vmin.f32 @p0 v32, v24;
	v35, _, _ =	vpop @p3 (xrf1)  }
0x2cb: {  	v42 =	vmax.f32 v40, v41;
	v21 =	vmin.f32 v40, v41;
	v19 =	vpsel p0, v31, v19;
	v33, _, _ =	vpop @p3 (xrf1)  }
0x2cc: {  	v25 =	vpsel p3, v25, v8;
	v26 =	vperm.xlane @p3 v26, v1;
	v33 =	vpsel p3, v33, v0  }
0x2cd: {  	v23 =	vmax.f32 @p2 v25, v23;
	v25 =	vperm.xlane @p3 v35, v1;
	v28 =	vperm.xlane @p3 v33, v1  }
0x2ce: {  	(xrf1) =	vsort.ascd.msk.f32 $0xffff, v42, v42;
	v26 =	vpsel p3, v26, v6;
	v20 =	vpsel p2, v23, v20  }
0x2cf: {  	(xrf1) =	vsort.ascd.msk.f32 $0xffff, v21, v21;
	v25 =	vpsel p3, v25, v7;
	v16 =	vpsel p3, v28, v5  }
0x2d0: {  	v13 =	vmax.f32 @p2 v26, v13;
	v10 =	vmax.f32 @p2 v25, v10;
	v11 =	vmax.f32 @p2 v16, v11  }
0x2d1: {  	v21 =	vmax.f32 @p2 v20, v10;
	v16 =	vmin.f32 @p0 v12, v19;
	v23 =	vmax.f32 @p2 v13, v11  }
0x2d2: {  	(xrf1) =	vsort.ascd.msk.f32 @p0 $0xffff, v16, v16;
	v11 =	vmin.f32 @p2 v13, v11;
	v13 =	vmax.f32 @p2 v21, v23  }
0x2d3: {  	v10 =	vmin.f32 @p2 v20, v10;
	v16 =	vmin.f32 @p2 v21, v23;
	(xrf1) =	vsort.ascd.msk.f32 @p2 $0xffff, v13, v13  }
0x2d4: {  	v13 =	vmax.f32 @p2 v10, v11;
	v10 =	vmin.f32 @p2 v10, v11;
	(xrf1) =	vsort.ascd.msk.f32 @p2 $0xffff, v16, v16  }
0x2d5: {  	(xrf1) =	vsort.ascd.msk.f32 @p2 $0xffff, v13, v13  }
0x2d6: {  	(xrf1) =	vsort.ascd.msk.f32 @p2 $0xffff, v10, v10  }
0x2d7: {  	v10, _, _ =	vpop @p1 (xrf1)  }
0x2d8: {  	v11, _, _ =	vpop @p1 (xrf1)  }
0x2d9: {  	v20, _, _ =	vpop @p1 (xrf1)  }
0x2da: {  	v16 =	vmax.f32 @p0 v32, v24;
	v43, _, _ =	vpop (xrf1)  }
0x2db: {  	v17 =	vpsel p1, v34, v17;
	v13 =	vmax.f32 @p0 v22, v27;
	v15 =	vpsel p0, v16, v15;
	v44, _, _ =	vpop (xrf1)  }
0x2dc: {  	v21 =	vmax.f32 @p0 v13, v16;
	v16 =	vperm.xlane @p1 v20, v1;
	v20 =	vperm.xlane v44, v1  }
0x2dd: {  	v13 =	vpsel p0, v13, v14;
	v14 =	vperm.xlane @p1 v17, v1  }
0x2de: {  	v12 =	vmax.f32 @p0 v12, v19;
	v10 =	vperm.xlane @p1 v10, v1;
	v18 =	vpsel p0, v21, v18;
	v45, _, _ =	vpop (xrf1)  }
0x2df: {  	v13 =	vmin.f32 @p0 v13, v15;
	v11 =	vperm.xlane @p1 v11, v1;
	v14 =	vperm.xlane @p1 v14, v1;
	v46, _, _ =	vpop (xrf1)  }
0x2e0: {  	(xrf1) =	vsort.ascd.msk.f32 @p0 $0xffff, v12, v12;
	v10 =	vperm.xlane @p1 v10, v1;
	v47 =	vperm.xlane v20, v1;
	v20, _, _ =	vpop @p0 (xrf1)  }
0x2e1: {  	(xrf1) =	vsort.ascd.msk.f32 @p0 $0xffff, v13, v13;
	v17 =	vperm.xlane v43, v1;
	v11 =	vperm.xlane @p1 v11, v1;
	v21, _, _ =	vpop @p2 (xrf1)  }
0x2e2: {  	(xrf1) =	vsort.ascd.msk.f32 @p0 $0xffff, v18, v18;
	v16 =	vperm.xlane @p1 v16, v1;
	v19 =	vperm.xlane @p2 v21, v1;
	v21, _, _ =	vpop @p2 (xrf1)  }
0x2e3: {  	v10 =	vpsel p1, v10, v0;
	v48 =	vperm.xlane v45, v1;
	v17 =	vperm.xlane v17, v1;
	v18, _, _ =	vpop @p2 (xrf1)  }
0x2e4: {  	v11 =	vpsel p1, v11, v0;
	v49 =	vperm.xlane v46, v1;
	v19 =	vpsel p2, v19, v8;
	v23, _, _ =	vpop @p2 (xrf1)  }
0x2e5: {  	v21 =	vperm.xlane @p2 v21, v1;
	v14 =	vmax.f32 @p1 v19, v14;
	v19 =	vpsel p2, v23, v0  }
0x2e6: {  	v16 =	vpsel p1, v16, v0;
	v18 =	vperm.xlane @p2 v18, v1;
	v19 =	vperm.xlane @p2 v19, v1  }
0x2e7: {  	v51 =	vmin.f32 v48, v17;
	v50 =	vmin.f32 v49, v47;
	v21 =	vpsel p2, v21, v6  }
0x2e8: {  	v18 =	vpsel p2, v18, v7;
	v14 =	vpsel p1, v14, v0;
	v19 =	vpsel p2, v19, v5  }
0x2e9: {  	v10 =	vmax.f32 @p1 v21, v10;
	v11 =	vmax.f32 @p1 v18, v11;
	v16 =	vmax.f32 @p1 v19, v16  }
0x2ea: {  	v52 =	vmin.f32 v51, v50;
	v19 =	vmax.f32 @p1 v14, v11;
	v21 =	vmax.f32 @p1 v10, v16  }
0x2eb: {  	(xrf1) =	vsort.ascd.msk.f32 $0xffff, v52, v52;
	v10 =	vmin.f32 @p1 v10, v16;
	v16 =	vmax.f32 @p1 v19, v21  }
0x2ec: {  	v11 =	vmin.f32 @p1 v14, v11;
	v14 =	vmin.f32 @p1 v19, v21;
	(xrf1) =	vsort.ascd.msk.f32 @p1 $0xffff, v16, v16  }
0x2ed: {  	v16 =	vmax.f32 @p1 v11, v10;
	(xrf1) =	vsort.ascd.msk.f32 @p1 $0xffff, v14, v14  }
0x2ee: {  	v10 =	vmin.f32 @p1 v11, v10;
	(xrf1) =	vsort.ascd.msk.f32 @p1 $0xffff, v16, v16  }
0x2ef: {  	(xrf1) =	vsort.ascd.msk.f32 @p1 $0xffff, v10, v10;
	_ =	sdelay $0x6  }
0x2f0: {  	v10, _, _ =	vpop @p0 (xrf1)  }
0x2f1: {  	v9 =	vpsel p0, v20, v9;
	v11, _, _ =	vpop @p0 (xrf1)  }
0x2f2: {  	v9 =	vperm.xlane @p0 v9, v1;
	v14, _, _ =	vpop @p0 (xrf1)  }
0x2f3: {  	v12 =	vmax.f32 v48, v17;
	v13 =	vmax.f32 v49, v47;
	v10 =	vperm.xlane @p0 v10, v1;
	v53, _, _ =	vpop (xrf1)  }
0x2f4: {  	v54 =	vmax.f32 v12, v13;
	v9 =	vperm.xlane @p0 v9, v1;
	v11 =	vperm.xlane @p0 v11, v1;
	v17, _, _ =	vpop @p1 (xrf1)  }
0x2f5: {  	v55 =	vmax.f32 v51, v50;
	v14 =	vperm.xlane @p0 v14, v1;
	v10 =	vperm.xlane @p0 v10, v1;
	v19, _, _ =	vpop @p1 (xrf1)  }
0x2f6: {  	v12 =	vmin.f32 v12, v13;
	v11 =	vperm.xlane @p0 v11, v1;
	v13 =	vperm.xlane @p1 v17, v1;
	v17, _, _ =	vpop @p1 (xrf1)  }
0x2f7: {  	(xrf1) =	vsort.ascd.msk.f32 $0xffff, v55, v55;
	v14 =	vperm.xlane @p0 v14, v1;
	v18 =	vperm.xlane @p1 v19, v1;
	v19, _, _ =	vpop @p1 (xrf1)  }
0x2f8: {  	v13 =	vpsel p1, v13, v8;
	v17 =	vperm.xlane @p1 v17, v1;
	v19 =	vpsel p1, v19, v0  }
0x2f9: {  	v9 =	vmax.f32 @p0 v13, v9;
	v13 =	vpsel p1, v18, v6;
	v18 =	vperm.xlane @p1 v19, v1  }
0x2fa: {  	v10 =	vpsel p0, v10, v0;
	v11 =	vpsel p0, v11, v0;
	v14 =	vpsel p0, v14, v0  }
0x2fb: {  	v17 =	vpsel p1, v17, v7;
	v9 =	vpsel p0, v9, v0;
	v18 =	vpsel p1, v18, v5  }
0x2fc: {  	v10 =	vmax.f32 @p0 v13, v10;
	v11 =	vmax.f32 @p0 v17, v11;
	v13 =	vmax.f32 @p0 v18, v14  }
0x2fd: {  	(xrf1) =	vsort.ascd.msk.f32 $0xffff, v12, v12;
	v12 =	vmax.f32 @p0 v9, v11;
	v14 =	vmax.f32 @p0 v10, v13  }
0x2fe: {  	(xrf1) =	vsort.ascd.msk.f32 $0xffff, v54, v54;
	v10 =	vmin.f32 @p0 v10, v13;
	v13 =	vmax.f32 @p0 v12, v14  }
0x2ff: {  	v9 =	vmin.f32 @p0 v9, v11;
	v11 =	vmin.f32 @p0 v12, v14;
	(xrf1) =	vsort.ascd.msk.f32 @p0 $0xffff, v13, v13  }
0x300: {  	v12 =	vmax.f32 @p0 v9, v10;
	(xrf1) =	vsort.ascd.msk.f32 @p0 $0xffff, v11, v11  }
0x301: {  	v9 =	vmin.f32 @p0 v9, v10;
	(xrf1) =	vsort.ascd.msk.f32 @p0 $0xffff, v12, v12  }
0x302: {  	(xrf1) =	vsort.ascd.msk.f32 @p0 $0xffff, v9, v9;
	_ =	sdelay $0x7  }
0x303: {  	v56, _, _ =	vpop (xrf1)  }
0x304: {  	v57, _, _ =	vpop (xrf1)  }
0x305: {  	v58, _, _ =	vpop (xrf1)  }
0x306: {  	v59 =	vperm.xlane v53, v1;
	v12, _, _ =	vpop @p0 (xrf1)  }
0x307: {  	v10 =	vperm.xlane v57, v1;
	v14, _, _ =	vpop @p0 (xrf1)  }
0x308: {  	v13 =	vperm.xlane v59, v1;
	v11 =	vperm.xlane v58, v1;
	v15, _, _ =	vpop @p0 (xrf1)  }
0x309: {  	v10 =	vperm.xlane v10, v1;
	v12 =	vperm.xlane @p0 v12, v1;
	v16, _, _ =	vpop @p0 (xrf1)  }
0x30a: {  	v9 =	vperm.xlane v56, v1;
	v14 =	vperm.xlane @p0 v14, v1;
	v16 =	vpsel p0, v16, v0  }
0x30b: {  	v60 =	vpsel p0, v12, v8;
	v12 =	vperm.xlane @p0 v15, v1;
	v15 =	vperm.xlane @p0 v16, v1  }
0x30c: {  	v11 =	vperm.xlane v11, v1;
	v9 =	vperm.xlane v9, v1;
	v8 =	vmax.f32 v60, v13  }
0x30d: {  	v6 =	vpsel p0, v14, v6;
	v7 =	vpsel p0, v12, v7;
	v5 =	vpsel p0, v15, v5  }
0x30e: {  	v6 =	vmax.f32 v6, v9;
	v7 =	vmax.f32 v7, v10;
	v5 =	vmax.f32 v5, v11  }
0x30f: {  	v61 =	vmax.f32 v8, v7;
	v62 =	vmax.f32 v6, v5  }
0x310: {  	v5 =	vmin.f32 v6, v5;
	v6 =	vmax.f32 v61, v62  }
0x311: {  	v7 =	vmin.f32 v8, v7;
	v63 =	vmin.f32 v61, v62;
	(xrf1) =	vsort.ascd.msk.f32 $0xffff, v6, v6  }
0x312: {  	v6 =	vmax.f32 v7, v5;
	(xrf1) =	vsort.ascd.msk.f32 $0xffff, v63, v63  }
0x313: {  	v5 =	vmin.f32 v7, v5;
	(xrf1) =	vsort.ascd.msk.f32 $0xffff, v6, v6  }
0x314: {  	(xrf1) =	vsort.ascd.msk.f32 $0xffff, v5, v5;
	_ =	sdelay $0xa  }
0x315: {  	v5, _, _ =	vpop (xrf1)  }
0x316: {  	v5, _, _ =	vpop (xrf1)  }
0x317: {  	v5, _, _ =	vpop (xrf1)  }
0x318: {  	v5, _, _ =	vpop (xrf1)  }
0x319: {  	v5 =	vperm.xlane v5, v1  }
.LBB2_22:
0x31a: {  	s0 =	sadd.s32 $0xF, s28  }
0x31b: {  	s2 =	sand.u32 $0xF, s0  }
0x31c: {  	s28 =	sshra.s32 s0, $0x1F;
	p0 =	slt.s32 s0, $0x1;
	p1 =	sne.s32 s2, $0x0  }
0x31d: {  	s31 =	sshrl.u32 s28, $0x1C;
	p0 =	por !p0, !p1  }
0x31e: {  	s2 =	simm.s32 $0x1;
	s0 =	sadd.s32 s31, s0;
	p0 =	por !p0, !p0  }
0x31f: {  	s0 =	sshra.s32 s0, $0x4;
	s2 =	simm.s32 @!p0 $0x0  }
0x320: {  	s0 =	ssub.s32 s0, s2  }
0x321: {  	p0 =	slt.s32 s0, $0x1  }
.Ltmp14:
0x322: {  	_ = 	snop;
	(pc) =	sbr.rel @p0 .LBB2_35-.Ltmp14, $1  }
0x323: {  	_ =	sdelay $0x3  }
0x324: {  	p1 =	sne.s32 s0, $0x1  }
.Ltmp15:
0x325: {  	_ = 	snop;
	(pc) =	sbr.rel @!p1 .LBB2_24-.Ltmp15, $3  }
0x326: {  	_ =	sdelay $0x1  }
0x327: {  	s30 =	simm.s32 $0x8000  }
0x328: {  	v5 =	vbroadcast v5, $0xF;
	v9 =	vimm.s32 $0x0;
	s28 =	simm.s32 $0x10100;
	s29 =	sadd.s32 $0xFFFFFFFF, s0;
	p0 =	por $0x0, $0x0;
	v6 =	vld [tilespmem:s30+$0x0]  }
0x329: {  	_ =	sdelay $0x3  }
0x32a: {  	vm0 =	vgt.f32 v6, v5  }
0x32b: {  	v7 =	vsel vm0, $0x1, v2  }
0x32c: {  	(xrf0) =	vadd.scan.msk.s32 $0xffff, v7;
	_ =	sdelay $0x5  }
0x32d: {  	v7, _, _ =	vpop (xrf0)  }
0x32e: {  	v7 =	vadd.s32 v7, v9  }
0x32f: {  	v7 =	vadd.s32 $0xFFFFFFFF, v7  }
0x330: {  	v10 =	vld [tilespmem:s28+$0x0];
	_ =	sdelay $0x1  }
0x331: {  	p3 =	sne.s32 s29, $0x1  }
.Ltmp16:
0x332: {  	_ = 	snop;
	(pc) =	sbr.rel @!p3 .LBB2_26-.Ltmp16, $4  }
0x333: {  	v8 =	vmpcnt.ones.xlane vm0;
	[tilespmem:v7+s20+$0x0] =	vst.idx.msk vm0, v6  }
0x334: {  	s0 =	simm.s32 $0x8010;
	[tilespmem:v7+s21+$0x0] =	vst.idx.msk vm0, v10  }
0x335: {  	v8 =	vadd.s32 v9, v8;
	v6 =	vld [tilespmem:s0+$0x0]  }
0x336: {  	s2 =	sadd.s32 $0xFFFFFFFF, s29;
	p2 =	por $0x1, $0x1;
	s31 =	simm.s32 $0x10100;
	v7 =	vmov v8  }
.LBB2_27:
0x337: {  	p3 =	sne.s32 s2, $0x1;
	_ =	sdelay $0x2  }
0x338: {  	vm0 =	vgt.f32 v6, v5  }
0x339: {  	v9 =	vsel vm0, $0x1, v2;
	v10 =	vmpcnt.ones.xlane vm0  }
0x33a: {  	(xrf0) =	vadd.scan.msk.s32 $0xffff, v9  }
0x33b: {  	v8 =	vadd.s32 v8, v10;
	_ =	sdelay $0x4  }
0x33c: {  	v9, _, _ =	vpop (xrf0)  }
0x33d: {  	v9 =	vadd.s32 v9, v7;
	v7 =	vmov v8  }
0x33e: {  	s31 =	sadd.s32 $0x10, s31;
	v9 =	vadd.s32 $0xFFFFFFFF, v9  }
0x33f: {  	v10 =	vld [tilespmem:s31+$0x0];
	_ =	sdelay $0x2  }
.Ltmp17:
0x340: {  	(pc) =	sbr.rel @p3 .LBB2_27-.Ltmp17, $4  }
0x341: {  	[tilespmem:v9+s20+$0x0] =	vst.idx.msk vm0, v6  }
0x342: {  	s0 =	sadd.s32 $0x10, s0;
	[tilespmem:v9+s21+$0x0] =	vst.idx.msk vm0, v10  }
0x343: {  	v6 =	vld [tilespmem:s0+$0x0]  }
0x344: {  	s2 =	sadd.s32 $0xFFFFFFFF, s2  }
0x345: {  	v9 =	vmov v8  }
.LBB2_29:
0x346: {  	_ =	sdelay $0x1  }
0x347: {  	vm0 =	vgt.f32 v6, v5  }
0x348: {  	v8 =	vsel vm0, $0x1, v2  }
0x349: {  	(xrf0) =	vadd.scan.msk.s32 $0xffff, v8;
	_ =	sdelay $0x5  }
0x34a: {  	v8, _, _ =	vpop (xrf0)  }
0x34b: {  	s0 =	sadd.s32 @p2 $0x10, s31;
	s2 =	simm.s32 $0x10100;
	v7 =	vadd.s32 v8, v7  }
0x34c: {  	s2 =	smov.u32 @p2 s0;
	v7 =	vadd.s32 $0xFFFFFFFF, v7  }
0x34d: {  	v8 =	vld [tilespmem:s2+$0x0];
	_ =	sdelay $0x1  }
.Ltmp18:
0x34e: {  	_ = 	snop;
	(pc) =	sbr.rel @!p1 .LBB2_30-.Ltmp18, $4  }
0x34f: {  	_ = 	snop  }
0x350: {  	v10 =	vmpcnt.ones.xlane vm0;
	[tilespmem:v7+s20+$0x0] =	vst.idx.msk vm0, v6  }
0x351: {  	[tilespmem:v7+s21+$0x0] =	vst.idx.msk vm0, v8  }
0x352: {  	v6 =	vadd.s32 v9, v10;
	v7 =	vld [tilespmem:s30+$0x0]  }
0x353: {  	_ =	sdelay $0x3  }
0x354: {  	vm0 =	veq.f32 v7, v5  }
0x355: {  	v8 =	vsel vm0, $0x1, v2  }
0x356: {  	(xrf0) =	vadd.scan.msk.s32 $0xffff, v8;
	_ =	sdelay $0x5  }
0x357: {  	v8, _, _ =	vpop (xrf0)  }
0x358: {  	v8 =	vadd.s32 v8, v6  }
0x359: {  	v8 =	vadd.s32 $0xFFFFFFFF, v8  }
0x35a: {  	vm1 =	vlt.s32 v8, $0x40  }
0x35b: {  	vm0 =	vmand vm0, vm1;
	_ =	sdelay $0x1  }
0x35c: {  	v9 =	vld [tilespmem:s28+$0x0];
	_ =	sdelay $0x1  }
0x35d: {  	p1 =	sne.s32 s29, $0x1  }
.Ltmp19:
0x35e: {  	_ = 	snop;
	(pc) =	sbr.rel @!p1 .LBB2_32-.Ltmp19, $4  }
0x35f: {  	[tilespmem:v8+s20+$0x0] =	vst.idx.msk vm0, v7  }
0x360: {  	s30 =	simm.s32 $0x8010;
	v10 =	vmpcnt.ones.xlane vm0;
	[tilespmem:v8+s21+$0x0] =	vst.idx.msk vm0, v9  }
0x361: {  	v7 =	vld [tilespmem:s30+$0x0]  }
0x362: {  	s31 =	sadd.s32 $0xFFFFFFFF, s29;
	p0 =	por $0x1, $0x1;
	s29 =	simm.s32 $0x10100;
	v6 =	vadd.s32 v6, v10  }
.LBB2_33:
0x363: {  	p1 =	sne.s32 s31, $0x1;
	_ =	sdelay $0x2  }
0x364: {  	vm0 =	veq.f32 v7, v5  }
0x365: {  	v8 =	vsel vm0, $0x1, v2  }
0x366: {  	(xrf0) =	vadd.scan.msk.s32 $0xffff, v8;
	_ =	sdelay $0x5  }
0x367: {  	v8, _, _ =	vpop (xrf0)  }
0x368: {  	v8 =	vadd.s32 v8, v6  }
0x369: {  	v8 =	vadd.s32 $0xFFFFFFFF, v8  }
0x36a: {  	vm1 =	vlt.s32 v8, $0x40  }
0x36b: {  	vm0 =	vmand vm0, vm1  }
0x36c: {  	s29 =	sadd.s32 $0x10, s29;
	v9 =	vmpcnt.ones.xlane vm0  }
0x36d: {  	v10 =	vld [tilespmem:s29+$0x0]  }
0x36e: {  	v6 =	vadd.s32 v6, v9;
	_ =	sdelay $0x1  }
.Ltmp20:
0x36f: {  	(pc) =	sbr.rel @p1 .LBB2_33-.Ltmp20, $4  }
0x370: {  	[tilespmem:v8+s20+$0x0] =	vst.idx.msk vm0, v7  }
0x371: {  	s30 =	sadd.s32 $0x10, s30;
	[tilespmem:v8+s21+$0x0] =	vst.idx.msk vm0, v10  }
0x372: {  	v7 =	vld [tilespmem:s30+$0x0]  }
0x373: {  	s31 =	sadd.s32 $0xFFFFFFFF, s31  }
.LBB2_34:
0x374: {  	_ =	sdelay $0x2  }
0x375: {  	vm0 =	veq.f32 v7, v5  }
0x376: {  	v5 =	vsel vm0, $0x1, v2  }
0x377: {  	(xrf0) =	vadd.scan.msk.s32 $0xffff, v5;
	_ =	sdelay $0x5  }
0x378: {  	v5, _, _ =	vpop (xrf0)  }
0x379: {  	v5 =	vadd.s32 v5, v6  }
0x37a: {  	v5 =	vadd.s32 $0xFFFFFFFF, v5  }
0x37b: {  	vm1 =	vlt.s32 v5, $0x40  }
0x37c: {  	s0 =	sadd.s32 @p0 $0x10, s29;
	vm0 =	vmand vm0, vm1  }
0x37d: {  	s28 =	smov.u32 @p0 s0  }
0x37e: {  	v6 =	vld [tilespmem:s28+$0x0];
	_ =	sdelay $0x3  }
0x37f: {  	[tilespmem:v5+s20+$0x0] =	vst.idx.msk vm0, v7  }
0x380: {  	[tilespmem:v5+s21+$0x0] =	vst.idx.msk vm0, v6  }
.LBB2_35:
0x381: {  	v9 =	vld [tilespmem:$0x18A00]  }
0x382: {  	v5 =	vld [tilespmem:$0x18A10];
	s0 =	simm.s32 $0x0  }
0x383: {  	v8 =	vld [tilespmem:$0x18A30];
	s2 =	sand.u32 $0x30, s0  }
0x384: {  	v13 =	vld [tilespmem:s2+$0x18A00]  }
0x385: {  	v14 =	vld [tilespmem:s2+$0x18A80]  }
0x386: {  	v7 =	vld [tilespmem:$0x18AB0]  }
0x387: {  	v12 =	vld [tilespmem:$0x18A80];
	s0 =	sand.u32 $0xF, s0  }
0x388: {  	v10 =	vld [tilespmem:$0x18A90];
	v15 =	vmov s0  }
0x389: {  	v6 =	vld [tilespmem:$0x18A20];
	v17 =	vperm.xlane v13, v15  }
0x38a: {  	v11 =	vld [tilespmem:$0x18AA0];
	v16 =	vimm.s32 $0x0;
	v14 =	vperm.xlane v14, v15  }
0x38b: {  	v13 =	vimm.s32 $0x0;
	v15 =	vimm.s32 $0x0;
	vm0 =	veq.f32 v17, v9  }
0x38c: {  	vm2 =	veq.f32 v17, v8;
	vm3 =	vlt.s32 v14, v7;
	vm1 =	vlt.s32 v14, v12  }
0x38d: {  	s28 =	simm.s32 $0x1;
	vm5 =	vgt.f32 v17, v8;
	vm4 =	vlt.s32 v14, v10;
	vm3 =	vmand vm2, vm3  }
0x38e: {  	s0 =	sand.u32 $0x30, s28;
	vm2 =	veq.f32 v17, v5;
	vm6 =	vmor vm5, vm3;
	vm3 =	veq.f32 v17, v6  }
0x38f: {  	s29 =	simm.s32 $0x2;
	v18 =	vld [tilespmem:s0+$0x18A00];
	vm5 =	vlt.s32 v14, v11;
	v14 =	vimm.s32 $0x0;
	v19 =	vsel vm6, $0x1, v2  }
.LBB2_36:
0x390: {  	p0 =	sne.s32 s29, $0x3F;
	v20 =	vld [tilespmem:s0+$0x18A80];
	vm0 =	vmand vm0, vm1;
	vm1 =	vmand vm2, vm4;
	v13 =	vadd.s32 v19, v13  }
0x391: {  	vm2 =	vgt.f32 v17, v9;
	vm4 =	vgt.f32 v17, v5;
	vm3 =	vmand vm3, vm5  }
0x392: {  	vm0 =	vmor vm2, vm0;
	vm1 =	vmor vm4, vm1;
	vm2 =	vgt.f32 v17, v6  }
0x393: {  	s0 =	sand.u32 $0xF, s28;
	s28 =	smov.u32 s29;
	v17 =	vsel vm0, $0x1, v2;
	v19 =	vsel vm1, $0x1, v2;
	vm0 =	vmor vm2, vm3  }
0x394: {  	v21 =	vmov s0;
	v14 =	vadd.s32 v17, v14;
	v22 =	vsel vm0, $0x1, v2  }
0x395: {  	v15 =	vadd.s32 v19, v15;
	v17 =	vperm.xlane v18, v21;
	v20 =	vperm.xlane v20, v21  }
.Ltmp21:
0x396: {  	v16 =	vadd.s32 v22, v16;
	(pc) =	sbr.rel @p0 .LBB2_36-.Ltmp21, $4  }
0x397: {  	vm0 =	veq.f32 v17, v9;
	vm2 =	veq.f32 v17, v8;
	vm3 =	vlt.s32 v20, v7  }
0x398: {  	vm5 =	vgt.f32 v17, v8;
	vm1 =	vlt.s32 v20, v12;
	vm3 =	vmand vm2, vm3  }
0x399: {  	s0 =	sand.u32 $0x30, s29;
	vm4 =	vlt.s32 v20, v10;
	vm2 =	veq.f32 v17, v5;
	vm6 =	vmor vm5, vm3  }
0x39a: {  	s29 =	sadd.s32 $0x1, s29;
	vm3 =	veq.f32 v17, v6;
	vm5 =	vlt.s32 v20, v11;
	v18 =	vld [tilespmem:s0+$0x18A00];
	v19 =	vsel vm6, $0x1, v2  }
0x39b: {  	vm0 =	vmand vm0, vm1  }
0x39c: {  	v20 =	vld [tilespmem:s0+$0x18A80];
	vm13 =	vmand vm2, vm4;
	v13 =	vadd.s32 v19, v13;
	vm14 =	vgt.f32 v17, v9  }
0x39d: {  	vm15 =	vgt.f32 v17, v5;
	vm3 =	vmand vm3, vm5;
	vm6 =	vgt.f32 v17, v6  }
0x39e: {  	s31 =	sand.u32 $0xF, s28;
	vm0 =	vmor vm14, vm0;
	vm1 =	vmor vm15, vm13;
	vm7 =	vmor vm6, vm3  }
0x39f: {  	v21 =	vmov s31;
	v50 =	vsel vm0, $0x1, v2;
	v51 =	vsel vm1, $0x1, v2  }
0x3a0: {  	v52 =	vsel vm7, $0x1, v2;
	v14 =	vadd.s32 v50, v14;
	v18 =	vperm.xlane v18, v21  }
0x3a1: {  	v15 =	vadd.s32 v51, v15;
	v16 =	vadd.s32 v52, v16;
	v20 =	vperm.xlane v20, v21  }
0x3a2: {  	vm8 =	veq.f32 v18, v9;
	vm11 =	veq.f32 v18, v8;
	vm14 =	vgt.f32 v18, v8  }
0x3a3: {  	vm15 =	veq.f32 v18, v5;
	vm10 =	veq.f32 v18, v6;
	vm12 =	vlt.s32 v20, v7  }
0x3a4: {  	vm13 =	vlt.s32 v20, v12;
	vm9 =	vlt.s32 v20, v10;
	vm6 =	vlt.s32 v20, v11  }
0x3a5: {  	vm1 =	vmand vm11, vm12;
	vm0 =	vmand vm8, vm13;
	vm11 =	vgt.f32 v18, v9  }
0x3a6: {  	vm2 =	vmand vm15, vm9;
	vm12 =	vgt.f32 v18, v5;
	vm0 =	vmor vm11, vm0  }
0x3a7: {  	vm4 =	vmand vm10, vm6;
	vm1 =	vmor vm14, vm1;
	v53 =	vsel vm0, $0x1, v2  }
0x3a8: {  	vm13 =	vmor vm12, vm2;
	vm14 =	vgt.f32 v18, v6;
	v14 =	vadd.s32 v53, v14  }
0x3a9: {  	v54 =	vsel vm13, $0x1, v2;
	vm15 =	vmor vm14, vm4;
	v55 =	vand.u32 $0xFFFFFF80, v14  }
0x3aa: {  	v15 =	vadd.s32 v54, v15;
	v14 =	vand.u32 $0x7F, v14;
	v56 =	vadd.s32 s26, v55  }
0x3ab: {  	v57 =	vsel vm15, $0x1, v2;
	v58 =	vand.u32 $0xFFFFFF80, v15;
	v14 =	vor.u32 v14, v56  }
0x3ac: {  	v16 =	vadd.s32 v57, v16;
	v15 =	vand.u32 $0x7F, v15;
	v17 =	vadd.s32 s26, v58  }
0x3ad: {  	v59 =	vsel vm1, $0x1, v2;
	v60 =	vand.u32 $0xFFFFFF80, v16;
	v15 =	vor.u32 v15, v17  }
0x3ae: {  	v13 =	vadd.s32 v59, v13;
	v16 =	vand.u32 $0x7F, v16;
	v17 =	vadd.s32 s26, v60  }
0x3af: {  	v61 =	vand.u32 $0xFFFFFF80, v13;
	v16 =	vor.u32 v16, v17  }
0x3b0: {  	v62 =	vand.u32 $0x7F, v13;
	v63 =	vadd.s32 s26, v61;
	[tilespmem:v14+s22+$0x0] =	vst.idx.msk $0xffff, v9  }
0x3b1: {  	s25 =	sadd.s32 $0x1, s25;
	v9 =	vor.u32 v62, v63;
	[tilespmem:v14+s23+$0x0] =	vst.idx.msk $0xffff, v12  }
0x3b2: {  	p0 =	sne.s32 s25, $0x4;
	[tilespmem:v15+s22+$0x0] =	vst.idx.msk $0xffff, v5  }
.Ltmp22:
0x3b3: {  	[tilespmem:v15+s23+$0x0] =	vst.idx.msk $0xffff, v10;
	(pc) =	sbr.rel @p0 .LBB2_2-.Ltmp22, $4  }
.Ltmp23:
0x3b4: {  	[tilespmem:v16+s22+$0x0] =	vst.idx.msk $0xffff, v6;
	(pc) =	sbr.rel @!p0 .LBB2_38-.Ltmp23, $4  }
0x3b5: {  	[tilespmem:v16+s23+$0x0] =	vst.idx.msk $0xffff, v11  }
0x3b6: {  	[tilespmem:v9+s22+$0x0] =	vst.idx.msk $0xffff, v8  }
0x3b7: {  	[tilespmem:v9+s23+$0x0] =	vst.idx.msk $0xffff, v7  }
0x3b8: {  	_ = 	snop  }
.LBB2_24:
.Ltmp24:
0x3b9: {  	(pc) =	sbr.rel .LBB2_29-.Ltmp24, $2  }
0x3ba: {  	_ =	sdelay $0x2  }
0x3bb: {  	v7 =	vimm.s32 $0x0;
	s31 =	simm.s32 $0x10100;
	p2 =	por $0x0, $0x0  }
.LBB2_30:
.Ltmp25:
0x3bc: {  	(pc) =	sbr.rel .LBB2_34-.Ltmp25, $2  }
0x3bd: {  	_ =	sdelay $0x2  }
0x3be: {  	s29 =	simm.s32 $0x10100  }
.LBB2_26:
.Ltmp26:
0x3bf: {  	(pc) =	sbr.rel .LBB2_29-.Ltmp26, $2  }
0x3c0: {  	_ =	sdelay $0x2  }
0x3c1: {  	v9 =	vmov v8;
	v7 =	vmov v8;
	s31 =	simm.s32 $0x10100  }
.LBB2_32:
.Ltmp27:
0x3c2: {  	(pc) =	sbr.rel .LBB2_34-.Ltmp27, $2  }
0x3c3: {  	_ =	sdelay $0x2  }
0x3c4: {  	s29 =	simm.s32 $0x10100  }
.LBB2_10:
.Ltmp28:
0x3c5: {  	(pc) =	sbr.rel .LBB2_21-.Ltmp28, $2  }
0x3c6: {  	_ =	sdelay $0x2  }
0x3c7: {  	v33 =	vmov v6;
	v36 =	vmov v7  }
.LBB2_12:
.Ltmp29:
0x3c8: {  	(pc) =	sbr.rel .LBB2_21-.Ltmp29, $2  }
0x3c9: {  	_ =	sdelay $0x2  }
0x3ca: {  	v33 =	vmov v6;
	v36 =	vmov v7  }
.LBB2_14:
.Ltmp30:
0x3cb: {  	(pc) =	sbr.rel .LBB2_21-.Ltmp30, $2  }
0x3cc: {  	_ =	sdelay $0x2  }
0x3cd: {  	v33 =	vmov v6;
	v36 =	vmov v7  }
.LBB2_16:
.Ltmp31:
0x3ce: {  	(pc) =	sbr.rel .LBB2_21-.Ltmp31, $2  }
0x3cf: {  	_ =	sdelay $0x2  }
0x3d0: {  	v33 =	vmov v6;
	v36 =	vmov v7;
	v32 =	vmov v9  }
.LBB2_18:
.Ltmp32:
0x3d1: {  	(pc) =	sbr.rel .LBB2_21-.Ltmp32, $4  }
0x3d2: {  	_ = 	snop  }
0x3d3: {  	v21 =	vmov v12;
	v27 =	vmov v16;
	v33 =	vmov v6  }
0x3d4: {  	v31 =	vmovc v13;
	v36 =	vmovc v7;
	v29 =	vmov v10;
	v23 =	vmov v19;
	v28 =	vmov v11  }
0x3d5: {  	v35 =	vmovc v20;
	v32 =	vmovc v17;
	v24 =	vmov v14;
	v25 =	vmov v15;
	v22 =	vmov v18  }
.LBB2_39:
0x3d6: {  	_ =	sfence.sel $0x180000  }
0x3d7: {  	[bflag:$0x0] =	sbarrier.arrive $0xFFFF  }
0x3d8: {  	_ =	strace $0x90000047  }
0x3d9: {  	s0 =	stileid.u32;
	[bflag:$0x2] =	sbarrier.arrive $0xFFFF  }
0x3da: {  	p0 =	sne.s32 s0, $0x0;
	s0 =	rddreg [dreg:$0x2]  }
0x3db: {  	s0 =	sadd.s32 @!p0 $0x100000, s0  }
0x3dc: {  	[sflag:s0] =	ssyncadd.tile.s32 @!p0 $0x1;
	_ =	shalt  }
.Lfunc_end2:
_tile_overlayer_lowered:
.L_overlay_start_2:
0x3dd: {  	(tag) =	ssettag $0x2  }
0x3de: {  	s0 =	rddreg [dreg:$0x0];
	s2 =	stileid.u32  }
0x3df: {  	s1 =	rddreg [dreg:$0x1];
	p0 =	sne.s32 s2, $0x0  }
0x3e0: {  	s3 =	rddreg [dreg:$0x2];
	[bflag:$0x3] =	sbarrier.arrive $0xFFFF;
	s2 =	simm.s32 @!p0 $0x1C01  }
0x3e1: {  	[timem:s3], [sflag:s2] =	dma.local @!p0 [hbm:s0], s1  }
0x3e2: {  	s0 =	simm.s32 @!p0 $0x1  }
0x3e3: {  	_ =	swait.ge @!p0 [sflag:s0], s1  }
0x3e4: {  	s1 =	ssub.s32 @!p0 $0x0, s1;
	[sflag:s0] =	ssyncset.done @!p0 $0x0  }
0x3e5: {  	[sflag:s0] =	ssyncadd.s32 @!p0 s1  }
0x3e6: {  	[bflag:$0x3] =	sbarrier.arrive $0xFFFF  }
0x3e7: {  	_ =	shalt  }

</sc_bundles>
